<compile_context>
chip_gen: v7x
topology: tpu7x:2x2x1
jax: 0.10.2.dev20260603
libtpu: 0.0.44.dev20260713+nightly
codegen_flags: <defaults>
</compile_context>

<pallas_src>
import functools

import jax
import jax.numpy as jnp
from jax import lax
from jax.experimental import pallas as pl
from jax.experimental.pallas import tpu as pltpu
from jax.experimental.pallas import tpu_sc as plsc

_B, _P, _D = 4096, 200, 64
_MAXLEN = 1000
_NW = 32
_BS = 128
_NBT = _B // _BS
_NDT = _D // 8
_NPT = _P // 8
_NP = 2
_NL = 16
_NG = _BS // _NL


def _sc_gather_add(pe1, idx6, x5):
    mesh = plsc.VectorSubcoreMesh(core_axis_name="c", subcore_axis_name="s")

    @functools.partial(
        pl.kernel,
        mesh=mesh,
        compiler_params=pltpu.CompilerParams(needs_layout_passes=False),
        out_type=jax.ShapeDtypeStruct((_P, _NDT, _NBT, 8, _BS), jnp.float32),
        scratch_types=[
            pltpu.VMEM((_MAXLEN * _D,), jnp.float32),
            pltpu.VMEM((_NPT, 8, _BS), jnp.int32),
            pltpu.VMEM((_NP, _NDT, 8, _BS), jnp.float32),
            pltpu.VMEM((_NP, _NDT, 8, _BS), jnp.float32),
            pltpu.SemaphoreType.DMA,
            pltpu.SemaphoreType.DMA,
            pltpu.SemaphoreType.DMA,
            pltpu.SemaphoreType.DMA,
        ],
    )
    def body(pe_hbm, idx_hbm, x_hbm, out_hbm,
             pe_v, idx_v, xv0, xv1, sx0, sx1, ss0, ss1):
        wid = lax.axis_index("s") * 2 + lax.axis_index("c")
        pltpu.sync_copy(pe_hbm, pe_v)
        pltpu.sync_copy(idx_hbm.at[:, wid], idx_v)
        bufs = ((xv0, sx0, ss0), (xv1, sx1, ss1))

        def load_chunk(p0, xv, sx, ss):
            return pltpu.async_copy(
                x_hbm.at[pl.ds(p0, _NP), :, wid], xv, sx)

        def compute_chunk(p0, xv, sx, ss, handle):
            handle.wait()
            for pp in range(_NP):
                p = p0 + pp
                pt = p // 8
                ps = lax.rem(p, 8)
                for g in range(_NG):
                    iv = idx_v[pt, ps, pl.ds(g * _NL, _NL)] * _D

                    @plsc.parallel_loop(0, _D, unroll=8)
                    def dloop(d):
                        vals = plsc.load_gather(pe_v, [iv + d])
                        dt = d // 8
                        ds = lax.rem(d, 8)
                        plsc.addupdate(
                            xv.at[pp, dt, ds, pl.ds(g * _NL, _NL)], vals)

            return pltpu.async_copy(
                xv, out_hbm.at[pl.ds(p0, _NP), :, wid], ss)

        def pair_body(j, carry):
            @pl.when(j > 0)
            def _():
                for (xv, sx, ss) in bufs:
                    pltpu.make_async_copy(
                        xv, out_hbm.at[pl.ds(0, _NP), :, wid], ss).wait()

            p_even = 2 * _NP * j
            h0 = load_chunk(p_even, *bufs[0])
            h1 = load_chunk(p_even + _NP, *bufs[1])
            compute_chunk(p_even, *bufs[0], h0)
            compute_chunk(p_even + _NP, *bufs[1], h1)
            return carry

        lax.fori_loop(0, _P // (2 * _NP), pair_body, 0)
        for (xv, sx, ss) in bufs:
            pltpu.make_async_copy(
                xv, out_hbm.at[pl.ds(0, _NP), :, wid], ss).wait()

    return body(pe1, idx6, x5)


def kernel(x, indices, pe):
    x5 = jnp.transpose(
        x.reshape(_NBT, _BS, _P, _NDT, 8), (2, 3, 0, 4, 1))
    idx6 = jnp.transpose(
        indices.reshape(_NBT, _BS, _NPT, 8), (2, 0, 3, 1)).astype(jnp.int32)
    pe1 = pe.reshape(_MAXLEN * _D)
    out5 = _sc_gather_add(pe1, idx6, x5)
    return jnp.transpose(out5, (2, 4, 0, 1, 3)).reshape(_B, _P, _D)

# --- scband reference (transcript-rebuilt; emitter-appended) ---
"""Pipeline reference for scband-pe-41145786696277 (READ-ONLY COPY).

The authoritative reference and input builder live on the scoring server;
editing this copy changes nothing except your own understanding.
"""

import jax, jax.numpy as jnp
import numpy as np

B, P, D = 4096, 200, 64
MAX_LEN = 1000
INIT_STD = 0.02

def setup_inputs(seed: int = 0) -> dict:
    key = jax.random.key(seed)
    k1, k2, k3 = jax.random.split(key, 3)
    x = jax.random.normal(k1, (B, P, D), dtype=jnp.float32)
    indices = jax.random.randint(k2, (B, P), 0, MAX_LEN, dtype=jnp.int64 if jax.config.jax_enable_x64 else jnp.int32)
    # learned positional table, shape (1, max_len, dim), trunc_normal approximated by scaled normal
    pe = jax.random.normal(k3, (1, MAX_LEN, D), dtype=jnp.float32) * INIT_STD
    return {"x": x, "indices": indices, "pe": pe}

def reference(x, indices, pe):
    # gather positional encodings per (batch, position) index along the max_len axis
    # pe: (1, max_len, D) -> pe[0]: (max_len, D); indices: (B, P) -> pos_encoding: (B, P, D)
    pos_encoding = jnp.take(pe[0], indices, axis=0)
    return x + pos_encoding

if __name__ == "__main__":
    import jax
    _d = setup_inputs()
    print(jax.jit(kernel)(*tuple(_d.values())))

</pallas_src>

<mosaic_0001>
#map = affine_map<(d0, d1) -> (0)>
#map1 = affine_map<(d0, d1) -> (0, 0, 0, 0)>
#map2 = affine_map<(d0, d1) -> (0, 0, 0, 0, 0)>
module attributes {stable_mosaic.version = 14 : i64} {
  func.func @body(%arg0: i32, %arg1: i32, %arg2: memref<64000xf32, #tpu.memory_space<hbm>>, %arg3: memref<25x32x8x128xi32, #tpu.memory_space<hbm>>, %arg4: memref<200x8x32x8x128xf32, #tpu.memory_space<hbm>>, %arg5: memref<200x8x32x8x128xf32, #tpu.memory_space<hbm>>, %arg6: memref<64000xf32, #tpu.memory_space<vmem>>, %arg7: memref<25x8x128xi32, #tpu.memory_space<vmem>>, %arg8: memref<2x8x8x128xf32, #tpu.memory_space<vmem>>, %arg9: memref<2x8x8x128xf32, #tpu.memory_space<vmem>>, %arg10: memref<!tpu.dma_semaphore, #tpu.memory_space<semaphore_mem>>, %arg11: memref<!tpu.dma_semaphore, #tpu.memory_space<semaphore_mem>>, %arg12: memref<!tpu.dma_semaphore, #tpu.memory_space<semaphore_mem>>, %arg13: memref<!tpu.dma_semaphore, #tpu.memory_space<semaphore_mem>>) attributes {dimension_semantics = [#tpu.dimension_semantics<core_parallel>, #tpu.dimension_semantics<subcore_parallel>], iteration_bounds = array<i64: 2, 16>, scalar_prefetch = 0 : i64, scratch_operands = 8 : i64, tpu.core_type = #tpu.core_type<sc_vector_subcore>, window_params = [{transform_indices = #map}, {transform_indices = #map1}, {transform_indices = #map2}, {transform_indices = #map2}]} {
    %mul3A = arith.constant 2 : i32
    %mul3A_0 = arith.muli %arg1, %mul3A : i32
    %add3A = arith.addi %mul3A_0, %arg0 : i32
    "tpu.region"() ({
      %run_scoped3A = tpu.sem_alloc : memref<!tpu.dma_semaphore, #tpu.memory_space<semaphore_mem>>
      tpu.enqueue_dma source(%arg2 : memref<64000xf32, #tpu.memory_space<hbm>>) target(%arg6 : memref<64000xf32, #tpu.memory_space<vmem>>) target_semaphore(%run_scoped3A : memref<!tpu.dma_semaphore, #tpu.memory_space<semaphore_mem>>)
      tpu.wait_dma2 semaphore(%run_scoped3A : memref<!tpu.dma_semaphore, #tpu.memory_space<semaphore_mem>>) src(%arg2 : memref<64000xf32, #tpu.memory_space<hbm>>) dst(%arg6 : memref<64000xf32, #tpu.memory_space<vmem>>)
      tpu.yield
    }) : () -> ()
    "tpu.region"() ({
      %run_scoped3A = tpu.sem_alloc : memref<!tpu.dma_semaphore, #tpu.memory_space<semaphore_mem>>
      %dma_start3A = arith.constant 0 : i32
      %dma_start3A_29 = arith.constant 0 : i32
      %dma_start3A_30 = arith.constant 0 : i32
      %dma_start3A_31 = tpu.memref_slice %arg3[%dma_start3A, %add3A, %dma_start3A_29, %dma_start3A_30] : memref<25x32x8x128xi32, #tpu.memory_space<hbm>> -> memref<25x1x8x128xi32, #tpu.memory_space<hbm>>
      %dma_start3A_32 = tpu.memref_squeeze %dma_start3A_31 : memref<25x1x8x128xi32, #tpu.memory_space<hbm>> -> memref<25x8x128xi32, #tpu.memory_space<hbm>>
      %dma_start3A_33 = arith.constant 0 : i32
      %dma_start3A_34 = arith.constant 0 : i32
      %dma_start3A_35 = arith.constant 0 : i32
      %dma_start3A_36 = tpu.memref_slice %arg3[%dma_start3A_33, %add3A, %dma_start3A_34, %dma_start3A_35] : memref<25x32x8x128xi32, #tpu.memory_space<hbm>> -> memref<25x1x8x128xi32, #tpu.memory_space<hbm>>
      %dma_start3A_37 = tpu.memref_squeeze %dma_start3A_36 : memref<25x1x8x128xi32, #tpu.memory_space<hbm>> -> memref<25x8x128xi32, #tpu.memory_space<hbm>>
      tpu.enqueue_dma source(%dma_start3A_37 : memref<25x8x128xi32, #tpu.memory_space<hbm>>) target(%arg7 : memref<25x8x128xi32, #tpu.memory_space<vmem>>) target_semaphore(%run_scoped3A : memref<!tpu.dma_semaphore, #tpu.memory_space<semaphore_mem>>)
      %dma_wait3A_38 = arith.constant 0 : i32
      %dma_wait3A_39 = arith.constant 0 : i32
      %dma_wait3A_40 = arith.constant 0 : i32
      %dma_wait3A_41 = tpu.memref_slice %arg3[%dma_wait3A_38, %add3A, %dma_wait3A_39, %dma_wait3A_40] : memref<25x32x8x128xi32, #tpu.memory_space<hbm>> -> memref<25x1x8x128xi32, #tpu.memory_space<hbm>>
      %dma_wait3A_42 = tpu.memref_squeeze %dma_wait3A_41 : memref<25x1x8x128xi32, #tpu.memory_space<hbm>> -> memref<25x8x128xi32, #tpu.memory_space<hbm>>
      %dma_wait3A_43 = arith.constant 0 : i32
      %dma_wait3A_44 = arith.constant 0 : i32
      %dma_wait3A_45 = arith.constant 0 : i32
      %dma_wait3A_46 = tpu.memref_slice %arg3[%dma_wait3A_43, %add3A, %dma_wait3A_44, %dma_wait3A_45] : memref<25x32x8x128xi32, #tpu.memory_space<hbm>> -> memref<25x1x8x128xi32, #tpu.memory_space<hbm>>
      %dma_wait3A_47 = tpu.memref_squeeze %dma_wait3A_46 : memref<25x1x8x128xi32, #tpu.memory_space<hbm>> -> memref<25x8x128xi32, #tpu.memory_space<hbm>>
      tpu.wait_dma2 semaphore(%run_scoped3A : memref<!tpu.dma_semaphore, #tpu.memory_space<semaphore_mem>>) src(%dma_wait3A_47 : memref<25x8x128xi32, #tpu.memory_space<hbm>>) dst(%arg7 : memref<25x8x128xi32, #tpu.memory_space<vmem>>)
      tpu.yield
    }) : () -> ()
    %scan3A = arith.constant 0 : i32
    %scan3A_1 = arith.constant 0 : i32
    %scan3A_2 = arith.constant 50 : i32
    %scan3A_3 = arith.addi %scan3A_1, %scan3A_2 : i32
    %scan3A_4 = arith.constant 1 : i32
    scf.for %scan3A_29 = %scan3A_1 to %scan3A_3 step %scan3A_4  : i32 {
      %gt3A = arith.constant 0 : i32
      %gt3A_30 = arith.cmpi sgt, %scan3A_29, %gt3A : i32
      %convert_element_type3A = arith.extui %gt3A_30 : i1 to i32
      %cond3A = arith.constant 0 : i32
      %cond3A_31 = arith.cmpi ne, %convert_element_type3A, %cond3A : i32
      scf.if %cond3A_31 {
        %dma_wait3A_519 = arith.constant 0 : i32
        %dma_wait3A_520 = arith.constant 0 : i32
        %dma_wait3A_521 = arith.constant 0 : i32
        %dma_wait3A_522 = arith.constant 0 : i32
        %dma_wait3A_523 = tpu.memref_slice %arg5[%dma_wait3A_519, %dma_wait3A_520, %add3A, %dma_wait3A_521, %dma_wait3A_522] : memref<200x8x32x8x128xf32, #tpu.memory_space<hbm>> -> memref<2x8x1x8x128xf32, #tpu.memory_space<hbm>>
        %dma_wait3A_524 = tpu.memref_squeeze %dma_wait3A_523 : memref<2x8x1x8x128xf32, #tpu.memory_space<hbm>> -> memref<2x8x8x128xf32, #tpu.memory_space<hbm>>
        %dma_wait3A_525 = arith.constant 0 : i32
        %dma_wait3A_526 = arith.constant 0 : i32
        %dma_wait3A_527 = arith.constant 0 : i32
        %dma_wait3A_528 = arith.constant 0 : i32
        %dma_wait3A_529 = tpu.memref_slice %arg5[%dma_wait3A_525, %dma_wait3A_526, %add3A, %dma_wait3A_527, %dma_wait3A_528] : memref<200x8x32x8x128xf32, #tpu.memory_space<hbm>> -> memref<2x8x1x8x128xf32, #tpu.memory_space<hbm>>
        %dma_wait3A_530 = tpu.memref_squeeze %dma_wait3A_529 : memref<2x8x1x8x128xf32, #tpu.memory_space<hbm>> -> memref<2x8x8x128xf32, #tpu.memory_space<hbm>>
        tpu.wait_dma2 semaphore(%arg12 : memref<!tpu.dma_semaphore, #tpu.memory_space<semaphore_mem>>) src(%arg8 : memref<2x8x8x128xf32, #tpu.memory_space<vmem>>) dst(%dma_wait3A_530 : memref<2x8x8x128xf32, #tpu.memory_space<hbm>>)
        %dma_wait3A_531 = arith.constant 0 : i32
        %dma_wait3A_532 = arith.constant 0 : i32
        %dma_wait3A_533 = arith.constant 0 : i32
        %dma_wait3A_534 = arith.constant 0 : i32
        %dma_wait3A_535 = tpu.memref_slice %arg5[%dma_wait3A_531, %dma_wait3A_532, %add3A, %dma_wait3A_533, %dma_wait3A_534] : memref<200x8x32x8x128xf32, #tpu.memory_space<hbm>> -> memref<2x8x1x8x128xf32, #tpu.memory_space<hbm>>
        %dma_wait3A_536 = tpu.memref_squeeze %dma_wait3A_535 : memref<2x8x1x8x128xf32, #tpu.memory_space<hbm>> -> memref<2x8x8x128xf32, #tpu.memory_space<hbm>>
        %dma_wait3A_537 = arith.constant 0 : i32
        %dma_wait3A_538 = arith.constant 0 : i32
        %dma_wait3A_539 = arith.constant 0 : i32
        %dma_wait3A_540 = arith.constant 0 : i32
        %dma_wait3A_541 = tpu.memref_slice %arg5[%dma_wait3A_537, %dma_wait3A_538, %add3A, %dma_wait3A_539, %dma_wait3A_540] : memref<200x8x32x8x128xf32, #tpu.memory_space<hbm>> -> memref<2x8x1x8x128xf32, #tpu.memory_space<hbm>>
        %dma_wait3A_542 = tpu.memref_squeeze %dma_wait3A_541 : memref<2x8x1x8x128xf32, #tpu.memory_space<hbm>> -> memref<2x8x8x128xf32, #tpu.memory_space<hbm>>
        tpu.wait_dma2 semaphore(%arg13 : memref<!tpu.dma_semaphore, #tpu.memory_space<semaphore_mem>>) src(%arg9 : memref<2x8x8x128xf32, #tpu.memory_space<vmem>>) dst(%dma_wait3A_542 : memref<2x8x8x128xf32, #tpu.memory_space<hbm>>)
      } else {
      }
      %mul3A_32 = arith.constant 4 : i32
      %mul3A_33 = arith.muli %mul3A_32, %scan3A_29 : i32
      %dma_start3A = arith.constant 0 : i32
      %dma_start3A_34 = arith.constant 0 : i32
      %dma_start3A_35 = arith.constant 0 : i32
      %dma_start3A_36 = tpu.memref_slice %arg4[%mul3A_33, %dma_start3A, %add3A, %dma_start3A_34, %dma_start3A_35] : memref<200x8x32x8x128xf32, #tpu.memory_space<hbm>> -> memref<2x8x1x8x128xf32, #tpu.memory_space<hbm>>
      %dma_start3A_37 = tpu.memref_squeeze %dma_start3A_36 : memref<2x8x1x8x128xf32, #tpu.memory_space<hbm>> -> memref<2x8x8x128xf32, #tpu.memory_space<hbm>>
      %dma_start3A_38 = arith.constant 0 : i32
      %dma_start3A_39 = arith.constant 0 : i32
      %dma_start3A_40 = arith.constant 0 : i32
      %dma_start3A_41 = tpu.memref_slice %arg4[%mul3A_33, %dma_start3A_38, %add3A, %dma_start3A_39, %dma_start3A_40] : memref<200x8x32x8x128xf32, #tpu.memory_space<hbm>> -> memref<2x8x1x8x128xf32, #tpu.memory_space<hbm>>
      %dma_start3A_42 = tpu.memref_squeeze %dma_start3A_41 : memref<2x8x1x8x128xf32, #tpu.memory_space<hbm>> -> memref<2x8x8x128xf32, #tpu.memory_space<hbm>>
      tpu.enqueue_dma source(%dma_start3A_42 : memref<2x8x8x128xf32, #tpu.memory_space<hbm>>) target(%arg8 : memref<2x8x8x128xf32, #tpu.memory_space<vmem>>) target_semaphore(%arg10 : memref<!tpu.dma_semaphore, #tpu.memory_space<semaphore_mem>>)
      %add3A_43 = arith.constant 2 : i32
      %add3A_44 = arith.addi %mul3A_33, %add3A_43 : i32
      %dma_start3A_45 = arith.constant 0 : i32
      %dma_start3A_46 = arith.constant 0 : i32
      %dma_start3A_47 = arith.constant 0 : i32
      %dma_start3A_48 = tpu.memref_slice %arg4[%add3A_44, %dma_start3A_45, %add3A, %dma_start3A_46, %dma_start3A_47] : memref<200x8x32x8x128xf32, #tpu.memory_space<hbm>> -> memref<2x8x1x8x128xf32, #tpu.memory_space<hbm>>
      %dma_start3A_49 = tpu.memref_squeeze %dma_start3A_48 : memref<2x8x1x8x128xf32, #tpu.memory_space<hbm>> -> memref<2x8x8x128xf32, #tpu.memory_space<hbm>>
      %dma_start3A_50 = arith.constant 0 : i32
      %dma_start3A_51 = arith.constant 0 : i32
      %dma_start3A_52 = arith.constant 0 : i32
      %dma_start3A_53 = tpu.memref_slice %arg4[%add3A_44, %dma_start3A_50, %add3A, %dma_start3A_51, %dma_start3A_52] : memref<200x8x32x8x128xf32, #tpu.memory_space<hbm>> -> memref<2x8x1x8x128xf32, #tpu.memory_space<hbm>>
      %dma_start3A_54 = tpu.memref_squeeze %dma_start3A_53 : memref<2x8x1x8x128xf32, #tpu.memory_space<hbm>> -> memref<2x8x8x128xf32, #tpu.memory_space<hbm>>
      tpu.enqueue_dma source(%dma_start3A_54 : memref<2x8x8x128xf32, #tpu.memory_space<hbm>>) target(%arg9 : memref<2x8x8x128xf32, #tpu.memory_space<vmem>>) target_semaphore(%arg11 : memref<!tpu.dma_semaphore, #tpu.memory_space<semaphore_mem>>)
      %dma_wait3A_55 = arith.constant 0 : i32
      %dma_wait3A_56 = arith.constant 0 : i32
      %dma_wait3A_57 = arith.constant 0 : i32
      %dma_wait3A_58 = tpu.memref_slice %arg4[%mul3A_33, %dma_wait3A_55, %add3A, %dma_wait3A_56, %dma_wait3A_57] : memref<200x8x32x8x128xf32, #tpu.memory_space<hbm>> -> memref<2x8x1x8x128xf32, #tpu.memory_space<hbm>>
      %dma_wait3A_59 = tpu.memref_squeeze %dma_wait3A_58 : memref<2x8x1x8x128xf32, #tpu.memory_space<hbm>> -> memref<2x8x8x128xf32, #tpu.memory_space<hbm>>
      %dma_wait3A_60 = arith.constant 0 : i32
      %dma_wait3A_61 = arith.constant 0 : i32
      %dma_wait3A_62 = arith.constant 0 : i32
      %dma_wait3A_63 = tpu.memref_slice %arg4[%mul3A_33, %dma_wait3A_60, %add3A, %dma_wait3A_61, %dma_wait3A_62] : memref<200x8x32x8x128xf32, #tpu.memory_space<hbm>> -> memref<2x8x1x8x128xf32, #tpu.memory_space<hbm>>
      %dma_wait3A_64 = tpu.memref_squeeze %dma_wait3A_63 : memref<2x8x1x8x128xf32, #tpu.memory_space<hbm>> -> memref<2x8x8x128xf32, #tpu.memory_space<hbm>>
      tpu.wait_dma2 semaphore(%arg10 : memref<!tpu.dma_semaphore, #tpu.memory_space<semaphore_mem>>) src(%dma_wait3A_64 : memref<2x8x8x128xf32, #tpu.memory_space<hbm>>) dst(%arg8 : memref<2x8x8x128xf32, #tpu.memory_space<vmem>>)
      %add3A_65 = arith.constant 0 : i32
      %add3A_66 = arith.addi %mul3A_33, %add3A_65 : i32
      %jit3A = arith.constant 8 : i32
      %div3A = arith.divsi %add3A_66, %jit3A : i32
      %sign3A = arith.constant 0 : i32
      %sign3A_67 = arith.cmpi sgt, %add3A_66, %sign3A : i32
      %sign3A_68 = arith.extui %sign3A_67 : i1 to i32
      %sign3A_69 = arith.constant 0 : i32
      %sign3A_70 = arith.cmpi slt, %add3A_66, %sign3A_69 : i32
      %sign3A_71 = arith.extui %sign3A_70 : i1 to i32
      %sign3A_72 = arith.subi %sign3A_68, %sign3A_71 : i32
      %sign3A_73 = arith.constant 0 : i32
      %sign3A_74 = arith.cmpi sgt, %jit3A, %sign3A_73 : i32
      %sign3A_75 = arith.extui %sign3A_74 : i1 to i32
      %sign3A_76 = arith.constant 0 : i32
      %sign3A_77 = arith.cmpi slt, %jit3A, %sign3A_76 : i32
      %sign3A_78 = arith.extui %sign3A_77 : i1 to i32
      %sign3A_79 = arith.subi %sign3A_75, %sign3A_78 : i32
      %ne3A = arith.cmpi ne, %sign3A_72, %sign3A_79 : i32
      %rem3A = arith.remsi %add3A_66, %jit3A : i32
      %ne3A_80 = arith.constant 0 : i32
      %ne3A_81 = arith.cmpi ne, %rem3A, %ne3A_80 : i32
      %and3A = arith.andi %ne3A, %ne3A_81 : i1
      %sub3A = arith.constant 1 : i32
      %sub3A_82 = arith.subi %div3A, %sub3A : i32
      %select_n3A = arith.select %and3A, %sub3A_82, %div3A : i32
      %rem3A_83 = arith.constant 8 : i32
      %rem3A_84 = arith.remsi %add3A_66, %rem3A_83 : i32
      %get3A = arith.index_cast %select_n3A : i32 to index
      %get3A_85 = arith.index_cast %rem3A_84 : i32 to index
      %get3A_86 = arith.constant 0 : index
      %get3A_87 = tpu.vector_load %arg7[%get3A, %get3A_85, %get3A_86] {strides = array<i32>} : memref<25x8x128xi32, #tpu.memory_space<vmem>>, vector<16xi32>,
      %mul3A_88 = arith.constant 64 : i32
      %mul3A_89 = vector.broadcast %mul3A_88 : i32 to vector<16xi32>
      %mul3A_90 = arith.muli %get3A_87, %mul3A_89 : vector<16xi32>
      %parallel_loop3A = arith.constant 0 : i32
      %parallel_loop3A_91 = arith.constant 64 : i32
      %parallel_loop3A_92 = arith.constant 1 : i32
      scf.for %parallel_loop3A_519 = %parallel_loop3A to %parallel_loop3A_91 step %parallel_loop3A_92  : i32 {
        %parallel_loop3A_520 = vector.broadcast %parallel_loop3A_519 : i32 to vector<16xi32>
        %parallel_loop3A_521 = arith.addi %mul3A_90, %parallel_loop3A_520 : vector<16xi32>
        %parallel_loop3A_522 = tpu.vector_load_idx %arg6[%parallel_loop3A_521] : memref<64000xf32, #tpu.memory_space<vmem>>[vector<16xi32>], vector<16xf32>,
        %parallel_loop3A_523 = arith.constant 8 : i32
        %parallel_loop3A_524 = arith.divsi %parallel_loop3A_519, %parallel_loop3A_523 : i32
        %parallel_loop3A_525 = arith.constant 0 : i32
        %parallel_loop3A_526 = arith.cmpi sgt, %parallel_loop3A_519, %parallel_loop3A_525 : i32
        %parallel_loop3A_527 = arith.extui %parallel_loop3A_526 : i1 to i32
        %parallel_loop3A_528 = arith.constant 0 : i32
        %parallel_loop3A_529 = arith.cmpi slt, %parallel_loop3A_519, %parallel_loop3A_528 : i32
        %parallel_loop3A_530 = arith.extui %parallel_loop3A_529 : i1 to i32
        %parallel_loop3A_531 = arith.subi %parallel_loop3A_527, %parallel_loop3A_530 : i32
        %parallel_loop3A_532 = arith.constant 0 : i32
        %parallel_loop3A_533 = arith.cmpi sgt, %parallel_loop3A_523, %parallel_loop3A_532 : i32
        %parallel_loop3A_534 = arith.extui %parallel_loop3A_533 : i1 to i32
        %parallel_loop3A_535 = arith.constant 0 : i32
        %parallel_loop3A_536 = arith.cmpi slt, %parallel_loop3A_523, %parallel_loop3A_535 : i32
        %parallel_loop3A_537 = arith.extui %parallel_loop3A_536 : i1 to i32
        %parallel_loop3A_538 = arith.subi %parallel_loop3A_534, %parallel_loop3A_537 : i32
        %parallel_loop3A_539 = arith.cmpi ne, %parallel_loop3A_531, %parallel_loop3A_538 : i32
        %parallel_loop3A_540 = arith.remsi %parallel_loop3A_519, %parallel_loop3A_523 : i32
        %parallel_loop3A_541 = arith.constant 0 : i32
        %parallel_loop3A_542 = arith.cmpi ne, %parallel_loop3A_540, %parallel_loop3A_541 : i32
        %parallel_loop3A_543 = arith.andi %parallel_loop3A_539, %parallel_loop3A_542 : i1
        %parallel_loop3A_544 = arith.constant 1 : i32
        %parallel_loop3A_545 = arith.subi %parallel_loop3A_524, %parallel_loop3A_544 : i32
        %parallel_loop3A_546 = arith.select %parallel_loop3A_543, %parallel_loop3A_545, %parallel_loop3A_524 : i32
        %parallel_loop3A_547 = arith.constant 8 : i32
        %parallel_loop3A_548 = arith.remsi %parallel_loop3A_519, %parallel_loop3A_547 : i32
        %parallel_loop3A_549 = arith.constant 0 : i32
        %parallel_loop3A_550 = arith.index_cast %parallel_loop3A_549 : i32 to index
        %parallel_loop3A_551 = arith.index_cast %parallel_loop3A_546 : i32 to index
        %parallel_loop3A_552 = arith.index_cast %parallel_loop3A_548 : i32 to index
        %parallel_loop3A_553 = arith.constant 0 : index
        %parallel_loop3A_554 = tpu.vector_load %arg8[%parallel_loop3A_550, %parallel_loop3A_551, %parallel_loop3A_552, %parallel_loop3A_553] {strides = array<i32>} : memref<2x8x8x128xf32, #tpu.memory_space<vmem>>, vector<16xf32>,
        tpu.vector_store %arg8[%parallel_loop3A_550, %parallel_loop3A_551, %parallel_loop3A_552, %parallel_loop3A_553], %parallel_loop3A_522 {add = true, strides = array<i32>} : memref<2x8x8x128xf32, #tpu.memory_space<vmem>>, vector<16xf32>,
      } {sc.loop_unroll_factor = 8 : i64, sc.parallel_access}
      %get3A_93 = arith.index_cast %select_n3A : i32 to index
      %get3A_94 = arith.index_cast %rem3A_84 : i32 to index
      %get3A_95 = arith.constant 16 : index
      %get3A_96 = tpu.vector_load %arg7[%get3A_93, %get3A_94, %get3A_95] {strides = array<i32>} : memref<25x8x128xi32, #tpu.memory_space<vmem>>, vector<16xi32>,
      %mul3A_97 = arith.constant 64 : i32
      %mul3A_98 = vector.broadcast %mul3A_97 : i32 to vector<16xi32>
      %mul3A_99 = arith.muli %get3A_96, %mul3A_98 : vector<16xi32>
      %parallel_loop3A_100 = arith.constant 0 : i32
      %parallel_loop3A_101 = arith.constant 64 : i32
      %parallel_loop3A_102 = arith.constant 1 : i32
      scf.for %parallel_loop3A_519 = %parallel_loop3A_100 to %parallel_loop3A_101 step %parallel_loop3A_102  : i32 {
        %parallel_loop3A_520 = vector.broadcast %parallel_loop3A_519 : i32 to vector<16xi32>
        %parallel_loop3A_521 = arith.addi %mul3A_99, %parallel_loop3A_520 : vector<16xi32>
        %parallel_loop3A_522 = tpu.vector_load_idx %arg6[%parallel_loop3A_521] : memref<64000xf32, #tpu.memory_space<vmem>>[vector<16xi32>], vector<16xf32>,
        %parallel_loop3A_523 = arith.constant 8 : i32
        %parallel_loop3A_524 = arith.divsi %parallel_loop3A_519, %parallel_loop3A_523 : i32
        %parallel_loop3A_525 = arith.constant 0 : i32
        %parallel_loop3A_526 = arith.cmpi sgt, %parallel_loop3A_519, %parallel_loop3A_525 : i32
        %parallel_loop3A_527 = arith.extui %parallel_loop3A_526 : i1 to i32
        %parallel_loop3A_528 = arith.constant 0 : i32
        %parallel_loop3A_529 = arith.cmpi slt, %parallel_loop3A_519, %parallel_loop3A_528 : i32
        %parallel_loop3A_530 = arith.extui %parallel_loop3A_529 : i1 to i32
        %parallel_loop3A_531 = arith.subi %parallel_loop3A_527, %parallel_loop3A_530 : i32
        %parallel_loop3A_532 = arith.constant 0 : i32
        %parallel_loop3A_533 = arith.cmpi sgt, %parallel_loop3A_523, %parallel_loop3A_532 : i32
        %parallel_loop3A_534 = arith.extui %parallel_loop3A_533 : i1 to i32
        %parallel_loop3A_535 = arith.constant 0 : i32
        %parallel_loop3A_536 = arith.cmpi slt, %parallel_loop3A_523, %parallel_loop3A_535 : i32
        %parallel_loop3A_537 = arith.extui %parallel_loop3A_536 : i1 to i32
        %parallel_loop3A_538 = arith.subi %parallel_loop3A_534, %parallel_loop3A_537 : i32
        %parallel_loop3A_539 = arith.cmpi ne, %parallel_loop3A_531, %parallel_loop3A_538 : i32
        %parallel_loop3A_540 = arith.remsi %parallel_loop3A_519, %parallel_loop3A_523 : i32
        %parallel_loop3A_541 = arith.constant 0 : i32
        %parallel_loop3A_542 = arith.cmpi ne, %parallel_loop3A_540, %parallel_loop3A_541 : i32
        %parallel_loop3A_543 = arith.andi %parallel_loop3A_539, %parallel_loop3A_542 : i1
        %parallel_loop3A_544 = arith.constant 1 : i32
        %parallel_loop3A_545 = arith.subi %parallel_loop3A_524, %parallel_loop3A_544 : i32
        %parallel_loop3A_546 = arith.select %parallel_loop3A_543, %parallel_loop3A_545, %parallel_loop3A_524 : i32
        %parallel_loop3A_547 = arith.constant 8 : i32
        %parallel_loop3A_548 = arith.remsi %parallel_loop3A_519, %parallel_loop3A_547 : i32
        %parallel_loop3A_549 = arith.constant 0 : i32
        %parallel_loop3A_550 = arith.index_cast %parallel_loop3A_549 : i32 to index
        %parallel_loop3A_551 = arith.index_cast %parallel_loop3A_546 : i32 to index
        %parallel_loop3A_552 = arith.index_cast %parallel_loop3A_548 : i32 to index
        %parallel_loop3A_553 = arith.constant 16 : index
        %parallel_loop3A_554 = tpu.vector_load %arg8[%parallel_loop3A_550, %parallel_loop3A_551, %parallel_loop3A_552, %parallel_loop3A_553] {strides = array<i32>} : memref<2x8x8x128xf32, #tpu.memory_space<vmem>>, vector<16xf32>,
        tpu.vector_store %arg8[%parallel_loop3A_550, %parallel_loop3A_551, %parallel_loop3A_552, %parallel_loop3A_553], %parallel_loop3A_522 {add = true, strides = array<i32>} : memref<2x8x8x128xf32, #tpu.memory_space<vmem>>, vector<16xf32>,
      } {sc.loop_unroll_factor = 8 : i64, sc.parallel_access}
      %get3A_103 = arith.index_cast %select_n3A : i32 to index
      %get3A_104 = arith.index_cast %rem3A_84 : i32 to index
      %get3A_105 = arith.constant 32 : index
      %get3A_106 = tpu.vector_load %arg7[%get3A_103, %get3A_104, %get3A_105] {strides = array<i32>} : memref<25x8x128xi32, #tpu.memory_space<vmem>>, vector<16xi32>,
      %mul3A_107 = arith.constant 64 : i32
      %mul3A_108 = vector.broadcast %mul3A_107 : i32 to vector<16xi32>
      %mul3A_109 = arith.muli %get3A_106, %mul3A_108 : vector<16xi32>
      %parallel_loop3A_110 = arith.constant 0 : i32
      %parallel_loop3A_111 = arith.constant 64 : i32
      %parallel_loop3A_112 = arith.constant 1 : i32
      scf.for %parallel_loop3A_519 = %parallel_loop3A_110 to %parallel_loop3A_111 step %parallel_loop3A_112  : i32 {
        %parallel_loop3A_520 = vector.broadcast %parallel_loop3A_519 : i32 to vector<16xi32>
        %parallel_loop3A_521 = arith.addi %mul3A_109, %parallel_loop3A_520 : vector<16xi32>
        %parallel_loop3A_522 = tpu.vector_load_idx %arg6[%parallel_loop3A_521] : memref<64000xf32, #tpu.memory_space<vmem>>[vector<16xi32>], vector<16xf32>,
        %parallel_loop3A_523 = arith.constant 8 : i32
        %parallel_loop3A_524 = arith.divsi %parallel_loop3A_519, %parallel_loop3A_523 : i32
        %parallel_loop3A_525 = arith.constant 0 : i32
        %parallel_loop3A_526 = arith.cmpi sgt, %parallel_loop3A_519, %parallel_loop3A_525 : i32
        %parallel_loop3A_527 = arith.extui %parallel_loop3A_526 : i1 to i32
        %parallel_loop3A_528 = arith.constant 0 : i32
        %parallel_loop3A_529 = arith.cmpi slt, %parallel_loop3A_519, %parallel_loop3A_528 : i32
        %parallel_loop3A_530 = arith.extui %parallel_loop3A_529 : i1 to i32
        %parallel_loop3A_531 = arith.subi %parallel_loop3A_527, %parallel_loop3A_530 : i32
        %parallel_loop3A_532 = arith.constant 0 : i32
        %parallel_loop3A_533 = arith.cmpi sgt, %parallel_loop3A_523, %parallel_loop3A_532 : i32
        %parallel_loop3A_534 = arith.extui %parallel_loop3A_533 : i1 to i32
        %parallel_loop3A_535 = arith.constant 0 : i32
        %parallel_loop3A_536 = arith.cmpi slt, %parallel_loop3A_523, %parallel_loop3A_535 : i32
        %parallel_loop3A_537 = arith.extui %parallel_loop3A_536 : i1 to i32
        %parallel_loop3A_538 = arith.subi %parallel_loop3A_534, %parallel_loop3A_537 : i32
        %parallel_loop3A_539 = arith.cmpi ne, %parallel_loop3A_531, %parallel_loop3A_538 : i32
        %parallel_loop3A_540 = arith.remsi %parallel_loop3A_519, %parallel_loop3A_523 : i32
        %parallel_loop3A_541 = arith.constant 0 : i32
        %parallel_loop3A_542 = arith.cmpi ne, %parallel_loop3A_540, %parallel_loop3A_541 : i32
        %parallel_loop3A_543 = arith.andi %parallel_loop3A_539, %parallel_loop3A_542 : i1
        %parallel_loop3A_544 = arith.constant 1 : i32
        %parallel_loop3A_545 = arith.subi %parallel_loop3A_524, %parallel_loop3A_544 : i32
        %parallel_loop3A_546 = arith.select %parallel_loop3A_543, %parallel_loop3A_545, %parallel_loop3A_524 : i32
        %parallel_loop3A_547 = arith.constant 8 : i32
        %parallel_loop3A_548 = arith.remsi %parallel_loop3A_519, %parallel_loop3A_547 : i32
        %parallel_loop3A_549 = arith.constant 0 : i32
        %parallel_loop3A_550 = arith.index_cast %parallel_loop3A_549 : i32 to index
        %parallel_loop3A_551 = arith.index_cast %parallel_loop3A_546 : i32 to index
        %parallel_loop3A_552 = arith.index_cast %parallel_loop3A_548 : i32 to index
        %parallel_loop3A_553 = arith.constant 32 : index
        %parallel_loop3A_554 = tpu.vector_load %arg8[%parallel_loop3A_550, %parallel_loop3A_551, %parallel_loop3A_552, %parallel_loop3A_553] {strides = array<i32>} : memref<2x8x8x128xf32, #tpu.memory_space<vmem>>, vector<16xf32>,
        tpu.vector_store %arg8[%parallel_loop3A_550, %parallel_loop3A_551, %parallel_loop3A_552, %parallel_loop3A_553], %parallel_loop3A_522 {add = true, strides = array<i32>} : memref<2x8x8x128xf32, #tpu.memory_space<vmem>>, vector<16xf32>,
      } {sc.loop_unroll_factor = 8 : i64, sc.parallel_access}
      %get3A_113 = arith.index_cast %select_n3A : i32 to index
      %get3A_114 = arith.index_cast %rem3A_84 : i32 to index
      %get3A_115 = arith.constant 48 : index
      %get3A_116 = tpu.vector_load %arg7[%get3A_113, %get3A_114, %get3A_115] {strides = array<i32>} : memref<25x8x128xi32, #tpu.memory_space<vmem>>, vector<16xi32>,
      %mul3A_117 = arith.constant 64 : i32
      %mul3A_118 = vector.broadcast %mul3A_117 : i32 to vector<16xi32>
      %mul3A_119 = arith.muli %get3A_116, %mul3A_118 : vector<16xi32>
      %parallel_loop3A_120 = arith.constant 0 : i32
      %parallel_loop3A_121 = arith.constant 64 : i32
      %parallel_loop3A_122 = arith.constant 1 : i32
      scf.for %parallel_loop3A_519 = %parallel_loop3A_120 to %parallel_loop3A_121 step %parallel_loop3A_122  : i32 {
        %parallel_loop3A_520 = vector.broadcast %parallel_loop3A_519 : i32 to vector<16xi32>
        %parallel_loop3A_521 = arith.addi %mul3A_119, %parallel_loop3A_520 : vector<16xi32>
        %parallel_loop3A_522 = tpu.vector_load_idx %arg6[%parallel_loop3A_521] : memref<64000xf32, #tpu.memory_space<vmem>>[vector<16xi32>], vector<16xf32>,
        %parallel_loop3A_523 = arith.constant 8 : i32
        %parallel_loop3A_524 = arith.divsi %parallel_loop3A_519, %parallel_loop3A_523 : i32
        %parallel_loop3A_525 = arith.constant 0 : i32
        %parallel_loop3A_526 = arith.cmpi sgt, %parallel_loop3A_519, %parallel_loop3A_525 : i32
        %parallel_loop3A_527 = arith.extui %parallel_loop3A_526 : i1 to i32
        %parallel_loop3A_528 = arith.constant 0 : i32
        %parallel_loop3A_529 = arith.cmpi slt, %parallel_loop3A_519, %parallel_loop3A_528 : i32
        %parallel_loop3A_530 = arith.extui %parallel_loop3A_529 : i1 to i32
        %parallel_loop3A_531 = arith.subi %parallel_loop3A_527, %parallel_loop3A_530 : i32
        %parallel_loop3A_532 = arith.constant 0 : i32
        %parallel_loop3A_533 = arith.cmpi sgt, %parallel_loop3A_523, %parallel_loop3A_532 : i32
        %parallel_loop3A_534 = arith.extui %parallel_loop3A_533 : i1 to i32
        %parallel_loop3A_535 = arith.constant 0 : i32
        %parallel_loop3A_536 = arith.cmpi slt, %parallel_loop3A_523, %parallel_loop3A_535 : i32
        %parallel_loop3A_537 = arith.extui %parallel_loop3A_536 : i1 to i32
        %parallel_loop3A_538 = arith.subi %parallel_loop3A_534, %parallel_loop3A_537 : i32
        %parallel_loop3A_539 = arith.cmpi ne, %parallel_loop3A_531, %parallel_loop3A_538 : i32
        %parallel_loop3A_540 = arith.remsi %parallel_loop3A_519, %parallel_loop3A_523 : i32
        %parallel_loop3A_541 = arith.constant 0 : i32
        %parallel_loop3A_542 = arith.cmpi ne, %parallel_loop3A_540, %parallel_loop3A_541 : i32
        %parallel_loop3A_543 = arith.andi %parallel_loop3A_539, %parallel_loop3A_542 : i1
        %parallel_loop3A_544 = arith.constant 1 : i32
        %parallel_loop3A_545 = arith.subi %parallel_loop3A_524, %parallel_loop3A_544 : i32
        %parallel_loop3A_546 = arith.select %parallel_loop3A_543, %parallel_loop3A_545, %parallel_loop3A_524 : i32
        %parallel_loop3A_547 = arith.constant 8 : i32
        %parallel_loop3A_548 = arith.remsi %parallel_loop3A_519, %parallel_loop3A_547 : i32
        %parallel_loop3A_549 = arith.constant 0 : i32
        %parallel_loop3A_550 = arith.index_cast %parallel_loop3A_549 : i32 to index
        %parallel_loop3A_551 = arith.index_cast %parallel_loop3A_546 : i32 to index
        %parallel_loop3A_552 = arith.index_cast %parallel_loop3A_548 : i32 to index
        %parallel_loop3A_553 = arith.constant 48 : index
        %parallel_loop3A_554 = tpu.vector_load %arg8[%parallel_loop3A_550, %parallel_loop3A_551, %parallel_loop3A_552, %parallel_loop3A_553] {strides = array<i32>} : memref<2x8x8x128xf32, #tpu.memory_space<vmem>>, vector<16xf32>,
        tpu.vector_store %arg8[%parallel_loop3A_550, %parallel_loop3A_551, %parallel_loop3A_552, %parallel_loop3A_553], %parallel_loop3A_522 {add = true, strides = array<i32>} : memref<2x8x8x128xf32, #tpu.memory_space<vmem>>, vector<16xf32>,
      } {sc.loop_unroll_factor = 8 : i64, sc.parallel_access}
      %get3A_123 = arith.index_cast %select_n3A : i32 to index
      %get3A_124 = arith.index_cast %rem3A_84 : i32 to index
      %get3A_125 = arith.constant 64 : index
      %get3A_126 = tpu.vector_load %arg7[%get3A_123, %get3A_124, %get3A_125] {strides = array<i32>} : memref<25x8x128xi32, #tpu.memory_space<vmem>>, vector<16xi32>,
      %mul3A_127 = arith.constant 64 : i32
      %mul3A_128 = vector.broadcast %mul3A_127 : i32 to vector<16xi32>
      %mul3A_129 = arith.muli %get3A_126, %mul3A_128 : vector<16xi32>
      %parallel_loop3A_130 = arith.constant 0 : i32
      %parallel_loop3A_131 = arith.constant 64 : i32
      %parallel_loop3A_132 = arith.constant 1 : i32
      scf.for %parallel_loop3A_519 = %parallel_loop3A_130 to %parallel_loop3A_131 step %parallel_loop3A_132  : i32 {
        %parallel_loop3A_520 = vector.broadcast %parallel_loop3A_519 : i32 to vector<16xi32>
        %parallel_loop3A_521 = arith.addi %mul3A_129, %parallel_loop3A_520 : vector<16xi32>
        %parallel_loop3A_522 = tpu.vector_load_idx %arg6[%parallel_loop3A_521] : memref<64000xf32, #tpu.memory_space<vmem>>[vector<16xi32>], vector<16xf32>,
        %parallel_loop3A_523 = arith.constant 8 : i32
        %parallel_loop3A_524 = arith.divsi %parallel_loop3A_519, %parallel_loop3A_523 : i32
        %parallel_loop3A_525 = arith.constant 0 : i32
        %parallel_loop3A_526 = arith.cmpi sgt, %parallel_loop3A_519, %parallel_loop3A_525 : i32
        %parallel_loop3A_527 = arith.extui %parallel_loop3A_526 : i1 to i32
        %parallel_loop3A_528 = arith.constant 0 : i32
        %parallel_loop3A_529 = arith.cmpi slt, %parallel_loop3A_519, %parallel_loop3A_528 : i32
        %parallel_loop3A_530 = arith.extui %parallel_loop3A_529 : i1 to i32
        %parallel_loop3A_531 = arith.subi %parallel_loop3A_527, %parallel_loop3A_530 : i32
        %parallel_loop3A_532 = arith.constant 0 : i32
        %parallel_loop3A_533 = arith.cmpi sgt, %parallel_loop3A_523, %parallel_loop3A_532 : i32
        %parallel_loop3A_534 = arith.extui %parallel_loop3A_533 : i1 to i32
        %parallel_loop3A_535 = arith.constant 0 : i32
        %parallel_loop3A_536 = arith.cmpi slt, %parallel_loop3A_523, %parallel_loop3A_535 : i32
        %parallel_loop3A_537 = arith.extui %parallel_loop3A_536 : i1 to i32
        %parallel_loop3A_538 = arith.subi %parallel_loop3A_534, %parallel_loop3A_537 : i32
        %parallel_loop3A_539 = arith.cmpi ne, %parallel_loop3A_531, %parallel_loop3A_538 : i32
        %parallel_loop3A_540 = arith.remsi %parallel_loop3A_519, %parallel_loop3A_523 : i32
        %parallel_loop3A_541 = arith.constant 0 : i32
        %parallel_loop3A_542 = arith.cmpi ne, %parallel_loop3A_540, %parallel_loop3A_541 : i32
        %parallel_loop3A_543 = arith.andi %parallel_loop3A_539, %parallel_loop3A_542 : i1
        %parallel_loop3A_544 = arith.constant 1 : i32
        %parallel_loop3A_545 = arith.subi %parallel_loop3A_524, %parallel_loop3A_544 : i32
        %parallel_loop3A_546 = arith.select %parallel_loop3A_543, %parallel_loop3A_545, %parallel_loop3A_524 : i32
        %parallel_loop3A_547 = arith.constant 8 : i32
        %parallel_loop3A_548 = arith.remsi %parallel_loop3A_519, %parallel_loop3A_547 : i32
        %parallel_loop3A_549 = arith.constant 0 : i32
        %parallel_loop3A_550 = arith.index_cast %parallel_loop3A_549 : i32 to index
        %parallel_loop3A_551 = arith.index_cast %parallel_loop3A_546 : i32 to index
        %parallel_loop3A_552 = arith.index_cast %parallel_loop3A_548 : i32 to index
        %parallel_loop3A_553 = arith.constant 64 : index
        %parallel_loop3A_554 = tpu.vector_load %arg8[%parallel_loop3A_550, %parallel_loop3A_551, %parallel_loop3A_552, %parallel_loop3A_553] {strides = array<i32>} : memref<2x8x8x128xf32, #tpu.memory_space<vmem>>, vector<16xf32>,
        tpu.vector_store %arg8[%parallel_loop3A_550, %parallel_loop3A_551, %parallel_loop3A_552, %parallel_loop3A_553], %parallel_loop3A_522 {add = true, strides = array<i32>} : memref<2x8x8x128xf32, #tpu.memory_space<vmem>>, vector<16xf32>,
      } {sc.loop_unroll_factor = 8 : i64, sc.parallel_access}
      %get3A_133 = arith.index_cast %select_n3A : i32 to index
      %get3A_134 = arith.index_cast %rem3A_84 : i32 to index
      %get3A_135 = arith.constant 80 : index
      %get3A_136 = tpu.vector_load %arg7[%get3A_133, %get3A_134, %get3A_135] {strides = array<i32>} : memref<25x8x128xi32, #tpu.memory_space<vmem>>, vector<16xi32>,
      %mul3A_137 = arith.constant 64 : i32
      %mul3A_138 = vector.broadcast %mul3A_137 : i32 to vector<16xi32>
      %mul3A_139 = arith.muli %get3A_136, %mul3A_138 : vector<16xi32>
      %parallel_loop3A_140 = arith.constant 0 : i32
      %parallel_loop3A_141 = arith.constant 64 : i32
      %parallel_loop3A_142 = arith.constant 1 : i32
      scf.for %parallel_loop3A_519 = %parallel_loop3A_140 to %parallel_loop3A_141 step %parallel_loop3A_142  : i32 {
        %parallel_loop3A_520 = vector.broadcast %parallel_loop3A_519 : i32 to vector<16xi32>
        %parallel_loop3A_521 = arith.addi %mul3A_139, %parallel_loop3A_520 : vector<16xi32>
        %parallel_loop3A_522 = tpu.vector_load_idx %arg6[%parallel_loop3A_521] : memref<64000xf32, #tpu.memory_space<vmem>>[vector<16xi32>], vector<16xf32>,
        %parallel_loop3A_523 = arith.constant 8 : i32
        %parallel_loop3A_524 = arith.divsi %parallel_loop3A_519, %parallel_loop3A_523 : i32
        %parallel_loop3A_525 = arith.constant 0 : i32
        %parallel_loop3A_526 = arith.cmpi sgt, %parallel_loop3A_519, %parallel_loop3A_525 : i32
        %parallel_loop3A_527 = arith.extui %parallel_loop3A_526 : i1 to i32
        %parallel_loop3A_528 = arith.constant 0 : i32
        %parallel_loop3A_529 = arith.cmpi slt, %parallel_loop3A_519, %parallel_loop3A_528 : i32
        %parallel_loop3A_530 = arith.extui %parallel_loop3A_529 : i1 to i32
        %parallel_loop3A_531 = arith.subi %parallel_loop3A_527, %parallel_loop3A_530 : i32
        %parallel_loop3A_532 = arith.constant 0 : i32
        %parallel_loop3A_533 = arith.cmpi sgt, %parallel_loop3A_523, %parallel_loop3A_532 : i32
        %parallel_loop3A_534 = arith.extui %parallel_loop3A_533 : i1 to i32
        %parallel_loop3A_535 = arith.constant 0 : i32
        %parallel_loop3A_536 = arith.cmpi slt, %parallel_loop3A_523, %parallel_loop3A_535 : i32
        %parallel_loop3A_537 = arith.extui %parallel_loop3A_536 : i1 to i32
        %parallel_loop3A_538 = arith.subi %parallel_loop3A_534, %parallel_loop3A_537 : i32
        %parallel_loop3A_539 = arith.cmpi ne, %parallel_loop3A_531, %parallel_loop3A_538 : i32
        %parallel_loop3A_540 = arith.remsi %parallel_loop3A_519, %parallel_loop3A_523 : i32
        %parallel_loop3A_541 = arith.constant 0 : i32
        %parallel_loop3A_542 = arith.cmpi ne, %parallel_loop3A_540, %parallel_loop3A_541 : i32
        %parallel_loop3A_543 = arith.andi %parallel_loop3A_539, %parallel_loop3A_542 : i1
        %parallel_loop3A_544 = arith.constant 1 : i32
        %parallel_loop3A_545 = arith.subi %parallel_loop3A_524, %parallel_loop3A_544 : i32
        %parallel_loop3A_546 = arith.select %parallel_loop3A_543, %parallel_loop3A_545, %parallel_loop3A_524 : i32
        %parallel_loop3A_547 = arith.constant 8 : i32
        %parallel_loop3A_548 = arith.remsi %parallel_loop3A_519, %parallel_loop3A_547 : i32
        %parallel_loop3A_549 = arith.constant 0 : i32
        %parallel_loop3A_550 = arith.index_cast %parallel_loop3A_549 : i32 to index
        %parallel_loop3A_551 = arith.index_cast %parallel_loop3A_546 : i32 to index
        %parallel_loop3A_552 = arith.index_cast %parallel_loop3A_548 : i32 to index
        %parallel_loop3A_553 = arith.constant 80 : index
        %parallel_loop3A_554 = tpu.vector_load %arg8[%parallel_loop3A_550, %parallel_loop3A_551, %parallel_loop3A_552, %parallel_loop3A_553] {strides = array<i32>} : memref<2x8x8x128xf32, #tpu.memory_space<vmem>>, vector<16xf32>,
        tpu.vector_store %arg8[%parallel_loop3A_550, %parallel_loop3A_551, %parallel_loop3A_552, %parallel_loop3A_553], %parallel_loop3A_522 {add = true, strides = array<i32>} : memref<2x8x8x128xf32, #tpu.memory_space<vmem>>, vector<16xf32>,
      } {sc.loop_unroll_factor = 8 : i64, sc.parallel_access}
      %get3A_143 = arith.index_cast %select_n3A : i32 to index
      %get3A_144 = arith.index_cast %rem3A_84 : i32 to index
      %get3A_145 = arith.constant 96 : index
      %get3A_146 = tpu.vector_load %arg7[%get3A_143, %get3A_144, %get3A_145] {strides = array<i32>} : memref<25x8x128xi32, #tpu.memory_space<vmem>>, vector<16xi32>,
      %mul3A_147 = arith.constant 64 : i32
      %mul3A_148 = vector.broadcast %mul3A_147 : i32 to vector<16xi32>
      %mul3A_149 = arith.muli %get3A_146, %mul3A_148 : vector<16xi32>
      %parallel_loop3A_150 = arith.constant 0 : i32
      %parallel_loop3A_151 = arith.constant 64 : i32
      %parallel_loop3A_152 = arith.constant 1 : i32
      scf.for %parallel_loop3A_519 = %parallel_loop3A_150 to %parallel_loop3A_151 step %parallel_loop3A_152  : i32 {
        %parallel_loop3A_520 = vector.broadcast %parallel_loop3A_519 : i32 to vector<16xi32>
        %parallel_loop3A_521 = arith.addi %mul3A_149, %parallel_loop3A_520 : vector<16xi32>
        %parallel_loop3A_522 = tpu.vector_load_idx %arg6[%parallel_loop3A_521] : memref<64000xf32, #tpu.memory_space<vmem>>[vector<16xi32>], vector<16xf32>,
        %parallel_loop3A_523 = arith.constant 8 : i32
        %parallel_loop3A_524 = arith.divsi %parallel_loop3A_519, %parallel_loop3A_523 : i32
        %parallel_loop3A_525 = arith.constant 0 : i32
        %parallel_loop3A_526 = arith.cmpi sgt, %parallel_loop3A_519, %parallel_loop3A_525 : i32
        %parallel_loop3A_527 = arith.extui %parallel_loop3A_526 : i1 to i32
        %parallel_loop3A_528 = arith.constant 0 : i32
        %parallel_loop3A_529 = arith.cmpi slt, %parallel_loop3A_519, %parallel_loop3A_528 : i32
        %parallel_loop3A_530 = arith.extui %parallel_loop3A_529 : i1 to i32
        %parallel_loop3A_531 = arith.subi %parallel_loop3A_527, %parallel_loop3A_530 : i32
        %parallel_loop3A_532 = arith.constant 0 : i32
        %parallel_loop3A_533 = arith.cmpi sgt, %parallel_loop3A_523, %parallel_loop3A_532 : i32
        %parallel_loop3A_534 = arith.extui %parallel_loop3A_533 : i1 to i32
        %parallel_loop3A_535 = arith.constant 0 : i32
        %parallel_loop3A_536 = arith.cmpi slt, %parallel_loop3A_523, %parallel_loop3A_535 : i32
        %parallel_loop3A_537 = arith.extui %parallel_loop3A_536 : i1 to i32
        %parallel_loop3A_538 = arith.subi %parallel_loop3A_534, %parallel_loop3A_537 : i32
        %parallel_loop3A_539 = arith.cmpi ne, %parallel_loop3A_531, %parallel_loop3A_538 : i32
        %parallel_loop3A_540 = arith.remsi %parallel_loop3A_519, %parallel_loop3A_523 : i32
        %parallel_loop3A_541 = arith.constant 0 : i32
        %parallel_loop3A_542 = arith.cmpi ne, %parallel_loop3A_540, %parallel_loop3A_541 : i32
        %parallel_loop3A_543 = arith.andi %parallel_loop3A_539, %parallel_loop3A_542 : i1
        %parallel_loop3A_544 = arith.constant 1 : i32
        %parallel_loop3A_545 = arith.subi %parallel_loop3A_524, %parallel_loop3A_544 : i32
        %parallel_loop3A_546 = arith.select %parallel_loop3A_543, %parallel_loop3A_545, %parallel_loop3A_524 : i32
        %parallel_loop3A_547 = arith.constant 8 : i32
        %parallel_loop3A_548 = arith.remsi %parallel_loop3A_519, %parallel_loop3A_547 : i32
        %parallel_loop3A_549 = arith.constant 0 : i32
        %parallel_loop3A_550 = arith.index_cast %parallel_loop3A_549 : i32 to index
        %parallel_loop3A_551 = arith.index_cast %parallel_loop3A_546 : i32 to index
        %parallel_loop3A_552 = arith.index_cast %parallel_loop3A_548 : i32 to index
        %parallel_loop3A_553 = arith.constant 96 : index
        %parallel_loop3A_554 = tpu.vector_load %arg8[%parallel_loop3A_550, %parallel_loop3A_551, %parallel_loop3A_552, %parallel_loop3A_553] {strides = array<i32>} : memref<2x8x8x128xf32, #tpu.memory_space<vmem>>, vector<16xf32>,
        tpu.vector_store %arg8[%parallel_loop3A_550, %parallel_loop3A_551, %parallel_loop3A_552, %parallel_loop3A_553], %parallel_loop3A_522 {add = true, strides = array<i32>} : memref<2x8x8x128xf32, #tpu.memory_space<vmem>>, vector<16xf32>,
      } {sc.loop_unroll_factor = 8 : i64, sc.parallel_access}
      %get3A_153 = arith.index_cast %select_n3A : i32 to index
      %get3A_154 = arith.index_cast %rem3A_84 : i32 to index
      %get3A_155 = arith.constant 112 : index
      %get3A_156 = tpu.vector_load %arg7[%get3A_153, %get3A_154, %get3A_155] {strides = array<i32>} : memref<25x8x128xi32, #tpu.memory_space<vmem>>, vector<16xi32>,
      %mul3A_157 = arith.constant 64 : i32
      %mul3A_158 = vector.broadcast %mul3A_157 : i32 to vector<16xi32>
      %mul3A_159 = arith.muli %get3A_156, %mul3A_158 : vector<16xi32>
      %parallel_loop3A_160 = arith.constant 0 : i32
      %parallel_loop3A_161 = arith.constant 64 : i32
      %parallel_loop3A_162 = arith.constant 1 : i32
      scf.for %parallel_loop3A_519 = %parallel_loop3A_160 to %parallel_loop3A_161 step %parallel_loop3A_162  : i32 {
        %parallel_loop3A_520 = vector.broadcast %parallel_loop3A_519 : i32 to vector<16xi32>
        %parallel_loop3A_521 = arith.addi %mul3A_159, %parallel_loop3A_520 : vector<16xi32>
        %parallel_loop3A_522 = tpu.vector_load_idx %arg6[%parallel_loop3A_521] : memref<64000xf32, #tpu.memory_space<vmem>>[vector<16xi32>], vector<16xf32>,
        %parallel_loop3A_523 = arith.constant 8 : i32
        %parallel_loop3A_524 = arith.divsi %parallel_loop3A_519, %parallel_loop3A_523 : i32
        %parallel_loop3A_525 = arith.constant 0 : i32
        %parallel_loop3A_526 = arith.cmpi sgt, %parallel_loop3A_519, %parallel_loop3A_525 : i32
        %parallel_loop3A_527 = arith.extui %parallel_loop3A_526 : i1 to i32
        %parallel_loop3A_528 = arith.constant 0 : i32
        %parallel_loop3A_529 = arith.cmpi slt, %parallel_loop3A_519, %parallel_loop3A_528 : i32
        %parallel_loop3A_530 = arith.extui %parallel_loop3A_529 : i1 to i32
        %parallel_loop3A_531 = arith.subi %parallel_loop3A_527, %parallel_loop3A_530 : i32
        %parallel_loop3A_532 = arith.constant 0 : i32
        %parallel_loop3A_533 = arith.cmpi sgt, %parallel_loop3A_523, %parallel_loop3A_532 : i32
        %parallel_loop3A_534 = arith.extui %parallel_loop3A_533 : i1 to i32
        %parallel_loop3A_535 = arith.constant 0 : i32
        %parallel_loop3A_536 = arith.cmpi slt, %parallel_loop3A_523, %parallel_loop3A_535 : i32
        %parallel_loop3A_537 = arith.extui %parallel_loop3A_536 : i1 to i32
        %parallel_loop3A_538 = arith.subi %parallel_loop3A_534, %parallel_loop3A_537 : i32
        %parallel_loop3A_539 = arith.cmpi ne, %parallel_loop3A_531, %parallel_loop3A_538 : i32
        %parallel_loop3A_540 = arith.remsi %parallel_loop3A_519, %parallel_loop3A_523 : i32
        %parallel_loop3A_541 = arith.constant 0 : i32
        %parallel_loop3A_542 = arith.cmpi ne, %parallel_loop3A_540, %parallel_loop3A_541 : i32
        %parallel_loop3A_543 = arith.andi %parallel_loop3A_539, %parallel_loop3A_542 : i1
        %parallel_loop3A_544 = arith.constant 1 : i32
        %parallel_loop3A_545 = arith.subi %parallel_loop3A_524, %parallel_loop3A_544 : i32
        %parallel_loop3A_546 = arith.select %parallel_loop3A_543, %parallel_loop3A_545, %parallel_loop3A_524 : i32
        %parallel_loop3A_547 = arith.constant 8 : i32
        %parallel_loop3A_548 = arith.remsi %parallel_loop3A_519, %parallel_loop3A_547 : i32
        %parallel_loop3A_549 = arith.constant 0 : i32
        %parallel_loop3A_550 = arith.index_cast %parallel_loop3A_549 : i32 to index
        %parallel_loop3A_551 = arith.index_cast %parallel_loop3A_546 : i32 to index
        %parallel_loop3A_552 = arith.index_cast %parallel_loop3A_548 : i32 to index
        %parallel_loop3A_553 = arith.constant 112 : index
        %parallel_loop3A_554 = tpu.vector_load %arg8[%parallel_loop3A_550, %parallel_loop3A_551, %parallel_loop3A_552, %parallel_loop3A_553] {strides = array<i32>} : memref<2x8x8x128xf32, #tpu.memory_space<vmem>>, vector<16xf32>,
        tpu.vector_store %arg8[%parallel_loop3A_550, %parallel_loop3A_551, %parallel_loop3A_552, %parallel_loop3A_553], %parallel_loop3A_522 {add = true, strides = array<i32>} : memref<2x8x8x128xf32, #tpu.memory_space<vmem>>, vector<16xf32>,
      } {sc.loop_unroll_factor = 8 : i64, sc.parallel_access}
      %add3A_163 = arith.constant 1 : i32
      %add3A_164 = arith.addi %mul3A_33, %add3A_163 : i32
      %jit3A_165 = arith.constant 8 : i32
      %div3A_166 = arith.divsi %add3A_164, %jit3A_165 : i32
      %sign3A_167 = arith.constant 0 : i32
      %sign3A_168 = arith.cmpi sgt, %add3A_164, %sign3A_167 : i32
      %sign3A_169 = arith.extui %sign3A_168 : i1 to i32
      %sign3A_170 = arith.constant 0 : i32
      %sign3A_171 = arith.cmpi slt, %add3A_164, %sign3A_170 : i32
      %sign3A_172 = arith.extui %sign3A_171 : i1 to i32
      %sign3A_173 = arith.subi %sign3A_169, %sign3A_172 : i32
      %sign3A_174 = arith.constant 0 : i32
      %sign3A_175 = arith.cmpi sgt, %jit3A_165, %sign3A_174 : i32
      %sign3A_176 = arith.extui %sign3A_175 : i1 to i32
      %sign3A_177 = arith.constant 0 : i32
      %sign3A_178 = arith.cmpi slt, %jit3A_165, %sign3A_177 : i32
      %sign3A_179 = arith.extui %sign3A_178 : i1 to i32
      %sign3A_180 = arith.subi %sign3A_176, %sign3A_179 : i32
      %ne3A_181 = arith.cmpi ne, %sign3A_173, %sign3A_180 : i32
      %rem3A_182 = arith.remsi %add3A_164, %jit3A_165 : i32
      %ne3A_183 = arith.constant 0 : i32
      %ne3A_184 = arith.cmpi ne, %rem3A_182, %ne3A_183 : i32
      %and3A_185 = arith.andi %ne3A_181, %ne3A_184 : i1
      %sub3A_186 = arith.constant 1 : i32
      %sub3A_187 = arith.subi %div3A_166, %sub3A_186 : i32
      %select_n3A_188 = arith.select %and3A_185, %sub3A_187, %div3A_166 : i32
      %rem3A_189 = arith.constant 8 : i32
      %rem3A_190 = arith.remsi %add3A_164, %rem3A_189 : i32
      %get3A_191 = arith.index_cast %select_n3A_188 : i32 to index
      %get3A_192 = arith.index_cast %rem3A_190 : i32 to index
      %get3A_193 = arith.constant 0 : index
      %get3A_194 = tpu.vector_load %arg7[%get3A_191, %get3A_192, %get3A_193] {strides = array<i32>} : memref<25x8x128xi32, #tpu.memory_space<vmem>>, vector<16xi32>,
      %mul3A_195 = arith.constant 64 : i32
      %mul3A_196 = vector.broadcast %mul3A_195 : i32 to vector<16xi32>
      %mul3A_197 = arith.muli %get3A_194, %mul3A_196 : vector<16xi32>
      %parallel_loop3A_198 = arith.constant 0 : i32
      %parallel_loop3A_199 = arith.constant 64 : i32
      %parallel_loop3A_200 = arith.constant 1 : i32
      scf.for %parallel_loop3A_519 = %parallel_loop3A_198 to %parallel_loop3A_199 step %parallel_loop3A_200  : i32 {
        %parallel_loop3A_520 = vector.broadcast %parallel_loop3A_519 : i32 to vector<16xi32>
        %parallel_loop3A_521 = arith.addi %mul3A_197, %parallel_loop3A_520 : vector<16xi32>
        %parallel_loop3A_522 = tpu.vector_load_idx %arg6[%parallel_loop3A_521] : memref<64000xf32, #tpu.memory_space<vmem>>[vector<16xi32>], vector<16xf32>,
        %parallel_loop3A_523 = arith.constant 8 : i32
        %parallel_loop3A_524 = arith.divsi %parallel_loop3A_519, %parallel_loop3A_523 : i32
        %parallel_loop3A_525 = arith.constant 0 : i32
        %parallel_loop3A_526 = arith.cmpi sgt, %parallel_loop3A_519, %parallel_loop3A_525 : i32
        %parallel_loop3A_527 = arith.extui %parallel_loop3A_526 : i1 to i32
        %parallel_loop3A_528 = arith.constant 0 : i32
        %parallel_loop3A_529 = arith.cmpi slt, %parallel_loop3A_519, %parallel_loop3A_528 : i32
        %parallel_loop3A_530 = arith.extui %parallel_loop3A_529 : i1 to i32
        %parallel_loop3A_531 = arith.subi %parallel_loop3A_527, %parallel_loop3A_530 : i32
        %parallel_loop3A_532 = arith.constant 0 : i32
        %parallel_loop3A_533 = arith.cmpi sgt, %parallel_loop3A_523, %parallel_loop3A_532 : i32
        %parallel_loop3A_534 = arith.extui %parallel_loop3A_533 : i1 to i32
        %parallel_loop3A_535 = arith.constant 0 : i32
        %parallel_loop3A_536 = arith.cmpi slt, %parallel_loop3A_523, %parallel_loop3A_535 : i32
        %parallel_loop3A_537 = arith.extui %parallel_loop3A_536 : i1 to i32
        %parallel_loop3A_538 = arith.subi %parallel_loop3A_534, %parallel_loop3A_537 : i32
        %parallel_loop3A_539 = arith.cmpi ne, %parallel_loop3A_531, %parallel_loop3A_538 : i32
        %parallel_loop3A_540 = arith.remsi %parallel_loop3A_519, %parallel_loop3A_523 : i32
        %parallel_loop3A_541 = arith.constant 0 : i32
        %parallel_loop3A_542 = arith.cmpi ne, %parallel_loop3A_540, %parallel_loop3A_541 : i32
        %parallel_loop3A_543 = arith.andi %parallel_loop3A_539, %parallel_loop3A_542 : i1
        %parallel_loop3A_544 = arith.constant 1 : i32
        %parallel_loop3A_545 = arith.subi %parallel_loop3A_524, %parallel_loop3A_544 : i32
        %parallel_loop3A_546 = arith.select %parallel_loop3A_543, %parallel_loop3A_545, %parallel_loop3A_524 : i32
        %parallel_loop3A_547 = arith.constant 8 : i32
        %parallel_loop3A_548 = arith.remsi %parallel_loop3A_519, %parallel_loop3A_547 : i32
        %parallel_loop3A_549 = arith.constant 1 : i32
        %parallel_loop3A_550 = arith.index_cast %parallel_loop3A_549 : i32 to index
        %parallel_loop3A_551 = arith.index_cast %parallel_loop3A_546 : i32 to index
        %parallel_loop3A_552 = arith.index_cast %parallel_loop3A_548 : i32 to index
        %parallel_loop3A_553 = arith.constant 0 : index
        %parallel_loop3A_554 = tpu.vector_load %arg8[%parallel_loop3A_550, %parallel_loop3A_551, %parallel_loop3A_552, %parallel_loop3A_553] {strides = array<i32>} : memref<2x8x8x128xf32, #tpu.memory_space<vmem>>, vector<16xf32>,
        tpu.vector_store %arg8[%parallel_loop3A_550, %parallel_loop3A_551, %parallel_loop3A_552, %parallel_loop3A_553], %parallel_loop3A_522 {add = true, strides = array<i32>} : memref<2x8x8x128xf32, #tpu.memory_space<vmem>>, vector<16xf32>,
      } {sc.loop_unroll_factor = 8 : i64, sc.parallel_access}
      %get3A_201 = arith.index_cast %select_n3A_188 : i32 to index
      %get3A_202 = arith.index_cast %rem3A_190 : i32 to index
      %get3A_203 = arith.constant 16 : index
      %get3A_204 = tpu.vector_load %arg7[%get3A_201, %get3A_202, %get3A_203] {strides = array<i32>} : memref<25x8x128xi32, #tpu.memory_space<vmem>>, vector<16xi32>,
      %mul3A_205 = arith.constant 64 : i32
      %mul3A_206 = vector.broadcast %mul3A_205 : i32 to vector<16xi32>
      %mul3A_207 = arith.muli %get3A_204, %mul3A_206 : vector<16xi32>
      %parallel_loop3A_208 = arith.constant 0 : i32
      %parallel_loop3A_209 = arith.constant 64 : i32
      %parallel_loop3A_210 = arith.constant 1 : i32
      scf.for %parallel_loop3A_519 = %parallel_loop3A_208 to %parallel_loop3A_209 step %parallel_loop3A_210  : i32 {
        %parallel_loop3A_520 = vector.broadcast %parallel_loop3A_519 : i32 to vector<16xi32>
        %parallel_loop3A_521 = arith.addi %mul3A_207, %parallel_loop3A_520 : vector<16xi32>
        %parallel_loop3A_522 = tpu.vector_load_idx %arg6[%parallel_loop3A_521] : memref<64000xf32, #tpu.memory_space<vmem>>[vector<16xi32>], vector<16xf32>,
        %parallel_loop3A_523 = arith.constant 8 : i32
        %parallel_loop3A_524 = arith.divsi %parallel_loop3A_519, %parallel_loop3A_523 : i32
        %parallel_loop3A_525 = arith.constant 0 : i32
        %parallel_loop3A_526 = arith.cmpi sgt, %parallel_loop3A_519, %parallel_loop3A_525 : i32
        %parallel_loop3A_527 = arith.extui %parallel_loop3A_526 : i1 to i32
        %parallel_loop3A_528 = arith.constant 0 : i32
        %parallel_loop3A_529 = arith.cmpi slt, %parallel_loop3A_519, %parallel_loop3A_528 : i32
        %parallel_loop3A_530 = arith.extui %parallel_loop3A_529 : i1 to i32
        %parallel_loop3A_531 = arith.subi %parallel_loop3A_527, %parallel_loop3A_530 : i32
        %parallel_loop3A_532 = arith.constant 0 : i32
        %parallel_loop3A_533 = arith.cmpi sgt, %parallel_loop3A_523, %parallel_loop3A_532 : i32
        %parallel_loop3A_534 = arith.extui %parallel_loop3A_533 : i1 to i32
        %parallel_loop3A_535 = arith.constant 0 : i32
        %parallel_loop3A_536 = arith.cmpi slt, %parallel_loop3A_523, %parallel_loop3A_535 : i32
        %parallel_loop3A_537 = arith.extui %parallel_loop3A_536 : i1 to i32
        %parallel_loop3A_538 = arith.subi %parallel_loop3A_534, %parallel_loop3A_537 : i32
        %parallel_loop3A_539 = arith.cmpi ne, %parallel_loop3A_531, %parallel_loop3A_538 : i32
        %parallel_loop3A_540 = arith.remsi %parallel_loop3A_519, %parallel_loop3A_523 : i32
        %parallel_loop3A_541 = arith.constant 0 : i32
        %parallel_loop3A_542 = arith.cmpi ne, %parallel_loop3A_540, %parallel_loop3A_541 : i32
        %parallel_loop3A_543 = arith.andi %parallel_loop3A_539, %parallel_loop3A_542 : i1
        %parallel_loop3A_544 = arith.constant 1 : i32
        %parallel_loop3A_545 = arith.subi %parallel_loop3A_524, %parallel_loop3A_544 : i32
        %parallel_loop3A_546 = arith.select %parallel_loop3A_543, %parallel_loop3A_545, %parallel_loop3A_524 : i32
        %parallel_loop3A_547 = arith.constant 8 : i32
        %parallel_loop3A_548 = arith.remsi %parallel_loop3A_519, %parallel_loop3A_547 : i32
        %parallel_loop3A_549 = arith.constant 1 : i32
        %parallel_loop3A_550 = arith.index_cast %parallel_loop3A_549 : i32 to index
        %parallel_loop3A_551 = arith.index_cast %parallel_loop3A_546 : i32 to index
        %parallel_loop3A_552 = arith.index_cast %parallel_loop3A_548 : i32 to index
        %parallel_loop3A_553 = arith.constant 16 : index
        %parallel_loop3A_554 = tpu.vector_load %arg8[%parallel_loop3A_550, %parallel_loop3A_551, %parallel_loop3A_552, %parallel_loop3A_553] {strides = array<i32>} : memref<2x8x8x128xf32, #tpu.memory_space<vmem>>, vector<16xf32>,
        tpu.vector_store %arg8[%parallel_loop3A_550, %parallel_loop3A_551, %parallel_loop3A_552, %parallel_loop3A_553], %parallel_loop3A_522 {add = true, strides = array<i32>} : memref<2x8x8x128xf32, #tpu.memory_space<vmem>>, vector<16xf32>,
      } {sc.loop_unroll_factor = 8 : i64, sc.parallel_access}
      %get3A_211 = arith.index_cast %select_n3A_188 : i32 to index
      %get3A_212 = arith.index_cast %rem3A_190 : i32 to index
      %get3A_213 = arith.constant 32 : index
      %get3A_214 = tpu.vector_load %arg7[%get3A_211, %get3A_212, %get3A_213] {strides = array<i32>} : memref<25x8x128xi32, #tpu.memory_space<vmem>>, vector<16xi32>,
      %mul3A_215 = arith.constant 64 : i32
      %mul3A_216 = vector.broadcast %mul3A_215 : i32 to vector<16xi32>
      %mul3A_217 = arith.muli %get3A_214, %mul3A_216 : vector<16xi32>
      %parallel_loop3A_218 = arith.constant 0 : i32
      %parallel_loop3A_219 = arith.constant 64 : i32
      %parallel_loop3A_220 = arith.constant 1 : i32
      scf.for %parallel_loop3A_519 = %parallel_loop3A_218 to %parallel_loop3A_219 step %parallel_loop3A_220  : i32 {
        %parallel_loop3A_520 = vector.broadcast %parallel_loop3A_519 : i32 to vector<16xi32>
        %parallel_loop3A_521 = arith.addi %mul3A_217, %parallel_loop3A_520 : vector<16xi32>
        %parallel_loop3A_522 = tpu.vector_load_idx %arg6[%parallel_loop3A_521] : memref<64000xf32, #tpu.memory_space<vmem>>[vector<16xi32>], vector<16xf32>,
        %parallel_loop3A_523 = arith.constant 8 : i32
        %parallel_loop3A_524 = arith.divsi %parallel_loop3A_519, %parallel_loop3A_523 : i32
        %parallel_loop3A_525 = arith.constant 0 : i32
        %parallel_loop3A_526 = arith.cmpi sgt, %parallel_loop3A_519, %parallel_loop3A_525 : i32
        %parallel_loop3A_527 = arith.extui %parallel_loop3A_526 : i1 to i32
        %parallel_loop3A_528 = arith.constant 0 : i32
        %parallel_loop3A_529 = arith.cmpi slt, %parallel_loop3A_519, %parallel_loop3A_528 : i32
        %parallel_loop3A_530 = arith.extui %parallel_loop3A_529 : i1 to i32
        %parallel_loop3A_531 = arith.subi %parallel_loop3A_527, %parallel_loop3A_530 : i32
        %parallel_loop3A_532 = arith.constant 0 : i32
        %parallel_loop3A_533 = arith.cmpi sgt, %parallel_loop3A_523, %parallel_loop3A_532 : i32
        %parallel_loop3A_534 = arith.extui %parallel_loop3A_533 : i1 to i32
        %parallel_loop3A_535 = arith.constant 0 : i32
        %parallel_loop3A_536 = arith.cmpi slt, %parallel_loop3A_523, %parallel_loop3A_535 : i32
        %parallel_loop3A_537 = arith.extui %parallel_loop3A_536 : i1 to i32
        %parallel_loop3A_538 = arith.subi %parallel_loop3A_534, %parallel_loop3A_537 : i32
        %parallel_loop3A_539 = arith.cmpi ne, %parallel_loop3A_531, %parallel_loop3A_538 : i32
        %parallel_loop3A_540 = arith.remsi %parallel_loop3A_519, %parallel_loop3A_523 : i32
        %parallel_loop3A_541 = arith.constant 0 : i32
        %parallel_loop3A_542 = arith.cmpi ne, %parallel_loop3A_540, %parallel_loop3A_541 : i32
        %parallel_loop3A_543 = arith.andi %parallel_loop3A_539, %parallel_loop3A_542 : i1
        %parallel_loop3A_544 = arith.constant 1 : i32
        %parallel_loop3A_545 = arith.subi %parallel_loop3A_524, %parallel_loop3A_544 : i32
        %parallel_loop3A_546 = arith.select %parallel_loop3A_543, %parallel_loop3A_545, %parallel_loop3A_524 : i32
        %parallel_loop3A_547 = arith.constant 8 : i32
        %parallel_loop3A_548 = arith.remsi %parallel_loop3A_519, %parallel_loop3A_547 : i32
        %parallel_loop3A_549 = arith.constant 1 : i32
        %parallel_loop3A_550 = arith.index_cast %parallel_loop3A_549 : i32 to index
        %parallel_loop3A_551 = arith.index_cast %parallel_loop3A_546 : i32 to index
        %parallel_loop3A_552 = arith.index_cast %parallel_loop3A_548 : i32 to index
        %parallel_loop3A_553 = arith.constant 32 : index
        %parallel_loop3A_554 = tpu.vector_load %arg8[%parallel_loop3A_550, %parallel_loop3A_551, %parallel_loop3A_552, %parallel_loop3A_553] {strides = array<i32>} : memref<2x8x8x128xf32, #tpu.memory_space<vmem>>, vector<16xf32>,
        tpu.vector_store %arg8[%parallel_loop3A_550, %parallel_loop3A_551, %parallel_loop3A_552, %parallel_loop3A_553], %parallel_loop3A_522 {add = true, strides = array<i32>} : memref<2x8x8x128xf32, #tpu.memory_space<vmem>>, vector<16xf32>,
      } {sc.loop_unroll_factor = 8 : i64, sc.parallel_access}
      %get3A_221 = arith.index_cast %select_n3A_188 : i32 to index
      %get3A_222 = arith.index_cast %rem3A_190 : i32 to index
      %get3A_223 = arith.constant 48 : index
      %get3A_224 = tpu.vector_load %arg7[%get3A_221, %get3A_222, %get3A_223] {strides = array<i32>} : memref<25x8x128xi32, #tpu.memory_space<vmem>>, vector<16xi32>,
      %mul3A_225 = arith.constant 64 : i32
      %mul3A_226 = vector.broadcast %mul3A_225 : i32 to vector<16xi32>
      %mul3A_227 = arith.muli %get3A_224, %mul3A_226 : vector<16xi32>
      %parallel_loop3A_228 = arith.constant 0 : i32
      %parallel_loop3A_229 = arith.constant 64 : i32
      %parallel_loop3A_230 = arith.constant 1 : i32
      scf.for %parallel_loop3A_519 = %parallel_loop3A_228 to %parallel_loop3A_229 step %parallel_loop3A_230  : i32 {
        %parallel_loop3A_520 = vector.broadcast %parallel_loop3A_519 : i32 to vector<16xi32>
        %parallel_loop3A_521 = arith.addi %mul3A_227, %parallel_loop3A_520 : vector<16xi32>
        %parallel_loop3A_522 = tpu.vector_load_idx %arg6[%parallel_loop3A_521] : memref<64000xf32, #tpu.memory_space<vmem>>[vector<16xi32>], vector<16xf32>,
        %parallel_loop3A_523 = arith.constant 8 : i32
        %parallel_loop3A_524 = arith.divsi %parallel_loop3A_519, %parallel_loop3A_523 : i32
        %parallel_loop3A_525 = arith.constant 0 : i32
        %parallel_loop3A_526 = arith.cmpi sgt, %parallel_loop3A_519, %parallel_loop3A_525 : i32
        %parallel_loop3A_527 = arith.extui %parallel_loop3A_526 : i1 to i32
        %parallel_loop3A_528 = arith.constant 0 : i32
        %parallel_loop3A_529 = arith.cmpi slt, %parallel_loop3A_519, %parallel_loop3A_528 : i32
        %parallel_loop3A_530 = arith.extui %parallel_loop3A_529 : i1 to i32
        %parallel_loop3A_531 = arith.subi %parallel_loop3A_527, %parallel_loop3A_530 : i32
        %parallel_loop3A_532 = arith.constant 0 : i32
        %parallel_loop3A_533 = arith.cmpi sgt, %parallel_loop3A_523, %parallel_loop3A_532 : i32
        %parallel_loop3A_534 = arith.extui %parallel_loop3A_533 : i1 to i32
        %parallel_loop3A_535 = arith.constant 0 : i32
        %parallel_loop3A_536 = arith.cmpi slt, %parallel_loop3A_523, %parallel_loop3A_535 : i32
        %parallel_loop3A_537 = arith.extui %parallel_loop3A_536 : i1 to i32
        %parallel_loop3A_538 = arith.subi %parallel_loop3A_534, %parallel_loop3A_537 : i32
        %parallel_loop3A_539 = arith.cmpi ne, %parallel_loop3A_531, %parallel_loop3A_538 : i32
        %parallel_loop3A_540 = arith.remsi %parallel_loop3A_519, %parallel_loop3A_523 : i32
        %parallel_loop3A_541 = arith.constant 0 : i32
        %parallel_loop3A_542 = arith.cmpi ne, %parallel_loop3A_540, %parallel_loop3A_541 : i32
        %parallel_loop3A_543 = arith.andi %parallel_loop3A_539, %parallel_loop3A_542 : i1
        %parallel_loop3A_544 = arith.constant 1 : i32
        %parallel_loop3A_545 = arith.subi %parallel_loop3A_524, %parallel_loop3A_544 : i32
        %parallel_loop3A_546 = arith.select %parallel_loop3A_543, %parallel_loop3A_545, %parallel_loop3A_524 : i32
        %parallel_loop3A_547 = arith.constant 8 : i32
        %parallel_loop3A_548 = arith.remsi %parallel_loop3A_519, %parallel_loop3A_547 : i32
        %parallel_loop3A_549 = arith.constant 1 : i32
        %parallel_loop3A_550 = arith.index_cast %parallel_loop3A_549 : i32 to index
        %parallel_loop3A_551 = arith.index_cast %parallel_loop3A_546 : i32 to index
        %parallel_loop3A_552 = arith.index_cast %parallel_loop3A_548 : i32 to index
        %parallel_loop3A_553 = arith.constant 48 : index
        %parallel_loop3A_554 = tpu.vector_load %arg8[%parallel_loop3A_550, %parallel_loop3A_551, %parallel_loop3A_552, %parallel_loop3A_553] {strides = array<i32>} : memref<2x8x8x128xf32, #tpu.memory_space<vmem>>, vector<16xf32>,
        tpu.vector_store %arg8[%parallel_loop3A_550, %parallel_loop3A_551, %parallel_loop3A_552, %parallel_loop3A_553], %parallel_loop3A_522 {add = true, strides = array<i32>} : memref<2x8x8x128xf32, #tpu.memory_space<vmem>>, vector<16xf32>,
      } {sc.loop_unroll_factor = 8 : i64, sc.parallel_access}
      %get3A_231 = arith.index_cast %select_n3A_188 : i32 to index
      %get3A_232 = arith.index_cast %rem3A_190 : i32 to index
      %get3A_233 = arith.constant 64 : index
      %get3A_234 = tpu.vector_load %arg7[%get3A_231, %get3A_232, %get3A_233] {strides = array<i32>} : memref<25x8x128xi32, #tpu.memory_space<vmem>>, vector<16xi32>,
      %mul3A_235 = arith.constant 64 : i32
      %mul3A_236 = vector.broadcast %mul3A_235 : i32 to vector<16xi32>
      %mul3A_237 = arith.muli %get3A_234, %mul3A_236 : vector<16xi32>
      %parallel_loop3A_238 = arith.constant 0 : i32
      %parallel_loop3A_239 = arith.constant 64 : i32
      %parallel_loop3A_240 = arith.constant 1 : i32
      scf.for %parallel_loop3A_519 = %parallel_loop3A_238 to %parallel_loop3A_239 step %parallel_loop3A_240  : i32 {
        %parallel_loop3A_520 = vector.broadcast %parallel_loop3A_519 : i32 to vector<16xi32>
        %parallel_loop3A_521 = arith.addi %mul3A_237, %parallel_loop3A_520 : vector<16xi32>
        %parallel_loop3A_522 = tpu.vector_load_idx %arg6[%parallel_loop3A_521] : memref<64000xf32, #tpu.memory_space<vmem>>[vector<16xi32>], vector<16xf32>,
        %parallel_loop3A_523 = arith.constant 8 : i32
        %parallel_loop3A_524 = arith.divsi %parallel_loop3A_519, %parallel_loop3A_523 : i32
        %parallel_loop3A_525 = arith.constant 0 : i32
        %parallel_loop3A_526 = arith.cmpi sgt, %parallel_loop3A_519, %parallel_loop3A_525 : i32
        %parallel_loop3A_527 = arith.extui %parallel_loop3A_526 : i1 to i32
        %parallel_loop3A_528 = arith.constant 0 : i32
        %parallel_loop3A_529 = arith.cmpi slt, %parallel_loop3A_519, %parallel_loop3A_528 : i32
        %parallel_loop3A_530 = arith.extui %parallel_loop3A_529 : i1 to i32
        %parallel_loop3A_531 = arith.subi %parallel_loop3A_527, %parallel_loop3A_530 : i32
        %parallel_loop3A_532 = arith.constant 0 : i32
        %parallel_loop3A_533 = arith.cmpi sgt, %parallel_loop3A_523, %parallel_loop3A_532 : i32
        %parallel_loop3A_534 = arith.extui %parallel_loop3A_533 : i1 to i32
        %parallel_loop3A_535 = arith.constant 0 : i32
        %parallel_loop3A_536 = arith.cmpi slt, %parallel_loop3A_523, %parallel_loop3A_535 : i32
        %parallel_loop3A_537 = arith.extui %parallel_loop3A_536 : i1 to i32
        %parallel_loop3A_538 = arith.subi %parallel_loop3A_534, %parallel_loop3A_537 : i32
        %parallel_loop3A_539 = arith.cmpi ne, %parallel_loop3A_531, %parallel_loop3A_538 : i32
        %parallel_loop3A_540 = arith.remsi %parallel_loop3A_519, %parallel_loop3A_523 : i32
        %parallel_loop3A_541 = arith.constant 0 : i32
        %parallel_loop3A_542 = arith.cmpi ne, %parallel_loop3A_540, %parallel_loop3A_541 : i32
        %parallel_loop3A_543 = arith.andi %parallel_loop3A_539, %parallel_loop3A_542 : i1
        %parallel_loop3A_544 = arith.constant 1 : i32
        %parallel_loop3A_545 = arith.subi %parallel_loop3A_524, %parallel_loop3A_544 : i32
        %parallel_loop3A_546 = arith.select %parallel_loop3A_543, %parallel_loop3A_545, %parallel_loop3A_524 : i32
        %parallel_loop3A_547 = arith.constant 8 : i32
        %parallel_loop3A_548 = arith.remsi %parallel_loop3A_519, %parallel_loop3A_547 : i32
        %parallel_loop3A_549 = arith.constant 1 : i32
        %parallel_loop3A_550 = arith.index_cast %parallel_loop3A_549 : i32 to index
        %parallel_loop3A_551 = arith.index_cast %parallel_loop3A_546 : i32 to index
        %parallel_loop3A_552 = arith.index_cast %parallel_loop3A_548 : i32 to index
        %parallel_loop3A_553 = arith.constant 64 : index
        %parallel_loop3A_554 = tpu.vector_load %arg8[%parallel_loop3A_550, %parallel_loop3A_551, %parallel_loop3A_552, %parallel_loop3A_553] {strides = array<i32>} : memref<2x8x8x128xf32, #tpu.memory_space<vmem>>, vector<16xf32>,
        tpu.vector_store %arg8[%parallel_loop3A_550, %parallel_loop3A_551, %parallel_loop3A_552, %parallel_loop3A_553], %parallel_loop3A_522 {add = true, strides = array<i32>} : memref<2x8x8x128xf32, #tpu.memory_space<vmem>>, vector<16xf32>,
      } {sc.loop_unroll_factor = 8 : i64, sc.parallel_access}
      %get3A_241 = arith.index_cast %select_n3A_188 : i32 to index
      %get3A_242 = arith.index_cast %rem3A_190 : i32 to index
      %get3A_243 = arith.constant 80 : index
      %get3A_244 = tpu.vector_load %arg7[%get3A_241, %get3A_242, %get3A_243] {strides = array<i32>} : memref<25x8x128xi32, #tpu.memory_space<vmem>>, vector<16xi32>,
      %mul3A_245 = arith.constant 64 : i32
      %mul3A_246 = vector.broadcast %mul3A_245 : i32 to vector<16xi32>
      %mul3A_247 = arith.muli %get3A_244, %mul3A_246 : vector<16xi32>
      %parallel_loop3A_248 = arith.constant 0 : i32
      %parallel_loop3A_249 = arith.constant 64 : i32
      %parallel_loop3A_250 = arith.constant 1 : i32
      scf.for %parallel_loop3A_519 = %parallel_loop3A_248 to %parallel_loop3A_249 step %parallel_loop3A_250  : i32 {
        %parallel_loop3A_520 = vector.broadcast %parallel_loop3A_519 : i32 to vector<16xi32>
        %parallel_loop3A_521 = arith.addi %mul3A_247, %parallel_loop3A_520 : vector<16xi32>
        %parallel_loop3A_522 = tpu.vector_load_idx %arg6[%parallel_loop3A_521] : memref<64000xf32, #tpu.memory_space<vmem>>[vector<16xi32>], vector<16xf32>,
        %parallel_loop3A_523 = arith.constant 8 : i32
        %parallel_loop3A_524 = arith.divsi %parallel_loop3A_519, %parallel_loop3A_523 : i32
        %parallel_loop3A_525 = arith.constant 0 : i32
        %parallel_loop3A_526 = arith.cmpi sgt, %parallel_loop3A_519, %parallel_loop3A_525 : i32
        %parallel_loop3A_527 = arith.extui %parallel_loop3A_526 : i1 to i32
        %parallel_loop3A_528 = arith.constant 0 : i32
        %parallel_loop3A_529 = arith.cmpi slt, %parallel_loop3A_519, %parallel_loop3A_528 : i32
        %parallel_loop3A_530 = arith.extui %parallel_loop3A_529 : i1 to i32
        %parallel_loop3A_531 = arith.subi %parallel_loop3A_527, %parallel_loop3A_530 : i32
        %parallel_loop3A_532 = arith.constant 0 : i32
        %parallel_loop3A_533 = arith.cmpi sgt, %parallel_loop3A_523, %parallel_loop3A_532 : i32
        %parallel_loop3A_534 = arith.extui %parallel_loop3A_533 : i1 to i32
        %parallel_loop3A_535 = arith.constant 0 : i32
        %parallel_loop3A_536 = arith.cmpi slt, %parallel_loop3A_523, %parallel_loop3A_535 : i32
        %parallel_loop3A_537 = arith.extui %parallel_loop3A_536 : i1 to i32
        %parallel_loop3A_538 = arith.subi %parallel_loop3A_534, %parallel_loop3A_537 : i32
        %parallel_loop3A_539 = arith.cmpi ne, %parallel_loop3A_531, %parallel_loop3A_538 : i32
        %parallel_loop3A_540 = arith.remsi %parallel_loop3A_519, %parallel_loop3A_523 : i32
        %parallel_loop3A_541 = arith.constant 0 : i32
        %parallel_loop3A_542 = arith.cmpi ne, %parallel_loop3A_540, %parallel_loop3A_541 : i32
        %parallel_loop3A_543 = arith.andi %parallel_loop3A_539, %parallel_loop3A_542 : i1
        %parallel_loop3A_544 = arith.constant 1 : i32
        %parallel_loop3A_545 = arith.subi %parallel_loop3A_524, %parallel_loop3A_544 : i32
        %parallel_loop3A_546 = arith.select %parallel_loop3A_543, %parallel_loop3A_545, %parallel_loop3A_524 : i32
        %parallel_loop3A_547 = arith.constant 8 : i32
        %parallel_loop3A_548 = arith.remsi %parallel_loop3A_519, %parallel_loop3A_547 : i32
        %parallel_loop3A_549 = arith.constant 1 : i32
        %parallel_loop3A_550 = arith.index_cast %parallel_loop3A_549 : i32 to index
        %parallel_loop3A_551 = arith.index_cast %parallel_loop3A_546 : i32 to index
        %parallel_loop3A_552 = arith.index_cast %parallel_loop3A_548 : i32 to index
        %parallel_loop3A_553 = arith.constant 80 : index
        %parallel_loop3A_554 = tpu.vector_load %arg8[%parallel_loop3A_550, %parallel_loop3A_551, %parallel_loop3A_552, %parallel_loop3A_553] {strides = array<i32>} : memref<2x8x8x128xf32, #tpu.memory_space<vmem>>, vector<16xf32>,
        tpu.vector_store %arg8[%parallel_loop3A_550, %parallel_loop3A_551, %parallel_loop3A_552, %parallel_loop3A_553], %parallel_loop3A_522 {add = true, strides = array<i32>} : memref<2x8x8x128xf32, #tpu.memory_space<vmem>>, vector<16xf32>,
      } {sc.loop_unroll_factor = 8 : i64, sc.parallel_access}
      %get3A_251 = arith.index_cast %select_n3A_188 : i32 to index
      %get3A_252 = arith.index_cast %rem3A_190 : i32 to index
      %get3A_253 = arith.constant 96 : index
      %get3A_254 = tpu.vector_load %arg7[%get3A_251, %get3A_252, %get3A_253] {strides = array<i32>} : memref<25x8x128xi32, #tpu.memory_space<vmem>>, vector<16xi32>,
      %mul3A_255 = arith.constant 64 : i32
      %mul3A_256 = vector.broadcast %mul3A_255 : i32 to vector<16xi32>
      %mul3A_257 = arith.muli %get3A_254, %mul3A_256 : vector<16xi32>
      %parallel_loop3A_258 = arith.constant 0 : i32
      %parallel_loop3A_259 = arith.constant 64 : i32
      %parallel_loop3A_260 = arith.constant 1 : i32
      scf.for %parallel_loop3A_519 = %parallel_loop3A_258 to %parallel_loop3A_259 step %parallel_loop3A_260  : i32 {
        %parallel_loop3A_520 = vector.broadcast %parallel_loop3A_519 : i32 to vector<16xi32>
        %parallel_loop3A_521 = arith.addi %mul3A_257, %parallel_loop3A_520 : vector<16xi32>
        %parallel_loop3A_522 = tpu.vector_load_idx %arg6[%parallel_loop3A_521] : memref<64000xf32, #tpu.memory_space<vmem>>[vector<16xi32>], vector<16xf32>,
        %parallel_loop3A_523 = arith.constant 8 : i32
        %parallel_loop3A_524 = arith.divsi %parallel_loop3A_519, %parallel_loop3A_523 : i32
        %parallel_loop3A_525 = arith.constant 0 : i32
        %parallel_loop3A_526 = arith.cmpi sgt, %parallel_loop3A_519, %parallel_loop3A_525 : i32
        %parallel_loop3A_527 = arith.extui %parallel_loop3A_526 : i1 to i32
        %parallel_loop3A_528 = arith.constant 0 : i32
        %parallel_loop3A_529 = arith.cmpi slt, %parallel_loop3A_519, %parallel_loop3A_528 : i32
        %parallel_loop3A_530 = arith.extui %parallel_loop3A_529 : i1 to i32
        %parallel_loop3A_531 = arith.subi %parallel_loop3A_527, %parallel_loop3A_530 : i32
        %parallel_loop3A_532 = arith.constant 0 : i32
        %parallel_loop3A_533 = arith.cmpi sgt, %parallel_loop3A_523, %parallel_loop3A_532 : i32
        %parallel_loop3A_534 = arith.extui %parallel_loop3A_533 : i1 to i32
        %parallel_loop3A_535 = arith.constant 0 : i32
        %parallel_loop3A_536 = arith.cmpi slt, %parallel_loop3A_523, %parallel_loop3A_535 : i32
        %parallel_loop3A_537 = arith.extui %parallel_loop3A_536 : i1 to i32
        %parallel_loop3A_538 = arith.subi %parallel_loop3A_534, %parallel_loop3A_537 : i32
        %parallel_loop3A_539 = arith.cmpi ne, %parallel_loop3A_531, %parallel_loop3A_538 : i32
        %parallel_loop3A_540 = arith.remsi %parallel_loop3A_519, %parallel_loop3A_523 : i32
        %parallel_loop3A_541 = arith.constant 0 : i32
        %parallel_loop3A_542 = arith.cmpi ne, %parallel_loop3A_540, %parallel_loop3A_541 : i32
        %parallel_loop3A_543 = arith.andi %parallel_loop3A_539, %parallel_loop3A_542 : i1
        %parallel_loop3A_544 = arith.constant 1 : i32
        %parallel_loop3A_545 = arith.subi %parallel_loop3A_524, %parallel_loop3A_544 : i32
        %parallel_loop3A_546 = arith.select %parallel_loop3A_543, %parallel_loop3A_545, %parallel_loop3A_524 : i32
        %parallel_loop3A_547 = arith.constant 8 : i32
        %parallel_loop3A_548 = arith.remsi %parallel_loop3A_519, %parallel_loop3A_547 : i32
        %parallel_loop3A_549 = arith.constant 1 : i32
        %parallel_loop3A_550 = arith.index_cast %parallel_loop3A_549 : i32 to index
        %parallel_loop3A_551 = arith.index_cast %parallel_loop3A_546 : i32 to index
        %parallel_loop3A_552 = arith.index_cast %parallel_loop3A_548 : i32 to index
        %parallel_loop3A_553 = arith.constant 96 : index
        %parallel_loop3A_554 = tpu.vector_load %arg8[%parallel_loop3A_550, %parallel_loop3A_551, %parallel_loop3A_552, %parallel_loop3A_553] {strides = array<i32>} : memref<2x8x8x128xf32, #tpu.memory_space<vmem>>, vector<16xf32>,
        tpu.vector_store %arg8[%parallel_loop3A_550, %parallel_loop3A_551, %parallel_loop3A_552, %parallel_loop3A_553], %parallel_loop3A_522 {add = true, strides = array<i32>} : memref<2x8x8x128xf32, #tpu.memory_space<vmem>>, vector<16xf32>,
      } {sc.loop_unroll_factor = 8 : i64, sc.parallel_access}
      %get3A_261 = arith.index_cast %select_n3A_188 : i32 to index
      %get3A_262 = arith.index_cast %rem3A_190 : i32 to index
      %get3A_263 = arith.constant 112 : index
      %get3A_264 = tpu.vector_load %arg7[%get3A_261, %get3A_262, %get3A_263] {strides = array<i32>} : memref<25x8x128xi32, #tpu.memory_space<vmem>>, vector<16xi32>,
      %mul3A_265 = arith.constant 64 : i32
      %mul3A_266 = vector.broadcast %mul3A_265 : i32 to vector<16xi32>
      %mul3A_267 = arith.muli %get3A_264, %mul3A_266 : vector<16xi32>
      %parallel_loop3A_268 = arith.constant 0 : i32
      %parallel_loop3A_269 = arith.constant 64 : i32
      %parallel_loop3A_270 = arith.constant 1 : i32
      scf.for %parallel_loop3A_519 = %parallel_loop3A_268 to %parallel_loop3A_269 step %parallel_loop3A_270  : i32 {
        %parallel_loop3A_520 = vector.broadcast %parallel_loop3A_519 : i32 to vector<16xi32>
        %parallel_loop3A_521 = arith.addi %mul3A_267, %parallel_loop3A_520 : vector<16xi32>
        %parallel_loop3A_522 = tpu.vector_load_idx %arg6[%parallel_loop3A_521] : memref<64000xf32, #tpu.memory_space<vmem>>[vector<16xi32>], vector<16xf32>,
        %parallel_loop3A_523 = arith.constant 8 : i32
        %parallel_loop3A_524 = arith.divsi %parallel_loop3A_519, %parallel_loop3A_523 : i32
        %parallel_loop3A_525 = arith.constant 0 : i32
        %parallel_loop3A_526 = arith.cmpi sgt, %parallel_loop3A_519, %parallel_loop3A_525 : i32
        %parallel_loop3A_527 = arith.extui %parallel_loop3A_526 : i1 to i32
        %parallel_loop3A_528 = arith.constant 0 : i32
        %parallel_loop3A_529 = arith.cmpi slt, %parallel_loop3A_519, %parallel_loop3A_528 : i32
        %parallel_loop3A_530 = arith.extui %parallel_loop3A_529 : i1 to i32
        %parallel_loop3A_531 = arith.subi %parallel_loop3A_527, %parallel_loop3A_530 : i32
        %parallel_loop3A_532 = arith.constant 0 : i32
        %parallel_loop3A_533 = arith.cmpi sgt, %parallel_loop3A_523, %parallel_loop3A_532 : i32
        %parallel_loop3A_534 = arith.extui %parallel_loop3A_533 : i1 to i32
        %parallel_loop3A_535 = arith.constant 0 : i32
        %parallel_loop3A_536 = arith.cmpi slt, %parallel_loop3A_523, %parallel_loop3A_535 : i32
        %parallel_loop3A_537 = arith.extui %parallel_loop3A_536 : i1 to i32
        %parallel_loop3A_538 = arith.subi %parallel_loop3A_534, %parallel_loop3A_537 : i32
        %parallel_loop3A_539 = arith.cmpi ne, %parallel_loop3A_531, %parallel_loop3A_538 : i32
        %parallel_loop3A_540 = arith.remsi %parallel_loop3A_519, %parallel_loop3A_523 : i32
        %parallel_loop3A_541 = arith.constant 0 : i32
        %parallel_loop3A_542 = arith.cmpi ne, %parallel_loop3A_540, %parallel_loop3A_541 : i32
        %parallel_loop3A_543 = arith.andi %parallel_loop3A_539, %parallel_loop3A_542 : i1
        %parallel_loop3A_544 = arith.constant 1 : i32
        %parallel_loop3A_545 = arith.subi %parallel_loop3A_524, %parallel_loop3A_544 : i32
        %parallel_loop3A_546 = arith.select %parallel_loop3A_543, %parallel_loop3A_545, %parallel_loop3A_524 : i32
        %parallel_loop3A_547 = arith.constant 8 : i32
        %parallel_loop3A_548 = arith.remsi %parallel_loop3A_519, %parallel_loop3A_547 : i32
        %parallel_loop3A_549 = arith.constant 1 : i32
        %parallel_loop3A_550 = arith.index_cast %parallel_loop3A_549 : i32 to index
        %parallel_loop3A_551 = arith.index_cast %parallel_loop3A_546 : i32 to index
        %parallel_loop3A_552 = arith.index_cast %parallel_loop3A_548 : i32 to index
        %parallel_loop3A_553 = arith.constant 112 : index
        %parallel_loop3A_554 = tpu.vector_load %arg8[%parallel_loop3A_550, %parallel_loop3A_551, %parallel_loop3A_552, %parallel_loop3A_553] {strides = array<i32>} : memref<2x8x8x128xf32, #tpu.memory_space<vmem>>, vector<16xf32>,
        tpu.vector_store %arg8[%parallel_loop3A_550, %parallel_loop3A_551, %parallel_loop3A_552, %parallel_loop3A_553], %parallel_loop3A_522 {add = true, strides = array<i32>} : memref<2x8x8x128xf32, #tpu.memory_space<vmem>>, vector<16xf32>,
      } {sc.loop_unroll_factor = 8 : i64, sc.parallel_access}
      %dma_start3A_271 = arith.constant 0 : i32
      %dma_start3A_272 = arith.constant 0 : i32
      %dma_start3A_273 = arith.constant 0 : i32
      %dma_start3A_274 = tpu.memref_slice %arg5[%mul3A_33, %dma_start3A_271, %add3A, %dma_start3A_272, %dma_start3A_273] : memref<200x8x32x8x128xf32, #tpu.memory_space<hbm>> -> memref<2x8x1x8x128xf32, #tpu.memory_space<hbm>>
      %dma_start3A_275 = tpu.memref_squeeze %dma_start3A_274 : memref<2x8x1x8x128xf32, #tpu.memory_space<hbm>> -> memref<2x8x8x128xf32, #tpu.memory_space<hbm>>
      %dma_start3A_276 = arith.constant 0 : i32
      %dma_start3A_277 = arith.constant 0 : i32
      %dma_start3A_278 = arith.constant 0 : i32
      %dma_start3A_279 = tpu.memref_slice %arg5[%mul3A_33, %dma_start3A_276, %add3A, %dma_start3A_277, %dma_start3A_278] : memref<200x8x32x8x128xf32, #tpu.memory_space<hbm>> -> memref<2x8x1x8x128xf32, #tpu.memory_space<hbm>>
      %dma_start3A_280 = tpu.memref_squeeze %dma_start3A_279 : memref<2x8x1x8x128xf32, #tpu.memory_space<hbm>> -> memref<2x8x8x128xf32, #tpu.memory_space<hbm>>
      tpu.enqueue_dma source(%arg8 : memref<2x8x8x128xf32, #tpu.memory_space<vmem>>) target(%dma_start3A_280 : memref<2x8x8x128xf32, #tpu.memory_space<hbm>>) target_semaphore(%arg12 : memref<!tpu.dma_semaphore, #tpu.memory_space<semaphore_mem>>)
      %add3A_281 = arith.constant 2 : i32
      %add3A_282 = arith.addi %mul3A_33, %add3A_281 : i32
      %dma_wait3A_283 = arith.constant 0 : i32
      %dma_wait3A_284 = arith.constant 0 : i32
      %dma_wait3A_285 = arith.constant 0 : i32
      %dma_wait3A_286 = tpu.memref_slice %arg4[%add3A_44, %dma_wait3A_283, %add3A, %dma_wait3A_284, %dma_wait3A_285] : memref<200x8x32x8x128xf32, #tpu.memory_space<hbm>> -> memref<2x8x1x8x128xf32, #tpu.memory_space<hbm>>
      %dma_wait3A_287 = tpu.memref_squeeze %dma_wait3A_286 : memref<2x8x1x8x128xf32, #tpu.memory_space<hbm>> -> memref<2x8x8x128xf32, #tpu.memory_space<hbm>>
      %dma_wait3A_288 = arith.constant 0 : i32
      %dma_wait3A_289 = arith.constant 0 : i32
      %dma_wait3A_290 = arith.constant 0 : i32
      %dma_wait3A_291 = tpu.memref_slice %arg4[%add3A_44, %dma_wait3A_288, %add3A, %dma_wait3A_289, %dma_wait3A_290] : memref<200x8x32x8x128xf32, #tpu.memory_space<hbm>> -> memref<2x8x1x8x128xf32, #tpu.memory_space<hbm>>
      %dma_wait3A_292 = tpu.memref_squeeze %dma_wait3A_291 : memref<2x8x1x8x128xf32, #tpu.memory_space<hbm>> -> memref<2x8x8x128xf32, #tpu.memory_space<hbm>>
      tpu.wait_dma2 semaphore(%arg11 : memref<!tpu.dma_semaphore, #tpu.memory_space<semaphore_mem>>) src(%dma_wait3A_292 : memref<2x8x8x128xf32, #tpu.memory_space<hbm>>) dst(%arg9 : memref<2x8x8x128xf32, #tpu.memory_space<vmem>>)
      %add3A_293 = arith.constant 0 : i32
      %add3A_294 = arith.addi %add3A_282, %add3A_293 : i32
      %jit3A_295 = arith.constant 8 : i32
      %div3A_296 = arith.divsi %add3A_294, %jit3A_295 : i32
      %sign3A_297 = arith.constant 0 : i32
      %sign3A_298 = arith.cmpi sgt, %add3A_294, %sign3A_297 : i32
      %sign3A_299 = arith.extui %sign3A_298 : i1 to i32
      %sign3A_300 = arith.constant 0 : i32
      %sign3A_301 = arith.cmpi slt, %add3A_294, %sign3A_300 : i32
      %sign3A_302 = arith.extui %sign3A_301 : i1 to i32
      %sign3A_303 = arith.subi %sign3A_299, %sign3A_302 : i32
      %sign3A_304 = arith.constant 0 : i32
      %sign3A_305 = arith.cmpi sgt, %jit3A_295, %sign3A_304 : i32
      %sign3A_306 = arith.extui %sign3A_305 : i1 to i32
      %sign3A_307 = arith.constant 0 : i32
      %sign3A_308 = arith.cmpi slt, %jit3A_295, %sign3A_307 : i32
      %sign3A_309 = arith.extui %sign3A_308 : i1 to i32
      %sign3A_310 = arith.subi %sign3A_306, %sign3A_309 : i32
      %ne3A_311 = arith.cmpi ne, %sign3A_303, %sign3A_310 : i32
      %rem3A_312 = arith.remsi %add3A_294, %jit3A_295 : i32
      %ne3A_313 = arith.constant 0 : i32
      %ne3A_314 = arith.cmpi ne, %rem3A_312, %ne3A_313 : i32
      %and3A_315 = arith.andi %ne3A_311, %ne3A_314 : i1
      %sub3A_316 = arith.constant 1 : i32
      %sub3A_317 = arith.subi %div3A_296, %sub3A_316 : i32
      %select_n3A_318 = arith.select %and3A_315, %sub3A_317, %div3A_296 : i32
      %rem3A_319 = arith.constant 8 : i32
      %rem3A_320 = arith.remsi %add3A_294, %rem3A_319 : i32
      %get3A_321 = arith.index_cast %select_n3A_318 : i32 to index
      %get3A_322 = arith.index_cast %rem3A_320 : i32 to index
      %get3A_323 = arith.constant 0 : index
      %get3A_324 = tpu.vector_load %arg7[%get3A_321, %get3A_322, %get3A_323] {strides = array<i32>} : memref<25x8x128xi32, #tpu.memory_space<vmem>>, vector<16xi32>,
      %mul3A_325 = arith.constant 64 : i32
      %mul3A_326 = vector.broadcast %mul3A_325 : i32 to vector<16xi32>
      %mul3A_327 = arith.muli %get3A_324, %mul3A_326 : vector<16xi32>
      %parallel_loop3A_328 = arith.constant 0 : i32
      %parallel_loop3A_329 = arith.constant 64 : i32
      %parallel_loop3A_330 = arith.constant 1 : i32
      scf.for %parallel_loop3A_519 = %parallel_loop3A_328 to %parallel_loop3A_329 step %parallel_loop3A_330  : i32 {
        %parallel_loop3A_520 = vector.broadcast %parallel_loop3A_519 : i32 to vector<16xi32>
        %parallel_loop3A_521 = arith.addi %mul3A_327, %parallel_loop3A_520 : vector<16xi32>
        %parallel_loop3A_522 = tpu.vector_load_idx %arg6[%parallel_loop3A_521] : memref<64000xf32, #tpu.memory_space<vmem>>[vector<16xi32>], vector<16xf32>,
        %parallel_loop3A_523 = arith.constant 8 : i32
        %parallel_loop3A_524 = arith.divsi %parallel_loop3A_519, %parallel_loop3A_523 : i32
        %parallel_loop3A_525 = arith.constant 0 : i32
        %parallel_loop3A_526 = arith.cmpi sgt, %parallel_loop3A_519, %parallel_loop3A_525 : i32
        %parallel_loop3A_527 = arith.extui %parallel_loop3A_526 : i1 to i32
        %parallel_loop3A_528 = arith.constant 0 : i32
        %parallel_loop3A_529 = arith.cmpi slt, %parallel_loop3A_519, %parallel_loop3A_528 : i32
        %parallel_loop3A_530 = arith.extui %parallel_loop3A_529 : i1 to i32
        %parallel_loop3A_531 = arith.subi %parallel_loop3A_527, %parallel_loop3A_530 : i32
        %parallel_loop3A_532 = arith.constant 0 : i32
        %parallel_loop3A_533 = arith.cmpi sgt, %parallel_loop3A_523, %parallel_loop3A_532 : i32
        %parallel_loop3A_534 = arith.extui %parallel_loop3A_533 : i1 to i32
        %parallel_loop3A_535 = arith.constant 0 : i32
        %parallel_loop3A_536 = arith.cmpi slt, %parallel_loop3A_523, %parallel_loop3A_535 : i32
        %parallel_loop3A_537 = arith.extui %parallel_loop3A_536 : i1 to i32
        %parallel_loop3A_538 = arith.subi %parallel_loop3A_534, %parallel_loop3A_537 : i32
        %parallel_loop3A_539 = arith.cmpi ne, %parallel_loop3A_531, %parallel_loop3A_538 : i32
        %parallel_loop3A_540 = arith.remsi %parallel_loop3A_519, %parallel_loop3A_523 : i32
        %parallel_loop3A_541 = arith.constant 0 : i32
        %parallel_loop3A_542 = arith.cmpi ne, %parallel_loop3A_540, %parallel_loop3A_541 : i32
        %parallel_loop3A_543 = arith.andi %parallel_loop3A_539, %parallel_loop3A_542 : i1
        %parallel_loop3A_544 = arith.constant 1 : i32
        %parallel_loop3A_545 = arith.subi %parallel_loop3A_524, %parallel_loop3A_544 : i32
        %parallel_loop3A_546 = arith.select %parallel_loop3A_543, %parallel_loop3A_545, %parallel_loop3A_524 : i32
        %parallel_loop3A_547 = arith.constant 8 : i32
        %parallel_loop3A_548 = arith.remsi %parallel_loop3A_519, %parallel_loop3A_547 : i32
        %parallel_loop3A_549 = arith.constant 0 : i32
        %parallel_loop3A_550 = arith.index_cast %parallel_loop3A_549 : i32 to index
        %parallel_loop3A_551 = arith.index_cast %parallel_loop3A_546 : i32 to index
        %parallel_loop3A_552 = arith.index_cast %parallel_loop3A_548 : i32 to index
        %parallel_loop3A_553 = arith.constant 0 : index
        %parallel_loop3A_554 = tpu.vector_load %arg9[%parallel_loop3A_550, %parallel_loop3A_551, %parallel_loop3A_552, %parallel_loop3A_553] {strides = array<i32>} : memref<2x8x8x128xf32, #tpu.memory_space<vmem>>, vector<16xf32>,
        tpu.vector_store %arg9[%parallel_loop3A_550, %parallel_loop3A_551, %parallel_loop3A_552, %parallel_loop3A_553], %parallel_loop3A_522 {add = true, strides = array<i32>} : memref<2x8x8x128xf32, #tpu.memory_space<vmem>>, vector<16xf32>,
      } {sc.loop_unroll_factor = 8 : i64, sc.parallel_access}
      %get3A_331 = arith.index_cast %select_n3A_318 : i32 to index
      %get3A_332 = arith.index_cast %rem3A_320 : i32 to index
      %get3A_333 = arith.constant 16 : index
      %get3A_334 = tpu.vector_load %arg7[%get3A_331, %get3A_332, %get3A_333] {strides = array<i32>} : memref<25x8x128xi32, #tpu.memory_space<vmem>>, vector<16xi32>,
      %mul3A_335 = arith.constant 64 : i32
      %mul3A_336 = vector.broadcast %mul3A_335 : i32 to vector<16xi32>
      %mul3A_337 = arith.muli %get3A_334, %mul3A_336 : vector<16xi32>
      %parallel_loop3A_338 = arith.constant 0 : i32
      %parallel_loop3A_339 = arith.constant 64 : i32
      %parallel_loop3A_340 = arith.constant 1 : i32
      scf.for %parallel_loop3A_519 = %parallel_loop3A_338 to %parallel_loop3A_339 step %parallel_loop3A_340  : i32 {
        %parallel_loop3A_520 = vector.broadcast %parallel_loop3A_519 : i32 to vector<16xi32>
        %parallel_loop3A_521 = arith.addi %mul3A_337, %parallel_loop3A_520 : vector<16xi32>
        %parallel_loop3A_522 = tpu.vector_load_idx %arg6[%parallel_loop3A_521] : memref<64000xf32, #tpu.memory_space<vmem>>[vector<16xi32>], vector<16xf32>,
        %parallel_loop3A_523 = arith.constant 8 : i32
        %parallel_loop3A_524 = arith.divsi %parallel_loop3A_519, %parallel_loop3A_523 : i32
        %parallel_loop3A_525 = arith.constant 0 : i32
        %parallel_loop3A_526 = arith.cmpi sgt, %parallel_loop3A_519, %parallel_loop3A_525 : i32
        %parallel_loop3A_527 = arith.extui %parallel_loop3A_526 : i1 to i32
        %parallel_loop3A_528 = arith.constant 0 : i32
        %parallel_loop3A_529 = arith.cmpi slt, %parallel_loop3A_519, %parallel_loop3A_528 : i32
        %parallel_loop3A_530 = arith.extui %parallel_loop3A_529 : i1 to i32
        %parallel_loop3A_531 = arith.subi %parallel_loop3A_527, %parallel_loop3A_530 : i32
        %parallel_loop3A_532 = arith.constant 0 : i32
        %parallel_loop3A_533 = arith.cmpi sgt, %parallel_loop3A_523, %parallel_loop3A_532 : i32
        %parallel_loop3A_534 = arith.extui %parallel_loop3A_533 : i1 to i32
        %parallel_loop3A_535 = arith.constant 0 : i32
        %parallel_loop3A_536 = arith.cmpi slt, %parallel_loop3A_523, %parallel_loop3A_535 : i32
        %parallel_loop3A_537 = arith.extui %parallel_loop3A_536 : i1 to i32
        %parallel_loop3A_538 = arith.subi %parallel_loop3A_534, %parallel_loop3A_537 : i32
        %parallel_loop3A_539 = arith.cmpi ne, %parallel_loop3A_531, %parallel_loop3A_538 : i32
        %parallel_loop3A_540 = arith.remsi %parallel_loop3A_519, %parallel_loop3A_523 : i32
        %parallel_loop3A_541 = arith.constant 0 : i32
        %parallel_loop3A_542 = arith.cmpi ne, %parallel_loop3A_540, %parallel_loop3A_541 : i32
        %parallel_loop3A_543 = arith.andi %parallel_loop3A_539, %parallel_loop3A_542 : i1
        %parallel_loop3A_544 = arith.constant 1 : i32
        %parallel_loop3A_545 = arith.subi %parallel_loop3A_524, %parallel_loop3A_544 : i32
        %parallel_loop3A_546 = arith.select %parallel_loop3A_543, %parallel_loop3A_545, %parallel_loop3A_524 : i32
        %parallel_loop3A_547 = arith.constant 8 : i32
        %parallel_loop3A_548 = arith.remsi %parallel_loop3A_519, %parallel_loop3A_547 : i32
        %parallel_loop3A_549 = arith.constant 0 : i32
        %parallel_loop3A_550 = arith.index_cast %parallel_loop3A_549 : i32 to index
        %parallel_loop3A_551 = arith.index_cast %parallel_loop3A_546 : i32 to index
        %parallel_loop3A_552 = arith.index_cast %parallel_loop3A_548 : i32 to index
        %parallel_loop3A_553 = arith.constant 16 : index
        %parallel_loop3A_554 = tpu.vector_load %arg9[%parallel_loop3A_550, %parallel_loop3A_551, %parallel_loop3A_552, %parallel_loop3A_553] {strides = array<i32>} : memref<2x8x8x128xf32, #tpu.memory_space<vmem>>, vector<16xf32>,
        tpu.vector_store %arg9[%parallel_loop3A_550, %parallel_loop3A_551, %parallel_loop3A_552, %parallel_loop3A_553], %parallel_loop3A_522 {add = true, strides = array<i32>} : memref<2x8x8x128xf32, #tpu.memory_space<vmem>>, vector<16xf32>,
      } {sc.loop_unroll_factor = 8 : i64, sc.parallel_access}
      %get3A_341 = arith.index_cast %select_n3A_318 : i32 to index
      %get3A_342 = arith.index_cast %rem3A_320 : i32 to index
      %get3A_343 = arith.constant 32 : index
      %get3A_344 = tpu.vector_load %arg7[%get3A_341, %get3A_342, %get3A_343] {strides = array<i32>} : memref<25x8x128xi32, #tpu.memory_space<vmem>>, vector<16xi32>,
      %mul3A_345 = arith.constant 64 : i32
      %mul3A_346 = vector.broadcast %mul3A_345 : i32 to vector<16xi32>
      %mul3A_347 = arith.muli %get3A_344, %mul3A_346 : vector<16xi32>
      %parallel_loop3A_348 = arith.constant 0 : i32
      %parallel_loop3A_349 = arith.constant 64 : i32
      %parallel_loop3A_350 = arith.constant 1 : i32
      scf.for %parallel_loop3A_519 = %parallel_loop3A_348 to %parallel_loop3A_349 step %parallel_loop3A_350  : i32 {
        %parallel_loop3A_520 = vector.broadcast %parallel_loop3A_519 : i32 to vector<16xi32>
        %parallel_loop3A_521 = arith.addi %mul3A_347, %parallel_loop3A_520 : vector<16xi32>
        %parallel_loop3A_522 = tpu.vector_load_idx %arg6[%parallel_loop3A_521] : memref<64000xf32, #tpu.memory_space<vmem>>[vector<16xi32>], vector<16xf32>,
        %parallel_loop3A_523 = arith.constant 8 : i32
        %parallel_loop3A_524 = arith.divsi %parallel_loop3A_519, %parallel_loop3A_523 : i32
        %parallel_loop3A_525 = arith.constant 0 : i32
        %parallel_loop3A_526 = arith.cmpi sgt, %parallel_loop3A_519, %parallel_loop3A_525 : i32
        %parallel_loop3A_527 = arith.extui %parallel_loop3A_526 : i1 to i32
        %parallel_loop3A_528 = arith.constant 0 : i32
        %parallel_loop3A_529 = arith.cmpi slt, %parallel_loop3A_519, %parallel_loop3A_528 : i32
        %parallel_loop3A_530 = arith.extui %parallel_loop3A_529 : i1 to i32
        %parallel_loop3A_531 = arith.subi %parallel_loop3A_527, %parallel_loop3A_530 : i32
        %parallel_loop3A_532 = arith.constant 0 : i32
        %parallel_loop3A_533 = arith.cmpi sgt, %parallel_loop3A_523, %parallel_loop3A_532 : i32
        %parallel_loop3A_534 = arith.extui %parallel_loop3A_533 : i1 to i32
        %parallel_loop3A_535 = arith.constant 0 : i32
        %parallel_loop3A_536 = arith.cmpi slt, %parallel_loop3A_523, %parallel_loop3A_535 : i32
        %parallel_loop3A_537 = arith.extui %parallel_loop3A_536 : i1 to i32
        %parallel_loop3A_538 = arith.subi %parallel_loop3A_534, %parallel_loop3A_537 : i32
        %parallel_loop3A_539 = arith.cmpi ne, %parallel_loop3A_531, %parallel_loop3A_538 : i32
        %parallel_loop3A_540 = arith.remsi %parallel_loop3A_519, %parallel_loop3A_523 : i32
        %parallel_loop3A_541 = arith.constant 0 : i32
        %parallel_loop3A_542 = arith.cmpi ne, %parallel_loop3A_540, %parallel_loop3A_541 : i32
        %parallel_loop3A_543 = arith.andi %parallel_loop3A_539, %parallel_loop3A_542 : i1
        %parallel_loop3A_544 = arith.constant 1 : i32
        %parallel_loop3A_545 = arith.subi %parallel_loop3A_524, %parallel_loop3A_544 : i32
        %parallel_loop3A_546 = arith.select %parallel_loop3A_543, %parallel_loop3A_545, %parallel_loop3A_524 : i32
        %parallel_loop3A_547 = arith.constant 8 : i32
        %parallel_loop3A_548 = arith.remsi %parallel_loop3A_519, %parallel_loop3A_547 : i32
        %parallel_loop3A_549 = arith.constant 0 : i32
        %parallel_loop3A_550 = arith.index_cast %parallel_loop3A_549 : i32 to index
        %parallel_loop3A_551 = arith.index_cast %parallel_loop3A_546 : i32 to index
        %parallel_loop3A_552 = arith.index_cast %parallel_loop3A_548 : i32 to index
        %parallel_loop3A_553 = arith.constant 32 : index
        %parallel_loop3A_554 = tpu.vector_load %arg9[%parallel_loop3A_550, %parallel_loop3A_551, %parallel_loop3A_552, %parallel_loop3A_553] {strides = array<i32>} : memref<2x8x8x128xf32, #tpu.memory_space<vmem>>, vector<16xf32>,
        tpu.vector_store %arg9[%parallel_loop3A_550, %parallel_loop3A_551, %parallel_loop3A_552, %parallel_loop3A_553], %parallel_loop3A_522 {add = true, strides = array<i32>} : memref<2x8x8x128xf32, #tpu.memory_space<vmem>>, vector<16xf32>,
      } {sc.loop_unroll_factor = 8 : i64, sc.parallel_access}
      %get3A_351 = arith.index_cast %select_n3A_318 : i32 to index
      %get3A_352 = arith.index_cast %rem3A_320 : i32 to index
      %get3A_353 = arith.constant 48 : index
      %get3A_354 = tpu.vector_load %arg7[%get3A_351, %get3A_352, %get3A_353] {strides = array<i32>} : memref<25x8x128xi32, #tpu.memory_space<vmem>>, vector<16xi32>,
      %mul3A_355 = arith.constant 64 : i32
      %mul3A_356 = vector.broadcast %mul3A_355 : i32 to vector<16xi32>
      %mul3A_357 = arith.muli %get3A_354, %mul3A_356 : vector<16xi32>
      %parallel_loop3A_358 = arith.constant 0 : i32
      %parallel_loop3A_359 = arith.constant 64 : i32
      %parallel_loop3A_360 = arith.constant 1 : i32
      scf.for %parallel_loop3A_519 = %parallel_loop3A_358 to %parallel_loop3A_359 step %parallel_loop3A_360  : i32 {
        %parallel_loop3A_520 = vector.broadcast %parallel_loop3A_519 : i32 to vector<16xi32>
        %parallel_loop3A_521 = arith.addi %mul3A_357, %parallel_loop3A_520 : vector<16xi32>
        %parallel_loop3A_522 = tpu.vector_load_idx %arg6[%parallel_loop3A_521] : memref<64000xf32, #tpu.memory_space<vmem>>[vector<16xi32>], vector<16xf32>,
        %parallel_loop3A_523 = arith.constant 8 : i32
        %parallel_loop3A_524 = arith.divsi %parallel_loop3A_519, %parallel_loop3A_523 : i32
        %parallel_loop3A_525 = arith.constant 0 : i32
        %parallel_loop3A_526 = arith.cmpi sgt, %parallel_loop3A_519, %parallel_loop3A_525 : i32
        %parallel_loop3A_527 = arith.extui %parallel_loop3A_526 : i1 to i32
        %parallel_loop3A_528 = arith.constant 0 : i32
        %parallel_loop3A_529 = arith.cmpi slt, %parallel_loop3A_519, %parallel_loop3A_528 : i32
        %parallel_loop3A_530 = arith.extui %parallel_loop3A_529 : i1 to i32
        %parallel_loop3A_531 = arith.subi %parallel_loop3A_527, %parallel_loop3A_530 : i32
        %parallel_loop3A_532 = arith.constant 0 : i32
        %parallel_loop3A_533 = arith.cmpi sgt, %parallel_loop3A_523, %parallel_loop3A_532 : i32
        %parallel_loop3A_534 = arith.extui %parallel_loop3A_533 : i1 to i32
        %parallel_loop3A_535 = arith.constant 0 : i32
        %parallel_loop3A_536 = arith.cmpi slt, %parallel_loop3A_523, %parallel_loop3A_535 : i32
        %parallel_loop3A_537 = arith.extui %parallel_loop3A_536 : i1 to i32
        %parallel_loop3A_538 = arith.subi %parallel_loop3A_534, %parallel_loop3A_537 : i32
        %parallel_loop3A_539 = arith.cmpi ne, %parallel_loop3A_531, %parallel_loop3A_538 : i32
        %parallel_loop3A_540 = arith.remsi %parallel_loop3A_519, %parallel_loop3A_523 : i32
        %parallel_loop3A_541 = arith.constant 0 : i32
        %parallel_loop3A_542 = arith.cmpi ne, %parallel_loop3A_540, %parallel_loop3A_541 : i32
        %parallel_loop3A_543 = arith.andi %parallel_loop3A_539, %parallel_loop3A_542 : i1
        %parallel_loop3A_544 = arith.constant 1 : i32
        %parallel_loop3A_545 = arith.subi %parallel_loop3A_524, %parallel_loop3A_544 : i32
        %parallel_loop3A_546 = arith.select %parallel_loop3A_543, %parallel_loop3A_545, %parallel_loop3A_524 : i32
        %parallel_loop3A_547 = arith.constant 8 : i32
        %parallel_loop3A_548 = arith.remsi %parallel_loop3A_519, %parallel_loop3A_547 : i32
        %parallel_loop3A_549 = arith.constant 0 : i32
        %parallel_loop3A_550 = arith.index_cast %parallel_loop3A_549 : i32 to index
        %parallel_loop3A_551 = arith.index_cast %parallel_loop3A_546 : i32 to index
        %parallel_loop3A_552 = arith.index_cast %parallel_loop3A_548 : i32 to index
        %parallel_loop3A_553 = arith.constant 48 : index
        %parallel_loop3A_554 = tpu.vector_load %arg9[%parallel_loop3A_550, %parallel_loop3A_551, %parallel_loop3A_552, %parallel_loop3A_553] {strides = array<i32>} : memref<2x8x8x128xf32, #tpu.memory_space<vmem>>, vector<16xf32>,
        tpu.vector_store %arg9[%parallel_loop3A_550, %parallel_loop3A_551, %parallel_loop3A_552, %parallel_loop3A_553], %parallel_loop3A_522 {add = true, strides = array<i32>} : memref<2x8x8x128xf32, #tpu.memory_space<vmem>>, vector<16xf32>,
      } {sc.loop_unroll_factor = 8 : i64, sc.parallel_access}
      %get3A_361 = arith.index_cast %select_n3A_318 : i32 to index
      %get3A_362 = arith.index_cast %rem3A_320 : i32 to index
      %get3A_363 = arith.constant 64 : index
      %get3A_364 = tpu.vector_load %arg7[%get3A_361, %get3A_362, %get3A_363] {strides = array<i32>} : memref<25x8x128xi32, #tpu.memory_space<vmem>>, vector<16xi32>,
      %mul3A_365 = arith.constant 64 : i32
      %mul3A_366 = vector.broadcast %mul3A_365 : i32 to vector<16xi32>
      %mul3A_367 = arith.muli %get3A_364, %mul3A_366 : vector<16xi32>
      %parallel_loop3A_368 = arith.constant 0 : i32
      %parallel_loop3A_369 = arith.constant 64 : i32
      %parallel_loop3A_370 = arith.constant 1 : i32
      scf.for %parallel_loop3A_519 = %parallel_loop3A_368 to %parallel_loop3A_369 step %parallel_loop3A_370  : i32 {
        %parallel_loop3A_520 = vector.broadcast %parallel_loop3A_519 : i32 to vector<16xi32>
        %parallel_loop3A_521 = arith.addi %mul3A_367, %parallel_loop3A_520 : vector<16xi32>
        %parallel_loop3A_522 = tpu.vector_load_idx %arg6[%parallel_loop3A_521] : memref<64000xf32, #tpu.memory_space<vmem>>[vector<16xi32>], vector<16xf32>,
        %parallel_loop3A_523 = arith.constant 8 : i32
        %parallel_loop3A_524 = arith.divsi %parallel_loop3A_519, %parallel_loop3A_523 : i32
        %parallel_loop3A_525 = arith.constant 0 : i32
        %parallel_loop3A_526 = arith.cmpi sgt, %parallel_loop3A_519, %parallel_loop3A_525 : i32
        %parallel_loop3A_527 = arith.extui %parallel_loop3A_526 : i1 to i32
        %parallel_loop3A_528 = arith.constant 0 : i32
        %parallel_loop3A_529 = arith.cmpi slt, %parallel_loop3A_519, %parallel_loop3A_528 : i32
        %parallel_loop3A_530 = arith.extui %parallel_loop3A_529 : i1 to i32
        %parallel_loop3A_531 = arith.subi %parallel_loop3A_527, %parallel_loop3A_530 : i32
        %parallel_loop3A_532 = arith.constant 0 : i32
        %parallel_loop3A_533 = arith.cmpi sgt, %parallel_loop3A_523, %parallel_loop3A_532 : i32
        %parallel_loop3A_534 = arith.extui %parallel_loop3A_533 : i1 to i32
        %parallel_loop3A_535 = arith.constant 0 : i32
        %parallel_loop3A_536 = arith.cmpi slt, %parallel_loop3A_523, %parallel_loop3A_535 : i32
        %parallel_loop3A_537 = arith.extui %parallel_loop3A_536 : i1 to i32
        %parallel_loop3A_538 = arith.subi %parallel_loop3A_534, %parallel_loop3A_537 : i32
        %parallel_loop3A_539 = arith.cmpi ne, %parallel_loop3A_531, %parallel_loop3A_538 : i32
        %parallel_loop3A_540 = arith.remsi %parallel_loop3A_519, %parallel_loop3A_523 : i32
        %parallel_loop3A_541 = arith.constant 0 : i32
        %parallel_loop3A_542 = arith.cmpi ne, %parallel_loop3A_540, %parallel_loop3A_541 : i32
        %parallel_loop3A_543 = arith.andi %parallel_loop3A_539, %parallel_loop3A_542 : i1
        %parallel_loop3A_544 = arith.constant 1 : i32
        %parallel_loop3A_545 = arith.subi %parallel_loop3A_524, %parallel_loop3A_544 : i32
        %parallel_loop3A_546 = arith.select %parallel_loop3A_543, %parallel_loop3A_545, %parallel_loop3A_524 : i32
        %parallel_loop3A_547 = arith.constant 8 : i32
        %parallel_loop3A_548 = arith.remsi %parallel_loop3A_519, %parallel_loop3A_547 : i32
        %parallel_loop3A_549 = arith.constant 0 : i32
        %parallel_loop3A_550 = arith.index_cast %parallel_loop3A_549 : i32 to index
        %parallel_loop3A_551 = arith.index_cast %parallel_loop3A_546 : i32 to index
        %parallel_loop3A_552 = arith.index_cast %parallel_loop3A_548 : i32 to index
        %parallel_loop3A_553 = arith.constant 64 : index
        %parallel_loop3A_554 = tpu.vector_load %arg9[%parallel_loop3A_550, %parallel_loop3A_551, %parallel_loop3A_552, %parallel_loop3A_553] {strides = array<i32>} : memref<2x8x8x128xf32, #tpu.memory_space<vmem>>, vector<16xf32>,
        tpu.vector_store %arg9[%parallel_loop3A_550, %parallel_loop3A_551, %parallel_loop3A_552, %parallel_loop3A_553], %parallel_loop3A_522 {add = true, strides = array<i32>} : memref<2x8x8x128xf32, #tpu.memory_space<vmem>>, vector<16xf32>,
      } {sc.loop_unroll_factor = 8 : i64, sc.parallel_access}
      %get3A_371 = arith.index_cast %select_n3A_318 : i32 to index
      %get3A_372 = arith.index_cast %rem3A_320 : i32 to index
      %get3A_373 = arith.constant 80 : index
      %get3A_374 = tpu.vector_load %arg7[%get3A_371, %get3A_372, %get3A_373] {strides = array<i32>} : memref<25x8x128xi32, #tpu.memory_space<vmem>>, vector<16xi32>,
      %mul3A_375 = arith.constant 64 : i32
      %mul3A_376 = vector.broadcast %mul3A_375 : i32 to vector<16xi32>
      %mul3A_377 = arith.muli %get3A_374, %mul3A_376 : vector<16xi32>
      %parallel_loop3A_378 = arith.constant 0 : i32
      %parallel_loop3A_379 = arith.constant 64 : i32
      %parallel_loop3A_380 = arith.constant 1 : i32
      scf.for %parallel_loop3A_519 = %parallel_loop3A_378 to %parallel_loop3A_379 step %parallel_loop3A_380  : i32 {
        %parallel_loop3A_520 = vector.broadcast %parallel_loop3A_519 : i32 to vector<16xi32>
        %parallel_loop3A_521 = arith.addi %mul3A_377, %parallel_loop3A_520 : vector<16xi32>
        %parallel_loop3A_522 = tpu.vector_load_idx %arg6[%parallel_loop3A_521] : memref<64000xf32, #tpu.memory_space<vmem>>[vector<16xi32>], vector<16xf32>,
        %parallel_loop3A_523 = arith.constant 8 : i32
        %parallel_loop3A_524 = arith.divsi %parallel_loop3A_519, %parallel_loop3A_523 : i32
        %parallel_loop3A_525 = arith.constant 0 : i32
        %parallel_loop3A_526 = arith.cmpi sgt, %parallel_loop3A_519, %parallel_loop3A_525 : i32
        %parallel_loop3A_527 = arith.extui %parallel_loop3A_526 : i1 to i32
        %parallel_loop3A_528 = arith.constant 0 : i32
        %parallel_loop3A_529 = arith.cmpi slt, %parallel_loop3A_519, %parallel_loop3A_528 : i32
        %parallel_loop3A_530 = arith.extui %parallel_loop3A_529 : i1 to i32
        %parallel_loop3A_531 = arith.subi %parallel_loop3A_527, %parallel_loop3A_530 : i32
        %parallel_loop3A_532 = arith.constant 0 : i32
        %parallel_loop3A_533 = arith.cmpi sgt, %parallel_loop3A_523, %parallel_loop3A_532 : i32
        %parallel_loop3A_534 = arith.extui %parallel_loop3A_533 : i1 to i32
        %parallel_loop3A_535 = arith.constant 0 : i32
        %parallel_loop3A_536 = arith.cmpi slt, %parallel_loop3A_523, %parallel_loop3A_535 : i32
        %parallel_loop3A_537 = arith.extui %parallel_loop3A_536 : i1 to i32
        %parallel_loop3A_538 = arith.subi %parallel_loop3A_534, %parallel_loop3A_537 : i32
        %parallel_loop3A_539 = arith.cmpi ne, %parallel_loop3A_531, %parallel_loop3A_538 : i32
        %parallel_loop3A_540 = arith.remsi %parallel_loop3A_519, %parallel_loop3A_523 : i32
        %parallel_loop3A_541 = arith.constant 0 : i32
        %parallel_loop3A_542 = arith.cmpi ne, %parallel_loop3A_540, %parallel_loop3A_541 : i32
        %parallel_loop3A_543 = arith.andi %parallel_loop3A_539, %parallel_loop3A_542 : i1
        %parallel_loop3A_544 = arith.constant 1 : i32
        %parallel_loop3A_545 = arith.subi %parallel_loop3A_524, %parallel_loop3A_544 : i32
        %parallel_loop3A_546 = arith.select %parallel_loop3A_543, %parallel_loop3A_545, %parallel_loop3A_524 : i32
        %parallel_loop3A_547 = arith.constant 8 : i32
        %parallel_loop3A_548 = arith.remsi %parallel_loop3A_519, %parallel_loop3A_547 : i32
        %parallel_loop3A_549 = arith.constant 0 : i32
        %parallel_loop3A_550 = arith.index_cast %parallel_loop3A_549 : i32 to index
        %parallel_loop3A_551 = arith.index_cast %parallel_loop3A_546 : i32 to index
        %parallel_loop3A_552 = arith.index_cast %parallel_loop3A_548 : i32 to index
        %parallel_loop3A_553 = arith.constant 80 : index
        %parallel_loop3A_554 = tpu.vector_load %arg9[%parallel_loop3A_550, %parallel_loop3A_551, %parallel_loop3A_552, %parallel_loop3A_553] {strides = array<i32>} : memref<2x8x8x128xf32, #tpu.memory_space<vmem>>, vector<16xf32>,
        tpu.vector_store %arg9[%parallel_loop3A_550, %parallel_loop3A_551, %parallel_loop3A_552, %parallel_loop3A_553], %parallel_loop3A_522 {add = true, strides = array<i32>} : memref<2x8x8x128xf32, #tpu.memory_space<vmem>>, vector<16xf32>,
      } {sc.loop_unroll_factor = 8 : i64, sc.parallel_access}
      %get3A_381 = arith.index_cast %select_n3A_318 : i32 to index
      %get3A_382 = arith.index_cast %rem3A_320 : i32 to index
      %get3A_383 = arith.constant 96 : index
      %get3A_384 = tpu.vector_load %arg7[%get3A_381, %get3A_382, %get3A_383] {strides = array<i32>} : memref<25x8x128xi32, #tpu.memory_space<vmem>>, vector<16xi32>,
      %mul3A_385 = arith.constant 64 : i32
      %mul3A_386 = vector.broadcast %mul3A_385 : i32 to vector<16xi32>
      %mul3A_387 = arith.muli %get3A_384, %mul3A_386 : vector<16xi32>
      %parallel_loop3A_388 = arith.constant 0 : i32
      %parallel_loop3A_389 = arith.constant 64 : i32
      %parallel_loop3A_390 = arith.constant 1 : i32
      scf.for %parallel_loop3A_519 = %parallel_loop3A_388 to %parallel_loop3A_389 step %parallel_loop3A_390  : i32 {
        %parallel_loop3A_520 = vector.broadcast %parallel_loop3A_519 : i32 to vector<16xi32>
        %parallel_loop3A_521 = arith.addi %mul3A_387, %parallel_loop3A_520 : vector<16xi32>
        %parallel_loop3A_522 = tpu.vector_load_idx %arg6[%parallel_loop3A_521] : memref<64000xf32, #tpu.memory_space<vmem>>[vector<16xi32>], vector<16xf32>,
        %parallel_loop3A_523 = arith.constant 8 : i32
        %parallel_loop3A_524 = arith.divsi %parallel_loop3A_519, %parallel_loop3A_523 : i32
        %parallel_loop3A_525 = arith.constant 0 : i32
        %parallel_loop3A_526 = arith.cmpi sgt, %parallel_loop3A_519, %parallel_loop3A_525 : i32
        %parallel_loop3A_527 = arith.extui %parallel_loop3A_526 : i1 to i32
        %parallel_loop3A_528 = arith.constant 0 : i32
        %parallel_loop3A_529 = arith.cmpi slt, %parallel_loop3A_519, %parallel_loop3A_528 : i32
        %parallel_loop3A_530 = arith.extui %parallel_loop3A_529 : i1 to i32
        %parallel_loop3A_531 = arith.subi %parallel_loop3A_527, %parallel_loop3A_530 : i32
        %parallel_loop3A_532 = arith.constant 0 : i32
        %parallel_loop3A_533 = arith.cmpi sgt, %parallel_loop3A_523, %parallel_loop3A_532 : i32
        %parallel_loop3A_534 = arith.extui %parallel_loop3A_533 : i1 to i32
        %parallel_loop3A_535 = arith.constant 0 : i32
        %parallel_loop3A_536 = arith.cmpi slt, %parallel_loop3A_523, %parallel_loop3A_535 : i32
        %parallel_loop3A_537 = arith.extui %parallel_loop3A_536 : i1 to i32
        %parallel_loop3A_538 = arith.subi %parallel_loop3A_534, %parallel_loop3A_537 : i32
        %parallel_loop3A_539 = arith.cmpi ne, %parallel_loop3A_531, %parallel_loop3A_538 : i32
        %parallel_loop3A_540 = arith.remsi %parallel_loop3A_519, %parallel_loop3A_523 : i32
        %parallel_loop3A_541 = arith.constant 0 : i32
        %parallel_loop3A_542 = arith.cmpi ne, %parallel_loop3A_540, %parallel_loop3A_541 : i32
        %parallel_loop3A_543 = arith.andi %parallel_loop3A_539, %parallel_loop3A_542 : i1
        %parallel_loop3A_544 = arith.constant 1 : i32
        %parallel_loop3A_545 = arith.subi %parallel_loop3A_524, %parallel_loop3A_544 : i32
        %parallel_loop3A_546 = arith.select %parallel_loop3A_543, %parallel_loop3A_545, %parallel_loop3A_524 : i32
        %parallel_loop3A_547 = arith.constant 8 : i32
        %parallel_loop3A_548 = arith.remsi %parallel_loop3A_519, %parallel_loop3A_547 : i32
        %parallel_loop3A_549 = arith.constant 0 : i32
        %parallel_loop3A_550 = arith.index_cast %parallel_loop3A_549 : i32 to index
        %parallel_loop3A_551 = arith.index_cast %parallel_loop3A_546 : i32 to index
        %parallel_loop3A_552 = arith.index_cast %parallel_loop3A_548 : i32 to index
        %parallel_loop3A_553 = arith.constant 96 : index
        %parallel_loop3A_554 = tpu.vector_load %arg9[%parallel_loop3A_550, %parallel_loop3A_551, %parallel_loop3A_552, %parallel_loop3A_553] {strides = array<i32>} : memref<2x8x8x128xf32, #tpu.memory_space<vmem>>, vector<16xf32>,
        tpu.vector_store %arg9[%parallel_loop3A_550, %parallel_loop3A_551, %parallel_loop3A_552, %parallel_loop3A_553], %parallel_loop3A_522 {add = true, strides = array<i32>} : memref<2x8x8x128xf32, #tpu.memory_space<vmem>>, vector<16xf32>,
      } {sc.loop_unroll_factor = 8 : i64, sc.parallel_access}
      %get3A_391 = arith.index_cast %select_n3A_318 : i32 to index
      %get3A_392 = arith.index_cast %rem3A_320 : i32 to index
      %get3A_393 = arith.constant 112 : index
      %get3A_394 = tpu.vector_load %arg7[%get3A_391, %get3A_392, %get3A_393] {strides = array<i32>} : memref<25x8x128xi32, #tpu.memory_space<vmem>>, vector<16xi32>,
      %mul3A_395 = arith.constant 64 : i32
      %mul3A_396 = vector.broadcast %mul3A_395 : i32 to vector<16xi32>
      %mul3A_397 = arith.muli %get3A_394, %mul3A_396 : vector<16xi32>
      %parallel_loop3A_398 = arith.constant 0 : i32
      %parallel_loop3A_399 = arith.constant 64 : i32
      %parallel_loop3A_400 = arith.constant 1 : i32
      scf.for %parallel_loop3A_519 = %parallel_loop3A_398 to %parallel_loop3A_399 step %parallel_loop3A_400  : i32 {
        %parallel_loop3A_520 = vector.broadcast %parallel_loop3A_519 : i32 to vector<16xi32>
        %parallel_loop3A_521 = arith.addi %mul3A_397, %parallel_loop3A_520 : vector<16xi32>
        %parallel_loop3A_522 = tpu.vector_load_idx %arg6[%parallel_loop3A_521] : memref<64000xf32, #tpu.memory_space<vmem>>[vector<16xi32>], vector<16xf32>,
        %parallel_loop3A_523 = arith.constant 8 : i32
        %parallel_loop3A_524 = arith.divsi %parallel_loop3A_519, %parallel_loop3A_523 : i32
        %parallel_loop3A_525 = arith.constant 0 : i32
        %parallel_loop3A_526 = arith.cmpi sgt, %parallel_loop3A_519, %parallel_loop3A_525 : i32
        %parallel_loop3A_527 = arith.extui %parallel_loop3A_526 : i1 to i32
        %parallel_loop3A_528 = arith.constant 0 : i32
        %parallel_loop3A_529 = arith.cmpi slt, %parallel_loop3A_519, %parallel_loop3A_528 : i32
        %parallel_loop3A_530 = arith.extui %parallel_loop3A_529 : i1 to i32
        %parallel_loop3A_531 = arith.subi %parallel_loop3A_527, %parallel_loop3A_530 : i32
        %parallel_loop3A_532 = arith.constant 0 : i32
        %parallel_loop3A_533 = arith.cmpi sgt, %parallel_loop3A_523, %parallel_loop3A_532 : i32
        %parallel_loop3A_534 = arith.extui %parallel_loop3A_533 : i1 to i32
        %parallel_loop3A_535 = arith.constant 0 : i32
        %parallel_loop3A_536 = arith.cmpi slt, %parallel_loop3A_523, %parallel_loop3A_535 : i32
        %parallel_loop3A_537 = arith.extui %parallel_loop3A_536 : i1 to i32
        %parallel_loop3A_538 = arith.subi %parallel_loop3A_534, %parallel_loop3A_537 : i32
        %parallel_loop3A_539 = arith.cmpi ne, %parallel_loop3A_531, %parallel_loop3A_538 : i32
        %parallel_loop3A_540 = arith.remsi %parallel_loop3A_519, %parallel_loop3A_523 : i32
        %parallel_loop3A_541 = arith.constant 0 : i32
        %parallel_loop3A_542 = arith.cmpi ne, %parallel_loop3A_540, %parallel_loop3A_541 : i32
        %parallel_loop3A_543 = arith.andi %parallel_loop3A_539, %parallel_loop3A_542 : i1
        %parallel_loop3A_544 = arith.constant 1 : i32
        %parallel_loop3A_545 = arith.subi %parallel_loop3A_524, %parallel_loop3A_544 : i32
        %parallel_loop3A_546 = arith.select %parallel_loop3A_543, %parallel_loop3A_545, %parallel_loop3A_524 : i32
        %parallel_loop3A_547 = arith.constant 8 : i32
        %parallel_loop3A_548 = arith.remsi %parallel_loop3A_519, %parallel_loop3A_547 : i32
        %parallel_loop3A_549 = arith.constant 0 : i32
        %parallel_loop3A_550 = arith.index_cast %parallel_loop3A_549 : i32 to index
        %parallel_loop3A_551 = arith.index_cast %parallel_loop3A_546 : i32 to index
        %parallel_loop3A_552 = arith.index_cast %parallel_loop3A_548 : i32 to index
        %parallel_loop3A_553 = arith.constant 112 : index
        %parallel_loop3A_554 = tpu.vector_load %arg9[%parallel_loop3A_550, %parallel_loop3A_551, %parallel_loop3A_552, %parallel_loop3A_553] {strides = array<i32>} : memref<2x8x8x128xf32, #tpu.memory_space<vmem>>, vector<16xf32>,
        tpu.vector_store %arg9[%parallel_loop3A_550, %parallel_loop3A_551, %parallel_loop3A_552, %parallel_loop3A_553], %parallel_loop3A_522 {add = true, strides = array<i32>} : memref<2x8x8x128xf32, #tpu.memory_space<vmem>>, vector<16xf32>,
      } {sc.loop_unroll_factor = 8 : i64, sc.parallel_access}
      %add3A_401 = arith.constant 1 : i32
      %add3A_402 = arith.addi %add3A_282, %add3A_401 : i32
      %jit3A_403 = arith.constant 8 : i32
      %div3A_404 = arith.divsi %add3A_402, %jit3A_403 : i32
      %sign3A_405 = arith.constant 0 : i32
      %sign3A_406 = arith.cmpi sgt, %add3A_402, %sign3A_405 : i32
      %sign3A_407 = arith.extui %sign3A_406 : i1 to i32
      %sign3A_408 = arith.constant 0 : i32
      %sign3A_409 = arith.cmpi slt, %add3A_402, %sign3A_408 : i32
      %sign3A_410 = arith.extui %sign3A_409 : i1 to i32
      %sign3A_411 = arith.subi %sign3A_407, %sign3A_410 : i32
      %sign3A_412 = arith.constant 0 : i32
      %sign3A_413 = arith.cmpi sgt, %jit3A_403, %sign3A_412 : i32
      %sign3A_414 = arith.extui %sign3A_413 : i1 to i32
      %sign3A_415 = arith.constant 0 : i32
      %sign3A_416 = arith.cmpi slt, %jit3A_403, %sign3A_415 : i32
      %sign3A_417 = arith.extui %sign3A_416 : i1 to i32
      %sign3A_418 = arith.subi %sign3A_414, %sign3A_417 : i32
      %ne3A_419 = arith.cmpi ne, %sign3A_411, %sign3A_418 : i32
      %rem3A_420 = arith.remsi %add3A_402, %jit3A_403 : i32
      %ne3A_421 = arith.constant 0 : i32
      %ne3A_422 = arith.cmpi ne, %rem3A_420, %ne3A_421 : i32
      %and3A_423 = arith.andi %ne3A_419, %ne3A_422 : i1
      %sub3A_424 = arith.constant 1 : i32
      %sub3A_425 = arith.subi %div3A_404, %sub3A_424 : i32
      %select_n3A_426 = arith.select %and3A_423, %sub3A_425, %div3A_404 : i32
      %rem3A_427 = arith.constant 8 : i32
      %rem3A_428 = arith.remsi %add3A_402, %rem3A_427 : i32
      %get3A_429 = arith.index_cast %select_n3A_426 : i32 to index
      %get3A_430 = arith.index_cast %rem3A_428 : i32 to index
      %get3A_431 = arith.constant 0 : index
      %get3A_432 = tpu.vector_load %arg7[%get3A_429, %get3A_430, %get3A_431] {strides = array<i32>} : memref<25x8x128xi32, #tpu.memory_space<vmem>>, vector<16xi32>,
      %mul3A_433 = arith.constant 64 : i32
      %mul3A_434 = vector.broadcast %mul3A_433 : i32 to vector<16xi32>
      %mul3A_435 = arith.muli %get3A_432, %mul3A_434 : vector<16xi32>
      %parallel_loop3A_436 = arith.constant 0 : i32
      %parallel_loop3A_437 = arith.constant 64 : i32
      %parallel_loop3A_438 = arith.constant 1 : i32
      scf.for %parallel_loop3A_519 = %parallel_loop3A_436 to %parallel_loop3A_437 step %parallel_loop3A_438  : i32 {
        %parallel_loop3A_520 = vector.broadcast %parallel_loop3A_519 : i32 to vector<16xi32>
        %parallel_loop3A_521 = arith.addi %mul3A_435, %parallel_loop3A_520 : vector<16xi32>
        %parallel_loop3A_522 = tpu.vector_load_idx %arg6[%parallel_loop3A_521] : memref<64000xf32, #tpu.memory_space<vmem>>[vector<16xi32>], vector<16xf32>,
        %parallel_loop3A_523 = arith.constant 8 : i32
        %parallel_loop3A_524 = arith.divsi %parallel_loop3A_519, %parallel_loop3A_523 : i32
        %parallel_loop3A_525 = arith.constant 0 : i32
        %parallel_loop3A_526 = arith.cmpi sgt, %parallel_loop3A_519, %parallel_loop3A_525 : i32
        %parallel_loop3A_527 = arith.extui %parallel_loop3A_526 : i1 to i32
        %parallel_loop3A_528 = arith.constant 0 : i32
        %parallel_loop3A_529 = arith.cmpi slt, %parallel_loop3A_519, %parallel_loop3A_528 : i32
        %parallel_loop3A_530 = arith.extui %parallel_loop3A_529 : i1 to i32
        %parallel_loop3A_531 = arith.subi %parallel_loop3A_527, %parallel_loop3A_530 : i32
        %parallel_loop3A_532 = arith.constant 0 : i32
        %parallel_loop3A_533 = arith.cmpi sgt, %parallel_loop3A_523, %parallel_loop3A_532 : i32
        %parallel_loop3A_534 = arith.extui %parallel_loop3A_533 : i1 to i32
        %parallel_loop3A_535 = arith.constant 0 : i32
        %parallel_loop3A_536 = arith.cmpi slt, %parallel_loop3A_523, %parallel_loop3A_535 : i32
        %parallel_loop3A_537 = arith.extui %parallel_loop3A_536 : i1 to i32
        %parallel_loop3A_538 = arith.subi %parallel_loop3A_534, %parallel_loop3A_537 : i32
        %parallel_loop3A_539 = arith.cmpi ne, %parallel_loop3A_531, %parallel_loop3A_538 : i32
        %parallel_loop3A_540 = arith.remsi %parallel_loop3A_519, %parallel_loop3A_523 : i32
        %parallel_loop3A_541 = arith.constant 0 : i32
        %parallel_loop3A_542 = arith.cmpi ne, %parallel_loop3A_540, %parallel_loop3A_541 : i32
        %parallel_loop3A_543 = arith.andi %parallel_loop3A_539, %parallel_loop3A_542 : i1
        %parallel_loop3A_544 = arith.constant 1 : i32
        %parallel_loop3A_545 = arith.subi %parallel_loop3A_524, %parallel_loop3A_544 : i32
        %parallel_loop3A_546 = arith.select %parallel_loop3A_543, %parallel_loop3A_545, %parallel_loop3A_524 : i32
        %parallel_loop3A_547 = arith.constant 8 : i32
        %parallel_loop3A_548 = arith.remsi %parallel_loop3A_519, %parallel_loop3A_547 : i32
        %parallel_loop3A_549 = arith.constant 1 : i32
        %parallel_loop3A_550 = arith.index_cast %parallel_loop3A_549 : i32 to index
        %parallel_loop3A_551 = arith.index_cast %parallel_loop3A_546 : i32 to index
        %parallel_loop3A_552 = arith.index_cast %parallel_loop3A_548 : i32 to index
        %parallel_loop3A_553 = arith.constant 0 : index
        %parallel_loop3A_554 = tpu.vector_load %arg9[%parallel_loop3A_550, %parallel_loop3A_551, %parallel_loop3A_552, %parallel_loop3A_553] {strides = array<i32>} : memref<2x8x8x128xf32, #tpu.memory_space<vmem>>, vector<16xf32>,
        tpu.vector_store %arg9[%parallel_loop3A_550, %parallel_loop3A_551, %parallel_loop3A_552, %parallel_loop3A_553], %parallel_loop3A_522 {add = true, strides = array<i32>} : memref<2x8x8x128xf32, #tpu.memory_space<vmem>>, vector<16xf32>,
      } {sc.loop_unroll_factor = 8 : i64, sc.parallel_access}
      %get3A_439 = arith.index_cast %select_n3A_426 : i32 to index
      %get3A_440 = arith.index_cast %rem3A_428 : i32 to index
      %get3A_441 = arith.constant 16 : index
      %get3A_442 = tpu.vector_load %arg7[%get3A_439, %get3A_440, %get3A_441] {strides = array<i32>} : memref<25x8x128xi32, #tpu.memory_space<vmem>>, vector<16xi32>,
      %mul3A_443 = arith.constant 64 : i32
      %mul3A_444 = vector.broadcast %mul3A_443 : i32 to vector<16xi32>
      %mul3A_445 = arith.muli %get3A_442, %mul3A_444 : vector<16xi32>
      %parallel_loop3A_446 = arith.constant 0 : i32
      %parallel_loop3A_447 = arith.constant 64 : i32
      %parallel_loop3A_448 = arith.constant 1 : i32
      scf.for %parallel_loop3A_519 = %parallel_loop3A_446 to %parallel_loop3A_447 step %parallel_loop3A_448  : i32 {
        %parallel_loop3A_520 = vector.broadcast %parallel_loop3A_519 : i32 to vector<16xi32>
        %parallel_loop3A_521 = arith.addi %mul3A_445, %parallel_loop3A_520 : vector<16xi32>
        %parallel_loop3A_522 = tpu.vector_load_idx %arg6[%parallel_loop3A_521] : memref<64000xf32, #tpu.memory_space<vmem>>[vector<16xi32>], vector<16xf32>,
        %parallel_loop3A_523 = arith.constant 8 : i32
        %parallel_loop3A_524 = arith.divsi %parallel_loop3A_519, %parallel_loop3A_523 : i32
        %parallel_loop3A_525 = arith.constant 0 : i32
        %parallel_loop3A_526 = arith.cmpi sgt, %parallel_loop3A_519, %parallel_loop3A_525 : i32
        %parallel_loop3A_527 = arith.extui %parallel_loop3A_526 : i1 to i32
        %parallel_loop3A_528 = arith.constant 0 : i32
        %parallel_loop3A_529 = arith.cmpi slt, %parallel_loop3A_519, %parallel_loop3A_528 : i32
        %parallel_loop3A_530 = arith.extui %parallel_loop3A_529 : i1 to i32
        %parallel_loop3A_531 = arith.subi %parallel_loop3A_527, %parallel_loop3A_530 : i32
        %parallel_loop3A_532 = arith.constant 0 : i32
        %parallel_loop3A_533 = arith.cmpi sgt, %parallel_loop3A_523, %parallel_loop3A_532 : i32
        %parallel_loop3A_534 = arith.extui %parallel_loop3A_533 : i1 to i32
        %parallel_loop3A_535 = arith.constant 0 : i32
        %parallel_loop3A_536 = arith.cmpi slt, %parallel_loop3A_523, %parallel_loop3A_535 : i32
        %parallel_loop3A_537 = arith.extui %parallel_loop3A_536 : i1 to i32
        %parallel_loop3A_538 = arith.subi %parallel_loop3A_534, %parallel_loop3A_537 : i32
        %parallel_loop3A_539 = arith.cmpi ne, %parallel_loop3A_531, %parallel_loop3A_538 : i32
        %parallel_loop3A_540 = arith.remsi %parallel_loop3A_519, %parallel_loop3A_523 : i32
        %parallel_loop3A_541 = arith.constant 0 : i32
        %parallel_loop3A_542 = arith.cmpi ne, %parallel_loop3A_540, %parallel_loop3A_541 : i32
        %parallel_loop3A_543 = arith.andi %parallel_loop3A_539, %parallel_loop3A_542 : i1
        %parallel_loop3A_544 = arith.constant 1 : i32
        %parallel_loop3A_545 = arith.subi %parallel_loop3A_524, %parallel_loop3A_544 : i32
        %parallel_loop3A_546 = arith.select %parallel_loop3A_543, %parallel_loop3A_545, %parallel_loop3A_524 : i32
        %parallel_loop3A_547 = arith.constant 8 : i32
        %parallel_loop3A_548 = arith.remsi %parallel_loop3A_519, %parallel_loop3A_547 : i32
        %parallel_loop3A_549 = arith.constant 1 : i32
        %parallel_loop3A_550 = arith.index_cast %parallel_loop3A_549 : i32 to index
        %parallel_loop3A_551 = arith.index_cast %parallel_loop3A_546 : i32 to index
        %parallel_loop3A_552 = arith.index_cast %parallel_loop3A_548 : i32 to index
        %parallel_loop3A_553 = arith.constant 16 : index
        %parallel_loop3A_554 = tpu.vector_load %arg9[%parallel_loop3A_550, %parallel_loop3A_551, %parallel_loop3A_552, %parallel_loop3A_553] {strides = array<i32>} : memref<2x8x8x128xf32, #tpu.memory_space<vmem>>, vector<16xf32>,
        tpu.vector_store %arg9[%parallel_loop3A_550, %parallel_loop3A_551, %parallel_loop3A_552, %parallel_loop3A_553], %parallel_loop3A_522 {add = true, strides = array<i32>} : memref<2x8x8x128xf32, #tpu.memory_space<vmem>>, vector<16xf32>,
      } {sc.loop_unroll_factor = 8 : i64, sc.parallel_access}
      %get3A_449 = arith.index_cast %select_n3A_426 : i32 to index
      %get3A_450 = arith.index_cast %rem3A_428 : i32 to index
      %get3A_451 = arith.constant 32 : index
      %get3A_452 = tpu.vector_load %arg7[%get3A_449, %get3A_450, %get3A_451] {strides = array<i32>} : memref<25x8x128xi32, #tpu.memory_space<vmem>>, vector<16xi32>,
      %mul3A_453 = arith.constant 64 : i32
      %mul3A_454 = vector.broadcast %mul3A_453 : i32 to vector<16xi32>
      %mul3A_455 = arith.muli %get3A_452, %mul3A_454 : vector<16xi32>
      %parallel_loop3A_456 = arith.constant 0 : i32
      %parallel_loop3A_457 = arith.constant 64 : i32
      %parallel_loop3A_458 = arith.constant 1 : i32
      scf.for %parallel_loop3A_519 = %parallel_loop3A_456 to %parallel_loop3A_457 step %parallel_loop3A_458  : i32 {
        %parallel_loop3A_520 = vector.broadcast %parallel_loop3A_519 : i32 to vector<16xi32>
        %parallel_loop3A_521 = arith.addi %mul3A_455, %parallel_loop3A_520 : vector<16xi32>
        %parallel_loop3A_522 = tpu.vector_load_idx %arg6[%parallel_loop3A_521] : memref<64000xf32, #tpu.memory_space<vmem>>[vector<16xi32>], vector<16xf32>,
        %parallel_loop3A_523 = arith.constant 8 : i32
        %parallel_loop3A_524 = arith.divsi %parallel_loop3A_519, %parallel_loop3A_523 : i32
        %parallel_loop3A_525 = arith.constant 0 : i32
        %parallel_loop3A_526 = arith.cmpi sgt, %parallel_loop3A_519, %parallel_loop3A_525 : i32
        %parallel_loop3A_527 = arith.extui %parallel_loop3A_526 : i1 to i32
        %parallel_loop3A_528 = arith.constant 0 : i32
        %parallel_loop3A_529 = arith.cmpi slt, %parallel_loop3A_519, %parallel_loop3A_528 : i32
        %parallel_loop3A_530 = arith.extui %parallel_loop3A_529 : i1 to i32
        %parallel_loop3A_531 = arith.subi %parallel_loop3A_527, %parallel_loop3A_530 : i32
        %parallel_loop3A_532 = arith.constant 0 : i32
        %parallel_loop3A_533 = arith.cmpi sgt, %parallel_loop3A_523, %parallel_loop3A_532 : i32
        %parallel_loop3A_534 = arith.extui %parallel_loop3A_533 : i1 to i32
        %parallel_loop3A_535 = arith.constant 0 : i32
        %parallel_loop3A_536 = arith.cmpi slt, %parallel_loop3A_523, %parallel_loop3A_535 : i32
        %parallel_loop3A_537 = arith.extui %parallel_loop3A_536 : i1 to i32
        %parallel_loop3A_538 = arith.subi %parallel_loop3A_534, %parallel_loop3A_537 : i32
        %parallel_loop3A_539 = arith.cmpi ne, %parallel_loop3A_531, %parallel_loop3A_538 : i32
        %parallel_loop3A_540 = arith.remsi %parallel_loop3A_519, %parallel_loop3A_523 : i32
        %parallel_loop3A_541 = arith.constant 0 : i32
        %parallel_loop3A_542 = arith.cmpi ne, %parallel_loop3A_540, %parallel_loop3A_541 : i32
        %parallel_loop3A_543 = arith.andi %parallel_loop3A_539, %parallel_loop3A_542 : i1
        %parallel_loop3A_544 = arith.constant 1 : i32
        %parallel_loop3A_545 = arith.subi %parallel_loop3A_524, %parallel_loop3A_544 : i32
        %parallel_loop3A_546 = arith.select %parallel_loop3A_543, %parallel_loop3A_545, %parallel_loop3A_524 : i32
        %parallel_loop3A_547 = arith.constant 8 : i32
        %parallel_loop3A_548 = arith.remsi %parallel_loop3A_519, %parallel_loop3A_547 : i32
        %parallel_loop3A_549 = arith.constant 1 : i32
        %parallel_loop3A_550 = arith.index_cast %parallel_loop3A_549 : i32 to index
        %parallel_loop3A_551 = arith.index_cast %parallel_loop3A_546 : i32 to index
        %parallel_loop3A_552 = arith.index_cast %parallel_loop3A_548 : i32 to index
        %parallel_loop3A_553 = arith.constant 32 : index
        %parallel_loop3A_554 = tpu.vector_load %arg9[%parallel_loop3A_550, %parallel_loop3A_551, %parallel_loop3A_552, %parallel_loop3A_553] {strides = array<i32>} : memref<2x8x8x128xf32, #tpu.memory_space<vmem>>, vector<16xf32>,
        tpu.vector_store %arg9[%parallel_loop3A_550, %parallel_loop3A_551, %parallel_loop3A_552, %parallel_loop3A_553], %parallel_loop3A_522 {add = true, strides = array<i32>} : memref<2x8x8x128xf32, #tpu.memory_space<vmem>>, vector<16xf32>,
      } {sc.loop_unroll_factor = 8 : i64, sc.parallel_access}
      %get3A_459 = arith.index_cast %select_n3A_426 : i32 to index
      %get3A_460 = arith.index_cast %rem3A_428 : i32 to index
      %get3A_461 = arith.constant 48 : index
      %get3A_462 = tpu.vector_load %arg7[%get3A_459, %get3A_460, %get3A_461] {strides = array<i32>} : memref<25x8x128xi32, #tpu.memory_space<vmem>>, vector<16xi32>,
      %mul3A_463 = arith.constant 64 : i32
      %mul3A_464 = vector.broadcast %mul3A_463 : i32 to vector<16xi32>
      %mul3A_465 = arith.muli %get3A_462, %mul3A_464 : vector<16xi32>
      %parallel_loop3A_466 = arith.constant 0 : i32
      %parallel_loop3A_467 = arith.constant 64 : i32
      %parallel_loop3A_468 = arith.constant 1 : i32
      scf.for %parallel_loop3A_519 = %parallel_loop3A_466 to %parallel_loop3A_467 step %parallel_loop3A_468  : i32 {
        %parallel_loop3A_520 = vector.broadcast %parallel_loop3A_519 : i32 to vector<16xi32>
        %parallel_loop3A_521 = arith.addi %mul3A_465, %parallel_loop3A_520 : vector<16xi32>
        %parallel_loop3A_522 = tpu.vector_load_idx %arg6[%parallel_loop3A_521] : memref<64000xf32, #tpu.memory_space<vmem>>[vector<16xi32>], vector<16xf32>,
        %parallel_loop3A_523 = arith.constant 8 : i32
        %parallel_loop3A_524 = arith.divsi %parallel_loop3A_519, %parallel_loop3A_523 : i32
        %parallel_loop3A_525 = arith.constant 0 : i32
        %parallel_loop3A_526 = arith.cmpi sgt, %parallel_loop3A_519, %parallel_loop3A_525 : i32
        %parallel_loop3A_527 = arith.extui %parallel_loop3A_526 : i1 to i32
        %parallel_loop3A_528 = arith.constant 0 : i32
        %parallel_loop3A_529 = arith.cmpi slt, %parallel_loop3A_519, %parallel_loop3A_528 : i32
        %parallel_loop3A_530 = arith.extui %parallel_loop3A_529 : i1 to i32
        %parallel_loop3A_531 = arith.subi %parallel_loop3A_527, %parallel_loop3A_530 : i32
        %parallel_loop3A_532 = arith.constant 0 : i32
        %parallel_loop3A_533 = arith.cmpi sgt, %parallel_loop3A_523, %parallel_loop3A_532 : i32
        %parallel_loop3A_534 = arith.extui %parallel_loop3A_533 : i1 to i32
        %parallel_loop3A_535 = arith.constant 0 : i32
        %parallel_loop3A_536 = arith.cmpi slt, %parallel_loop3A_523, %parallel_loop3A_535 : i32
        %parallel_loop3A_537 = arith.extui %parallel_loop3A_536 : i1 to i32
        %parallel_loop3A_538 = arith.subi %parallel_loop3A_534, %parallel_loop3A_537 : i32
        %parallel_loop3A_539 = arith.cmpi ne, %parallel_loop3A_531, %parallel_loop3A_538 : i32
        %parallel_loop3A_540 = arith.remsi %parallel_loop3A_519, %parallel_loop3A_523 : i32
        %parallel_loop3A_541 = arith.constant 0 : i32
        %parallel_loop3A_542 = arith.cmpi ne, %parallel_loop3A_540, %parallel_loop3A_541 : i32
        %parallel_loop3A_543 = arith.andi %parallel_loop3A_539, %parallel_loop3A_542 : i1
        %parallel_loop3A_544 = arith.constant 1 : i32
        %parallel_loop3A_545 = arith.subi %parallel_loop3A_524, %parallel_loop3A_544 : i32
        %parallel_loop3A_546 = arith.select %parallel_loop3A_543, %parallel_loop3A_545, %parallel_loop3A_524 : i32
        %parallel_loop3A_547 = arith.constant 8 : i32
        %parallel_loop3A_548 = arith.remsi %parallel_loop3A_519, %parallel_loop3A_547 : i32
        %parallel_loop3A_549 = arith.constant 1 : i32
        %parallel_loop3A_550 = arith.index_cast %parallel_loop3A_549 : i32 to index
        %parallel_loop3A_551 = arith.index_cast %parallel_loop3A_546 : i32 to index
        %parallel_loop3A_552 = arith.index_cast %parallel_loop3A_548 : i32 to index
        %parallel_loop3A_553 = arith.constant 48 : index
        %parallel_loop3A_554 = tpu.vector_load %arg9[%parallel_loop3A_550, %parallel_loop3A_551, %parallel_loop3A_552, %parallel_loop3A_553] {strides = array<i32>} : memref<2x8x8x128xf32, #tpu.memory_space<vmem>>, vector<16xf32>,
        tpu.vector_store %arg9[%parallel_loop3A_550, %parallel_loop3A_551, %parallel_loop3A_552, %parallel_loop3A_553], %parallel_loop3A_522 {add = true, strides = array<i32>} : memref<2x8x8x128xf32, #tpu.memory_space<vmem>>, vector<16xf32>,
      } {sc.loop_unroll_factor = 8 : i64, sc.parallel_access}
      %get3A_469 = arith.index_cast %select_n3A_426 : i32 to index
      %get3A_470 = arith.index_cast %rem3A_428 : i32 to index
      %get3A_471 = arith.constant 64 : index
      %get3A_472 = tpu.vector_load %arg7[%get3A_469, %get3A_470, %get3A_471] {strides = array<i32>} : memref<25x8x128xi32, #tpu.memory_space<vmem>>, vector<16xi32>,
      %mul3A_473 = arith.constant 64 : i32
      %mul3A_474 = vector.broadcast %mul3A_473 : i32 to vector<16xi32>
      %mul3A_475 = arith.muli %get3A_472, %mul3A_474 : vector<16xi32>
      %parallel_loop3A_476 = arith.constant 0 : i32
      %parallel_loop3A_477 = arith.constant 64 : i32
      %parallel_loop3A_478 = arith.constant 1 : i32
      scf.for %parallel_loop3A_519 = %parallel_loop3A_476 to %parallel_loop3A_477 step %parallel_loop3A_478  : i32 {
        %parallel_loop3A_520 = vector.broadcast %parallel_loop3A_519 : i32 to vector<16xi32>
        %parallel_loop3A_521 = arith.addi %mul3A_475, %parallel_loop3A_520 : vector<16xi32>
        %parallel_loop3A_522 = tpu.vector_load_idx %arg6[%parallel_loop3A_521] : memref<64000xf32, #tpu.memory_space<vmem>>[vector<16xi32>], vector<16xf32>,
        %parallel_loop3A_523 = arith.constant 8 : i32
        %parallel_loop3A_524 = arith.divsi %parallel_loop3A_519, %parallel_loop3A_523 : i32
        %parallel_loop3A_525 = arith.constant 0 : i32
        %parallel_loop3A_526 = arith.cmpi sgt, %parallel_loop3A_519, %parallel_loop3A_525 : i32
        %parallel_loop3A_527 = arith.extui %parallel_loop3A_526 : i1 to i32
        %parallel_loop3A_528 = arith.constant 0 : i32
        %parallel_loop3A_529 = arith.cmpi slt, %parallel_loop3A_519, %parallel_loop3A_528 : i32
        %parallel_loop3A_530 = arith.extui %parallel_loop3A_529 : i1 to i32
        %parallel_loop3A_531 = arith.subi %parallel_loop3A_527, %parallel_loop3A_530 : i32
        %parallel_loop3A_532 = arith.constant 0 : i32
        %parallel_loop3A_533 = arith.cmpi sgt, %parallel_loop3A_523, %parallel_loop3A_532 : i32
        %parallel_loop3A_534 = arith.extui %parallel_loop3A_533 : i1 to i32
        %parallel_loop3A_535 = arith.constant 0 : i32
        %parallel_loop3A_536 = arith.cmpi slt, %parallel_loop3A_523, %parallel_loop3A_535 : i32
        %parallel_loop3A_537 = arith.extui %parallel_loop3A_536 : i1 to i32
        %parallel_loop3A_538 = arith.subi %parallel_loop3A_534, %parallel_loop3A_537 : i32
        %parallel_loop3A_539 = arith.cmpi ne, %parallel_loop3A_531, %parallel_loop3A_538 : i32
        %parallel_loop3A_540 = arith.remsi %parallel_loop3A_519, %parallel_loop3A_523 : i32
        %parallel_loop3A_541 = arith.constant 0 : i32
        %parallel_loop3A_542 = arith.cmpi ne, %parallel_loop3A_540, %parallel_loop3A_541 : i32
        %parallel_loop3A_543 = arith.andi %parallel_loop3A_539, %parallel_loop3A_542 : i1
        %parallel_loop3A_544 = arith.constant 1 : i32
        %parallel_loop3A_545 = arith.subi %parallel_loop3A_524, %parallel_loop3A_544 : i32
        %parallel_loop3A_546 = arith.select %parallel_loop3A_543, %parallel_loop3A_545, %parallel_loop3A_524 : i32
        %parallel_loop3A_547 = arith.constant 8 : i32
        %parallel_loop3A_548 = arith.remsi %parallel_loop3A_519, %parallel_loop3A_547 : i32
        %parallel_loop3A_549 = arith.constant 1 : i32
        %parallel_loop3A_550 = arith.index_cast %parallel_loop3A_549 : i32 to index
        %parallel_loop3A_551 = arith.index_cast %parallel_loop3A_546 : i32 to index
        %parallel_loop3A_552 = arith.index_cast %parallel_loop3A_548 : i32 to index
        %parallel_loop3A_553 = arith.constant 64 : index
        %parallel_loop3A_554 = tpu.vector_load %arg9[%parallel_loop3A_550, %parallel_loop3A_551, %parallel_loop3A_552, %parallel_loop3A_553] {strides = array<i32>} : memref<2x8x8x128xf32, #tpu.memory_space<vmem>>, vector<16xf32>,
        tpu.vector_store %arg9[%parallel_loop3A_550, %parallel_loop3A_551, %parallel_loop3A_552, %parallel_loop3A_553], %parallel_loop3A_522 {add = true, strides = array<i32>} : memref<2x8x8x128xf32, #tpu.memory_space<vmem>>, vector<16xf32>,
      } {sc.loop_unroll_factor = 8 : i64, sc.parallel_access}
      %get3A_479 = arith.index_cast %select_n3A_426 : i32 to index
      %get3A_480 = arith.index_cast %rem3A_428 : i32 to index
      %get3A_481 = arith.constant 80 : index
      %get3A_482 = tpu.vector_load %arg7[%get3A_479, %get3A_480, %get3A_481] {strides = array<i32>} : memref<25x8x128xi32, #tpu.memory_space<vmem>>, vector<16xi32>,
      %mul3A_483 = arith.constant 64 : i32
      %mul3A_484 = vector.broadcast %mul3A_483 : i32 to vector<16xi32>
      %mul3A_485 = arith.muli %get3A_482, %mul3A_484 : vector<16xi32>
      %parallel_loop3A_486 = arith.constant 0 : i32
      %parallel_loop3A_487 = arith.constant 64 : i32
      %parallel_loop3A_488 = arith.constant 1 : i32
      scf.for %parallel_loop3A_519 = %parallel_loop3A_486 to %parallel_loop3A_487 step %parallel_loop3A_488  : i32 {
        %parallel_loop3A_520 = vector.broadcast %parallel_loop3A_519 : i32 to vector<16xi32>
        %parallel_loop3A_521 = arith.addi %mul3A_485, %parallel_loop3A_520 : vector<16xi32>
        %parallel_loop3A_522 = tpu.vector_load_idx %arg6[%parallel_loop3A_521] : memref<64000xf32, #tpu.memory_space<vmem>>[vector<16xi32>], vector<16xf32>,
        %parallel_loop3A_523 = arith.constant 8 : i32
        %parallel_loop3A_524 = arith.divsi %parallel_loop3A_519, %parallel_loop3A_523 : i32
        %parallel_loop3A_525 = arith.constant 0 : i32
        %parallel_loop3A_526 = arith.cmpi sgt, %parallel_loop3A_519, %parallel_loop3A_525 : i32
        %parallel_loop3A_527 = arith.extui %parallel_loop3A_526 : i1 to i32
        %parallel_loop3A_528 = arith.constant 0 : i32
        %parallel_loop3A_529 = arith.cmpi slt, %parallel_loop3A_519, %parallel_loop3A_528 : i32
        %parallel_loop3A_530 = arith.extui %parallel_loop3A_529 : i1 to i32
        %parallel_loop3A_531 = arith.subi %parallel_loop3A_527, %parallel_loop3A_530 : i32
        %parallel_loop3A_532 = arith.constant 0 : i32
        %parallel_loop3A_533 = arith.cmpi sgt, %parallel_loop3A_523, %parallel_loop3A_532 : i32
        %parallel_loop3A_534 = arith.extui %parallel_loop3A_533 : i1 to i32
        %parallel_loop3A_535 = arith.constant 0 : i32
        %parallel_loop3A_536 = arith.cmpi slt, %parallel_loop3A_523, %parallel_loop3A_535 : i32
        %parallel_loop3A_537 = arith.extui %parallel_loop3A_536 : i1 to i32
        %parallel_loop3A_538 = arith.subi %parallel_loop3A_534, %parallel_loop3A_537 : i32
        %parallel_loop3A_539 = arith.cmpi ne, %parallel_loop3A_531, %parallel_loop3A_538 : i32
        %parallel_loop3A_540 = arith.remsi %parallel_loop3A_519, %parallel_loop3A_523 : i32
        %parallel_loop3A_541 = arith.constant 0 : i32
        %parallel_loop3A_542 = arith.cmpi ne, %parallel_loop3A_540, %parallel_loop3A_541 : i32
        %parallel_loop3A_543 = arith.andi %parallel_loop3A_539, %parallel_loop3A_542 : i1
        %parallel_loop3A_544 = arith.constant 1 : i32
        %parallel_loop3A_545 = arith.subi %parallel_loop3A_524, %parallel_loop3A_544 : i32
        %parallel_loop3A_546 = arith.select %parallel_loop3A_543, %parallel_loop3A_545, %parallel_loop3A_524 : i32
        %parallel_loop3A_547 = arith.constant 8 : i32
        %parallel_loop3A_548 = arith.remsi %parallel_loop3A_519, %parallel_loop3A_547 : i32
        %parallel_loop3A_549 = arith.constant 1 : i32
        %parallel_loop3A_550 = arith.index_cast %parallel_loop3A_549 : i32 to index
        %parallel_loop3A_551 = arith.index_cast %parallel_loop3A_546 : i32 to index
        %parallel_loop3A_552 = arith.index_cast %parallel_loop3A_548 : i32 to index
        %parallel_loop3A_553 = arith.constant 80 : index
        %parallel_loop3A_554 = tpu.vector_load %arg9[%parallel_loop3A_550, %parallel_loop3A_551, %parallel_loop3A_552, %parallel_loop3A_553] {strides = array<i32>} : memref<2x8x8x128xf32, #tpu.memory_space<vmem>>, vector<16xf32>,
        tpu.vector_store %arg9[%parallel_loop3A_550, %parallel_loop3A_551, %parallel_loop3A_552, %parallel_loop3A_553], %parallel_loop3A_522 {add = true, strides = array<i32>} : memref<2x8x8x128xf32, #tpu.memory_space<vmem>>, vector<16xf32>,
      } {sc.loop_unroll_factor = 8 : i64, sc.parallel_access}
      %get3A_489 = arith.index_cast %select_n3A_426 : i32 to index
      %get3A_490 = arith.index_cast %rem3A_428 : i32 to index
      %get3A_491 = arith.constant 96 : index
      %get3A_492 = tpu.vector_load %arg7[%get3A_489, %get3A_490, %get3A_491] {strides = array<i32>} : memref<25x8x128xi32, #tpu.memory_space<vmem>>, vector<16xi32>,
      %mul3A_493 = arith.constant 64 : i32
      %mul3A_494 = vector.broadcast %mul3A_493 : i32 to vector<16xi32>
      %mul3A_495 = arith.muli %get3A_492, %mul3A_494 : vector<16xi32>
      %parallel_loop3A_496 = arith.constant 0 : i32
      %parallel_loop3A_497 = arith.constant 64 : i32
      %parallel_loop3A_498 = arith.constant 1 : i32
      scf.for %parallel_loop3A_519 = %parallel_loop3A_496 to %parallel_loop3A_497 step %parallel_loop3A_498  : i32 {
        %parallel_loop3A_520 = vector.broadcast %parallel_loop3A_519 : i32 to vector<16xi32>
        %parallel_loop3A_521 = arith.addi %mul3A_495, %parallel_loop3A_520 : vector<16xi32>
        %parallel_loop3A_522 = tpu.vector_load_idx %arg6[%parallel_loop3A_521] : memref<64000xf32, #tpu.memory_space<vmem>>[vector<16xi32>], vector<16xf32>,
        %parallel_loop3A_523 = arith.constant 8 : i32
        %parallel_loop3A_524 = arith.divsi %parallel_loop3A_519, %parallel_loop3A_523 : i32
        %parallel_loop3A_525 = arith.constant 0 : i32
        %parallel_loop3A_526 = arith.cmpi sgt, %parallel_loop3A_519, %parallel_loop3A_525 : i32
        %parallel_loop3A_527 = arith.extui %parallel_loop3A_526 : i1 to i32
        %parallel_loop3A_528 = arith.constant 0 : i32
        %parallel_loop3A_529 = arith.cmpi slt, %parallel_loop3A_519, %parallel_loop3A_528 : i32
        %parallel_loop3A_530 = arith.extui %parallel_loop3A_529 : i1 to i32
        %parallel_loop3A_531 = arith.subi %parallel_loop3A_527, %parallel_loop3A_530 : i32
        %parallel_loop3A_532 = arith.constant 0 : i32
        %parallel_loop3A_533 = arith.cmpi sgt, %parallel_loop3A_523, %parallel_loop3A_532 : i32
        %parallel_loop3A_534 = arith.extui %parallel_loop3A_533 : i1 to i32
        %parallel_loop3A_535 = arith.constant 0 : i32
        %parallel_loop3A_536 = arith.cmpi slt, %parallel_loop3A_523, %parallel_loop3A_535 : i32
        %parallel_loop3A_537 = arith.extui %parallel_loop3A_536 : i1 to i32
        %parallel_loop3A_538 = arith.subi %parallel_loop3A_534, %parallel_loop3A_537 : i32
        %parallel_loop3A_539 = arith.cmpi ne, %parallel_loop3A_531, %parallel_loop3A_538 : i32
        %parallel_loop3A_540 = arith.remsi %parallel_loop3A_519, %parallel_loop3A_523 : i32
        %parallel_loop3A_541 = arith.constant 0 : i32
        %parallel_loop3A_542 = arith.cmpi ne, %parallel_loop3A_540, %parallel_loop3A_541 : i32
        %parallel_loop3A_543 = arith.andi %parallel_loop3A_539, %parallel_loop3A_542 : i1
        %parallel_loop3A_544 = arith.constant 1 : i32
        %parallel_loop3A_545 = arith.subi %parallel_loop3A_524, %parallel_loop3A_544 : i32
        %parallel_loop3A_546 = arith.select %parallel_loop3A_543, %parallel_loop3A_545, %parallel_loop3A_524 : i32
        %parallel_loop3A_547 = arith.constant 8 : i32
        %parallel_loop3A_548 = arith.remsi %parallel_loop3A_519, %parallel_loop3A_547 : i32
        %parallel_loop3A_549 = arith.constant 1 : i32
        %parallel_loop3A_550 = arith.index_cast %parallel_loop3A_549 : i32 to index
        %parallel_loop3A_551 = arith.index_cast %parallel_loop3A_546 : i32 to index
        %parallel_loop3A_552 = arith.index_cast %parallel_loop3A_548 : i32 to index
        %parallel_loop3A_553 = arith.constant 96 : index
        %parallel_loop3A_554 = tpu.vector_load %arg9[%parallel_loop3A_550, %parallel_loop3A_551, %parallel_loop3A_552, %parallel_loop3A_553] {strides = array<i32>} : memref<2x8x8x128xf32, #tpu.memory_space<vmem>>, vector<16xf32>,
        tpu.vector_store %arg9[%parallel_loop3A_550, %parallel_loop3A_551, %parallel_loop3A_552, %parallel_loop3A_553], %parallel_loop3A_522 {add = true, strides = array<i32>} : memref<2x8x8x128xf32, #tpu.memory_space<vmem>>, vector<16xf32>,
      } {sc.loop_unroll_factor = 8 : i64, sc.parallel_access}
      %get3A_499 = arith.index_cast %select_n3A_426 : i32 to index
      %get3A_500 = arith.index_cast %rem3A_428 : i32 to index
      %get3A_501 = arith.constant 112 : index
      %get3A_502 = tpu.vector_load %arg7[%get3A_499, %get3A_500, %get3A_501] {strides = array<i32>} : memref<25x8x128xi32, #tpu.memory_space<vmem>>, vector<16xi32>,
      %mul3A_503 = arith.constant 64 : i32
      %mul3A_504 = vector.broadcast %mul3A_503 : i32 to vector<16xi32>
      %mul3A_505 = arith.muli %get3A_502, %mul3A_504 : vector<16xi32>
      %parallel_loop3A_506 = arith.constant 0 : i32
      %parallel_loop3A_507 = arith.constant 64 : i32
      %parallel_loop3A_508 = arith.constant 1 : i32
      scf.for %parallel_loop3A_519 = %parallel_loop3A_506 to %parallel_loop3A_507 step %parallel_loop3A_508  : i32 {
        %parallel_loop3A_520 = vector.broadcast %parallel_loop3A_519 : i32 to vector<16xi32>
        %parallel_loop3A_521 = arith.addi %mul3A_505, %parallel_loop3A_520 : vector<16xi32>
        %parallel_loop3A_522 = tpu.vector_load_idx %arg6[%parallel_loop3A_521] : memref<64000xf32, #tpu.memory_space<vmem>>[vector<16xi32>], vector<16xf32>,
        %parallel_loop3A_523 = arith.constant 8 : i32
        %parallel_loop3A_524 = arith.divsi %parallel_loop3A_519, %parallel_loop3A_523 : i32
        %parallel_loop3A_525 = arith.constant 0 : i32
        %parallel_loop3A_526 = arith.cmpi sgt, %parallel_loop3A_519, %parallel_loop3A_525 : i32
        %parallel_loop3A_527 = arith.extui %parallel_loop3A_526 : i1 to i32
        %parallel_loop3A_528 = arith.constant 0 : i32
        %parallel_loop3A_529 = arith.cmpi slt, %parallel_loop3A_519, %parallel_loop3A_528 : i32
        %parallel_loop3A_530 = arith.extui %parallel_loop3A_529 : i1 to i32
        %parallel_loop3A_531 = arith.subi %parallel_loop3A_527, %parallel_loop3A_530 : i32
        %parallel_loop3A_532 = arith.constant 0 : i32
        %parallel_loop3A_533 = arith.cmpi sgt, %parallel_loop3A_523, %parallel_loop3A_532 : i32
        %parallel_loop3A_534 = arith.extui %parallel_loop3A_533 : i1 to i32
        %parallel_loop3A_535 = arith.constant 0 : i32
        %parallel_loop3A_536 = arith.cmpi slt, %parallel_loop3A_523, %parallel_loop3A_535 : i32
        %parallel_loop3A_537 = arith.extui %parallel_loop3A_536 : i1 to i32
        %parallel_loop3A_538 = arith.subi %parallel_loop3A_534, %parallel_loop3A_537 : i32
        %parallel_loop3A_539 = arith.cmpi ne, %parallel_loop3A_531, %parallel_loop3A_538 : i32
        %parallel_loop3A_540 = arith.remsi %parallel_loop3A_519, %parallel_loop3A_523 : i32
        %parallel_loop3A_541 = arith.constant 0 : i32
        %parallel_loop3A_542 = arith.cmpi ne, %parallel_loop3A_540, %parallel_loop3A_541 : i32
        %parallel_loop3A_543 = arith.andi %parallel_loop3A_539, %parallel_loop3A_542 : i1
        %parallel_loop3A_544 = arith.constant 1 : i32
        %parallel_loop3A_545 = arith.subi %parallel_loop3A_524, %parallel_loop3A_544 : i32
        %parallel_loop3A_546 = arith.select %parallel_loop3A_543, %parallel_loop3A_545, %parallel_loop3A_524 : i32
        %parallel_loop3A_547 = arith.constant 8 : i32
        %parallel_loop3A_548 = arith.remsi %parallel_loop3A_519, %parallel_loop3A_547 : i32
        %parallel_loop3A_549 = arith.constant 1 : i32
        %parallel_loop3A_550 = arith.index_cast %parallel_loop3A_549 : i32 to index
        %parallel_loop3A_551 = arith.index_cast %parallel_loop3A_546 : i32 to index
        %parallel_loop3A_552 = arith.index_cast %parallel_loop3A_548 : i32 to index
        %parallel_loop3A_553 = arith.constant 112 : index
        %parallel_loop3A_554 = tpu.vector_load %arg9[%parallel_loop3A_550, %parallel_loop3A_551, %parallel_loop3A_552, %parallel_loop3A_553] {strides = array<i32>} : memref<2x8x8x128xf32, #tpu.memory_space<vmem>>, vector<16xf32>,
        tpu.vector_store %arg9[%parallel_loop3A_550, %parallel_loop3A_551, %parallel_loop3A_552, %parallel_loop3A_553], %parallel_loop3A_522 {add = true, strides = array<i32>} : memref<2x8x8x128xf32, #tpu.memory_space<vmem>>, vector<16xf32>,
      } {sc.loop_unroll_factor = 8 : i64, sc.parallel_access}
      %dma_start3A_509 = arith.constant 0 : i32
      %dma_start3A_510 = arith.constant 0 : i32
      %dma_start3A_511 = arith.constant 0 : i32
      %dma_start3A_512 = tpu.memref_slice %arg5[%add3A_282, %dma_start3A_509, %add3A, %dma_start3A_510, %dma_start3A_511] : memref<200x8x32x8x128xf32, #tpu.memory_space<hbm>> -> memref<2x8x1x8x128xf32, #tpu.memory_space<hbm>>
      %dma_start3A_513 = tpu.memref_squeeze %dma_start3A_512 : memref<2x8x1x8x128xf32, #tpu.memory_space<hbm>> -> memref<2x8x8x128xf32, #tpu.memory_space<hbm>>
      %dma_start3A_514 = arith.constant 0 : i32
      %dma_start3A_515 = arith.constant 0 : i32
      %dma_start3A_516 = arith.constant 0 : i32
      %dma_start3A_517 = tpu.memref_slice %arg5[%add3A_282, %dma_start3A_514, %add3A, %dma_start3A_515, %dma_start3A_516] : memref<200x8x32x8x128xf32, #tpu.memory_space<hbm>> -> memref<2x8x1x8x128xf32, #tpu.memory_space<hbm>>
      %dma_start3A_518 = tpu.memref_squeeze %dma_start3A_517 : memref<2x8x1x8x128xf32, #tpu.memory_space<hbm>> -> memref<2x8x8x128xf32, #tpu.memory_space<hbm>>
      tpu.enqueue_dma source(%arg9 : memref<2x8x8x128xf32, #tpu.memory_space<vmem>>) target(%dma_start3A_518 : memref<2x8x8x128xf32, #tpu.memory_space<hbm>>) target_semaphore(%arg13 : memref<!tpu.dma_semaphore, #tpu.memory_space<semaphore_mem>>)
    }
    %scan3A_5 = arith.constant 50 : i32
    %dma_wait3A = arith.constant 0 : i32
    %dma_wait3A_6 = arith.constant 0 : i32
    %dma_wait3A_7 = arith.constant 0 : i32
    %dma_wait3A_8 = arith.constant 0 : i32
    %dma_wait3A_9 = tpu.memref_slice %arg5[%dma_wait3A, %dma_wait3A_6, %add3A, %dma_wait3A_7, %dma_wait3A_8] : memref<200x8x32x8x128xf32, #tpu.memory_space<hbm>> -> memref<2x8x1x8x128xf32, #tpu.memory_space<hbm>>
    %dma_wait3A_10 = tpu.memref_squeeze %dma_wait3A_9 : memref<2x8x1x8x128xf32, #tpu.memory_space<hbm>> -> memref<2x8x8x128xf32, #tpu.memory_space<hbm>>
    %dma_wait3A_11 = arith.constant 0 : i32
    %dma_wait3A_12 = arith.constant 0 : i32
    %dma_wait3A_13 = arith.constant 0 : i32
    %dma_wait3A_14 = arith.constant 0 : i32
    %dma_wait3A_15 = tpu.memref_slice %arg5[%dma_wait3A_11, %dma_wait3A_12, %add3A, %dma_wait3A_13, %dma_wait3A_14] : memref<200x8x32x8x128xf32, #tpu.memory_space<hbm>> -> memref<2x8x1x8x128xf32, #tpu.memory_space<hbm>>
    %dma_wait3A_16 = tpu.memref_squeeze %dma_wait3A_15 : memref<2x8x1x8x128xf32, #tpu.memory_space<hbm>> -> memref<2x8x8x128xf32, #tpu.memory_space<hbm>>
    tpu.wait_dma2 semaphore(%arg12 : memref<!tpu.dma_semaphore, #tpu.memory_space<semaphore_mem>>) src(%arg8 : memref<2x8x8x128xf32, #tpu.memory_space<vmem>>) dst(%dma_wait3A_16 : memref<2x8x8x128xf32, #tpu.memory_space<hbm>>)
    %dma_wait3A_17 = arith.constant 0 : i32
    %dma_wait3A_18 = arith.constant 0 : i32
    %dma_wait3A_19 = arith.constant 0 : i32
    %dma_wait3A_20 = arith.constant 0 : i32
    %dma_wait3A_21 = tpu.memref_slice %arg5[%dma_wait3A_17, %dma_wait3A_18, %add3A, %dma_wait3A_19, %dma_wait3A_20] : memref<200x8x32x8x128xf32, #tpu.memory_space<hbm>> -> memref<2x8x1x8x128xf32, #tpu.memory_space<hbm>>
    %dma_wait3A_22 = tpu.memref_squeeze %dma_wait3A_21 : memref<2x8x1x8x128xf32, #tpu.memory_space<hbm>> -> memref<2x8x8x128xf32, #tpu.memory_space<hbm>>
    %dma_wait3A_23 = arith.constant 0 : i32
    %dma_wait3A_24 = arith.constant 0 : i32
    %dma_wait3A_25 = arith.constant 0 : i32
    %dma_wait3A_26 = arith.constant 0 : i32
    %dma_wait3A_27 = tpu.memref_slice %arg5[%dma_wait3A_23, %dma_wait3A_24, %add3A, %dma_wait3A_25, %dma_wait3A_26] : memref<200x8x32x8x128xf32, #tpu.memory_space<hbm>> -> memref<2x8x1x8x128xf32, #tpu.memory_space<hbm>>
    %dma_wait3A_28 = tpu.memref_squeeze %dma_wait3A_27 : memref<2x8x1x8x128xf32, #tpu.memory_space<hbm>> -> memref<2x8x8x128xf32, #tpu.memory_space<hbm>>
    tpu.wait_dma2 semaphore(%arg13 : memref<!tpu.dma_semaphore, #tpu.memory_space<semaphore_mem>>) src(%arg9 : memref<2x8x8x128xf32, #tpu.memory_space<vmem>>) dst(%dma_wait3A_28 : memref<2x8x8x128xf32, #tpu.memory_space<hbm>>)
    return
  }
}

</mosaic_0001>

<sc_bundles>
// kernel: kernel.3.cloned.1.call-start
scs
__scs_entry_jumppad:
0x0: {  	(pc) =	sbr.rel $0x88, $3  }
0x1: {  	(tag) =	ssettag $0x0;
	lr =	simm.s32 $0x1  }
0x2: {  	[smem:$0x3F9E] =	sst lr;
	_ =	strace $0xD0000000  }
0x3: {  	_ = 	snop  }
0x4: {  	_ = 	snop  }
0x5: {  	_ = 	snop  }
0x6: {  	_ = 	snop  }
0x7: {  	_ = 	snop  }
__scs_overlays_trampoline_lowered:
0x8: {  	[smem:$0x3FAD] =	sst s0  }
0x9: {  	[smem:$0x3FAE] =	sst s1  }
0xa: {  	[smem:$0x3FAF] =	sst s2  }
0xb: {  	[smem:$0x3FB0] =	sst s3  }
0xc: {  	[smem:$0x3FB1] =	sst s4  }
0xd: {  	[smem:$0x3FB2] =	sst s5  }
0xe: {  	[smem:$0x3FB3] =	sst s6  }
0xf: {  	[smem:$0x3FB4] =	sst s7  }
0x10: {  	[smem:$0x3FB5] =	sst s8  }
0x11: {  	[smem:$0x3FB6] =	sst s9;
	s0 =	simm.s32 @!p0 $0x0  }
0x12: {  	s1 =	sld [smem:$0x3F9C];
	s0 =	simm.s32 @p0 $0x1  }
0x13: {  	[smem:$0x3FB7] =	sst s0;
	s0 =	simm.s32 @!p1 $0x0  }
0x14: {  	s2 =	sld [smem:$0x3F9B];
	s0 =	simm.s32 @p1 $0x1  }
0x15: {  	[smem:$0x3FB8] =	sst s0;
	s0 =	simm.s32 @!p2 $0x0  }
0x16: {  	s3 =	sld [smem:$0x3FDB];
	s0 =	simm.s32 @p2 $0x1  }
0x17: {  	s4 =	simm.s32 $0x1BF5;
	[smem:$0x3FBA] =	sst s0  }
0x18: {  	s0 =	sld [smem:$0x3F9D];
	_ =	swait.ge [sflag:s4], $0x0  }
0x19: {  	s7 =	sld [smem:$0x3F9E]  }
0x1a: {  	s8 =	sadd.s32 $0xFFFFE003, lr  }
0x1b: {  	s9 =	sadd.s32 $0xFFFFFEF7, lr;
	s5 =	simm.s32 $0xFFFFFFFF;
	p2 =	slt.u32 s8, $0xFFFFF086  }
0x1c: {  	p1 =	slt.u32 s9, $0xF7A;
	s5 =	simm.s32 @!p2 $0x0  }
0x1d: {  	s5 =	simm.s32 @p1 $0x1;
	p0 =	seq.s32 s7, s2  }
0x1e: {  	s7 =	smul.u32 @!p0 $0xF7A, s2;
	p2 =	seq.s32 @!p0 s5, $0x0  }
0x1f: {  	s9 =	smul.u32 $0xF7A, s1;
	s8 =	simm.s32 @!p0 $0x1BF5;
	p2 =	por !p2, p0  }
0x20: {  	[sflag:s8] =	ssyncset.s32 @!p0 $0xFFFFF086;
	s6 =	sadd.s32 @!p0 s3, s7;
	s7 =	simm.s32 @!p0 $0x108  }
0x21: {  	s3 =	sadd.s32 s3, s9;
	s6 =	sadd.s32 @!p0 $0x88, s6;
	s7 =	simm.s32 @p2 $0x1082  }
0x22: {  	[simem:s7], [sflag:s8] =	dma.local @!p0 [hbm:s6], $0xF7A  }
0x23: {  	s9 =	sor.u32 $0xD0000000, s2;
	s6 =	simm.s32 $0x108;
	_ =	swait.ge @!p0 [sflag:s8], $0x0  }
0x24: {  	s3 =	sadd.s32 $0x88, s3;
	s6 =	simm.s32 @!p1 $0x1082;
	[sflag:s4] =	ssyncset.s32 $0xFFFFF086  }
0x25: {  	[simem:s6], [sflag:s4] =	dma.local [hbm:s3], $0xF7A  }
0x26: {  	[smem:$0x3F9E] =	sst s1;
	(tag) =	ssettag s2;
	_ =	strace s9  }
0x27: {  	s1 =	sld [smem:$0x3FAE]  }
0x28: {  	s2 =	sld [smem:$0x3FAF]  }
0x29: {  	s4 =	sld [smem:$0x3FB1]  }
0x2a: {  	p0 =	seq.s32 s5, $0x0;
	s5 =	sld [smem:$0x3FB2]  }
0x2b: {  	s6 =	sld [smem:$0x3FB3]  }
0x2c: {  	s7 =	sld [smem:$0x3FB4]  }
0x2d: {  	s3 =	simm.s32 $0x108;
	s8 =	sld [smem:$0x3FB5]  }
0x2e: {  	s3 =	simm.s32 @!p0 $0x1082;
	s9 =	sld [smem:$0x3FB6]  }
0x2f: {  	lr =	sadd.s32 s0, s3;
	s0 =	sld [smem:$0x3FAD]  }
0x30: {  	s3 =	sld [smem:$0x3FB0]  }
0x31: {  	[smem:$0x3FB9] =	sst s10  }
0x32: {  	s10 =	sld [smem:$0x3FB7];
	_ =	sdelay $0x3  }
0x33: {  	p0 =	seq.s32 s10, $0x1;
	s10 =	sld [smem:$0x3FB9];
	_ =	sdelay $0x3  }
0x34: {  	[smem:$0x3FB9] =	sst s10  }
0x35: {  	s10 =	sld [smem:$0x3FB8];
	_ =	sdelay $0x3  }
0x36: {  	p1 =	seq.s32 s10, $0x1;
	s10 =	sld [smem:$0x3FB9];
	_ =	sdelay $0x3  }
0x37: {  	[smem:$0x3FB9] =	sst s10  }
0x38: {  	s10 =	sld [smem:$0x3FBA]  }
0x39: {  	_ = 	snop;
	(pc) =	sbr.ind lr, $3  }
0x3a: {  	_ = 	snop  }
0x3b: {  	_ = 	snop  }
0x3c: {  	p2 =	seq.s32 s10, $0x1;
	s10 =	sld [smem:$0x3FB9]  }
0x3d: {  	_ =	shalt  }
0x3e: {  	_ =	shalt  }
0x3f: {  	_ =	shalt  }
0x40: {  	_ =	shalt  }
0x41: {  	_ =	shalt  }
0x42: {  	_ =	shalt  }
0x43: {  	_ =	shalt  }
0x44: {  	_ =	shalt  }
0x45: {  	_ =	shalt  }
0x46: {  	_ =	shalt  }
0x47: {  	_ =	shalt  }
0x48: {  	_ =	shalt  }
0x49: {  	_ =	shalt  }
0x4a: {  	_ =	shalt  }
0x4b: {  	_ =	shalt  }
0x4c: {  	_ =	shalt  }
0x4d: {  	_ =	shalt  }
0x4e: {  	_ =	shalt  }
0x4f: {  	_ =	shalt  }
0x50: {  	_ =	shalt  }
0x51: {  	_ =	shalt  }
0x52: {  	_ =	shalt  }
0x53: {  	_ =	shalt  }
0x54: {  	_ =	shalt  }
0x55: {  	_ =	shalt  }
0x56: {  	_ =	shalt  }
0x57: {  	_ =	shalt  }
0x58: {  	_ =	shalt  }
0x59: {  	_ =	shalt  }
0x5a: {  	_ =	shalt  }
0x5b: {  	_ =	shalt  }
0x5c: {  	_ =	shalt  }
0x5d: {  	_ =	shalt  }
0x5e: {  	_ =	shalt  }
0x5f: {  	_ =	shalt  }
0x60: {  	_ =	shalt  }
0x61: {  	_ =	shalt  }
0x62: {  	_ =	shalt  }
0x63: {  	_ =	shalt  }
0x64: {  	_ =	shalt  }
0x65: {  	_ =	shalt  }
0x66: {  	_ =	shalt  }
0x67: {  	_ =	shalt  }
0x68: {  	_ =	shalt  }
0x69: {  	_ =	shalt  }
0x6a: {  	_ =	shalt  }
0x6b: {  	_ =	shalt  }
0x6c: {  	_ =	shalt  }
0x6d: {  	_ =	shalt  }
0x6e: {  	_ =	shalt  }
0x6f: {  	_ =	shalt  }
0x70: {  	_ =	shalt  }
0x71: {  	_ =	shalt  }
0x72: {  	_ =	shalt  }
0x73: {  	_ =	shalt  }
0x74: {  	_ =	shalt  }
0x75: {  	_ =	shalt  }
0x76: {  	_ =	shalt  }
0x77: {  	_ =	shalt  }
0x78: {  	_ =	shalt  }
0x79: {  	_ =	shalt  }
0x7a: {  	_ =	shalt  }
0x7b: {  	_ =	shalt  }
0x7c: {  	_ =	shalt  }
0x7d: {  	_ =	shalt  }
0x7e: {  	_ =	shalt  }
0x7f: {  	_ =	shalt  }
0x80: {  	_ =	shalt  }
0x81: {  	_ =	shalt  }
0x82: {  	_ =	shalt  }
0x83: {  	_ =	shalt  }
0x84: {  	_ =	shalt  }
0x85: {  	_ =	shalt  }
0x86: {  	_ =	shalt  }
0x87: {  	_ =	shalt  }
.Lfunc_end0:
.L_simem_size_0:
called_computation_lowered:
.L_overlay_start_0:
0x88: {  	s2 =	sld [smem:$0x3FD9]  }
0x89: {  	s3 =	sld [smem:$0x3FFE];
	_ =	sdelay $0x1  }
0x8a: {  	s1 =	srdreg.scid  }
0x8b: {  	s0 =	sand.u32 $0x1, s1  }
0x8c: {  	s17 =	sshll.u32 s0, $0xA;
	s2 =	sadd.s32 s3, s2  }
0x8d: {  	s2 =	sadd.s32 s2, s17  }
0x8e: {  	[smem:$0x3FC5] =	sst s2  }
0x8f: {  	_ = 	snop  }
0x90: {  	s2 =	sld [smem:$0x3FC9]  }
0x91: {  	s18 =	sld [smem:$0x3FC8]  }
0x92: {  	s4 =	sld [smem:$0x3FD0];
	(tm) =	ssettm $0x1  }
0x93: {  	s5 =	sld [smem:$0x3FFB];
	_ =	sdelay $0x3  }
0x94: {  	_ =	strace s5  }
0x95: {  	s5 =	sld [smem:$0x3FFC];
	_ =	sdelay $0x3  }
0x96: {  	_ =	strace s5  }
0x97: {  	s5 =	sld [smem:$0x3FFD];
	_ =	sdelay $0x3  }
0x98: {  	_ =	strace s5  }
0x99: {  	_ =	strace $0x8FFFFFFF  }
0x9a: {  	s19 =	sld [smem:$0x3FDB];
	_ =	sdelay $0x1  }
0x9b: {  	s6 =	simm.s32 $_scs_section_size  }
0x9c: {  	s7 =	simm.s32 $_size__tile_overlayer_lowered;
	s8 =	simm.s32 $_tile_overlayer_lowered  }
0x9d: {  	s22 =	simm.s32 $0x1BFF;
	s21 =	sshll.u32 s8, $0x1;
	s5 =	sadd.s32 s6, s19  }
0x9e: {  	s9 =	simm.s32 $0x0;
	s20 =	sshll.u32 s7, $0x1;
	s7 =	sadd.s32 s21, s5  }
0x9f: {  	[timem:s9], [sflag:s22] =	dma.local [hbm:s7], s20  }
0xa0: {  	_ =	swait.ge [sflag:s22], s20  }
0xa1: {  	s6 =	ssub.s32 $0x0, s20;
	[sflag:s22] =	ssyncset.done $0x0  }
0xa2: {  	[sflag:s22] =	ssyncadd.s32 s6;
	_ =	sdelay $0x1  }
0xa3: {  	s23 =	simm.s32 $0x1B8B  }
0xa4: {  	_ =	swait.ge [sflag:s23], $0x1  }
0xa5: {  	[sflag:s23] =	ssyncset.done $0x0  }
0xa6: {  	s25 =	simm.s32 $0x1B8E;
	s24 =	sld [smem:$0x3FFE];
	[sflag:s23] =	ssyncadd.s32 $0xFFFFFFFF  }
0xa7: {  	s26 =	simm.s32 $execute0_lowered;
	[smem:$0x3FD2] =	sst s25  }
0xa8: {  	s7 =	sshll.u32 s26, $0x1;
	_ =	strace $0x80000046;
	[dreg:$0x1] =	wrdreg $0xFFFFFFFF  }
0xa9: {  	s28 =	simm.s32 $_size_execute0_lowered;
	s5 =	sadd.s32 s5, s7;
	[dreg:$0x0] =	wrdreg $0x0  }
0xaa: {  	s7 =	sshll.u32 s28, $0x1;
	[dreg:$0x2] =	wrdreg s5  }
0xab: {  	[dreg:$0x3] =	wrdreg s7  }
0xac: {  	[dreg:$0x4] =	wrdreg $0xC0  }
0xad: {  	_ =	task [dreg:s9], $0x5FFFF  }
0xae: {  	[dreg:$0x1] =	wrdreg $0xFFFFFFFF  }
0xaf: {  	[dreg:$0x0] =	wrdreg $0x60  }
0xb0: {  	[dreg:$0x2] =	wrdreg s24  }
0xb1: {  	[dreg:$0x3] =	wrdreg s18  }
0xb2: {  	[dreg:$0x4] =	wrdreg s2  }
0xb3: {  	[dreg:$0x5] =	wrdreg s4  }
0xb4: {  	[dreg:$0x6] =	wrdreg $0x9  }
0xb5: {  	_ =	task.clear_ibuf [dreg:s9], $0x7FFFF;
	_ =	strace $0x90000046  }
0xb6: {  	s29 =	simm.s32 $0x9;
	_ =	strace $0x80000048  }
0xb7: {  	_ =	swait.ge [sflag:s29], $0x1  }
0xb8: {  	[sflag:s29] =	ssyncadd.s32 $0xFFFFFFFF  }
0xb9: {  	_ =	strace $0x90000048  }
0xba: {  	_ =	sfence  }
0xbb: {  	s30 =	sld [smem:$0x0];
	_ =	sdelay $0x2  }
0xbc: {  	s31 =	sshll.u32 s1, $0xD;
	s1 =	sshrl.u32 s1, $0x2  }
0xbd: {  	s3 =	sand.u32 $0x4000, s31;
	s1 =	sadd.s32 s1, s30  }
0xbe: {  	s0 =	sor.u32 s3, s0;
	s1 =	sshll.u32 s1, $0x11  }
0xbf: {  	s0 =	sor.u32 s1, s0  }
0xc0: {  	s0 =	sadd.s32 $0x8F2B, s0  }
0xc1: {  	[sflag:s0] =	ssyncadd.remote.s32 $0x1  }
0xc2: {  	_ =	sfence.sel $0xFFFF  }
0xc3: {  	[dreg:$0x0] =	wrdreg $0xFFFFFFFF;
	(pc) =	sbr.abs _section_cstart, $3  }
0xc4: {  	[dreg:$0x1] =	wrdreg $0xFFFFFFFF  }
0xc5: {  	_ =	task.clear_ibuf [dreg:s9], $0x2FFFF;
	_ =	strace $0x9FFFFFFF  }
0xc6: {  	(tm) =	ssettm $0x7FFFFFFF  }
0xc7: {  	_ =	shalt  }
tec
execute0_lowered:
.L_overlay_start_1:
0x0: {  	(tag) =	ssettag $0x1  }
0x1: {  	s6 =	rddreg [dreg:$0x0]  }
0x2: {  	s7 =	rddreg [dreg:$0x1]  }
0x3: {  	s2 =	rddreg [dreg:$0x2]  }
0x4: {  	s3 =	rddreg [dreg:$0x3];
	s4 =	srdreg.scid  }
0x5: {  	s0 =	rddreg [dreg:$0x4];
	s1 =	stileid.u32;
	s11 =	simm.s32 $0x8000  }
0x6: {  	s12 =	simm.s32 $0xFA00;
	s13 =	simm.s32 $0x15E00;
	s14 =	simm.s32 $0x19E00  }
0x7: {  	s15 =	simm.s32 $0x1;
	s16 =	simm.s32 $0x2;
	s17 =	simm.s32 $0x3  }
0x8: {  	s18 =	simm.s32 $0x4;
	s19 =	simm.s32 $0x0;
	s5 =	sand.u32 $0x1, s4  }
0x9: {  	s4 =	simm.s32 $0x0;
	s8 =	sshll.u32 s1, $0xB;
	s6 =	sadd.s32 $0x400, s6  }
0xa: {  	s9 =	sshll.u32 s5, $0xA;
	[smem:$0x7FF] =	sst s4;
	s10 =	ssub.s32 $0x2, s5  }
0xb: {  	s5 =	sor.u32 s9, s8;
	_ =	strace $0x80000047;
	s31 =	sshrl.u32 s10, $0x1  }
0xc: {  	s9 =	sshrl.u32 s5, $0x3;
	s8 =	ssub.s32 s10, s31;
	s10 =	simm.s32 $0x400  }
0xd: {  	s7 =	sadd.s32 s7, s9;
	s8 =	smax.u32 s8, $0x1;
	s9 =	simm.s32 $0x5  }
.LBB2_1:
0xe: {  	[tilespmem:s4], [sflag:$0x5] =	stream.linear.gather [hbm4b:s6+s4], $0xFA00, $0x38;
	[tilespmem:$0x1DE00] =	vst v63  }
0xf: {  	_ =	swait.ge [sflag:s9], $0xFA00  }
0x10: {  	[sflag:s9] =	ssyncset.done $0x0  }
0x11: {  	[sflag:s9] =	ssyncadd.s32 $0xFFFF0600  }
0x12: {  	[tilespmem:s12], [sflag:$0x5] =	stream.strided.gather [hbm4b:s7+s10], $0x6400, s11, s10, $0x38;
	[tilespmem:$0x1DE00] =	vst v63  }
0x13: {  	_ =	swait.ge [sflag:s9], $0x6400  }
0x14: {  	[sflag:s9] =	ssyncset.done $0x0  }
0x15: {  	s20 =	simm.s32 $0x0;
	[sflag:s9] =	ssyncadd.s32 $0xFFFF9C00  }
.LBB2_2:
0x16: {  	p0 =	seq.s32 s20, $0x0  }
0x17: {  	s21 =	simm.s32 @!p0 $0x3  }
0x18: {  	_ =	swait.ge @!p0 [sflag:s21], $0x4000  }
0x19: {  	[sflag:s21] =	ssyncset.done @!p0 $0x0  }
0x1a: {  	s22 =	sshll.u32 s20, $0x14;
	[sflag:s21] =	ssyncadd.s32 @!p0 $0xFFFFC000;
	s21 =	simm.s32 @!p0 $0x4  }
0x1b: {  	s24 =	sshll.u32 s20, $0x2;
	s22 =	sor.u32 s5, s22;
	_ =	swait.ge @!p0 [sflag:s21], $0x4000  }
0x1c: {  	s24 =	sor.u32 $0x2, s24;
	s23 =	sshrl.u32 s22, $0x3;
	[sflag:s21] =	ssyncset.done @!p0 $0x0  }
0x1d: {  	s22 =	sadd.s32 s2, s23;
	[sflag:s21] =	ssyncadd.s32 @!p0 $0xFFFFC000;
	s21 =	sshll.u32 s24, $0x12  }
0x1e: {  	[tilespmem:s13], [sflag:$0x1] =	stream.strided.gather [hbm4b:s22+s10], $0x4000, s11, s10, $0x38;
	[tilespmem:$0x1DE00] =	vst v63  }
0x1f: {  	s21 =	sor.u32 s5, s21  }
0x20: {  	s21 =	sshrl.u32 s21, $0x3  }
0x21: {  	s25 =	sadd.s32 s2, s21  }
0x22: {  	[tilespmem:s14], [sflag:$0x2] =	stream.strided.gather [hbm4b:s25+s10], $0x4000, s11, s10, $0x38;
	[tilespmem:$0x1DE00] =	vst v63  }
0x23: {  	_ =	swait.ge [sflag:s15], $0x4000  }
0x24: {  	[sflag:s15] =	ssyncset.done $0x0  }
0x25: {  	s22 =	sshll.u32 s20, $0x9;
	[sflag:s15] =	ssyncadd.s32 $0xFFFFC000  }
0x26: {  	v0 =	vld [tilespmem:s22+$0xFA00];
	_ =	sdelay $0x4  }
0x27: {  	s25 =	simm.s32 $0x0;
	v0 =	vshll.u32 v0, $0x6  }
0x28: {  	s26 =	simm.s32 $0x1;
	v1 =	vor.u32 s25, v0  }
0x29: {  	s30 =	simm.s32 $0x7;
	v2 =	vor.u32 s26, v0  }
0x2a: {  	s31 =	simm.s32 $0x3;
	v3 =	vor.u32 s30, v0  }
0x2b: {  	s26 =	simm.s32 $0x2;
	v5 =	vor.u32 s31, v0  }
0x2c: {  	v4 =	vor.u32 s26, v0;
	s26 =	simm.s32 $0x4  }
0x2d: {  	s30 =	simm.s32 $0x5;
	v6 =	vor.u32 s26, v0;
	v1 =	vld.idx.msk [tilespmem:v1+s4+$0x0], $0xffff  }
0x2e: {  	s31 =	simm.s32 $0x6;
	v7 =	vld.idx.msk [tilespmem:v2+s4+$0x0], $0xffff;
	v2 =	vor.u32 s30, v0  }
0x2f: {  	v8 =	vor.u32 s31, v0;
	v9 =	vld.idx.msk [tilespmem:v3+s4+$0x0], $0xffff  }
0x30: {  	v5 =	vld.idx.msk [tilespmem:v5+s4+$0x0], $0xffff  }
0x31: {  	v4 =	vld.idx.msk [tilespmem:v4+s4+$0x0], $0xffff  }
0x32: {  	v6 =	vld.idx.msk [tilespmem:v6+s4+$0x0], $0xffff  }
0x33: {  	v3 =	vld.idx.msk [tilespmem:v2+s4+$0x0], $0xffff  }
0x34: {  	s25 =	simm.s32 $0x16180;
	v2 =	vld.idx.msk [tilespmem:v8+s4+$0x0], $0xffff  }
0x35: {  	[tilespmem:s25+$0x0] =	vst.add.f32.msk $0xffff, v9  }
0x36: {  	[tilespmem:s25+$0xFFFFFD00] =	vst.add.f32.msk $0xffff, v7  }
0x37: {  	s26 =	simm.s32 $0x8;
	[tilespmem:s25+$0xFFFFFE00] =	vst.add.f32.msk $0xffff, v5  }
0x38: {  	s28 =	simm.s32 $0x9;
	v5 =	vor.u32 s26, v0;
	[tilespmem:s25+$0xFFFFFD80] =	vst.add.f32.msk $0xffff, v4  }
0x39: {  	s29 =	simm.s32 $0xF;
	v4 =	vor.u32 s28, v0;
	s28 =	simm.s32 $0x10;
	[tilespmem:s25+$0xFFFFFE80] =	vst.add.f32.msk $0xffff, v6  }
.LBB2_3:
0x3a: {  	p0 =	slt.u32 s28, $0x38;
	s30 =	sadd.s32 $0x2, s26;
	v6 =	vor.u32 s29, v0;
	[tilespmem:s25+$0xFFFFFF00] =	vst.add.f32.msk $0xffff, v3  }
0x3b: {  	s29 =	sadd.s32 $0x3, s26;
	v3 =	vor.u32 s30, v0;
	[tilespmem:s25+$0xFFFFFF80] =	vst.add.f32.msk $0xffff, v2  }
0x3c: {  	v2 =	vor.u32 s29, v0;
	s29 =	sadd.s32 $0x4, s26;
	[tilespmem:s25+$0xFFFFFC80] =	vst.add.f32.msk $0xffff, v1  }
0x3d: {  	v1 =	vld.idx.msk [tilespmem:v5+s4+$0x0], $0xffff;
	v5 =	vor.u32 s29, v0;
	s29 =	sadd.s32 $0x5, s26  }
0x3e: {  	v4 =	vld.idx.msk [tilespmem:v4+s4+$0x0], $0xffff;
	v7 =	vor.u32 s29, v0;
	s29 =	sadd.s32 $0x6, s26;
	s26 =	smov.u32 s28  }
0x3f: {  	v8 =	vor.u32 s29, v0;
	v6 =	vld.idx.msk [tilespmem:v6+s4+$0x0], $0xffff  }
0x40: {  	v9 =	vld.idx.msk [tilespmem:v3+s4+$0x0], $0xffff  }
0x41: {  	v10 =	vld.idx.msk [tilespmem:v2+s4+$0x0], $0xffff  }
0x42: {  	v11 =	vld.idx.msk [tilespmem:v5+s4+$0x0], $0xffff  }
0x43: {  	v3 =	vld.idx.msk [tilespmem:v7+s4+$0x0], $0xffff  }
0x44: {  	s25 =	sadd.s32 $0x400, s25;
	v2 =	vld.idx.msk [tilespmem:v8+s4+$0x0], $0xffff  }
.Ltmp0:
0x45: {  	[tilespmem:s25+$0x0] =	vst.add.f32.msk $0xffff, v6;
	(pc) =	sbr.rel @p0 .LBB2_3-.Ltmp0, $4  }
0x46: {  	[tilespmem:s25+$0xFFFFFD00] =	vst.add.f32.msk $0xffff, v4  }
0x47: {  	[tilespmem:s25+$0xFFFFFD80] =	vst.add.f32.msk $0xffff, v9  }
0x48: {  	s29 =	sadd.s32 $0x1, s28;
	v5 =	vor.u32 s28, v0;
	[tilespmem:s25+$0xFFFFFE00] =	vst.add.f32.msk $0xffff, v10  }
0x49: {  	s28 =	sadd.s32 $0x8, s28;
	v4 =	vor.u32 s29, v0;
	s29 =	sadd.s32 $0x7, s26;
	[tilespmem:s25+$0xFFFFFE80] =	vst.add.f32.msk $0xffff, v11  }
0x4a: {  	_ =	sdelay $0x2  }
0x4b: {  	v6 =	vor.u32 s29, v0;
	[tilespmem:s25+$0xFFFFFC80] =	vst.add.f32.msk $0xffff, v1  }
0x4c: {  	v4 =	vld.idx.msk [tilespmem:v4+s4+$0x0], $0xffff  }
0x4d: {  	s28 =	sadd.s32 $0x2, s26;
	v1 =	vld.idx.msk [tilespmem:v5+s4+$0x0], $0xffff  }
0x4e: {  	[tilespmem:s25+$0xFFFFFF00] =	vst.add.f32.msk $0xffff, v3;
	v3 =	vor.u32 s28, v0;
	s28 =	sadd.s32 $0x3, s26  }
0x4f: {  	[tilespmem:s25+$0xFFFFFF80] =	vst.add.f32.msk $0xffff, v2;
	v2 =	vor.u32 s28, v0;
	s28 =	sadd.s32 $0x4, s26  }
0x50: {  	s31 =	sadd.s32 $0x6, s26;
	v5 =	vor.u32 s28, v0;
	s28 =	sadd.s32 $0x5, s26;
	s26 =	sadd.s32 $0x400, s25;
	v6 =	vld.idx.msk [tilespmem:v6+s4+$0x0], $0xffff  }
0x51: {  	v7 =	vor.u32 s28, v0;
	[tilespmem:s26+$0xFFFFFD00] =	vst.add.f32.msk $0xffff, v4  }
0x52: {  	v0 =	vor.u32 s31, v0;
	[tilespmem:s26+$0xFFFFFC80] =	vst.add.f32.msk $0xffff, v1  }
0x53: {  	v3 =	vld.idx.msk [tilespmem:v3+s4+$0x0], $0xffff  }
0x54: {  	v2 =	vld.idx.msk [tilespmem:v2+s4+$0x0], $0xffff  }
0x55: {  	v5 =	vld.idx.msk [tilespmem:v5+s4+$0x0], $0xffff  }
0x56: {  	v7 =	vld.idx.msk [tilespmem:v7+s4+$0x0], $0xffff  }
0x57: {  	v0 =	vld.idx.msk [tilespmem:v0+s4+$0x0], $0xffff  }
0x58: {  	[tilespmem:s26+$0x0] =	vst.add.f32.msk $0xffff, v6  }
0x59: {  	[tilespmem:s26+$0xFFFFFD80] =	vst.add.f32.msk $0xffff, v3  }
0x5a: {  	[tilespmem:s26+$0xFFFFFE00] =	vst.add.f32.msk $0xffff, v2  }
0x5b: {  	[tilespmem:s26+$0xFFFFFE80] =	vst.add.f32.msk $0xffff, v5  }
0x5c: {  	[tilespmem:s26+$0xFFFFFF00] =	vst.add.f32.msk $0xffff, v7  }
0x5d: {  	[tilespmem:s26+$0xFFFFFF80] =	vst.add.f32.msk $0xffff, v0  }
0x5e: {  	v0 =	vld [tilespmem:s22+$0xFA10];
	_ =	sdelay $0x4  }
0x5f: {  	s30 =	simm.s32 $0x0;
	v0 =	vshll.u32 v0, $0x6  }
0x60: {  	s31 =	simm.s32 $0x1;
	v1 =	vor.u32 s30, v0  }
0x61: {  	s26 =	simm.s32 $0x7;
	v2 =	vor.u32 s31, v0  }
0x62: {  	s30 =	simm.s32 $0x2;
	v3 =	vor.u32 s26, v0  }
0x63: {  	s31 =	simm.s32 $0x3;
	v4 =	vor.u32 s30, v0  }
0x64: {  	s26 =	simm.s32 $0x4;
	v5 =	vor.u32 s31, v0  }
0x65: {  	v6 =	vor.u32 s26, v0;
	s30 =	simm.s32 $0x5;
	v1 =	vld.idx.msk [tilespmem:v1+s4+$0x0], $0xffff  }
0x66: {  	s31 =	simm.s32 $0x6;
	v7 =	vld.idx.msk [tilespmem:v2+s4+$0x0], $0xffff;
	v2 =	vor.u32 s30, v0  }
0x67: {  	v8 =	vor.u32 s31, v0;
	v9 =	vld.idx.msk [tilespmem:v3+s4+$0x0], $0xffff  }
0x68: {  	v4 =	vld.idx.msk [tilespmem:v4+s4+$0x0], $0xffff  }
0x69: {  	v5 =	vld.idx.msk [tilespmem:v5+s4+$0x0], $0xffff  }
0x6a: {  	v6 =	vld.idx.msk [tilespmem:v6+s4+$0x0], $0xffff  }
0x6b: {  	v3 =	vld.idx.msk [tilespmem:v2+s4+$0x0], $0xffff  }
0x6c: {  	s25 =	simm.s32 $0x16190;
	v2 =	vld.idx.msk [tilespmem:v8+s4+$0x0], $0xffff  }
0x6d: {  	[tilespmem:s25+$0x0] =	vst.add.f32.msk $0xffff, v9  }
0x6e: {  	[tilespmem:s25+$0xFFFFFD00] =	vst.add.f32.msk $0xffff, v7  }
0x6f: {  	s26 =	simm.s32 $0x8;
	[tilespmem:s25+$0xFFFFFD80] =	vst.add.f32.msk $0xffff, v4  }
0x70: {  	s28 =	simm.s32 $0x9;
	[tilespmem:s25+$0xFFFFFE00] =	vst.add.f32.msk $0xffff, v5;
	v5 =	vor.u32 s26, v0  }
0x71: {  	s29 =	simm.s32 $0xF;
	v4 =	vor.u32 s28, v0;
	s28 =	simm.s32 $0x10;
	[tilespmem:s25+$0xFFFFFE80] =	vst.add.f32.msk $0xffff, v6  }
.LBB2_5:
0x72: {  	p0 =	slt.u32 s28, $0x38;
	s30 =	sadd.s32 $0x2, s26;
	v6 =	vor.u32 s29, v0;
	[tilespmem:s25+$0xFFFFFF00] =	vst.add.f32.msk $0xffff, v3  }
0x73: {  	s29 =	sadd.s32 $0x3, s26;
	v3 =	vor.u32 s30, v0;
	[tilespmem:s25+$0xFFFFFF80] =	vst.add.f32.msk $0xffff, v2  }
0x74: {  	v2 =	vor.u32 s29, v0;
	s29 =	sadd.s32 $0x4, s26;
	[tilespmem:s25+$0xFFFFFC80] =	vst.add.f32.msk $0xffff, v1  }
0x75: {  	v1 =	vld.idx.msk [tilespmem:v5+s4+$0x0], $0xffff;
	v5 =	vor.u32 s29, v0;
	s29 =	sadd.s32 $0x5, s26  }
0x76: {  	v4 =	vld.idx.msk [tilespmem:v4+s4+$0x0], $0xffff;
	v7 =	vor.u32 s29, v0;
	s29 =	sadd.s32 $0x6, s26;
	s26 =	smov.u32 s28  }
0x77: {  	v8 =	vor.u32 s29, v0;
	v6 =	vld.idx.msk [tilespmem:v6+s4+$0x0], $0xffff  }
0x78: {  	v9 =	vld.idx.msk [tilespmem:v3+s4+$0x0], $0xffff  }
0x79: {  	v10 =	vld.idx.msk [tilespmem:v2+s4+$0x0], $0xffff  }
0x7a: {  	v11 =	vld.idx.msk [tilespmem:v5+s4+$0x0], $0xffff  }
0x7b: {  	v3 =	vld.idx.msk [tilespmem:v7+s4+$0x0], $0xffff  }
0x7c: {  	s25 =	sadd.s32 $0x400, s25;
	v2 =	vld.idx.msk [tilespmem:v8+s4+$0x0], $0xffff  }
.Ltmp1:
0x7d: {  	[tilespmem:s25+$0x0] =	vst.add.f32.msk $0xffff, v6;
	(pc) =	sbr.rel @p0 .LBB2_5-.Ltmp1, $4  }
0x7e: {  	[tilespmem:s25+$0xFFFFFD00] =	vst.add.f32.msk $0xffff, v4  }
0x7f: {  	[tilespmem:s25+$0xFFFFFD80] =	vst.add.f32.msk $0xffff, v9  }
0x80: {  	s29 =	sadd.s32 $0x1, s28;
	v5 =	vor.u32 s28, v0;
	[tilespmem:s25+$0xFFFFFE00] =	vst.add.f32.msk $0xffff, v10  }
0x81: {  	s28 =	sadd.s32 $0x8, s28;
	v4 =	vor.u32 s29, v0;
	s29 =	sadd.s32 $0x7, s26;
	[tilespmem:s25+$0xFFFFFE80] =	vst.add.f32.msk $0xffff, v11  }
0x82: {  	_ =	sdelay $0x2  }
0x83: {  	v6 =	vor.u32 s29, v0;
	[tilespmem:s25+$0xFFFFFC80] =	vst.add.f32.msk $0xffff, v1  }
0x84: {  	v4 =	vld.idx.msk [tilespmem:v4+s4+$0x0], $0xffff  }
0x85: {  	s28 =	sadd.s32 $0x2, s26;
	v1 =	vld.idx.msk [tilespmem:v5+s4+$0x0], $0xffff  }
0x86: {  	[tilespmem:s25+$0xFFFFFF00] =	vst.add.f32.msk $0xffff, v3;
	v3 =	vor.u32 s28, v0;
	s28 =	sadd.s32 $0x3, s26  }
0x87: {  	[tilespmem:s25+$0xFFFFFF80] =	vst.add.f32.msk $0xffff, v2;
	v2 =	vor.u32 s28, v0;
	s28 =	sadd.s32 $0x4, s26  }
0x88: {  	s31 =	sadd.s32 $0x6, s26;
	v5 =	vor.u32 s28, v0;
	s28 =	sadd.s32 $0x5, s26;
	s26 =	sadd.s32 $0x400, s25;
	v6 =	vld.idx.msk [tilespmem:v6+s4+$0x0], $0xffff  }
0x89: {  	v7 =	vor.u32 s28, v0;
	[tilespmem:s26+$0xFFFFFD00] =	vst.add.f32.msk $0xffff, v4  }
0x8a: {  	v0 =	vor.u32 s31, v0;
	[tilespmem:s26+$0xFFFFFC80] =	vst.add.f32.msk $0xffff, v1  }
0x8b: {  	v3 =	vld.idx.msk [tilespmem:v3+s4+$0x0], $0xffff  }
0x8c: {  	v2 =	vld.idx.msk [tilespmem:v2+s4+$0x0], $0xffff  }
0x8d: {  	v5 =	vld.idx.msk [tilespmem:v5+s4+$0x0], $0xffff  }
0x8e: {  	v7 =	vld.idx.msk [tilespmem:v7+s4+$0x0], $0xffff  }
0x8f: {  	v0 =	vld.idx.msk [tilespmem:v0+s4+$0x0], $0xffff  }
0x90: {  	[tilespmem:s26+$0x0] =	vst.add.f32.msk $0xffff, v6  }
0x91: {  	[tilespmem:s26+$0xFFFFFD80] =	vst.add.f32.msk $0xffff, v3  }
0x92: {  	[tilespmem:s26+$0xFFFFFE00] =	vst.add.f32.msk $0xffff, v2  }
0x93: {  	[tilespmem:s26+$0xFFFFFE80] =	vst.add.f32.msk $0xffff, v5  }
0x94: {  	[tilespmem:s26+$0xFFFFFF00] =	vst.add.f32.msk $0xffff, v7  }
0x95: {  	[tilespmem:s26+$0xFFFFFF80] =	vst.add.f32.msk $0xffff, v0  }
0x96: {  	v0 =	vld [tilespmem:s22+$0xFA20];
	_ =	sdelay $0x4  }
0x97: {  	s30 =	simm.s32 $0x0;
	v0 =	vshll.u32 v0, $0x6  }
0x98: {  	s31 =	simm.s32 $0x1;
	v1 =	vor.u32 s30, v0  }
0x99: {  	s26 =	simm.s32 $0x7;
	v2 =	vor.u32 s31, v0  }
0x9a: {  	s30 =	simm.s32 $0x2;
	v3 =	vor.u32 s26, v0  }
0x9b: {  	s31 =	simm.s32 $0x3;
	v4 =	vor.u32 s30, v0  }
0x9c: {  	s26 =	simm.s32 $0x4;
	v5 =	vor.u32 s31, v0  }
0x9d: {  	v6 =	vor.u32 s26, v0;
	s30 =	simm.s32 $0x5;
	v1 =	vld.idx.msk [tilespmem:v1+s4+$0x0], $0xffff  }
0x9e: {  	s31 =	simm.s32 $0x6;
	v7 =	vld.idx.msk [tilespmem:v2+s4+$0x0], $0xffff;
	v2 =	vor.u32 s30, v0  }
0x9f: {  	v8 =	vor.u32 s31, v0;
	v9 =	vld.idx.msk [tilespmem:v3+s4+$0x0], $0xffff  }
0xa0: {  	v4 =	vld.idx.msk [tilespmem:v4+s4+$0x0], $0xffff  }
0xa1: {  	v5 =	vld.idx.msk [tilespmem:v5+s4+$0x0], $0xffff  }
0xa2: {  	v6 =	vld.idx.msk [tilespmem:v6+s4+$0x0], $0xffff  }
0xa3: {  	v3 =	vld.idx.msk [tilespmem:v2+s4+$0x0], $0xffff  }
0xa4: {  	s25 =	simm.s32 $0x161A0;
	v2 =	vld.idx.msk [tilespmem:v8+s4+$0x0], $0xffff  }
0xa5: {  	[tilespmem:s25+$0x0] =	vst.add.f32.msk $0xffff, v9  }
0xa6: {  	[tilespmem:s25+$0xFFFFFD00] =	vst.add.f32.msk $0xffff, v7  }
0xa7: {  	s26 =	simm.s32 $0x8;
	[tilespmem:s25+$0xFFFFFD80] =	vst.add.f32.msk $0xffff, v4  }
0xa8: {  	s28 =	simm.s32 $0x9;
	[tilespmem:s25+$0xFFFFFE00] =	vst.add.f32.msk $0xffff, v5;
	v5 =	vor.u32 s26, v0  }
0xa9: {  	s29 =	simm.s32 $0xF;
	v4 =	vor.u32 s28, v0;
	s28 =	simm.s32 $0x10;
	[tilespmem:s25+$0xFFFFFE80] =	vst.add.f32.msk $0xffff, v6  }
.LBB2_7:
0xaa: {  	p0 =	slt.u32 s28, $0x38;
	s30 =	sadd.s32 $0x2, s26;
	v6 =	vor.u32 s29, v0;
	[tilespmem:s25+$0xFFFFFF00] =	vst.add.f32.msk $0xffff, v3  }
0xab: {  	s29 =	sadd.s32 $0x3, s26;
	v3 =	vor.u32 s30, v0;
	[tilespmem:s25+$0xFFFFFF80] =	vst.add.f32.msk $0xffff, v2  }
0xac: {  	v2 =	vor.u32 s29, v0;
	s29 =	sadd.s32 $0x4, s26;
	[tilespmem:s25+$0xFFFFFC80] =	vst.add.f32.msk $0xffff, v1  }
0xad: {  	v1 =	vld.idx.msk [tilespmem:v5+s4+$0x0], $0xffff;
	v5 =	vor.u32 s29, v0;
	s29 =	sadd.s32 $0x5, s26  }
0xae: {  	v4 =	vld.idx.msk [tilespmem:v4+s4+$0x0], $0xffff;
	v7 =	vor.u32 s29, v0;
	s29 =	sadd.s32 $0x6, s26;
	s26 =	smov.u32 s28  }
0xaf: {  	v8 =	vor.u32 s29, v0;
	v6 =	vld.idx.msk [tilespmem:v6+s4+$0x0], $0xffff  }
0xb0: {  	v9 =	vld.idx.msk [tilespmem:v3+s4+$0x0], $0xffff  }
0xb1: {  	v10 =	vld.idx.msk [tilespmem:v2+s4+$0x0], $0xffff  }
0xb2: {  	v11 =	vld.idx.msk [tilespmem:v5+s4+$0x0], $0xffff  }
0xb3: {  	v3 =	vld.idx.msk [tilespmem:v7+s4+$0x0], $0xffff  }
0xb4: {  	s25 =	sadd.s32 $0x400, s25;
	v2 =	vld.idx.msk [tilespmem:v8+s4+$0x0], $0xffff  }
.Ltmp2:
0xb5: {  	[tilespmem:s25+$0x0] =	vst.add.f32.msk $0xffff, v6;
	(pc) =	sbr.rel @p0 .LBB2_7-.Ltmp2, $4  }
0xb6: {  	[tilespmem:s25+$0xFFFFFD00] =	vst.add.f32.msk $0xffff, v4  }
0xb7: {  	[tilespmem:s25+$0xFFFFFD80] =	vst.add.f32.msk $0xffff, v9  }
0xb8: {  	s29 =	sadd.s32 $0x1, s28;
	v5 =	vor.u32 s28, v0;
	[tilespmem:s25+$0xFFFFFE00] =	vst.add.f32.msk $0xffff, v10  }
0xb9: {  	s28 =	sadd.s32 $0x8, s28;
	v4 =	vor.u32 s29, v0;
	s29 =	sadd.s32 $0x7, s26;
	[tilespmem:s25+$0xFFFFFE80] =	vst.add.f32.msk $0xffff, v11  }
0xba: {  	_ =	sdelay $0x2  }
0xbb: {  	v6 =	vor.u32 s29, v0;
	[tilespmem:s25+$0xFFFFFC80] =	vst.add.f32.msk $0xffff, v1  }
0xbc: {  	v4 =	vld.idx.msk [tilespmem:v4+s4+$0x0], $0xffff  }
0xbd: {  	s28 =	sadd.s32 $0x2, s26;
	v1 =	vld.idx.msk [tilespmem:v5+s4+$0x0], $0xffff  }
0xbe: {  	[tilespmem:s25+$0xFFFFFF00] =	vst.add.f32.msk $0xffff, v3;
	v3 =	vor.u32 s28, v0;
	s28 =	sadd.s32 $0x3, s26  }
0xbf: {  	[tilespmem:s25+$0xFFFFFF80] =	vst.add.f32.msk $0xffff, v2;
	v2 =	vor.u32 s28, v0;
	s28 =	sadd.s32 $0x4, s26  }
0xc0: {  	s31 =	sadd.s32 $0x6, s26;
	v5 =	vor.u32 s28, v0;
	s28 =	sadd.s32 $0x5, s26;
	s26 =	sadd.s32 $0x400, s25;
	v6 =	vld.idx.msk [tilespmem:v6+s4+$0x0], $0xffff  }
0xc1: {  	v7 =	vor.u32 s28, v0;
	[tilespmem:s26+$0xFFFFFD00] =	vst.add.f32.msk $0xffff, v4  }
0xc2: {  	v0 =	vor.u32 s31, v0;
	[tilespmem:s26+$0xFFFFFC80] =	vst.add.f32.msk $0xffff, v1  }
0xc3: {  	v3 =	vld.idx.msk [tilespmem:v3+s4+$0x0], $0xffff  }
0xc4: {  	v2 =	vld.idx.msk [tilespmem:v2+s4+$0x0], $0xffff  }
0xc5: {  	v5 =	vld.idx.msk [tilespmem:v5+s4+$0x0], $0xffff  }
0xc6: {  	v7 =	vld.idx.msk [tilespmem:v7+s4+$0x0], $0xffff  }
0xc7: {  	v0 =	vld.idx.msk [tilespmem:v0+s4+$0x0], $0xffff  }
0xc8: {  	[tilespmem:s26+$0x0] =	vst.add.f32.msk $0xffff, v6  }
0xc9: {  	[tilespmem:s26+$0xFFFFFD80] =	vst.add.f32.msk $0xffff, v3  }
0xca: {  	[tilespmem:s26+$0xFFFFFE00] =	vst.add.f32.msk $0xffff, v2  }
0xcb: {  	[tilespmem:s26+$0xFFFFFE80] =	vst.add.f32.msk $0xffff, v5  }
0xcc: {  	[tilespmem:s26+$0xFFFFFF00] =	vst.add.f32.msk $0xffff, v7  }
0xcd: {  	[tilespmem:s26+$0xFFFFFF80] =	vst.add.f32.msk $0xffff, v0  }
0xce: {  	v0 =	vld [tilespmem:s22+$0xFA30];
	_ =	sdelay $0x4  }
0xcf: {  	s30 =	simm.s32 $0x0;
	v0 =	vshll.u32 v0, $0x6  }
0xd0: {  	s31 =	simm.s32 $0x1;
	v1 =	vor.u32 s30, v0  }
0xd1: {  	s26 =	simm.s32 $0x7;
	v2 =	vor.u32 s31, v0  }
0xd2: {  	s30 =	simm.s32 $0x2;
	v3 =	vor.u32 s26, v0  }
0xd3: {  	s31 =	simm.s32 $0x3;
	v4 =	vor.u32 s30, v0  }
0xd4: {  	s26 =	simm.s32 $0x4;
	v5 =	vor.u32 s31, v0  }
0xd5: {  	v6 =	vor.u32 s26, v0;
	s30 =	simm.s32 $0x5;
	v1 =	vld.idx.msk [tilespmem:v1+s4+$0x0], $0xffff  }
0xd6: {  	s31 =	simm.s32 $0x6;
	v7 =	vld.idx.msk [tilespmem:v2+s4+$0x0], $0xffff;
	v2 =	vor.u32 s30, v0  }
0xd7: {  	v8 =	vor.u32 s31, v0;
	v9 =	vld.idx.msk [tilespmem:v3+s4+$0x0], $0xffff  }
0xd8: {  	v4 =	vld.idx.msk [tilespmem:v4+s4+$0x0], $0xffff  }
0xd9: {  	v5 =	vld.idx.msk [tilespmem:v5+s4+$0x0], $0xffff  }
0xda: {  	v6 =	vld.idx.msk [tilespmem:v6+s4+$0x0], $0xffff  }
0xdb: {  	v3 =	vld.idx.msk [tilespmem:v2+s4+$0x0], $0xffff  }
0xdc: {  	s25 =	simm.s32 $0x161B0;
	v2 =	vld.idx.msk [tilespmem:v8+s4+$0x0], $0xffff  }
0xdd: {  	[tilespmem:s25+$0x0] =	vst.add.f32.msk $0xffff, v9  }
0xde: {  	[tilespmem:s25+$0xFFFFFD00] =	vst.add.f32.msk $0xffff, v7  }
0xdf: {  	s26 =	simm.s32 $0x8;
	[tilespmem:s25+$0xFFFFFD80] =	vst.add.f32.msk $0xffff, v4  }
0xe0: {  	s28 =	simm.s32 $0x9;
	[tilespmem:s25+$0xFFFFFE00] =	vst.add.f32.msk $0xffff, v5;
	v5 =	vor.u32 s26, v0  }
0xe1: {  	s29 =	simm.s32 $0xF;
	v4 =	vor.u32 s28, v0;
	s28 =	simm.s32 $0x10;
	[tilespmem:s25+$0xFFFFFE80] =	vst.add.f32.msk $0xffff, v6  }
.LBB2_9:
0xe2: {  	p0 =	slt.u32 s28, $0x38;
	s30 =	sadd.s32 $0x2, s26;
	v6 =	vor.u32 s29, v0;
	[tilespmem:s25+$0xFFFFFF00] =	vst.add.f32.msk $0xffff, v3  }
0xe3: {  	s29 =	sadd.s32 $0x3, s26;
	v3 =	vor.u32 s30, v0;
	[tilespmem:s25+$0xFFFFFF80] =	vst.add.f32.msk $0xffff, v2  }
0xe4: {  	v2 =	vor.u32 s29, v0;
	s29 =	sadd.s32 $0x4, s26;
	[tilespmem:s25+$0xFFFFFC80] =	vst.add.f32.msk $0xffff, v1  }
0xe5: {  	v1 =	vld.idx.msk [tilespmem:v5+s4+$0x0], $0xffff;
	v5 =	vor.u32 s29, v0;
	s29 =	sadd.s32 $0x5, s26  }
0xe6: {  	v4 =	vld.idx.msk [tilespmem:v4+s4+$0x0], $0xffff;
	v7 =	vor.u32 s29, v0;
	s29 =	sadd.s32 $0x6, s26;
	s26 =	smov.u32 s28  }
0xe7: {  	v8 =	vor.u32 s29, v0;
	v6 =	vld.idx.msk [tilespmem:v6+s4+$0x0], $0xffff  }
0xe8: {  	v9 =	vld.idx.msk [tilespmem:v3+s4+$0x0], $0xffff  }
0xe9: {  	v10 =	vld.idx.msk [tilespmem:v2+s4+$0x0], $0xffff  }
0xea: {  	v11 =	vld.idx.msk [tilespmem:v5+s4+$0x0], $0xffff  }
0xeb: {  	v3 =	vld.idx.msk [tilespmem:v7+s4+$0x0], $0xffff  }
0xec: {  	s25 =	sadd.s32 $0x400, s25;
	v2 =	vld.idx.msk [tilespmem:v8+s4+$0x0], $0xffff  }
.Ltmp3:
0xed: {  	[tilespmem:s25+$0x0] =	vst.add.f32.msk $0xffff, v6;
	(pc) =	sbr.rel @p0 .LBB2_9-.Ltmp3, $4  }
0xee: {  	[tilespmem:s25+$0xFFFFFD00] =	vst.add.f32.msk $0xffff, v4  }
0xef: {  	[tilespmem:s25+$0xFFFFFD80] =	vst.add.f32.msk $0xffff, v9  }
0xf0: {  	s29 =	sadd.s32 $0x1, s28;
	v5 =	vor.u32 s28, v0;
	[tilespmem:s25+$0xFFFFFE00] =	vst.add.f32.msk $0xffff, v10  }
0xf1: {  	s28 =	sadd.s32 $0x8, s28;
	v4 =	vor.u32 s29, v0;
	s29 =	sadd.s32 $0x7, s26;
	[tilespmem:s25+$0xFFFFFE80] =	vst.add.f32.msk $0xffff, v11  }
0xf2: {  	_ =	sdelay $0x2  }
0xf3: {  	v6 =	vor.u32 s29, v0;
	[tilespmem:s25+$0xFFFFFC80] =	vst.add.f32.msk $0xffff, v1  }
0xf4: {  	v4 =	vld.idx.msk [tilespmem:v4+s4+$0x0], $0xffff  }
0xf5: {  	s28 =	sadd.s32 $0x2, s26;
	v1 =	vld.idx.msk [tilespmem:v5+s4+$0x0], $0xffff  }
0xf6: {  	[tilespmem:s25+$0xFFFFFF00] =	vst.add.f32.msk $0xffff, v3;
	v3 =	vor.u32 s28, v0;
	s28 =	sadd.s32 $0x3, s26  }
0xf7: {  	[tilespmem:s25+$0xFFFFFF80] =	vst.add.f32.msk $0xffff, v2;
	v2 =	vor.u32 s28, v0;
	s28 =	sadd.s32 $0x4, s26  }
0xf8: {  	s31 =	sadd.s32 $0x6, s26;
	v5 =	vor.u32 s28, v0;
	s28 =	sadd.s32 $0x5, s26;
	s26 =	sadd.s32 $0x400, s25;
	v6 =	vld.idx.msk [tilespmem:v6+s4+$0x0], $0xffff  }
0xf9: {  	v7 =	vor.u32 s28, v0;
	[tilespmem:s26+$0xFFFFFD00] =	vst.add.f32.msk $0xffff, v4  }
0xfa: {  	v0 =	vor.u32 s31, v0;
	[tilespmem:s26+$0xFFFFFC80] =	vst.add.f32.msk $0xffff, v1  }
0xfb: {  	v3 =	vld.idx.msk [tilespmem:v3+s4+$0x0], $0xffff  }
0xfc: {  	v2 =	vld.idx.msk [tilespmem:v2+s4+$0x0], $0xffff  }
0xfd: {  	v5 =	vld.idx.msk [tilespmem:v5+s4+$0x0], $0xffff  }
0xfe: {  	v7 =	vld.idx.msk [tilespmem:v7+s4+$0x0], $0xffff  }
0xff: {  	v0 =	vld.idx.msk [tilespmem:v0+s4+$0x0], $0xffff  }
0x100: {  	[tilespmem:s26+$0x0] =	vst.add.f32.msk $0xffff, v6  }
0x101: {  	[tilespmem:s26+$0xFFFFFD80] =	vst.add.f32.msk $0xffff, v3  }
0x102: {  	[tilespmem:s26+$0xFFFFFE00] =	vst.add.f32.msk $0xffff, v2  }
0x103: {  	[tilespmem:s26+$0xFFFFFE80] =	vst.add.f32.msk $0xffff, v5  }
0x104: {  	[tilespmem:s26+$0xFFFFFF00] =	vst.add.f32.msk $0xffff, v7  }
0x105: {  	[tilespmem:s26+$0xFFFFFF80] =	vst.add.f32.msk $0xffff, v0  }
0x106: {  	v0 =	vld [tilespmem:s22+$0xFA40];
	_ =	sdelay $0x4  }
0x107: {  	s30 =	simm.s32 $0x0;
	v0 =	vshll.u32 v0, $0x6  }
0x108: {  	s31 =	simm.s32 $0x1;
	v1 =	vor.u32 s30, v0  }
0x109: {  	s26 =	simm.s32 $0x7;
	v2 =	vor.u32 s31, v0  }
0x10a: {  	s30 =	simm.s32 $0x2;
	v3 =	vor.u32 s26, v0  }
0x10b: {  	s31 =	simm.s32 $0x3;
	v4 =	vor.u32 s30, v0  }
0x10c: {  	s26 =	simm.s32 $0x4;
	v5 =	vor.u32 s31, v0  }
0x10d: {  	v6 =	vor.u32 s26, v0;
	s30 =	simm.s32 $0x5;
	v1 =	vld.idx.msk [tilespmem:v1+s4+$0x0], $0xffff  }
0x10e: {  	s31 =	simm.s32 $0x6;
	v7 =	vld.idx.msk [tilespmem:v2+s4+$0x0], $0xffff;
	v2 =	vor.u32 s30, v0  }
0x10f: {  	v8 =	vor.u32 s31, v0;
	v9 =	vld.idx.msk [tilespmem:v3+s4+$0x0], $0xffff  }
0x110: {  	v4 =	vld.idx.msk [tilespmem:v4+s4+$0x0], $0xffff  }
0x111: {  	v5 =	vld.idx.msk [tilespmem:v5+s4+$0x0], $0xffff  }
0x112: {  	v6 =	vld.idx.msk [tilespmem:v6+s4+$0x0], $0xffff  }
0x113: {  	v3 =	vld.idx.msk [tilespmem:v2+s4+$0x0], $0xffff  }
0x114: {  	s25 =	simm.s32 $0x161C0;
	v2 =	vld.idx.msk [tilespmem:v8+s4+$0x0], $0xffff  }
0x115: {  	[tilespmem:s25+$0x0] =	vst.add.f32.msk $0xffff, v9  }
0x116: {  	[tilespmem:s25+$0xFFFFFD00] =	vst.add.f32.msk $0xffff, v7  }
0x117: {  	s26 =	simm.s32 $0x8;
	[tilespmem:s25+$0xFFFFFD80] =	vst.add.f32.msk $0xffff, v4  }
0x118: {  	s28 =	simm.s32 $0x9;
	[tilespmem:s25+$0xFFFFFE00] =	vst.add.f32.msk $0xffff, v5;
	v5 =	vor.u32 s26, v0  }
0x119: {  	s29 =	simm.s32 $0xF;
	v4 =	vor.u32 s28, v0;
	s28 =	simm.s32 $0x10;
	[tilespmem:s25+$0xFFFFFE80] =	vst.add.f32.msk $0xffff, v6  }
.LBB2_11:
0x11a: {  	p0 =	slt.u32 s28, $0x38;
	s30 =	sadd.s32 $0x2, s26;
	v6 =	vor.u32 s29, v0;
	[tilespmem:s25+$0xFFFFFF00] =	vst.add.f32.msk $0xffff, v3  }
0x11b: {  	s29 =	sadd.s32 $0x3, s26;
	v3 =	vor.u32 s30, v0;
	[tilespmem:s25+$0xFFFFFF80] =	vst.add.f32.msk $0xffff, v2  }
0x11c: {  	v2 =	vor.u32 s29, v0;
	s29 =	sadd.s32 $0x4, s26;
	[tilespmem:s25+$0xFFFFFC80] =	vst.add.f32.msk $0xffff, v1  }
0x11d: {  	v1 =	vld.idx.msk [tilespmem:v5+s4+$0x0], $0xffff;
	v5 =	vor.u32 s29, v0;
	s29 =	sadd.s32 $0x5, s26  }
0x11e: {  	v4 =	vld.idx.msk [tilespmem:v4+s4+$0x0], $0xffff;
	v7 =	vor.u32 s29, v0;
	s29 =	sadd.s32 $0x6, s26;
	s26 =	smov.u32 s28  }
0x11f: {  	v8 =	vor.u32 s29, v0;
	v6 =	vld.idx.msk [tilespmem:v6+s4+$0x0], $0xffff  }
0x120: {  	v9 =	vld.idx.msk [tilespmem:v3+s4+$0x0], $0xffff  }
0x121: {  	v10 =	vld.idx.msk [tilespmem:v2+s4+$0x0], $0xffff  }
0x122: {  	v11 =	vld.idx.msk [tilespmem:v5+s4+$0x0], $0xffff  }
0x123: {  	v3 =	vld.idx.msk [tilespmem:v7+s4+$0x0], $0xffff  }
0x124: {  	s25 =	sadd.s32 $0x400, s25;
	v2 =	vld.idx.msk [tilespmem:v8+s4+$0x0], $0xffff  }
.Ltmp4:
0x125: {  	[tilespmem:s25+$0x0] =	vst.add.f32.msk $0xffff, v6;
	(pc) =	sbr.rel @p0 .LBB2_11-.Ltmp4, $4  }
0x126: {  	[tilespmem:s25+$0xFFFFFD00] =	vst.add.f32.msk $0xffff, v4  }
0x127: {  	[tilespmem:s25+$0xFFFFFD80] =	vst.add.f32.msk $0xffff, v9  }
0x128: {  	s29 =	sadd.s32 $0x1, s28;
	v5 =	vor.u32 s28, v0;
	[tilespmem:s25+$0xFFFFFE00] =	vst.add.f32.msk $0xffff, v10  }
0x129: {  	s28 =	sadd.s32 $0x8, s28;
	v4 =	vor.u32 s29, v0;
	s29 =	sadd.s32 $0x7, s26;
	[tilespmem:s25+$0xFFFFFE80] =	vst.add.f32.msk $0xffff, v11  }
0x12a: {  	_ =	sdelay $0x2  }
0x12b: {  	v6 =	vor.u32 s29, v0;
	[tilespmem:s25+$0xFFFFFC80] =	vst.add.f32.msk $0xffff, v1  }
0x12c: {  	v4 =	vld.idx.msk [tilespmem:v4+s4+$0x0], $0xffff  }
0x12d: {  	s28 =	sadd.s32 $0x2, s26;
	v1 =	vld.idx.msk [tilespmem:v5+s4+$0x0], $0xffff  }
0x12e: {  	[tilespmem:s25+$0xFFFFFF00] =	vst.add.f32.msk $0xffff, v3;
	v3 =	vor.u32 s28, v0;
	s28 =	sadd.s32 $0x3, s26  }
0x12f: {  	[tilespmem:s25+$0xFFFFFF80] =	vst.add.f32.msk $0xffff, v2;
	v2 =	vor.u32 s28, v0;
	s28 =	sadd.s32 $0x4, s26  }
0x130: {  	s31 =	sadd.s32 $0x6, s26;
	v5 =	vor.u32 s28, v0;
	s28 =	sadd.s32 $0x5, s26;
	s26 =	sadd.s32 $0x400, s25;
	v6 =	vld.idx.msk [tilespmem:v6+s4+$0x0], $0xffff  }
0x131: {  	v7 =	vor.u32 s28, v0;
	[tilespmem:s26+$0xFFFFFD00] =	vst.add.f32.msk $0xffff, v4  }
0x132: {  	v0 =	vor.u32 s31, v0;
	[tilespmem:s26+$0xFFFFFC80] =	vst.add.f32.msk $0xffff, v1  }
0x133: {  	v3 =	vld.idx.msk [tilespmem:v3+s4+$0x0], $0xffff  }
0x134: {  	v2 =	vld.idx.msk [tilespmem:v2+s4+$0x0], $0xffff  }
0x135: {  	v5 =	vld.idx.msk [tilespmem:v5+s4+$0x0], $0xffff  }
0x136: {  	v7 =	vld.idx.msk [tilespmem:v7+s4+$0x0], $0xffff  }
0x137: {  	v0 =	vld.idx.msk [tilespmem:v0+s4+$0x0], $0xffff  }
0x138: {  	[tilespmem:s26+$0x0] =	vst.add.f32.msk $0xffff, v6  }
0x139: {  	[tilespmem:s26+$0xFFFFFD80] =	vst.add.f32.msk $0xffff, v3  }
0x13a: {  	[tilespmem:s26+$0xFFFFFE00] =	vst.add.f32.msk $0xffff, v2  }
0x13b: {  	[tilespmem:s26+$0xFFFFFE80] =	vst.add.f32.msk $0xffff, v5  }
0x13c: {  	[tilespmem:s26+$0xFFFFFF00] =	vst.add.f32.msk $0xffff, v7  }
0x13d: {  	[tilespmem:s26+$0xFFFFFF80] =	vst.add.f32.msk $0xffff, v0  }
0x13e: {  	v0 =	vld [tilespmem:s22+$0xFA50];
	_ =	sdelay $0x4  }
0x13f: {  	s30 =	simm.s32 $0x0;
	v0 =	vshll.u32 v0, $0x6  }
0x140: {  	s31 =	simm.s32 $0x1;
	v1 =	vor.u32 s30, v0  }
0x141: {  	s26 =	simm.s32 $0x7;
	v2 =	vor.u32 s31, v0  }
0x142: {  	s30 =	simm.s32 $0x2;
	v3 =	vor.u32 s26, v0  }
0x143: {  	s31 =	simm.s32 $0x3;
	v4 =	vor.u32 s30, v0  }
0x144: {  	s26 =	simm.s32 $0x4;
	v5 =	vor.u32 s31, v0  }
0x145: {  	v6 =	vor.u32 s26, v0;
	s30 =	simm.s32 $0x5;
	v1 =	vld.idx.msk [tilespmem:v1+s4+$0x0], $0xffff  }
0x146: {  	s31 =	simm.s32 $0x6;
	v7 =	vld.idx.msk [tilespmem:v2+s4+$0x0], $0xffff;
	v2 =	vor.u32 s30, v0  }
0x147: {  	v8 =	vor.u32 s31, v0;
	v9 =	vld.idx.msk [tilespmem:v3+s4+$0x0], $0xffff  }
0x148: {  	v4 =	vld.idx.msk [tilespmem:v4+s4+$0x0], $0xffff  }
0x149: {  	v5 =	vld.idx.msk [tilespmem:v5+s4+$0x0], $0xffff  }
0x14a: {  	v6 =	vld.idx.msk [tilespmem:v6+s4+$0x0], $0xffff  }
0x14b: {  	v3 =	vld.idx.msk [tilespmem:v2+s4+$0x0], $0xffff  }
0x14c: {  	s25 =	simm.s32 $0x161D0;
	v2 =	vld.idx.msk [tilespmem:v8+s4+$0x0], $0xffff  }
0x14d: {  	[tilespmem:s25+$0x0] =	vst.add.f32.msk $0xffff, v9  }
0x14e: {  	[tilespmem:s25+$0xFFFFFD00] =	vst.add.f32.msk $0xffff, v7  }
0x14f: {  	s26 =	simm.s32 $0x8;
	[tilespmem:s25+$0xFFFFFD80] =	vst.add.f32.msk $0xffff, v4  }
0x150: {  	s28 =	simm.s32 $0x9;
	[tilespmem:s25+$0xFFFFFE00] =	vst.add.f32.msk $0xffff, v5;
	v5 =	vor.u32 s26, v0  }
0x151: {  	s29 =	simm.s32 $0xF;
	v4 =	vor.u32 s28, v0;
	s28 =	simm.s32 $0x10;
	[tilespmem:s25+$0xFFFFFE80] =	vst.add.f32.msk $0xffff, v6  }
.LBB2_13:
0x152: {  	p0 =	slt.u32 s28, $0x38;
	s30 =	sadd.s32 $0x2, s26;
	v6 =	vor.u32 s29, v0;
	[tilespmem:s25+$0xFFFFFF00] =	vst.add.f32.msk $0xffff, v3  }
0x153: {  	s29 =	sadd.s32 $0x3, s26;
	v3 =	vor.u32 s30, v0;
	[tilespmem:s25+$0xFFFFFF80] =	vst.add.f32.msk $0xffff, v2  }
0x154: {  	v2 =	vor.u32 s29, v0;
	s29 =	sadd.s32 $0x4, s26;
	[tilespmem:s25+$0xFFFFFC80] =	vst.add.f32.msk $0xffff, v1  }
0x155: {  	v1 =	vld.idx.msk [tilespmem:v5+s4+$0x0], $0xffff;
	v5 =	vor.u32 s29, v0;
	s29 =	sadd.s32 $0x5, s26  }
0x156: {  	v4 =	vld.idx.msk [tilespmem:v4+s4+$0x0], $0xffff;
	v7 =	vor.u32 s29, v0;
	s29 =	sadd.s32 $0x6, s26;
	s26 =	smov.u32 s28  }
0x157: {  	v8 =	vor.u32 s29, v0;
	v6 =	vld.idx.msk [tilespmem:v6+s4+$0x0], $0xffff  }
0x158: {  	v9 =	vld.idx.msk [tilespmem:v3+s4+$0x0], $0xffff  }
0x159: {  	v10 =	vld.idx.msk [tilespmem:v2+s4+$0x0], $0xffff  }
0x15a: {  	v11 =	vld.idx.msk [tilespmem:v5+s4+$0x0], $0xffff  }
0x15b: {  	v3 =	vld.idx.msk [tilespmem:v7+s4+$0x0], $0xffff  }
0x15c: {  	s25 =	sadd.s32 $0x400, s25;
	v2 =	vld.idx.msk [tilespmem:v8+s4+$0x0], $0xffff  }
.Ltmp5:
0x15d: {  	[tilespmem:s25+$0x0] =	vst.add.f32.msk $0xffff, v6;
	(pc) =	sbr.rel @p0 .LBB2_13-.Ltmp5, $4  }
0x15e: {  	[tilespmem:s25+$0xFFFFFD00] =	vst.add.f32.msk $0xffff, v4  }
0x15f: {  	[tilespmem:s25+$0xFFFFFD80] =	vst.add.f32.msk $0xffff, v9  }
0x160: {  	s29 =	sadd.s32 $0x1, s28;
	v5 =	vor.u32 s28, v0;
	[tilespmem:s25+$0xFFFFFE00] =	vst.add.f32.msk $0xffff, v10  }
0x161: {  	s28 =	sadd.s32 $0x8, s28;
	v4 =	vor.u32 s29, v0;
	s29 =	sadd.s32 $0x7, s26;
	[tilespmem:s25+$0xFFFFFE80] =	vst.add.f32.msk $0xffff, v11  }
0x162: {  	_ =	sdelay $0x2  }
0x163: {  	v6 =	vor.u32 s29, v0;
	[tilespmem:s25+$0xFFFFFC80] =	vst.add.f32.msk $0xffff, v1  }
0x164: {  	v4 =	vld.idx.msk [tilespmem:v4+s4+$0x0], $0xffff  }
0x165: {  	s28 =	sadd.s32 $0x2, s26;
	v1 =	vld.idx.msk [tilespmem:v5+s4+$0x0], $0xffff  }
0x166: {  	[tilespmem:s25+$0xFFFFFF00] =	vst.add.f32.msk $0xffff, v3;
	v3 =	vor.u32 s28, v0;
	s28 =	sadd.s32 $0x3, s26  }
0x167: {  	[tilespmem:s25+$0xFFFFFF80] =	vst.add.f32.msk $0xffff, v2;
	v2 =	vor.u32 s28, v0;
	s28 =	sadd.s32 $0x4, s26  }
0x168: {  	s31 =	sadd.s32 $0x6, s26;
	v5 =	vor.u32 s28, v0;
	s28 =	sadd.s32 $0x5, s26;
	s26 =	sadd.s32 $0x400, s25;
	v6 =	vld.idx.msk [tilespmem:v6+s4+$0x0], $0xffff  }
0x169: {  	v7 =	vor.u32 s28, v0;
	[tilespmem:s26+$0xFFFFFD00] =	vst.add.f32.msk $0xffff, v4  }
0x16a: {  	v0 =	vor.u32 s31, v0;
	[tilespmem:s26+$0xFFFFFC80] =	vst.add.f32.msk $0xffff, v1  }
0x16b: {  	v3 =	vld.idx.msk [tilespmem:v3+s4+$0x0], $0xffff  }
0x16c: {  	v2 =	vld.idx.msk [tilespmem:v2+s4+$0x0], $0xffff  }
0x16d: {  	v5 =	vld.idx.msk [tilespmem:v5+s4+$0x0], $0xffff  }
0x16e: {  	v7 =	vld.idx.msk [tilespmem:v7+s4+$0x0], $0xffff  }
0x16f: {  	v0 =	vld.idx.msk [tilespmem:v0+s4+$0x0], $0xffff  }
0x170: {  	[tilespmem:s26+$0x0] =	vst.add.f32.msk $0xffff, v6  }
0x171: {  	[tilespmem:s26+$0xFFFFFD80] =	vst.add.f32.msk $0xffff, v3  }
0x172: {  	[tilespmem:s26+$0xFFFFFE00] =	vst.add.f32.msk $0xffff, v2  }
0x173: {  	[tilespmem:s26+$0xFFFFFE80] =	vst.add.f32.msk $0xffff, v5  }
0x174: {  	[tilespmem:s26+$0xFFFFFF00] =	vst.add.f32.msk $0xffff, v7  }
0x175: {  	[tilespmem:s26+$0xFFFFFF80] =	vst.add.f32.msk $0xffff, v0  }
0x176: {  	v0 =	vld [tilespmem:s22+$0xFA60];
	_ =	sdelay $0x4  }
0x177: {  	s30 =	simm.s32 $0x0;
	v0 =	vshll.u32 v0, $0x6  }
0x178: {  	s31 =	simm.s32 $0x1;
	v1 =	vor.u32 s30, v0  }
0x179: {  	s26 =	simm.s32 $0x7;
	v2 =	vor.u32 s31, v0  }
0x17a: {  	s30 =	simm.s32 $0x2;
	v3 =	vor.u32 s26, v0  }
0x17b: {  	s31 =	simm.s32 $0x3;
	v4 =	vor.u32 s30, v0  }
0x17c: {  	s26 =	simm.s32 $0x4;
	v5 =	vor.u32 s31, v0  }
0x17d: {  	v6 =	vor.u32 s26, v0;
	s30 =	simm.s32 $0x5;
	v1 =	vld.idx.msk [tilespmem:v1+s4+$0x0], $0xffff  }
0x17e: {  	s31 =	simm.s32 $0x6;
	v7 =	vld.idx.msk [tilespmem:v2+s4+$0x0], $0xffff;
	v2 =	vor.u32 s30, v0  }
0x17f: {  	v8 =	vor.u32 s31, v0;
	v9 =	vld.idx.msk [tilespmem:v3+s4+$0x0], $0xffff  }
0x180: {  	v4 =	vld.idx.msk [tilespmem:v4+s4+$0x0], $0xffff  }
0x181: {  	v5 =	vld.idx.msk [tilespmem:v5+s4+$0x0], $0xffff  }
0x182: {  	v6 =	vld.idx.msk [tilespmem:v6+s4+$0x0], $0xffff  }
0x183: {  	v3 =	vld.idx.msk [tilespmem:v2+s4+$0x0], $0xffff  }
0x184: {  	s25 =	simm.s32 $0x161E0;
	v2 =	vld.idx.msk [tilespmem:v8+s4+$0x0], $0xffff  }
0x185: {  	[tilespmem:s25+$0x0] =	vst.add.f32.msk $0xffff, v9  }
0x186: {  	[tilespmem:s25+$0xFFFFFD00] =	vst.add.f32.msk $0xffff, v7  }
0x187: {  	s26 =	simm.s32 $0x8;
	[tilespmem:s25+$0xFFFFFD80] =	vst.add.f32.msk $0xffff, v4  }
0x188: {  	s28 =	simm.s32 $0x9;
	[tilespmem:s25+$0xFFFFFE00] =	vst.add.f32.msk $0xffff, v5;
	v5 =	vor.u32 s26, v0  }
0x189: {  	s29 =	simm.s32 $0xF;
	v4 =	vor.u32 s28, v0;
	s28 =	simm.s32 $0x10;
	[tilespmem:s25+$0xFFFFFE80] =	vst.add.f32.msk $0xffff, v6  }
.LBB2_15:
0x18a: {  	p0 =	slt.u32 s28, $0x38;
	s30 =	sadd.s32 $0x2, s26;
	v6 =	vor.u32 s29, v0;
	[tilespmem:s25+$0xFFFFFF00] =	vst.add.f32.msk $0xffff, v3  }
0x18b: {  	s29 =	sadd.s32 $0x3, s26;
	v3 =	vor.u32 s30, v0;
	[tilespmem:s25+$0xFFFFFF80] =	vst.add.f32.msk $0xffff, v2  }
0x18c: {  	v2 =	vor.u32 s29, v0;
	s29 =	sadd.s32 $0x4, s26;
	[tilespmem:s25+$0xFFFFFC80] =	vst.add.f32.msk $0xffff, v1  }
0x18d: {  	v1 =	vld.idx.msk [tilespmem:v5+s4+$0x0], $0xffff;
	v5 =	vor.u32 s29, v0;
	s29 =	sadd.s32 $0x5, s26  }
0x18e: {  	v4 =	vld.idx.msk [tilespmem:v4+s4+$0x0], $0xffff;
	v7 =	vor.u32 s29, v0;
	s29 =	sadd.s32 $0x6, s26;
	s26 =	smov.u32 s28  }
0x18f: {  	v8 =	vor.u32 s29, v0;
	v6 =	vld.idx.msk [tilespmem:v6+s4+$0x0], $0xffff  }
0x190: {  	v9 =	vld.idx.msk [tilespmem:v3+s4+$0x0], $0xffff  }
0x191: {  	v10 =	vld.idx.msk [tilespmem:v2+s4+$0x0], $0xffff  }
0x192: {  	v11 =	vld.idx.msk [tilespmem:v5+s4+$0x0], $0xffff  }
0x193: {  	v3 =	vld.idx.msk [tilespmem:v7+s4+$0x0], $0xffff  }
0x194: {  	s25 =	sadd.s32 $0x400, s25;
	v2 =	vld.idx.msk [tilespmem:v8+s4+$0x0], $0xffff  }
.Ltmp6:
0x195: {  	[tilespmem:s25+$0x0] =	vst.add.f32.msk $0xffff, v6;
	(pc) =	sbr.rel @p0 .LBB2_15-.Ltmp6, $4  }
0x196: {  	[tilespmem:s25+$0xFFFFFD00] =	vst.add.f32.msk $0xffff, v4  }
0x197: {  	[tilespmem:s25+$0xFFFFFD80] =	vst.add.f32.msk $0xffff, v9  }
0x198: {  	s29 =	sadd.s32 $0x1, s28;
	v5 =	vor.u32 s28, v0;
	[tilespmem:s25+$0xFFFFFE00] =	vst.add.f32.msk $0xffff, v10  }
0x199: {  	s28 =	sadd.s32 $0x8, s28;
	v4 =	vor.u32 s29, v0;
	s29 =	sadd.s32 $0x7, s26;
	[tilespmem:s25+$0xFFFFFE80] =	vst.add.f32.msk $0xffff, v11  }
0x19a: {  	_ =	sdelay $0x2  }
0x19b: {  	v6 =	vor.u32 s29, v0;
	[tilespmem:s25+$0xFFFFFC80] =	vst.add.f32.msk $0xffff, v1  }
0x19c: {  	v4 =	vld.idx.msk [tilespmem:v4+s4+$0x0], $0xffff  }
0x19d: {  	s28 =	sadd.s32 $0x2, s26;
	v1 =	vld.idx.msk [tilespmem:v5+s4+$0x0], $0xffff  }
0x19e: {  	[tilespmem:s25+$0xFFFFFF00] =	vst.add.f32.msk $0xffff, v3;
	v3 =	vor.u32 s28, v0;
	s28 =	sadd.s32 $0x3, s26  }
0x19f: {  	[tilespmem:s25+$0xFFFFFF80] =	vst.add.f32.msk $0xffff, v2;
	v2 =	vor.u32 s28, v0;
	s28 =	sadd.s32 $0x4, s26  }
0x1a0: {  	s31 =	sadd.s32 $0x6, s26;
	v5 =	vor.u32 s28, v0;
	s28 =	sadd.s32 $0x5, s26;
	s26 =	sadd.s32 $0x400, s25;
	v6 =	vld.idx.msk [tilespmem:v6+s4+$0x0], $0xffff  }
0x1a1: {  	v7 =	vor.u32 s28, v0;
	[tilespmem:s26+$0xFFFFFD00] =	vst.add.f32.msk $0xffff, v4  }
0x1a2: {  	v0 =	vor.u32 s31, v0;
	[tilespmem:s26+$0xFFFFFC80] =	vst.add.f32.msk $0xffff, v1  }
0x1a3: {  	v3 =	vld.idx.msk [tilespmem:v3+s4+$0x0], $0xffff  }
0x1a4: {  	v2 =	vld.idx.msk [tilespmem:v2+s4+$0x0], $0xffff  }
0x1a5: {  	v5 =	vld.idx.msk [tilespmem:v5+s4+$0x0], $0xffff  }
0x1a6: {  	v7 =	vld.idx.msk [tilespmem:v7+s4+$0x0], $0xffff  }
0x1a7: {  	v0 =	vld.idx.msk [tilespmem:v0+s4+$0x0], $0xffff  }
0x1a8: {  	[tilespmem:s26+$0x0] =	vst.add.f32.msk $0xffff, v6  }
0x1a9: {  	[tilespmem:s26+$0xFFFFFD80] =	vst.add.f32.msk $0xffff, v3  }
0x1aa: {  	[tilespmem:s26+$0xFFFFFE00] =	vst.add.f32.msk $0xffff, v2  }
0x1ab: {  	[tilespmem:s26+$0xFFFFFE80] =	vst.add.f32.msk $0xffff, v5  }
0x1ac: {  	[tilespmem:s26+$0xFFFFFF00] =	vst.add.f32.msk $0xffff, v7  }
0x1ad: {  	[tilespmem:s26+$0xFFFFFF80] =	vst.add.f32.msk $0xffff, v0  }
0x1ae: {  	v0 =	vld [tilespmem:s22+$0xFA70];
	_ =	sdelay $0x4  }
0x1af: {  	s30 =	simm.s32 $0x0;
	v0 =	vshll.u32 v0, $0x6  }
0x1b0: {  	s31 =	simm.s32 $0x1;
	v1 =	vor.u32 s30, v0  }
0x1b1: {  	s26 =	simm.s32 $0x7;
	v2 =	vor.u32 s31, v0  }
0x1b2: {  	s30 =	simm.s32 $0x2;
	v3 =	vor.u32 s26, v0  }
0x1b3: {  	s31 =	simm.s32 $0x3;
	v4 =	vor.u32 s30, v0  }
0x1b4: {  	s26 =	simm.s32 $0x4;
	v5 =	vor.u32 s31, v0  }
0x1b5: {  	v6 =	vor.u32 s26, v0;
	s30 =	simm.s32 $0x5;
	v1 =	vld.idx.msk [tilespmem:v1+s4+$0x0], $0xffff  }
0x1b6: {  	s31 =	simm.s32 $0x6;
	v7 =	vld.idx.msk [tilespmem:v2+s4+$0x0], $0xffff;
	v2 =	vor.u32 s30, v0  }
0x1b7: {  	v8 =	vor.u32 s31, v0;
	v9 =	vld.idx.msk [tilespmem:v3+s4+$0x0], $0xffff  }
0x1b8: {  	v4 =	vld.idx.msk [tilespmem:v4+s4+$0x0], $0xffff  }
0x1b9: {  	v5 =	vld.idx.msk [tilespmem:v5+s4+$0x0], $0xffff  }
0x1ba: {  	v6 =	vld.idx.msk [tilespmem:v6+s4+$0x0], $0xffff  }
0x1bb: {  	v3 =	vld.idx.msk [tilespmem:v2+s4+$0x0], $0xffff  }
0x1bc: {  	s25 =	simm.s32 $0x161F0;
	v2 =	vld.idx.msk [tilespmem:v8+s4+$0x0], $0xffff  }
0x1bd: {  	[tilespmem:s25+$0x0] =	vst.add.f32.msk $0xffff, v9  }
0x1be: {  	[tilespmem:s25+$0xFFFFFD00] =	vst.add.f32.msk $0xffff, v7  }
0x1bf: {  	s26 =	simm.s32 $0x8;
	[tilespmem:s25+$0xFFFFFD80] =	vst.add.f32.msk $0xffff, v4  }
0x1c0: {  	s28 =	simm.s32 $0x9;
	[tilespmem:s25+$0xFFFFFE00] =	vst.add.f32.msk $0xffff, v5;
	v5 =	vor.u32 s26, v0  }
0x1c1: {  	s29 =	simm.s32 $0xF;
	v4 =	vor.u32 s28, v0;
	s28 =	simm.s32 $0x10;
	[tilespmem:s25+$0xFFFFFE80] =	vst.add.f32.msk $0xffff, v6  }
.LBB2_17:
0x1c2: {  	p0 =	slt.u32 s28, $0x38;
	s30 =	sadd.s32 $0x2, s26;
	v6 =	vor.u32 s29, v0;
	[tilespmem:s25+$0xFFFFFF00] =	vst.add.f32.msk $0xffff, v3  }
0x1c3: {  	s29 =	sadd.s32 $0x3, s26;
	v3 =	vor.u32 s30, v0;
	[tilespmem:s25+$0xFFFFFF80] =	vst.add.f32.msk $0xffff, v2  }
0x1c4: {  	v2 =	vor.u32 s29, v0;
	s29 =	sadd.s32 $0x4, s26;
	[tilespmem:s25+$0xFFFFFC80] =	vst.add.f32.msk $0xffff, v1  }
0x1c5: {  	v1 =	vld.idx.msk [tilespmem:v5+s4+$0x0], $0xffff;
	v5 =	vor.u32 s29, v0;
	s29 =	sadd.s32 $0x5, s26  }
0x1c6: {  	v4 =	vld.idx.msk [tilespmem:v4+s4+$0x0], $0xffff;
	v7 =	vor.u32 s29, v0;
	s29 =	sadd.s32 $0x6, s26;
	s26 =	smov.u32 s28  }
0x1c7: {  	v8 =	vor.u32 s29, v0;
	v6 =	vld.idx.msk [tilespmem:v6+s4+$0x0], $0xffff  }
0x1c8: {  	v9 =	vld.idx.msk [tilespmem:v3+s4+$0x0], $0xffff  }
0x1c9: {  	v10 =	vld.idx.msk [tilespmem:v2+s4+$0x0], $0xffff  }
0x1ca: {  	v11 =	vld.idx.msk [tilespmem:v5+s4+$0x0], $0xffff  }
0x1cb: {  	v3 =	vld.idx.msk [tilespmem:v7+s4+$0x0], $0xffff  }
0x1cc: {  	s25 =	sadd.s32 $0x400, s25;
	v2 =	vld.idx.msk [tilespmem:v8+s4+$0x0], $0xffff  }
.Ltmp7:
0x1cd: {  	[tilespmem:s25+$0x0] =	vst.add.f32.msk $0xffff, v6;
	(pc) =	sbr.rel @p0 .LBB2_17-.Ltmp7, $4  }
0x1ce: {  	[tilespmem:s25+$0xFFFFFD00] =	vst.add.f32.msk $0xffff, v4  }
0x1cf: {  	[tilespmem:s25+$0xFFFFFD80] =	vst.add.f32.msk $0xffff, v9  }
0x1d0: {  	s29 =	sadd.s32 $0x1, s28;
	v5 =	vor.u32 s28, v0;
	[tilespmem:s25+$0xFFFFFE00] =	vst.add.f32.msk $0xffff, v10  }
0x1d1: {  	s28 =	sadd.s32 $0x8, s28;
	v4 =	vor.u32 s29, v0;
	s29 =	sadd.s32 $0x7, s26;
	[tilespmem:s25+$0xFFFFFE80] =	vst.add.f32.msk $0xffff, v11  }
0x1d2: {  	_ =	sdelay $0x2  }
0x1d3: {  	v6 =	vor.u32 s29, v0;
	[tilespmem:s25+$0xFFFFFC80] =	vst.add.f32.msk $0xffff, v1  }
0x1d4: {  	v4 =	vld.idx.msk [tilespmem:v4+s4+$0x0], $0xffff  }
0x1d5: {  	s28 =	sadd.s32 $0x2, s26;
	v1 =	vld.idx.msk [tilespmem:v5+s4+$0x0], $0xffff  }
0x1d6: {  	[tilespmem:s25+$0xFFFFFF00] =	vst.add.f32.msk $0xffff, v3;
	v3 =	vor.u32 s28, v0;
	s28 =	sadd.s32 $0x3, s26  }
0x1d7: {  	[tilespmem:s25+$0xFFFFFF80] =	vst.add.f32.msk $0xffff, v2;
	v2 =	vor.u32 s28, v0;
	s28 =	sadd.s32 $0x4, s26  }
0x1d8: {  	s31 =	sadd.s32 $0x6, s26;
	v5 =	vor.u32 s28, v0;
	s28 =	sadd.s32 $0x5, s26;
	s26 =	sadd.s32 $0x400, s25;
	v6 =	vld.idx.msk [tilespmem:v6+s4+$0x0], $0xffff  }
0x1d9: {  	v7 =	vor.u32 s28, v0;
	[tilespmem:s26+$0xFFFFFD00] =	vst.add.f32.msk $0xffff, v4  }
0x1da: {  	v0 =	vor.u32 s31, v0;
	[tilespmem:s26+$0xFFFFFC80] =	vst.add.f32.msk $0xffff, v1  }
0x1db: {  	v3 =	vld.idx.msk [tilespmem:v3+s4+$0x0], $0xffff  }
0x1dc: {  	v2 =	vld.idx.msk [tilespmem:v2+s4+$0x0], $0xffff  }
0x1dd: {  	v5 =	vld.idx.msk [tilespmem:v5+s4+$0x0], $0xffff  }
0x1de: {  	v7 =	vld.idx.msk [tilespmem:v7+s4+$0x0], $0xffff  }
0x1df: {  	v0 =	vld.idx.msk [tilespmem:v0+s4+$0x0], $0xffff  }
0x1e0: {  	[tilespmem:s26+$0x0] =	vst.add.f32.msk $0xffff, v6  }
0x1e1: {  	[tilespmem:s26+$0xFFFFFD80] =	vst.add.f32.msk $0xffff, v3  }
0x1e2: {  	[tilespmem:s26+$0xFFFFFE00] =	vst.add.f32.msk $0xffff, v2  }
0x1e3: {  	s25 =	sand.u32 $0x7C00, s22;
	[tilespmem:s26+$0xFFFFFE80] =	vst.add.f32.msk $0xffff, v5  }
0x1e4: {  	s31 =	sand.u32 $0x200, s22;
	s25 =	sadd.s32 $0xFA00, s25;
	[tilespmem:s26+$0xFFFFFF00] =	vst.add.f32.msk $0xffff, v7  }
0x1e5: {  	s22 =	sadd.s32 s31, s25;
	[tilespmem:s26+$0xFFFFFF80] =	vst.add.f32.msk $0xffff, v0  }
0x1e6: {  	v0 =	vld [tilespmem:s22+$0x80];
	_ =	sdelay $0x4  }
0x1e7: {  	s31 =	simm.s32 $0x0;
	v0 =	vshll.u32 v0, $0x6  }
0x1e8: {  	s28 =	simm.s32 $0x2;
	v1 =	vor.u32 s31, v0  }
0x1e9: {  	s31 =	simm.s32 $0x1;
	v4 =	vor.u32 s28, v0  }
0x1ea: {  	v2 =	vor.u32 s31, v0;
	s31 =	simm.s32 $0x7  }
0x1eb: {  	v3 =	vor.u32 s31, v0;
	s31 =	simm.s32 $0x3  }
0x1ec: {  	v5 =	vor.u32 s31, v0;
	s31 =	simm.s32 $0x4  }
0x1ed: {  	v6 =	vor.u32 s31, v0;
	v1 =	vld.idx.msk [tilespmem:v1+s4+$0x0], $0xffff  }
0x1ee: {  	s31 =	simm.s32 $0x5;
	v4 =	vld.idx.msk [tilespmem:v4+s4+$0x0], $0xffff  }
0x1ef: {  	v7 =	vld.idx.msk [tilespmem:v2+s4+$0x0], $0xffff;
	v2 =	vor.u32 s31, v0  }
0x1f0: {  	s31 =	simm.s32 $0x6;
	v9 =	vld.idx.msk [tilespmem:v3+s4+$0x0], $0xffff  }
0x1f1: {  	v8 =	vor.u32 s31, v0;
	v5 =	vld.idx.msk [tilespmem:v5+s4+$0x0], $0xffff  }
0x1f2: {  	s26 =	simm.s32 $0x18180;
	v6 =	vld.idx.msk [tilespmem:v6+s4+$0x0], $0xffff  }
0x1f3: {  	[tilespmem:s26+$0xFFFFFD80] =	vst.add.f32.msk $0xffff, v4  }
0x1f4: {  	v3 =	vld.idx.msk [tilespmem:v2+s4+$0x0], $0xffff  }
0x1f5: {  	[tilespmem:s26+$0xFFFFFD00] =	vst.add.f32.msk $0xffff, v7  }
0x1f6: {  	v2 =	vld.idx.msk [tilespmem:v8+s4+$0x0], $0xffff  }
0x1f7: {  	s28 =	simm.s32 $0x8;
	[tilespmem:s26+$0x0] =	vst.add.f32.msk $0xffff, v9  }
0x1f8: {  	s29 =	simm.s32 $0x9;
	[tilespmem:s26+$0xFFFFFE00] =	vst.add.f32.msk $0xffff, v5;
	v5 =	vor.u32 s28, v0  }
0x1f9: {  	s30 =	simm.s32 $0xF;
	v4 =	vor.u32 s29, v0;
	s29 =	simm.s32 $0x10;
	[tilespmem:s26+$0xFFFFFE80] =	vst.add.f32.msk $0xffff, v6  }
.LBB2_19:
0x1fa: {  	p0 =	slt.u32 s29, $0x38;
	s31 =	sadd.s32 $0x2, s28;
	v6 =	vor.u32 s30, v0;
	[tilespmem:s26+$0xFFFFFF00] =	vst.add.f32.msk $0xffff, v3  }
0x1fb: {  	s30 =	sadd.s32 $0x3, s28;
	v3 =	vor.u32 s31, v0;
	[tilespmem:s26+$0xFFFFFF80] =	vst.add.f32.msk $0xffff, v2  }
0x1fc: {  	v2 =	vor.u32 s30, v0;
	s30 =	sadd.s32 $0x4, s28;
	[tilespmem:s26+$0xFFFFFC80] =	vst.add.f32.msk $0xffff, v1  }
0x1fd: {  	v1 =	vld.idx.msk [tilespmem:v5+s4+$0x0], $0xffff;
	v5 =	vor.u32 s30, v0;
	s30 =	sadd.s32 $0x5, s28  }
0x1fe: {  	v4 =	vld.idx.msk [tilespmem:v4+s4+$0x0], $0xffff;
	v7 =	vor.u32 s30, v0;
	s30 =	sadd.s32 $0x6, s28;
	s28 =	smov.u32 s29  }
0x1ff: {  	v8 =	vor.u32 s30, v0;
	v6 =	vld.idx.msk [tilespmem:v6+s4+$0x0], $0xffff  }
0x200: {  	v9 =	vld.idx.msk [tilespmem:v3+s4+$0x0], $0xffff  }
0x201: {  	v10 =	vld.idx.msk [tilespmem:v2+s4+$0x0], $0xffff  }
0x202: {  	v11 =	vld.idx.msk [tilespmem:v5+s4+$0x0], $0xffff  }
0x203: {  	v3 =	vld.idx.msk [tilespmem:v7+s4+$0x0], $0xffff  }
0x204: {  	s26 =	sadd.s32 $0x400, s26;
	v2 =	vld.idx.msk [tilespmem:v8+s4+$0x0], $0xffff  }
.Ltmp8:
0x205: {  	[tilespmem:s26+$0x0] =	vst.add.f32.msk $0xffff, v6;
	(pc) =	sbr.rel @p0 .LBB2_19-.Ltmp8, $4  }
0x206: {  	[tilespmem:s26+$0xFFFFFD00] =	vst.add.f32.msk $0xffff, v4  }
0x207: {  	[tilespmem:s26+$0xFFFFFD80] =	vst.add.f32.msk $0xffff, v9  }
0x208: {  	s30 =	sadd.s32 $0x1, s29;
	v5 =	vor.u32 s29, v0;
	[tilespmem:s26+$0xFFFFFE00] =	vst.add.f32.msk $0xffff, v10  }
0x209: {  	s29 =	sadd.s32 $0x8, s29;
	v4 =	vor.u32 s30, v0;
	s30 =	sadd.s32 $0x7, s28;
	[tilespmem:s26+$0xFFFFFE80] =	vst.add.f32.msk $0xffff, v11  }
0x20a: {  	_ =	sdelay $0x2  }
0x20b: {  	v6 =	vor.u32 s30, v0;
	[tilespmem:s26+$0xFFFFFC80] =	vst.add.f32.msk $0xffff, v1  }
0x20c: {  	v4 =	vld.idx.msk [tilespmem:v4+s4+$0x0], $0xffff  }
0x20d: {  	s29 =	sadd.s32 $0x2, s28;
	v1 =	vld.idx.msk [tilespmem:v5+s4+$0x0], $0xffff  }
0x20e: {  	[tilespmem:s26+$0xFFFFFF00] =	vst.add.f32.msk $0xffff, v3;
	v3 =	vor.u32 s29, v0;
	s29 =	sadd.s32 $0x3, s28  }
0x20f: {  	[tilespmem:s26+$0xFFFFFF80] =	vst.add.f32.msk $0xffff, v2;
	v2 =	vor.u32 s29, v0;
	s29 =	sadd.s32 $0x4, s28  }
0x210: {  	s31 =	sadd.s32 $0x400, s26;
	v5 =	vor.u32 s29, v0;
	s29 =	sadd.s32 $0x5, s28;
	v6 =	vld.idx.msk [tilespmem:v6+s4+$0x0], $0xffff  }
0x211: {  	s28 =	sadd.s32 $0x6, s28;
	v7 =	vor.u32 s29, v0;
	[tilespmem:s31+$0xFFFFFD00] =	vst.add.f32.msk $0xffff, v4  }
0x212: {  	v0 =	vor.u32 s28, v0;
	[tilespmem:s31+$0xFFFFFC80] =	vst.add.f32.msk $0xffff, v1  }
0x213: {  	v3 =	vld.idx.msk [tilespmem:v3+s4+$0x0], $0xffff  }
0x214: {  	v2 =	vld.idx.msk [tilespmem:v2+s4+$0x0], $0xffff  }
0x215: {  	v5 =	vld.idx.msk [tilespmem:v5+s4+$0x0], $0xffff  }
0x216: {  	v7 =	vld.idx.msk [tilespmem:v7+s4+$0x0], $0xffff  }
0x217: {  	v0 =	vld.idx.msk [tilespmem:v0+s4+$0x0], $0xffff  }
0x218: {  	[tilespmem:s31+$0x0] =	vst.add.f32.msk $0xffff, v6  }
0x219: {  	[tilespmem:s31+$0xFFFFFD80] =	vst.add.f32.msk $0xffff, v3  }
0x21a: {  	[tilespmem:s31+$0xFFFFFE00] =	vst.add.f32.msk $0xffff, v2  }
0x21b: {  	[tilespmem:s31+$0xFFFFFE80] =	vst.add.f32.msk $0xffff, v5  }
0x21c: {  	[tilespmem:s31+$0xFFFFFF00] =	vst.add.f32.msk $0xffff, v7  }
0x21d: {  	[tilespmem:s31+$0xFFFFFF80] =	vst.add.f32.msk $0xffff, v0  }
0x21e: {  	v0 =	vld [tilespmem:s22+$0x90];
	_ =	sdelay $0x4  }
0x21f: {  	s31 =	simm.s32 $0x0;
	v0 =	vshll.u32 v0, $0x6  }
0x220: {  	s28 =	simm.s32 $0x2;
	v1 =	vor.u32 s31, v0  }
0x221: {  	s31 =	simm.s32 $0x1;
	v4 =	vor.u32 s28, v0  }
0x222: {  	v2 =	vor.u32 s31, v0;
	s31 =	simm.s32 $0x7  }
0x223: {  	v3 =	vor.u32 s31, v0;
	s31 =	simm.s32 $0x3  }
0x224: {  	v5 =	vor.u32 s31, v0;
	s31 =	simm.s32 $0x4  }
0x225: {  	v6 =	vor.u32 s31, v0;
	v1 =	vld.idx.msk [tilespmem:v1+s4+$0x0], $0xffff  }
0x226: {  	s31 =	simm.s32 $0x5;
	v4 =	vld.idx.msk [tilespmem:v4+s4+$0x0], $0xffff  }
0x227: {  	v7 =	vld.idx.msk [tilespmem:v2+s4+$0x0], $0xffff;
	v2 =	vor.u32 s31, v0  }
0x228: {  	s31 =	simm.s32 $0x6;
	v9 =	vld.idx.msk [tilespmem:v3+s4+$0x0], $0xffff  }
0x229: {  	v8 =	vor.u32 s31, v0;
	v5 =	vld.idx.msk [tilespmem:v5+s4+$0x0], $0xffff  }
0x22a: {  	s26 =	simm.s32 $0x18190;
	v6 =	vld.idx.msk [tilespmem:v6+s4+$0x0], $0xffff  }
0x22b: {  	[tilespmem:s26+$0xFFFFFD80] =	vst.add.f32.msk $0xffff, v4  }
0x22c: {  	v3 =	vld.idx.msk [tilespmem:v2+s4+$0x0], $0xffff  }
0x22d: {  	[tilespmem:s26+$0xFFFFFD00] =	vst.add.f32.msk $0xffff, v7  }
0x22e: {  	v2 =	vld.idx.msk [tilespmem:v8+s4+$0x0], $0xffff  }
0x22f: {  	s28 =	simm.s32 $0x8;
	[tilespmem:s26+$0x0] =	vst.add.f32.msk $0xffff, v9  }
0x230: {  	s29 =	simm.s32 $0x9;
	[tilespmem:s26+$0xFFFFFE00] =	vst.add.f32.msk $0xffff, v5;
	v5 =	vor.u32 s28, v0  }
0x231: {  	s30 =	simm.s32 $0xF;
	v4 =	vor.u32 s29, v0;
	s29 =	simm.s32 $0x10;
	[tilespmem:s26+$0xFFFFFE80] =	vst.add.f32.msk $0xffff, v6  }
.LBB2_21:
0x232: {  	p0 =	slt.u32 s29, $0x38;
	s31 =	sadd.s32 $0x2, s28;
	v6 =	vor.u32 s30, v0;
	[tilespmem:s26+$0xFFFFFF00] =	vst.add.f32.msk $0xffff, v3  }
0x233: {  	s30 =	sadd.s32 $0x3, s28;
	v3 =	vor.u32 s31, v0;
	[tilespmem:s26+$0xFFFFFF80] =	vst.add.f32.msk $0xffff, v2  }
0x234: {  	v2 =	vor.u32 s30, v0;
	s30 =	sadd.s32 $0x4, s28;
	[tilespmem:s26+$0xFFFFFC80] =	vst.add.f32.msk $0xffff, v1  }
0x235: {  	v1 =	vld.idx.msk [tilespmem:v5+s4+$0x0], $0xffff;
	v5 =	vor.u32 s30, v0;
	s30 =	sadd.s32 $0x5, s28  }
0x236: {  	v4 =	vld.idx.msk [tilespmem:v4+s4+$0x0], $0xffff;
	v7 =	vor.u32 s30, v0;
	s30 =	sadd.s32 $0x6, s28;
	s28 =	smov.u32 s29  }
0x237: {  	v8 =	vor.u32 s30, v0;
	v6 =	vld.idx.msk [tilespmem:v6+s4+$0x0], $0xffff  }
0x238: {  	v9 =	vld.idx.msk [tilespmem:v3+s4+$0x0], $0xffff  }
0x239: {  	v10 =	vld.idx.msk [tilespmem:v2+s4+$0x0], $0xffff  }
0x23a: {  	v11 =	vld.idx.msk [tilespmem:v5+s4+$0x0], $0xffff  }
0x23b: {  	v3 =	vld.idx.msk [tilespmem:v7+s4+$0x0], $0xffff  }
0x23c: {  	s26 =	sadd.s32 $0x400, s26;
	v2 =	vld.idx.msk [tilespmem:v8+s4+$0x0], $0xffff  }
.Ltmp9:
0x23d: {  	[tilespmem:s26+$0x0] =	vst.add.f32.msk $0xffff, v6;
	(pc) =	sbr.rel @p0 .LBB2_21-.Ltmp9, $4  }
0x23e: {  	[tilespmem:s26+$0xFFFFFD00] =	vst.add.f32.msk $0xffff, v4  }
0x23f: {  	[tilespmem:s26+$0xFFFFFD80] =	vst.add.f32.msk $0xffff, v9  }
0x240: {  	s30 =	sadd.s32 $0x1, s29;
	v5 =	vor.u32 s29, v0;
	[tilespmem:s26+$0xFFFFFE00] =	vst.add.f32.msk $0xffff, v10  }
0x241: {  	s29 =	sadd.s32 $0x8, s29;
	v4 =	vor.u32 s30, v0;
	s30 =	sadd.s32 $0x7, s28;
	[tilespmem:s26+$0xFFFFFE80] =	vst.add.f32.msk $0xffff, v11  }
0x242: {  	_ =	sdelay $0x2  }
0x243: {  	v6 =	vor.u32 s30, v0;
	[tilespmem:s26+$0xFFFFFC80] =	vst.add.f32.msk $0xffff, v1  }
0x244: {  	v4 =	vld.idx.msk [tilespmem:v4+s4+$0x0], $0xffff  }
0x245: {  	s29 =	sadd.s32 $0x2, s28;
	v1 =	vld.idx.msk [tilespmem:v5+s4+$0x0], $0xffff  }
0x246: {  	[tilespmem:s26+$0xFFFFFF00] =	vst.add.f32.msk $0xffff, v3;
	v3 =	vor.u32 s29, v0;
	s29 =	sadd.s32 $0x3, s28  }
0x247: {  	[tilespmem:s26+$0xFFFFFF80] =	vst.add.f32.msk $0xffff, v2;
	v2 =	vor.u32 s29, v0;
	s29 =	sadd.s32 $0x4, s28  }
0x248: {  	s31 =	sadd.s32 $0x400, s26;
	v5 =	vor.u32 s29, v0;
	s29 =	sadd.s32 $0x5, s28;
	v6 =	vld.idx.msk [tilespmem:v6+s4+$0x0], $0xffff  }
0x249: {  	s28 =	sadd.s32 $0x6, s28;
	v7 =	vor.u32 s29, v0;
	[tilespmem:s31+$0xFFFFFD00] =	vst.add.f32.msk $0xffff, v4  }
0x24a: {  	v0 =	vor.u32 s28, v0;
	[tilespmem:s31+$0xFFFFFC80] =	vst.add.f32.msk $0xffff, v1  }
0x24b: {  	v3 =	vld.idx.msk [tilespmem:v3+s4+$0x0], $0xffff  }
0x24c: {  	v2 =	vld.idx.msk [tilespmem:v2+s4+$0x0], $0xffff  }
0x24d: {  	v5 =	vld.idx.msk [tilespmem:v5+s4+$0x0], $0xffff  }
0x24e: {  	v7 =	vld.idx.msk [tilespmem:v7+s4+$0x0], $0xffff  }
0x24f: {  	v0 =	vld.idx.msk [tilespmem:v0+s4+$0x0], $0xffff  }
0x250: {  	[tilespmem:s31+$0x0] =	vst.add.f32.msk $0xffff, v6  }
0x251: {  	[tilespmem:s31+$0xFFFFFD80] =	vst.add.f32.msk $0xffff, v3  }
0x252: {  	[tilespmem:s31+$0xFFFFFE00] =	vst.add.f32.msk $0xffff, v2  }
0x253: {  	[tilespmem:s31+$0xFFFFFE80] =	vst.add.f32.msk $0xffff, v5  }
0x254: {  	[tilespmem:s31+$0xFFFFFF00] =	vst.add.f32.msk $0xffff, v7  }
0x255: {  	[tilespmem:s31+$0xFFFFFF80] =	vst.add.f32.msk $0xffff, v0  }
0x256: {  	v0 =	vld [tilespmem:s22+$0xA0];
	_ =	sdelay $0x4  }
0x257: {  	s31 =	simm.s32 $0x0;
	v0 =	vshll.u32 v0, $0x6  }
0x258: {  	s28 =	simm.s32 $0x2;
	v1 =	vor.u32 s31, v0  }
0x259: {  	s31 =	simm.s32 $0x1;
	v4 =	vor.u32 s28, v0  }
0x25a: {  	v2 =	vor.u32 s31, v0;
	s31 =	simm.s32 $0x7  }
0x25b: {  	v3 =	vor.u32 s31, v0;
	s31 =	simm.s32 $0x3  }
0x25c: {  	v5 =	vor.u32 s31, v0;
	s31 =	simm.s32 $0x4  }
0x25d: {  	v6 =	vor.u32 s31, v0;
	v1 =	vld.idx.msk [tilespmem:v1+s4+$0x0], $0xffff  }
0x25e: {  	s31 =	simm.s32 $0x5;
	v4 =	vld.idx.msk [tilespmem:v4+s4+$0x0], $0xffff  }
0x25f: {  	v7 =	vld.idx.msk [tilespmem:v2+s4+$0x0], $0xffff;
	v2 =	vor.u32 s31, v0  }
0x260: {  	s31 =	simm.s32 $0x6;
	v9 =	vld.idx.msk [tilespmem:v3+s4+$0x0], $0xffff  }
0x261: {  	v8 =	vor.u32 s31, v0;
	v5 =	vld.idx.msk [tilespmem:v5+s4+$0x0], $0xffff  }
0x262: {  	s26 =	simm.s32 $0x181A0;
	v6 =	vld.idx.msk [tilespmem:v6+s4+$0x0], $0xffff  }
0x263: {  	[tilespmem:s26+$0xFFFFFD80] =	vst.add.f32.msk $0xffff, v4  }
0x264: {  	v3 =	vld.idx.msk [tilespmem:v2+s4+$0x0], $0xffff  }
0x265: {  	[tilespmem:s26+$0xFFFFFD00] =	vst.add.f32.msk $0xffff, v7  }
0x266: {  	v2 =	vld.idx.msk [tilespmem:v8+s4+$0x0], $0xffff  }
0x267: {  	s28 =	simm.s32 $0x8;
	[tilespmem:s26+$0x0] =	vst.add.f32.msk $0xffff, v9  }
0x268: {  	s29 =	simm.s32 $0x9;
	[tilespmem:s26+$0xFFFFFE00] =	vst.add.f32.msk $0xffff, v5;
	v5 =	vor.u32 s28, v0  }
0x269: {  	s30 =	simm.s32 $0xF;
	v4 =	vor.u32 s29, v0;
	s29 =	simm.s32 $0x10;
	[tilespmem:s26+$0xFFFFFE80] =	vst.add.f32.msk $0xffff, v6  }
.LBB2_23:
0x26a: {  	p0 =	slt.u32 s29, $0x38;
	s31 =	sadd.s32 $0x2, s28;
	v6 =	vor.u32 s30, v0;
	[tilespmem:s26+$0xFFFFFF00] =	vst.add.f32.msk $0xffff, v3  }
0x26b: {  	s30 =	sadd.s32 $0x3, s28;
	v3 =	vor.u32 s31, v0;
	[tilespmem:s26+$0xFFFFFF80] =	vst.add.f32.msk $0xffff, v2  }
0x26c: {  	v2 =	vor.u32 s30, v0;
	s30 =	sadd.s32 $0x4, s28;
	[tilespmem:s26+$0xFFFFFC80] =	vst.add.f32.msk $0xffff, v1  }
0x26d: {  	v1 =	vld.idx.msk [tilespmem:v5+s4+$0x0], $0xffff;
	v5 =	vor.u32 s30, v0;
	s30 =	sadd.s32 $0x5, s28  }
0x26e: {  	v4 =	vld.idx.msk [tilespmem:v4+s4+$0x0], $0xffff;
	v7 =	vor.u32 s30, v0;
	s30 =	sadd.s32 $0x6, s28;
	s28 =	smov.u32 s29  }
0x26f: {  	v8 =	vor.u32 s30, v0;
	v6 =	vld.idx.msk [tilespmem:v6+s4+$0x0], $0xffff  }
0x270: {  	v9 =	vld.idx.msk [tilespmem:v3+s4+$0x0], $0xffff  }
0x271: {  	v10 =	vld.idx.msk [tilespmem:v2+s4+$0x0], $0xffff  }
0x272: {  	v11 =	vld.idx.msk [tilespmem:v5+s4+$0x0], $0xffff  }
0x273: {  	v3 =	vld.idx.msk [tilespmem:v7+s4+$0x0], $0xffff  }
0x274: {  	s26 =	sadd.s32 $0x400, s26;
	v2 =	vld.idx.msk [tilespmem:v8+s4+$0x0], $0xffff  }
.Ltmp10:
0x275: {  	[tilespmem:s26+$0x0] =	vst.add.f32.msk $0xffff, v6;
	(pc) =	sbr.rel @p0 .LBB2_23-.Ltmp10, $4  }
0x276: {  	[tilespmem:s26+$0xFFFFFD00] =	vst.add.f32.msk $0xffff, v4  }
0x277: {  	[tilespmem:s26+$0xFFFFFD80] =	vst.add.f32.msk $0xffff, v9  }
0x278: {  	s30 =	sadd.s32 $0x1, s29;
	v5 =	vor.u32 s29, v0;
	[tilespmem:s26+$0xFFFFFE00] =	vst.add.f32.msk $0xffff, v10  }
0x279: {  	s29 =	sadd.s32 $0x8, s29;
	v4 =	vor.u32 s30, v0;
	s30 =	sadd.s32 $0x7, s28;
	[tilespmem:s26+$0xFFFFFE80] =	vst.add.f32.msk $0xffff, v11  }
0x27a: {  	_ =	sdelay $0x2  }
0x27b: {  	v6 =	vor.u32 s30, v0;
	[tilespmem:s26+$0xFFFFFC80] =	vst.add.f32.msk $0xffff, v1  }
0x27c: {  	v4 =	vld.idx.msk [tilespmem:v4+s4+$0x0], $0xffff  }
0x27d: {  	s29 =	sadd.s32 $0x2, s28;
	v1 =	vld.idx.msk [tilespmem:v5+s4+$0x0], $0xffff  }
0x27e: {  	[tilespmem:s26+$0xFFFFFF00] =	vst.add.f32.msk $0xffff, v3;
	v3 =	vor.u32 s29, v0;
	s29 =	sadd.s32 $0x3, s28  }
0x27f: {  	[tilespmem:s26+$0xFFFFFF80] =	vst.add.f32.msk $0xffff, v2;
	v2 =	vor.u32 s29, v0;
	s29 =	sadd.s32 $0x4, s28  }
0x280: {  	s31 =	sadd.s32 $0x400, s26;
	v5 =	vor.u32 s29, v0;
	s29 =	sadd.s32 $0x5, s28;
	v6 =	vld.idx.msk [tilespmem:v6+s4+$0x0], $0xffff  }
0x281: {  	s28 =	sadd.s32 $0x6, s28;
	v7 =	vor.u32 s29, v0;
	[tilespmem:s31+$0xFFFFFD00] =	vst.add.f32.msk $0xffff, v4  }
0x282: {  	v0 =	vor.u32 s28, v0;
	[tilespmem:s31+$0xFFFFFC80] =	vst.add.f32.msk $0xffff, v1  }
0x283: {  	v3 =	vld.idx.msk [tilespmem:v3+s4+$0x0], $0xffff  }
0x284: {  	v2 =	vld.idx.msk [tilespmem:v2+s4+$0x0], $0xffff  }
0x285: {  	v5 =	vld.idx.msk [tilespmem:v5+s4+$0x0], $0xffff  }
0x286: {  	v7 =	vld.idx.msk [tilespmem:v7+s4+$0x0], $0xffff  }
0x287: {  	v0 =	vld.idx.msk [tilespmem:v0+s4+$0x0], $0xffff  }
0x288: {  	[tilespmem:s31+$0x0] =	vst.add.f32.msk $0xffff, v6  }
0x289: {  	[tilespmem:s31+$0xFFFFFD80] =	vst.add.f32.msk $0xffff, v3  }
0x28a: {  	[tilespmem:s31+$0xFFFFFE00] =	vst.add.f32.msk $0xffff, v2  }
0x28b: {  	[tilespmem:s31+$0xFFFFFE80] =	vst.add.f32.msk $0xffff, v5  }
0x28c: {  	[tilespmem:s31+$0xFFFFFF00] =	vst.add.f32.msk $0xffff, v7  }
0x28d: {  	[tilespmem:s31+$0xFFFFFF80] =	vst.add.f32.msk $0xffff, v0  }
0x28e: {  	v0 =	vld [tilespmem:s22+$0xB0];
	_ =	sdelay $0x4  }
0x28f: {  	s31 =	simm.s32 $0x0;
	v0 =	vshll.u32 v0, $0x6  }
0x290: {  	s28 =	simm.s32 $0x2;
	v1 =	vor.u32 s31, v0  }
0x291: {  	s31 =	simm.s32 $0x1;
	v4 =	vor.u32 s28, v0  }
0x292: {  	v2 =	vor.u32 s31, v0;
	s31 =	simm.s32 $0x7  }
0x293: {  	v3 =	vor.u32 s31, v0;
	s31 =	simm.s32 $0x3  }
0x294: {  	v5 =	vor.u32 s31, v0;
	s31 =	simm.s32 $0x4  }
0x295: {  	v6 =	vor.u32 s31, v0;
	v1 =	vld.idx.msk [tilespmem:v1+s4+$0x0], $0xffff  }
0x296: {  	s31 =	simm.s32 $0x5;
	v4 =	vld.idx.msk [tilespmem:v4+s4+$0x0], $0xffff  }
0x297: {  	v7 =	vld.idx.msk [tilespmem:v2+s4+$0x0], $0xffff;
	v2 =	vor.u32 s31, v0  }
0x298: {  	s31 =	simm.s32 $0x6;
	v9 =	vld.idx.msk [tilespmem:v3+s4+$0x0], $0xffff  }
0x299: {  	v8 =	vor.u32 s31, v0;
	v5 =	vld.idx.msk [tilespmem:v5+s4+$0x0], $0xffff  }
0x29a: {  	s26 =	simm.s32 $0x181B0;
	v6 =	vld.idx.msk [tilespmem:v6+s4+$0x0], $0xffff  }
0x29b: {  	[tilespmem:s26+$0xFFFFFD80] =	vst.add.f32.msk $0xffff, v4  }
0x29c: {  	v3 =	vld.idx.msk [tilespmem:v2+s4+$0x0], $0xffff  }
0x29d: {  	[tilespmem:s26+$0xFFFFFD00] =	vst.add.f32.msk $0xffff, v7  }
0x29e: {  	v2 =	vld.idx.msk [tilespmem:v8+s4+$0x0], $0xffff  }
0x29f: {  	s28 =	simm.s32 $0x8;
	[tilespmem:s26+$0x0] =	vst.add.f32.msk $0xffff, v9  }
0x2a0: {  	s29 =	simm.s32 $0x9;
	[tilespmem:s26+$0xFFFFFE00] =	vst.add.f32.msk $0xffff, v5;
	v5 =	vor.u32 s28, v0  }
0x2a1: {  	s30 =	simm.s32 $0xF;
	v4 =	vor.u32 s29, v0;
	s29 =	simm.s32 $0x10;
	[tilespmem:s26+$0xFFFFFE80] =	vst.add.f32.msk $0xffff, v6  }
.LBB2_25:
0x2a2: {  	p0 =	slt.u32 s29, $0x38;
	s31 =	sadd.s32 $0x2, s28;
	v6 =	vor.u32 s30, v0;
	[tilespmem:s26+$0xFFFFFF00] =	vst.add.f32.msk $0xffff, v3  }
0x2a3: {  	s30 =	sadd.s32 $0x3, s28;
	v3 =	vor.u32 s31, v0;
	[tilespmem:s26+$0xFFFFFF80] =	vst.add.f32.msk $0xffff, v2  }
0x2a4: {  	v2 =	vor.u32 s30, v0;
	s30 =	sadd.s32 $0x4, s28;
	[tilespmem:s26+$0xFFFFFC80] =	vst.add.f32.msk $0xffff, v1  }
0x2a5: {  	v1 =	vld.idx.msk [tilespmem:v5+s4+$0x0], $0xffff;
	v5 =	vor.u32 s30, v0;
	s30 =	sadd.s32 $0x5, s28  }
0x2a6: {  	v4 =	vld.idx.msk [tilespmem:v4+s4+$0x0], $0xffff;
	v7 =	vor.u32 s30, v0;
	s30 =	sadd.s32 $0x6, s28;
	s28 =	smov.u32 s29  }
0x2a7: {  	v8 =	vor.u32 s30, v0;
	v6 =	vld.idx.msk [tilespmem:v6+s4+$0x0], $0xffff  }
0x2a8: {  	v9 =	vld.idx.msk [tilespmem:v3+s4+$0x0], $0xffff  }
0x2a9: {  	v10 =	vld.idx.msk [tilespmem:v2+s4+$0x0], $0xffff  }
0x2aa: {  	v11 =	vld.idx.msk [tilespmem:v5+s4+$0x0], $0xffff  }
0x2ab: {  	v3 =	vld.idx.msk [tilespmem:v7+s4+$0x0], $0xffff  }
0x2ac: {  	s26 =	sadd.s32 $0x400, s26;
	v2 =	vld.idx.msk [tilespmem:v8+s4+$0x0], $0xffff  }
.Ltmp11:
0x2ad: {  	[tilespmem:s26+$0x0] =	vst.add.f32.msk $0xffff, v6;
	(pc) =	sbr.rel @p0 .LBB2_25-.Ltmp11, $4  }
0x2ae: {  	[tilespmem:s26+$0xFFFFFD00] =	vst.add.f32.msk $0xffff, v4  }
0x2af: {  	[tilespmem:s26+$0xFFFFFD80] =	vst.add.f32.msk $0xffff, v9  }
0x2b0: {  	s30 =	sadd.s32 $0x1, s29;
	v5 =	vor.u32 s29, v0;
	[tilespmem:s26+$0xFFFFFE00] =	vst.add.f32.msk $0xffff, v10  }
0x2b1: {  	s29 =	sadd.s32 $0x8, s29;
	v4 =	vor.u32 s30, v0;
	s30 =	sadd.s32 $0x7, s28;
	[tilespmem:s26+$0xFFFFFE80] =	vst.add.f32.msk $0xffff, v11  }
0x2b2: {  	_ =	sdelay $0x2  }
0x2b3: {  	v6 =	vor.u32 s30, v0;
	[tilespmem:s26+$0xFFFFFC80] =	vst.add.f32.msk $0xffff, v1  }
0x2b4: {  	v4 =	vld.idx.msk [tilespmem:v4+s4+$0x0], $0xffff  }
0x2b5: {  	s29 =	sadd.s32 $0x2, s28;
	v1 =	vld.idx.msk [tilespmem:v5+s4+$0x0], $0xffff  }
0x2b6: {  	[tilespmem:s26+$0xFFFFFF00] =	vst.add.f32.msk $0xffff, v3;
	v3 =	vor.u32 s29, v0;
	s29 =	sadd.s32 $0x3, s28  }
0x2b7: {  	[tilespmem:s26+$0xFFFFFF80] =	vst.add.f32.msk $0xffff, v2;
	v2 =	vor.u32 s29, v0;
	s29 =	sadd.s32 $0x4, s28  }
0x2b8: {  	s31 =	sadd.s32 $0x400, s26;
	v5 =	vor.u32 s29, v0;
	s29 =	sadd.s32 $0x5, s28;
	v6 =	vld.idx.msk [tilespmem:v6+s4+$0x0], $0xffff  }
0x2b9: {  	s28 =	sadd.s32 $0x6, s28;
	v7 =	vor.u32 s29, v0;
	[tilespmem:s31+$0xFFFFFD00] =	vst.add.f32.msk $0xffff, v4  }
0x2ba: {  	v0 =	vor.u32 s28, v0;
	[tilespmem:s31+$0xFFFFFC80] =	vst.add.f32.msk $0xffff, v1  }
0x2bb: {  	v3 =	vld.idx.msk [tilespmem:v3+s4+$0x0], $0xffff  }
0x2bc: {  	v2 =	vld.idx.msk [tilespmem:v2+s4+$0x0], $0xffff  }
0x2bd: {  	v5 =	vld.idx.msk [tilespmem:v5+s4+$0x0], $0xffff  }
0x2be: {  	v7 =	vld.idx.msk [tilespmem:v7+s4+$0x0], $0xffff  }
0x2bf: {  	v0 =	vld.idx.msk [tilespmem:v0+s4+$0x0], $0xffff  }
0x2c0: {  	[tilespmem:s31+$0x0] =	vst.add.f32.msk $0xffff, v6  }
0x2c1: {  	[tilespmem:s31+$0xFFFFFD80] =	vst.add.f32.msk $0xffff, v3  }
0x2c2: {  	[tilespmem:s31+$0xFFFFFE00] =	vst.add.f32.msk $0xffff, v2  }
0x2c3: {  	[tilespmem:s31+$0xFFFFFE80] =	vst.add.f32.msk $0xffff, v5  }
0x2c4: {  	[tilespmem:s31+$0xFFFFFF00] =	vst.add.f32.msk $0xffff, v7  }
0x2c5: {  	[tilespmem:s31+$0xFFFFFF80] =	vst.add.f32.msk $0xffff, v0  }
0x2c6: {  	v0 =	vld [tilespmem:s22+$0xC0];
	_ =	sdelay $0x4  }
0x2c7: {  	s31 =	simm.s32 $0x0;
	v0 =	vshll.u32 v0, $0x6  }
0x2c8: {  	s28 =	simm.s32 $0x2;
	v1 =	vor.u32 s31, v0  }
0x2c9: {  	s31 =	simm.s32 $0x1;
	v4 =	vor.u32 s28, v0  }
0x2ca: {  	v2 =	vor.u32 s31, v0;
	s31 =	simm.s32 $0x7  }
0x2cb: {  	v3 =	vor.u32 s31, v0;
	s31 =	simm.s32 $0x3  }
0x2cc: {  	v5 =	vor.u32 s31, v0;
	s31 =	simm.s32 $0x4  }
0x2cd: {  	v6 =	vor.u32 s31, v0;
	v1 =	vld.idx.msk [tilespmem:v1+s4+$0x0], $0xffff  }
0x2ce: {  	s31 =	simm.s32 $0x5;
	v4 =	vld.idx.msk [tilespmem:v4+s4+$0x0], $0xffff  }
0x2cf: {  	v7 =	vld.idx.msk [tilespmem:v2+s4+$0x0], $0xffff;
	v2 =	vor.u32 s31, v0  }
0x2d0: {  	s31 =	simm.s32 $0x6;
	v9 =	vld.idx.msk [tilespmem:v3+s4+$0x0], $0xffff  }
0x2d1: {  	v8 =	vor.u32 s31, v0;
	v5 =	vld.idx.msk [tilespmem:v5+s4+$0x0], $0xffff  }
0x2d2: {  	s26 =	simm.s32 $0x181C0;
	v6 =	vld.idx.msk [tilespmem:v6+s4+$0x0], $0xffff  }
0x2d3: {  	[tilespmem:s26+$0xFFFFFD80] =	vst.add.f32.msk $0xffff, v4  }
0x2d4: {  	v3 =	vld.idx.msk [tilespmem:v2+s4+$0x0], $0xffff  }
0x2d5: {  	[tilespmem:s26+$0xFFFFFD00] =	vst.add.f32.msk $0xffff, v7  }
0x2d6: {  	v2 =	vld.idx.msk [tilespmem:v8+s4+$0x0], $0xffff  }
0x2d7: {  	s28 =	simm.s32 $0x8;
	[tilespmem:s26+$0x0] =	vst.add.f32.msk $0xffff, v9  }
0x2d8: {  	s29 =	simm.s32 $0x9;
	[tilespmem:s26+$0xFFFFFE00] =	vst.add.f32.msk $0xffff, v5;
	v5 =	vor.u32 s28, v0  }
0x2d9: {  	s30 =	simm.s32 $0xF;
	v4 =	vor.u32 s29, v0;
	s29 =	simm.s32 $0x10;
	[tilespmem:s26+$0xFFFFFE80] =	vst.add.f32.msk $0xffff, v6  }
.LBB2_27:
0x2da: {  	p0 =	slt.u32 s29, $0x38;
	s31 =	sadd.s32 $0x2, s28;
	v6 =	vor.u32 s30, v0;
	[tilespmem:s26+$0xFFFFFF00] =	vst.add.f32.msk $0xffff, v3  }
0x2db: {  	s30 =	sadd.s32 $0x3, s28;
	v3 =	vor.u32 s31, v0;
	[tilespmem:s26+$0xFFFFFF80] =	vst.add.f32.msk $0xffff, v2  }
0x2dc: {  	v2 =	vor.u32 s30, v0;
	s30 =	sadd.s32 $0x4, s28;
	[tilespmem:s26+$0xFFFFFC80] =	vst.add.f32.msk $0xffff, v1  }
0x2dd: {  	v1 =	vld.idx.msk [tilespmem:v5+s4+$0x0], $0xffff;
	v5 =	vor.u32 s30, v0;
	s30 =	sadd.s32 $0x5, s28  }
0x2de: {  	v4 =	vld.idx.msk [tilespmem:v4+s4+$0x0], $0xffff;
	v7 =	vor.u32 s30, v0;
	s30 =	sadd.s32 $0x6, s28;
	s28 =	smov.u32 s29  }
0x2df: {  	v8 =	vor.u32 s30, v0;
	v6 =	vld.idx.msk [tilespmem:v6+s4+$0x0], $0xffff  }
0x2e0: {  	v9 =	vld.idx.msk [tilespmem:v3+s4+$0x0], $0xffff  }
0x2e1: {  	v10 =	vld.idx.msk [tilespmem:v2+s4+$0x0], $0xffff  }
0x2e2: {  	v11 =	vld.idx.msk [tilespmem:v5+s4+$0x0], $0xffff  }
0x2e3: {  	v3 =	vld.idx.msk [tilespmem:v7+s4+$0x0], $0xffff  }
0x2e4: {  	s26 =	sadd.s32 $0x400, s26;
	v2 =	vld.idx.msk [tilespmem:v8+s4+$0x0], $0xffff  }
.Ltmp12:
0x2e5: {  	[tilespmem:s26+$0x0] =	vst.add.f32.msk $0xffff, v6;
	(pc) =	sbr.rel @p0 .LBB2_27-.Ltmp12, $4  }
0x2e6: {  	[tilespmem:s26+$0xFFFFFD00] =	vst.add.f32.msk $0xffff, v4  }
0x2e7: {  	[tilespmem:s26+$0xFFFFFD80] =	vst.add.f32.msk $0xffff, v9  }
0x2e8: {  	s30 =	sadd.s32 $0x1, s29;
	v5 =	vor.u32 s29, v0;
	[tilespmem:s26+$0xFFFFFE00] =	vst.add.f32.msk $0xffff, v10  }
0x2e9: {  	s29 =	sadd.s32 $0x8, s29;
	v4 =	vor.u32 s30, v0;
	s30 =	sadd.s32 $0x7, s28;
	[tilespmem:s26+$0xFFFFFE80] =	vst.add.f32.msk $0xffff, v11  }
0x2ea: {  	_ =	sdelay $0x2  }
0x2eb: {  	v6 =	vor.u32 s30, v0;
	[tilespmem:s26+$0xFFFFFC80] =	vst.add.f32.msk $0xffff, v1  }
0x2ec: {  	v4 =	vld.idx.msk [tilespmem:v4+s4+$0x0], $0xffff  }
0x2ed: {  	s29 =	sadd.s32 $0x2, s28;
	v1 =	vld.idx.msk [tilespmem:v5+s4+$0x0], $0xffff  }
0x2ee: {  	[tilespmem:s26+$0xFFFFFF00] =	vst.add.f32.msk $0xffff, v3;
	v3 =	vor.u32 s29, v0;
	s29 =	sadd.s32 $0x3, s28  }
0x2ef: {  	[tilespmem:s26+$0xFFFFFF80] =	vst.add.f32.msk $0xffff, v2;
	v2 =	vor.u32 s29, v0;
	s29 =	sadd.s32 $0x4, s28  }
0x2f0: {  	s31 =	sadd.s32 $0x400, s26;
	v5 =	vor.u32 s29, v0;
	s29 =	sadd.s32 $0x5, s28;
	v6 =	vld.idx.msk [tilespmem:v6+s4+$0x0], $0xffff  }
0x2f1: {  	s28 =	sadd.s32 $0x6, s28;
	v7 =	vor.u32 s29, v0;
	[tilespmem:s31+$0xFFFFFD00] =	vst.add.f32.msk $0xffff, v4  }
0x2f2: {  	v0 =	vor.u32 s28, v0;
	[tilespmem:s31+$0xFFFFFC80] =	vst.add.f32.msk $0xffff, v1  }
0x2f3: {  	v3 =	vld.idx.msk [tilespmem:v3+s4+$0x0], $0xffff  }
0x2f4: {  	v2 =	vld.idx.msk [tilespmem:v2+s4+$0x0], $0xffff  }
0x2f5: {  	v5 =	vld.idx.msk [tilespmem:v5+s4+$0x0], $0xffff  }
0x2f6: {  	v7 =	vld.idx.msk [tilespmem:v7+s4+$0x0], $0xffff  }
0x2f7: {  	v0 =	vld.idx.msk [tilespmem:v0+s4+$0x0], $0xffff  }
0x2f8: {  	[tilespmem:s31+$0x0] =	vst.add.f32.msk $0xffff, v6  }
0x2f9: {  	[tilespmem:s31+$0xFFFFFD80] =	vst.add.f32.msk $0xffff, v3  }
0x2fa: {  	[tilespmem:s31+$0xFFFFFE00] =	vst.add.f32.msk $0xffff, v2  }
0x2fb: {  	[tilespmem:s31+$0xFFFFFE80] =	vst.add.f32.msk $0xffff, v5  }
0x2fc: {  	[tilespmem:s31+$0xFFFFFF00] =	vst.add.f32.msk $0xffff, v7  }
0x2fd: {  	[tilespmem:s31+$0xFFFFFF80] =	vst.add.f32.msk $0xffff, v0  }
0x2fe: {  	v0 =	vld [tilespmem:s22+$0xD0];
	_ =	sdelay $0x4  }
0x2ff: {  	s31 =	simm.s32 $0x0;
	v0 =	vshll.u32 v0, $0x6  }
0x300: {  	s28 =	simm.s32 $0x2;
	v1 =	vor.u32 s31, v0  }
0x301: {  	s31 =	simm.s32 $0x1;
	v4 =	vor.u32 s28, v0  }
0x302: {  	v2 =	vor.u32 s31, v0;
	s31 =	simm.s32 $0x7  }
0x303: {  	v3 =	vor.u32 s31, v0;
	s31 =	simm.s32 $0x3  }
0x304: {  	v5 =	vor.u32 s31, v0;
	s31 =	simm.s32 $0x4  }
0x305: {  	v6 =	vor.u32 s31, v0;
	v1 =	vld.idx.msk [tilespmem:v1+s4+$0x0], $0xffff  }
0x306: {  	s31 =	simm.s32 $0x5;
	v4 =	vld.idx.msk [tilespmem:v4+s4+$0x0], $0xffff  }
0x307: {  	v7 =	vld.idx.msk [tilespmem:v2+s4+$0x0], $0xffff;
	v2 =	vor.u32 s31, v0  }
0x308: {  	s31 =	simm.s32 $0x6;
	v9 =	vld.idx.msk [tilespmem:v3+s4+$0x0], $0xffff  }
0x309: {  	v8 =	vor.u32 s31, v0;
	v5 =	vld.idx.msk [tilespmem:v5+s4+$0x0], $0xffff  }
0x30a: {  	s26 =	simm.s32 $0x181D0;
	v6 =	vld.idx.msk [tilespmem:v6+s4+$0x0], $0xffff  }
0x30b: {  	[tilespmem:s26+$0xFFFFFD80] =	vst.add.f32.msk $0xffff, v4  }
0x30c: {  	v3 =	vld.idx.msk [tilespmem:v2+s4+$0x0], $0xffff  }
0x30d: {  	[tilespmem:s26+$0xFFFFFD00] =	vst.add.f32.msk $0xffff, v7  }
0x30e: {  	v2 =	vld.idx.msk [tilespmem:v8+s4+$0x0], $0xffff  }
0x30f: {  	s28 =	simm.s32 $0x8;
	[tilespmem:s26+$0x0] =	vst.add.f32.msk $0xffff, v9  }
0x310: {  	s29 =	simm.s32 $0x9;
	[tilespmem:s26+$0xFFFFFE00] =	vst.add.f32.msk $0xffff, v5;
	v5 =	vor.u32 s28, v0  }
0x311: {  	s30 =	simm.s32 $0xF;
	v4 =	vor.u32 s29, v0;
	s29 =	simm.s32 $0x10;
	[tilespmem:s26+$0xFFFFFE80] =	vst.add.f32.msk $0xffff, v6  }
.LBB2_29:
0x312: {  	p0 =	slt.u32 s29, $0x38;
	s31 =	sadd.s32 $0x2, s28;
	v6 =	vor.u32 s30, v0;
	[tilespmem:s26+$0xFFFFFF00] =	vst.add.f32.msk $0xffff, v3  }
0x313: {  	s30 =	sadd.s32 $0x3, s28;
	v3 =	vor.u32 s31, v0;
	[tilespmem:s26+$0xFFFFFF80] =	vst.add.f32.msk $0xffff, v2  }
0x314: {  	v2 =	vor.u32 s30, v0;
	s30 =	sadd.s32 $0x4, s28;
	[tilespmem:s26+$0xFFFFFC80] =	vst.add.f32.msk $0xffff, v1  }
0x315: {  	v1 =	vld.idx.msk [tilespmem:v5+s4+$0x0], $0xffff;
	v5 =	vor.u32 s30, v0;
	s30 =	sadd.s32 $0x5, s28  }
0x316: {  	v4 =	vld.idx.msk [tilespmem:v4+s4+$0x0], $0xffff;
	v7 =	vor.u32 s30, v0;
	s30 =	sadd.s32 $0x6, s28;
	s28 =	smov.u32 s29  }
0x317: {  	v8 =	vor.u32 s30, v0;
	v6 =	vld.idx.msk [tilespmem:v6+s4+$0x0], $0xffff  }
0x318: {  	v9 =	vld.idx.msk [tilespmem:v3+s4+$0x0], $0xffff  }
0x319: {  	v10 =	vld.idx.msk [tilespmem:v2+s4+$0x0], $0xffff  }
0x31a: {  	v11 =	vld.idx.msk [tilespmem:v5+s4+$0x0], $0xffff  }
0x31b: {  	v3 =	vld.idx.msk [tilespmem:v7+s4+$0x0], $0xffff  }
0x31c: {  	s26 =	sadd.s32 $0x400, s26;
	v2 =	vld.idx.msk [tilespmem:v8+s4+$0x0], $0xffff  }
.Ltmp13:
0x31d: {  	[tilespmem:s26+$0x0] =	vst.add.f32.msk $0xffff, v6;
	(pc) =	sbr.rel @p0 .LBB2_29-.Ltmp13, $4  }
0x31e: {  	[tilespmem:s26+$0xFFFFFD00] =	vst.add.f32.msk $0xffff, v4  }
0x31f: {  	[tilespmem:s26+$0xFFFFFD80] =	vst.add.f32.msk $0xffff, v9  }
0x320: {  	s30 =	sadd.s32 $0x1, s29;
	v5 =	vor.u32 s29, v0;
	[tilespmem:s26+$0xFFFFFE00] =	vst.add.f32.msk $0xffff, v10  }
0x321: {  	s29 =	sadd.s32 $0x8, s29;
	v4 =	vor.u32 s30, v0;
	s30 =	sadd.s32 $0x7, s28;
	[tilespmem:s26+$0xFFFFFE80] =	vst.add.f32.msk $0xffff, v11  }
0x322: {  	_ =	sdelay $0x2  }
0x323: {  	v6 =	vor.u32 s30, v0;
	[tilespmem:s26+$0xFFFFFC80] =	vst.add.f32.msk $0xffff, v1  }
0x324: {  	v4 =	vld.idx.msk [tilespmem:v4+s4+$0x0], $0xffff  }
0x325: {  	s29 =	sadd.s32 $0x2, s28;
	v1 =	vld.idx.msk [tilespmem:v5+s4+$0x0], $0xffff  }
0x326: {  	[tilespmem:s26+$0xFFFFFF00] =	vst.add.f32.msk $0xffff, v3;
	v3 =	vor.u32 s29, v0;
	s29 =	sadd.s32 $0x3, s28  }
0x327: {  	[tilespmem:s26+$0xFFFFFF80] =	vst.add.f32.msk $0xffff, v2;
	v2 =	vor.u32 s29, v0;
	s29 =	sadd.s32 $0x4, s28  }
0x328: {  	s31 =	sadd.s32 $0x400, s26;
	v5 =	vor.u32 s29, v0;
	s29 =	sadd.s32 $0x5, s28;
	v6 =	vld.idx.msk [tilespmem:v6+s4+$0x0], $0xffff  }
0x329: {  	s28 =	sadd.s32 $0x6, s28;
	v7 =	vor.u32 s29, v0;
	[tilespmem:s31+$0xFFFFFD00] =	vst.add.f32.msk $0xffff, v4  }
0x32a: {  	v0 =	vor.u32 s28, v0;
	[tilespmem:s31+$0xFFFFFC80] =	vst.add.f32.msk $0xffff, v1  }
0x32b: {  	v3 =	vld.idx.msk [tilespmem:v3+s4+$0x0], $0xffff  }
0x32c: {  	v2 =	vld.idx.msk [tilespmem:v2+s4+$0x0], $0xffff  }
0x32d: {  	v5 =	vld.idx.msk [tilespmem:v5+s4+$0x0], $0xffff  }
0x32e: {  	v7 =	vld.idx.msk [tilespmem:v7+s4+$0x0], $0xffff  }
0x32f: {  	v0 =	vld.idx.msk [tilespmem:v0+s4+$0x0], $0xffff  }
0x330: {  	[tilespmem:s31+$0x0] =	vst.add.f32.msk $0xffff, v6  }
0x331: {  	[tilespmem:s31+$0xFFFFFD80] =	vst.add.f32.msk $0xffff, v3  }
0x332: {  	[tilespmem:s31+$0xFFFFFE00] =	vst.add.f32.msk $0xffff, v2  }
0x333: {  	[tilespmem:s31+$0xFFFFFE80] =	vst.add.f32.msk $0xffff, v5  }
0x334: {  	[tilespmem:s31+$0xFFFFFF00] =	vst.add.f32.msk $0xffff, v7  }
0x335: {  	[tilespmem:s31+$0xFFFFFF80] =	vst.add.f32.msk $0xffff, v0  }
0x336: {  	v0 =	vld [tilespmem:s22+$0xE0];
	_ =	sdelay $0x4  }
0x337: {  	s31 =	simm.s32 $0x0;
	v0 =	vshll.u32 v0, $0x6  }
0x338: {  	s28 =	simm.s32 $0x2;
	v1 =	vor.u32 s31, v0  }
0x339: {  	s31 =	simm.s32 $0x1;
	v4 =	vor.u32 s28, v0  }
0x33a: {  	v2 =	vor.u32 s31, v0;
	s31 =	simm.s32 $0x7  }
0x33b: {  	v3 =	vor.u32 s31, v0;
	s31 =	simm.s32 $0x3  }
0x33c: {  	v5 =	vor.u32 s31, v0;
	s31 =	simm.s32 $0x4  }
0x33d: {  	v6 =	vor.u32 s31, v0;
	v1 =	vld.idx.msk [tilespmem:v1+s4+$0x0], $0xffff  }
0x33e: {  	s31 =	simm.s32 $0x5;
	v4 =	vld.idx.msk [tilespmem:v4+s4+$0x0], $0xffff  }
0x33f: {  	v7 =	vld.idx.msk [tilespmem:v2+s4+$0x0], $0xffff;
	v2 =	vor.u32 s31, v0  }
0x340: {  	s31 =	simm.s32 $0x6;
	v9 =	vld.idx.msk [tilespmem:v3+s4+$0x0], $0xffff  }
0x341: {  	v8 =	vor.u32 s31, v0;
	v5 =	vld.idx.msk [tilespmem:v5+s4+$0x0], $0xffff  }
0x342: {  	s26 =	simm.s32 $0x181E0;
	v6 =	vld.idx.msk [tilespmem:v6+s4+$0x0], $0xffff  }
0x343: {  	[tilespmem:s26+$0xFFFFFD80] =	vst.add.f32.msk $0xffff, v4  }
0x344: {  	v3 =	vld.idx.msk [tilespmem:v2+s4+$0x0], $0xffff  }
0x345: {  	[tilespmem:s26+$0xFFFFFD00] =	vst.add.f32.msk $0xffff, v7  }
0x346: {  	v2 =	vld.idx.msk [tilespmem:v8+s4+$0x0], $0xffff  }
0x347: {  	s28 =	simm.s32 $0x8;
	[tilespmem:s26+$0x0] =	vst.add.f32.msk $0xffff, v9  }
0x348: {  	s29 =	simm.s32 $0x9;
	[tilespmem:s26+$0xFFFFFE00] =	vst.add.f32.msk $0xffff, v5;
	v5 =	vor.u32 s28, v0  }
0x349: {  	s30 =	simm.s32 $0xF;
	v4 =	vor.u32 s29, v0;
	s29 =	simm.s32 $0x10;
	[tilespmem:s26+$0xFFFFFE80] =	vst.add.f32.msk $0xffff, v6  }
.LBB2_31:
0x34a: {  	p0 =	slt.u32 s29, $0x38;
	s31 =	sadd.s32 $0x2, s28;
	v6 =	vor.u32 s30, v0;
	[tilespmem:s26+$0xFFFFFF00] =	vst.add.f32.msk $0xffff, v3  }
0x34b: {  	s30 =	sadd.s32 $0x3, s28;
	v3 =	vor.u32 s31, v0;
	[tilespmem:s26+$0xFFFFFF80] =	vst.add.f32.msk $0xffff, v2  }
0x34c: {  	v2 =	vor.u32 s30, v0;
	s30 =	sadd.s32 $0x4, s28;
	[tilespmem:s26+$0xFFFFFC80] =	vst.add.f32.msk $0xffff, v1  }
0x34d: {  	v1 =	vld.idx.msk [tilespmem:v5+s4+$0x0], $0xffff;
	v5 =	vor.u32 s30, v0;
	s30 =	sadd.s32 $0x5, s28  }
0x34e: {  	v4 =	vld.idx.msk [tilespmem:v4+s4+$0x0], $0xffff;
	v7 =	vor.u32 s30, v0;
	s30 =	sadd.s32 $0x6, s28;
	s28 =	smov.u32 s29  }
0x34f: {  	v8 =	vor.u32 s30, v0;
	v6 =	vld.idx.msk [tilespmem:v6+s4+$0x0], $0xffff  }
0x350: {  	v9 =	vld.idx.msk [tilespmem:v3+s4+$0x0], $0xffff  }
0x351: {  	v10 =	vld.idx.msk [tilespmem:v2+s4+$0x0], $0xffff  }
0x352: {  	v11 =	vld.idx.msk [tilespmem:v5+s4+$0x0], $0xffff  }
0x353: {  	v3 =	vld.idx.msk [tilespmem:v7+s4+$0x0], $0xffff  }
0x354: {  	s26 =	sadd.s32 $0x400, s26;
	v2 =	vld.idx.msk [tilespmem:v8+s4+$0x0], $0xffff  }
.Ltmp14:
0x355: {  	[tilespmem:s26+$0x0] =	vst.add.f32.msk $0xffff, v6;
	(pc) =	sbr.rel @p0 .LBB2_31-.Ltmp14, $4  }
0x356: {  	[tilespmem:s26+$0xFFFFFD00] =	vst.add.f32.msk $0xffff, v4  }
0x357: {  	[tilespmem:s26+$0xFFFFFD80] =	vst.add.f32.msk $0xffff, v9  }
0x358: {  	s30 =	sadd.s32 $0x1, s29;
	v5 =	vor.u32 s29, v0;
	[tilespmem:s26+$0xFFFFFE00] =	vst.add.f32.msk $0xffff, v10  }
0x359: {  	s29 =	sadd.s32 $0x8, s29;
	v4 =	vor.u32 s30, v0;
	s30 =	sadd.s32 $0x7, s28;
	[tilespmem:s26+$0xFFFFFE80] =	vst.add.f32.msk $0xffff, v11  }
0x35a: {  	_ =	sdelay $0x2  }
0x35b: {  	v6 =	vor.u32 s30, v0;
	[tilespmem:s26+$0xFFFFFC80] =	vst.add.f32.msk $0xffff, v1  }
0x35c: {  	v4 =	vld.idx.msk [tilespmem:v4+s4+$0x0], $0xffff  }
0x35d: {  	s29 =	sadd.s32 $0x2, s28;
	v1 =	vld.idx.msk [tilespmem:v5+s4+$0x0], $0xffff  }
0x35e: {  	[tilespmem:s26+$0xFFFFFF00] =	vst.add.f32.msk $0xffff, v3;
	v3 =	vor.u32 s29, v0;
	s29 =	sadd.s32 $0x3, s28  }
0x35f: {  	[tilespmem:s26+$0xFFFFFF80] =	vst.add.f32.msk $0xffff, v2;
	v2 =	vor.u32 s29, v0;
	s29 =	sadd.s32 $0x4, s28  }
0x360: {  	s31 =	sadd.s32 $0x400, s26;
	v5 =	vor.u32 s29, v0;
	s29 =	sadd.s32 $0x5, s28;
	v6 =	vld.idx.msk [tilespmem:v6+s4+$0x0], $0xffff  }
0x361: {  	s28 =	sadd.s32 $0x6, s28;
	v7 =	vor.u32 s29, v0;
	[tilespmem:s31+$0xFFFFFD00] =	vst.add.f32.msk $0xffff, v4  }
0x362: {  	v0 =	vor.u32 s28, v0;
	[tilespmem:s31+$0xFFFFFC80] =	vst.add.f32.msk $0xffff, v1  }
0x363: {  	v3 =	vld.idx.msk [tilespmem:v3+s4+$0x0], $0xffff  }
0x364: {  	v2 =	vld.idx.msk [tilespmem:v2+s4+$0x0], $0xffff  }
0x365: {  	v5 =	vld.idx.msk [tilespmem:v5+s4+$0x0], $0xffff  }
0x366: {  	v7 =	vld.idx.msk [tilespmem:v7+s4+$0x0], $0xffff  }
0x367: {  	v0 =	vld.idx.msk [tilespmem:v0+s4+$0x0], $0xffff  }
0x368: {  	[tilespmem:s31+$0x0] =	vst.add.f32.msk $0xffff, v6  }
0x369: {  	[tilespmem:s31+$0xFFFFFD80] =	vst.add.f32.msk $0xffff, v3  }
0x36a: {  	[tilespmem:s31+$0xFFFFFE00] =	vst.add.f32.msk $0xffff, v2  }
0x36b: {  	[tilespmem:s31+$0xFFFFFE80] =	vst.add.f32.msk $0xffff, v5  }
0x36c: {  	[tilespmem:s31+$0xFFFFFF00] =	vst.add.f32.msk $0xffff, v7  }
0x36d: {  	[tilespmem:s31+$0xFFFFFF80] =	vst.add.f32.msk $0xffff, v0  }
0x36e: {  	v0 =	vld [tilespmem:s22+$0xF0];
	_ =	sdelay $0x4  }
0x36f: {  	s31 =	simm.s32 $0x0;
	v0 =	vshll.u32 v0, $0x6  }
0x370: {  	s28 =	simm.s32 $0x2;
	v1 =	vor.u32 s31, v0  }
0x371: {  	s31 =	simm.s32 $0x1;
	v4 =	vor.u32 s28, v0  }
0x372: {  	v2 =	vor.u32 s31, v0;
	s31 =	simm.s32 $0x7  }
0x373: {  	v3 =	vor.u32 s31, v0;
	s31 =	simm.s32 $0x3  }
0x374: {  	v5 =	vor.u32 s31, v0;
	s31 =	simm.s32 $0x4  }
0x375: {  	v6 =	vor.u32 s31, v0;
	v1 =	vld.idx.msk [tilespmem:v1+s4+$0x0], $0xffff  }
0x376: {  	s31 =	simm.s32 $0x5;
	v4 =	vld.idx.msk [tilespmem:v4+s4+$0x0], $0xffff  }
0x377: {  	v7 =	vld.idx.msk [tilespmem:v2+s4+$0x0], $0xffff;
	v2 =	vor.u32 s31, v0  }
0x378: {  	s31 =	simm.s32 $0x6;
	v9 =	vld.idx.msk [tilespmem:v3+s4+$0x0], $0xffff  }
0x379: {  	v8 =	vor.u32 s31, v0;
	v5 =	vld.idx.msk [tilespmem:v5+s4+$0x0], $0xffff  }
0x37a: {  	s26 =	simm.s32 $0x181F0;
	v6 =	vld.idx.msk [tilespmem:v6+s4+$0x0], $0xffff  }
0x37b: {  	[tilespmem:s26+$0xFFFFFD80] =	vst.add.f32.msk $0xffff, v4  }
0x37c: {  	v3 =	vld.idx.msk [tilespmem:v2+s4+$0x0], $0xffff  }
0x37d: {  	[tilespmem:s26+$0xFFFFFD00] =	vst.add.f32.msk $0xffff, v7  }
0x37e: {  	v2 =	vld.idx.msk [tilespmem:v8+s4+$0x0], $0xffff  }
0x37f: {  	s28 =	simm.s32 $0x8;
	[tilespmem:s26+$0x0] =	vst.add.f32.msk $0xffff, v9  }
0x380: {  	s29 =	simm.s32 $0x9;
	[tilespmem:s26+$0xFFFFFE00] =	vst.add.f32.msk $0xffff, v5;
	v5 =	vor.u32 s28, v0  }
0x381: {  	s30 =	simm.s32 $0xF;
	v4 =	vor.u32 s29, v0;
	s29 =	simm.s32 $0x10;
	[tilespmem:s26+$0xFFFFFE80] =	vst.add.f32.msk $0xffff, v6  }
.LBB2_33:
0x382: {  	p0 =	slt.u32 s29, $0x38;
	s31 =	sadd.s32 $0x2, s28;
	v6 =	vor.u32 s30, v0;
	[tilespmem:s26+$0xFFFFFF00] =	vst.add.f32.msk $0xffff, v3  }
0x383: {  	s30 =	sadd.s32 $0x3, s28;
	v3 =	vor.u32 s31, v0;
	[tilespmem:s26+$0xFFFFFF80] =	vst.add.f32.msk $0xffff, v2  }
0x384: {  	v2 =	vor.u32 s30, v0;
	s30 =	sadd.s32 $0x4, s28;
	[tilespmem:s26+$0xFFFFFC80] =	vst.add.f32.msk $0xffff, v1  }
0x385: {  	v1 =	vld.idx.msk [tilespmem:v5+s4+$0x0], $0xffff;
	v5 =	vor.u32 s30, v0;
	s30 =	sadd.s32 $0x5, s28  }
0x386: {  	v4 =	vld.idx.msk [tilespmem:v4+s4+$0x0], $0xffff;
	v7 =	vor.u32 s30, v0;
	s30 =	sadd.s32 $0x6, s28;
	s28 =	smov.u32 s29  }
0x387: {  	v8 =	vor.u32 s30, v0;
	v6 =	vld.idx.msk [tilespmem:v6+s4+$0x0], $0xffff  }
0x388: {  	v9 =	vld.idx.msk [tilespmem:v3+s4+$0x0], $0xffff  }
0x389: {  	v10 =	vld.idx.msk [tilespmem:v2+s4+$0x0], $0xffff  }
0x38a: {  	v11 =	vld.idx.msk [tilespmem:v5+s4+$0x0], $0xffff  }
0x38b: {  	v3 =	vld.idx.msk [tilespmem:v7+s4+$0x0], $0xffff  }
0x38c: {  	s26 =	sadd.s32 $0x400, s26;
	v2 =	vld.idx.msk [tilespmem:v8+s4+$0x0], $0xffff  }
.Ltmp15:
0x38d: {  	[tilespmem:s26+$0x0] =	vst.add.f32.msk $0xffff, v6;
	(pc) =	sbr.rel @p0 .LBB2_33-.Ltmp15, $4  }
0x38e: {  	[tilespmem:s26+$0xFFFFFD00] =	vst.add.f32.msk $0xffff, v4  }
0x38f: {  	[tilespmem:s26+$0xFFFFFD80] =	vst.add.f32.msk $0xffff, v9  }
0x390: {  	s30 =	sadd.s32 $0x1, s29;
	v5 =	vor.u32 s29, v0;
	[tilespmem:s26+$0xFFFFFE00] =	vst.add.f32.msk $0xffff, v10  }
0x391: {  	s29 =	sadd.s32 $0x8, s29;
	v4 =	vor.u32 s30, v0;
	s30 =	sadd.s32 $0x7, s28;
	[tilespmem:s26+$0xFFFFFE80] =	vst.add.f32.msk $0xffff, v11  }
0x392: {  	_ =	sdelay $0x2  }
0x393: {  	v6 =	vor.u32 s30, v0;
	[tilespmem:s26+$0xFFFFFC80] =	vst.add.f32.msk $0xffff, v1  }
0x394: {  	v4 =	vld.idx.msk [tilespmem:v4+s4+$0x0], $0xffff  }
0x395: {  	s29 =	sadd.s32 $0x2, s28;
	v1 =	vld.idx.msk [tilespmem:v5+s4+$0x0], $0xffff  }
0x396: {  	[tilespmem:s26+$0xFFFFFF00] =	vst.add.f32.msk $0xffff, v3;
	s30 =	sadd.s32 $0x3, s28;
	v3 =	vor.u32 s29, v0  }
0x397: {  	[tilespmem:s26+$0xFFFFFF80] =	vst.add.f32.msk $0xffff, v2;
	s31 =	sadd.s32 $0x4, s28;
	v2 =	vor.u32 s30, v0  }
0x398: {  	v5 =	vor.u32 s31, v0;
	s30 =	sadd.s32 $0x5, s28;
	s31 =	sadd.s32 $0x400, s26;
	v6 =	vld.idx.msk [tilespmem:v6+s4+$0x0], $0xffff  }
0x399: {  	s28 =	sadd.s32 $0x6, s28;
	v7 =	vor.u32 s30, v0;
	[tilespmem:s31+$0xFFFFFD00] =	vst.add.f32.msk $0xffff, v4  }
0x39a: {  	v0 =	vor.u32 s28, v0;
	[tilespmem:s31+$0xFFFFFC80] =	vst.add.f32.msk $0xffff, v1  }
0x39b: {  	v3 =	vld.idx.msk [tilespmem:v3+s4+$0x0], $0xffff  }
0x39c: {  	v2 =	vld.idx.msk [tilespmem:v2+s4+$0x0], $0xffff  }
0x39d: {  	v5 =	vld.idx.msk [tilespmem:v5+s4+$0x0], $0xffff  }
0x39e: {  	v7 =	vld.idx.msk [tilespmem:v7+s4+$0x0], $0xffff  }
0x39f: {  	v0 =	vld.idx.msk [tilespmem:v0+s4+$0x0], $0xffff  }
0x3a0: {  	[tilespmem:s31+$0x0] =	vst.add.f32.msk $0xffff, v6  }
0x3a1: {  	[tilespmem:s31+$0xFFFFFD80] =	vst.add.f32.msk $0xffff, v3  }
0x3a2: {  	[tilespmem:s31+$0xFFFFFE00] =	vst.add.f32.msk $0xffff, v2  }
0x3a3: {  	[tilespmem:s31+$0xFFFFFE80] =	vst.add.f32.msk $0xffff, v5  }
0x3a4: {  	[tilespmem:s31+$0xFFFFFF00] =	vst.add.f32.msk $0xffff, v7  }
0x3a5: {  	s23 =	sadd.s32 s3, s23;
	[tilespmem:s31+$0xFFFFFF80] =	vst.add.f32.msk $0xffff, v0  }
0x3a6: {  	[hbm4b:s23+s10] =	stream.strided.scatter [tilespmem:s13], [sflag:$0x3], $0x4000, s11, s10, $0x38;
	[tilespmem:$0x1DE00] =	vst v63  }
0x3a7: {  	s24 =	sshll.u32 s24, $0x7;
	_ =	swait.ge [sflag:s16], $0x4000  }
0x3a8: {  	s23 =	sand.u32 $0x300, s24;
	[sflag:s16] =	ssyncset.done $0x0  }
0x3a9: {  	s23 =	sadd.s32 s23, s25;
	[sflag:s16] =	ssyncadd.s32 $0xFFFFC000  }
0x3aa: {  	v0 =	vld [tilespmem:s23+$0x0];
	_ =	sdelay $0x4  }
0x3ab: {  	s26 =	simm.s32 $0x0;
	v0 =	vshll.u32 v0, $0x6  }
0x3ac: {  	s29 =	simm.s32 $0x1;
	v1 =	vor.u32 s26, v0  }
0x3ad: {  	s30 =	simm.s32 $0x7;
	v2 =	vor.u32 s29, v0  }
0x3ae: {  	s31 =	simm.s32 $0x2;
	v3 =	vor.u32 s30, v0  }
0x3af: {  	s25 =	simm.s32 $0x3;
	v4 =	vor.u32 s31, v0  }
0x3b0: {  	v5 =	vor.u32 s25, v0;
	s26 =	simm.s32 $0x4  }
0x3b1: {  	s29 =	simm.s32 $0x5;
	v6 =	vor.u32 s26, v0;
	v1 =	vld.idx.msk [tilespmem:v1+s4+$0x0], $0xffff  }
0x3b2: {  	s30 =	simm.s32 $0x6;
	v7 =	vld.idx.msk [tilespmem:v2+s4+$0x0], $0xffff;
	v2 =	vor.u32 s29, v0  }
0x3b3: {  	v8 =	vor.u32 s30, v0;
	v9 =	vld.idx.msk [tilespmem:v3+s4+$0x0], $0xffff  }
0x3b4: {  	v4 =	vld.idx.msk [tilespmem:v4+s4+$0x0], $0xffff  }
0x3b5: {  	v5 =	vld.idx.msk [tilespmem:v5+s4+$0x0], $0xffff  }
0x3b6: {  	v6 =	vld.idx.msk [tilespmem:v6+s4+$0x0], $0xffff  }
0x3b7: {  	v3 =	vld.idx.msk [tilespmem:v2+s4+$0x0], $0xffff  }
0x3b8: {  	s24 =	simm.s32 $0x1A180;
	v2 =	vld.idx.msk [tilespmem:v8+s4+$0x0], $0xffff  }
0x3b9: {  	[tilespmem:s24+$0x0] =	vst.add.f32.msk $0xffff, v9  }
0x3ba: {  	[tilespmem:s24+$0xFFFFFD00] =	vst.add.f32.msk $0xffff, v7  }
0x3bb: {  	s25 =	simm.s32 $0x8;
	[tilespmem:s24+$0xFFFFFD80] =	vst.add.f32.msk $0xffff, v4  }
0x3bc: {  	s31 =	simm.s32 $0x9;
	[tilespmem:s24+$0xFFFFFE00] =	vst.add.f32.msk $0xffff, v5;
	v5 =	vor.u32 s25, v0  }
0x3bd: {  	s28 =	simm.s32 $0xF;
	s26 =	simm.s32 $0x10;
	v4 =	vor.u32 s31, v0;
	[tilespmem:s24+$0xFFFFFE80] =	vst.add.f32.msk $0xffff, v6  }
.LBB2_35:
0x3be: {  	p0 =	slt.u32 s26, $0x38;
	s29 =	sadd.s32 $0x2, s25;
	v6 =	vor.u32 s28, v0;
	[tilespmem:s24+$0xFFFFFF00] =	vst.add.f32.msk $0xffff, v3  }
0x3bf: {  	s28 =	sadd.s32 $0x3, s25;
	v3 =	vor.u32 s29, v0;
	[tilespmem:s24+$0xFFFFFF80] =	vst.add.f32.msk $0xffff, v2  }
0x3c0: {  	v2 =	vor.u32 s28, v0;
	s28 =	sadd.s32 $0x4, s25;
	[tilespmem:s24+$0xFFFFFC80] =	vst.add.f32.msk $0xffff, v1  }
0x3c1: {  	v1 =	vld.idx.msk [tilespmem:v5+s4+$0x0], $0xffff;
	v5 =	vor.u32 s28, v0;
	s28 =	sadd.s32 $0x5, s25  }
0x3c2: {  	v4 =	vld.idx.msk [tilespmem:v4+s4+$0x0], $0xffff;
	v7 =	vor.u32 s28, v0;
	s28 =	sadd.s32 $0x6, s25;
	s25 =	smov.u32 s26  }
0x3c3: {  	v8 =	vor.u32 s28, v0;
	v6 =	vld.idx.msk [tilespmem:v6+s4+$0x0], $0xffff  }
0x3c4: {  	v9 =	vld.idx.msk [tilespmem:v3+s4+$0x0], $0xffff  }
0x3c5: {  	v10 =	vld.idx.msk [tilespmem:v2+s4+$0x0], $0xffff  }
0x3c6: {  	v11 =	vld.idx.msk [tilespmem:v5+s4+$0x0], $0xffff  }
0x3c7: {  	v3 =	vld.idx.msk [tilespmem:v7+s4+$0x0], $0xffff  }
0x3c8: {  	s24 =	sadd.s32 $0x400, s24;
	v2 =	vld.idx.msk [tilespmem:v8+s4+$0x0], $0xffff  }
.Ltmp16:
0x3c9: {  	[tilespmem:s24+$0x0] =	vst.add.f32.msk $0xffff, v6;
	(pc) =	sbr.rel @p0 .LBB2_35-.Ltmp16, $4  }
0x3ca: {  	[tilespmem:s24+$0xFFFFFD00] =	vst.add.f32.msk $0xffff, v4  }
0x3cb: {  	[tilespmem:s24+$0xFFFFFD80] =	vst.add.f32.msk $0xffff, v9  }
0x3cc: {  	s28 =	sadd.s32 $0x1, s26;
	v5 =	vor.u32 s26, v0;
	[tilespmem:s24+$0xFFFFFE00] =	vst.add.f32.msk $0xffff, v10  }
0x3cd: {  	s26 =	sadd.s32 $0x8, s26;
	v4 =	vor.u32 s28, v0;
	s28 =	sadd.s32 $0x7, s25;
	[tilespmem:s24+$0xFFFFFE80] =	vst.add.f32.msk $0xffff, v11  }
0x3ce: {  	_ =	sdelay $0x2  }
0x3cf: {  	v6 =	vor.u32 s28, v0;
	[tilespmem:s24+$0xFFFFFC80] =	vst.add.f32.msk $0xffff, v1  }
0x3d0: {  	v4 =	vld.idx.msk [tilespmem:v4+s4+$0x0], $0xffff  }
0x3d1: {  	s26 =	sadd.s32 $0x2, s25;
	v1 =	vld.idx.msk [tilespmem:v5+s4+$0x0], $0xffff  }
0x3d2: {  	[tilespmem:s24+$0xFFFFFF00] =	vst.add.f32.msk $0xffff, v3;
	s31 =	sadd.s32 $0x3, s25;
	v3 =	vor.u32 s26, v0  }
0x3d3: {  	[tilespmem:s24+$0xFFFFFF80] =	vst.add.f32.msk $0xffff, v2;
	s29 =	sadd.s32 $0x4, s25;
	v2 =	vor.u32 s31, v0  }
0x3d4: {  	s30 =	sadd.s32 $0x5, s25;
	v5 =	vor.u32 s29, v0;
	s31 =	sadd.s32 $0x6, s25;
	s25 =	sadd.s32 $0x400, s24;
	v6 =	vld.idx.msk [tilespmem:v6+s4+$0x0], $0xffff  }
0x3d5: {  	v7 =	vor.u32 s30, v0;
	[tilespmem:s25+$0xFFFFFD00] =	vst.add.f32.msk $0xffff, v4  }
0x3d6: {  	v0 =	vor.u32 s31, v0;
	[tilespmem:s25+$0xFFFFFC80] =	vst.add.f32.msk $0xffff, v1  }
0x3d7: {  	v3 =	vld.idx.msk [tilespmem:v3+s4+$0x0], $0xffff  }
0x3d8: {  	v2 =	vld.idx.msk [tilespmem:v2+s4+$0x0], $0xffff  }
0x3d9: {  	v5 =	vld.idx.msk [tilespmem:v5+s4+$0x0], $0xffff  }
0x3da: {  	v7 =	vld.idx.msk [tilespmem:v7+s4+$0x0], $0xffff  }
0x3db: {  	v0 =	vld.idx.msk [tilespmem:v0+s4+$0x0], $0xffff  }
0x3dc: {  	[tilespmem:s25+$0x0] =	vst.add.f32.msk $0xffff, v6  }
0x3dd: {  	[tilespmem:s25+$0xFFFFFD80] =	vst.add.f32.msk $0xffff, v3  }
0x3de: {  	[tilespmem:s25+$0xFFFFFE00] =	vst.add.f32.msk $0xffff, v2  }
0x3df: {  	[tilespmem:s25+$0xFFFFFE80] =	vst.add.f32.msk $0xffff, v5  }
0x3e0: {  	[tilespmem:s25+$0xFFFFFF00] =	vst.add.f32.msk $0xffff, v7  }
0x3e1: {  	[tilespmem:s25+$0xFFFFFF80] =	vst.add.f32.msk $0xffff, v0  }
0x3e2: {  	v0 =	vld [tilespmem:s23+$0x10];
	_ =	sdelay $0x4  }
0x3e3: {  	s26 =	simm.s32 $0x0;
	v0 =	vshll.u32 v0, $0x6  }
0x3e4: {  	s29 =	simm.s32 $0x1;
	v1 =	vor.u32 s26, v0  }
0x3e5: {  	s30 =	simm.s32 $0x7;
	v2 =	vor.u32 s29, v0  }
0x3e6: {  	s31 =	simm.s32 $0x2;
	v3 =	vor.u32 s30, v0  }
0x3e7: {  	s25 =	simm.s32 $0x3;
	v4 =	vor.u32 s31, v0  }
0x3e8: {  	v5 =	vor.u32 s25, v0;
	s26 =	simm.s32 $0x4  }
0x3e9: {  	s29 =	simm.s32 $0x5;
	v6 =	vor.u32 s26, v0;
	v1 =	vld.idx.msk [tilespmem:v1+s4+$0x0], $0xffff  }
0x3ea: {  	s30 =	simm.s32 $0x6;
	v7 =	vld.idx.msk [tilespmem:v2+s4+$0x0], $0xffff;
	v2 =	vor.u32 s29, v0  }
0x3eb: {  	v8 =	vor.u32 s30, v0;
	v9 =	vld.idx.msk [tilespmem:v3+s4+$0x0], $0xffff  }
0x3ec: {  	v4 =	vld.idx.msk [tilespmem:v4+s4+$0x0], $0xffff  }
0x3ed: {  	v5 =	vld.idx.msk [tilespmem:v5+s4+$0x0], $0xffff  }
0x3ee: {  	v6 =	vld.idx.msk [tilespmem:v6+s4+$0x0], $0xffff  }
0x3ef: {  	v3 =	vld.idx.msk [tilespmem:v2+s4+$0x0], $0xffff  }
0x3f0: {  	s24 =	simm.s32 $0x1A190;
	v2 =	vld.idx.msk [tilespmem:v8+s4+$0x0], $0xffff  }
0x3f1: {  	[tilespmem:s24+$0x0] =	vst.add.f32.msk $0xffff, v9  }
0x3f2: {  	[tilespmem:s24+$0xFFFFFD00] =	vst.add.f32.msk $0xffff, v7  }
0x3f3: {  	s25 =	simm.s32 $0x8;
	[tilespmem:s24+$0xFFFFFD80] =	vst.add.f32.msk $0xffff, v4  }
0x3f4: {  	s31 =	simm.s32 $0x9;
	[tilespmem:s24+$0xFFFFFE00] =	vst.add.f32.msk $0xffff, v5;
	v5 =	vor.u32 s25, v0  }
0x3f5: {  	s28 =	simm.s32 $0xF;
	s26 =	simm.s32 $0x10;
	v4 =	vor.u32 s31, v0;
	[tilespmem:s24+$0xFFFFFE80] =	vst.add.f32.msk $0xffff, v6  }
.LBB2_37:
0x3f6: {  	p0 =	slt.u32 s26, $0x38;
	s29 =	sadd.s32 $0x2, s25;
	v6 =	vor.u32 s28, v0;
	[tilespmem:s24+$0xFFFFFF00] =	vst.add.f32.msk $0xffff, v3  }
0x3f7: {  	s28 =	sadd.s32 $0x3, s25;
	v3 =	vor.u32 s29, v0;
	[tilespmem:s24+$0xFFFFFF80] =	vst.add.f32.msk $0xffff, v2  }
0x3f8: {  	v2 =	vor.u32 s28, v0;
	s28 =	sadd.s32 $0x4, s25;
	[tilespmem:s24+$0xFFFFFC80] =	vst.add.f32.msk $0xffff, v1  }
0x3f9: {  	v1 =	vld.idx.msk [tilespmem:v5+s4+$0x0], $0xffff;
	v5 =	vor.u32 s28, v0;
	s28 =	sadd.s32 $0x5, s25  }
0x3fa: {  	v4 =	vld.idx.msk [tilespmem:v4+s4+$0x0], $0xffff;
	v7 =	vor.u32 s28, v0;
	s28 =	sadd.s32 $0x6, s25;
	s25 =	smov.u32 s26  }
0x3fb: {  	v8 =	vor.u32 s28, v0;
	v6 =	vld.idx.msk [tilespmem:v6+s4+$0x0], $0xffff  }
0x3fc: {  	v9 =	vld.idx.msk [tilespmem:v3+s4+$0x0], $0xffff  }
0x3fd: {  	v10 =	vld.idx.msk [tilespmem:v2+s4+$0x0], $0xffff  }
0x3fe: {  	v11 =	vld.idx.msk [tilespmem:v5+s4+$0x0], $0xffff  }
0x3ff: {  	v3 =	vld.idx.msk [tilespmem:v7+s4+$0x0], $0xffff  }
0x400: {  	s24 =	sadd.s32 $0x400, s24;
	v2 =	vld.idx.msk [tilespmem:v8+s4+$0x0], $0xffff  }
.Ltmp17:
0x401: {  	[tilespmem:s24+$0x0] =	vst.add.f32.msk $0xffff, v6;
	(pc) =	sbr.rel @p0 .LBB2_37-.Ltmp17, $4  }
0x402: {  	[tilespmem:s24+$0xFFFFFD00] =	vst.add.f32.msk $0xffff, v4  }
0x403: {  	[tilespmem:s24+$0xFFFFFD80] =	vst.add.f32.msk $0xffff, v9  }
0x404: {  	s28 =	sadd.s32 $0x1, s26;
	v5 =	vor.u32 s26, v0;
	[tilespmem:s24+$0xFFFFFE00] =	vst.add.f32.msk $0xffff, v10  }
0x405: {  	s26 =	sadd.s32 $0x8, s26;
	v4 =	vor.u32 s28, v0;
	s28 =	sadd.s32 $0x7, s25;
	[tilespmem:s24+$0xFFFFFE80] =	vst.add.f32.msk $0xffff, v11  }
0x406: {  	_ =	sdelay $0x2  }
0x407: {  	v6 =	vor.u32 s28, v0;
	[tilespmem:s24+$0xFFFFFC80] =	vst.add.f32.msk $0xffff, v1  }
0x408: {  	v4 =	vld.idx.msk [tilespmem:v4+s4+$0x0], $0xffff  }
0x409: {  	s26 =	sadd.s32 $0x2, s25;
	v1 =	vld.idx.msk [tilespmem:v5+s4+$0x0], $0xffff  }
0x40a: {  	[tilespmem:s24+$0xFFFFFF00] =	vst.add.f32.msk $0xffff, v3;
	s31 =	sadd.s32 $0x3, s25;
	v3 =	vor.u32 s26, v0  }
0x40b: {  	[tilespmem:s24+$0xFFFFFF80] =	vst.add.f32.msk $0xffff, v2;
	s29 =	sadd.s32 $0x4, s25;
	v2 =	vor.u32 s31, v0  }
0x40c: {  	s30 =	sadd.s32 $0x5, s25;
	v5 =	vor.u32 s29, v0;
	s31 =	sadd.s32 $0x6, s25;
	s25 =	sadd.s32 $0x400, s24;
	v6 =	vld.idx.msk [tilespmem:v6+s4+$0x0], $0xffff  }
0x40d: {  	v7 =	vor.u32 s30, v0;
	[tilespmem:s25+$0xFFFFFD00] =	vst.add.f32.msk $0xffff, v4  }
0x40e: {  	v0 =	vor.u32 s31, v0;
	[tilespmem:s25+$0xFFFFFC80] =	vst.add.f32.msk $0xffff, v1  }
0x40f: {  	v3 =	vld.idx.msk [tilespmem:v3+s4+$0x0], $0xffff  }
0x410: {  	v2 =	vld.idx.msk [tilespmem:v2+s4+$0x0], $0xffff  }
0x411: {  	v5 =	vld.idx.msk [tilespmem:v5+s4+$0x0], $0xffff  }
0x412: {  	v7 =	vld.idx.msk [tilespmem:v7+s4+$0x0], $0xffff  }
0x413: {  	v0 =	vld.idx.msk [tilespmem:v0+s4+$0x0], $0xffff  }
0x414: {  	[tilespmem:s25+$0x0] =	vst.add.f32.msk $0xffff, v6  }
0x415: {  	[tilespmem:s25+$0xFFFFFD80] =	vst.add.f32.msk $0xffff, v3  }
0x416: {  	[tilespmem:s25+$0xFFFFFE00] =	vst.add.f32.msk $0xffff, v2  }
0x417: {  	[tilespmem:s25+$0xFFFFFE80] =	vst.add.f32.msk $0xffff, v5  }
0x418: {  	[tilespmem:s25+$0xFFFFFF00] =	vst.add.f32.msk $0xffff, v7  }
0x419: {  	[tilespmem:s25+$0xFFFFFF80] =	vst.add.f32.msk $0xffff, v0  }
0x41a: {  	v0 =	vld [tilespmem:s23+$0x20];
	_ =	sdelay $0x4  }
0x41b: {  	s26 =	simm.s32 $0x0;
	v0 =	vshll.u32 v0, $0x6  }
0x41c: {  	s29 =	simm.s32 $0x1;
	v1 =	vor.u32 s26, v0  }
0x41d: {  	s30 =	simm.s32 $0x7;
	v2 =	vor.u32 s29, v0  }
0x41e: {  	s31 =	simm.s32 $0x2;
	v3 =	vor.u32 s30, v0  }
0x41f: {  	s25 =	simm.s32 $0x3;
	v4 =	vor.u32 s31, v0  }
0x420: {  	v5 =	vor.u32 s25, v0;
	s26 =	simm.s32 $0x4  }
0x421: {  	s29 =	simm.s32 $0x5;
	v6 =	vor.u32 s26, v0;
	v1 =	vld.idx.msk [tilespmem:v1+s4+$0x0], $0xffff  }
0x422: {  	s30 =	simm.s32 $0x6;
	v7 =	vld.idx.msk [tilespmem:v2+s4+$0x0], $0xffff;
	v2 =	vor.u32 s29, v0  }
0x423: {  	v8 =	vor.u32 s30, v0;
	v9 =	vld.idx.msk [tilespmem:v3+s4+$0x0], $0xffff  }
0x424: {  	v4 =	vld.idx.msk [tilespmem:v4+s4+$0x0], $0xffff  }
0x425: {  	v5 =	vld.idx.msk [tilespmem:v5+s4+$0x0], $0xffff  }
0x426: {  	v6 =	vld.idx.msk [tilespmem:v6+s4+$0x0], $0xffff  }
0x427: {  	v3 =	vld.idx.msk [tilespmem:v2+s4+$0x0], $0xffff  }
0x428: {  	s24 =	simm.s32 $0x1A1A0;
	v2 =	vld.idx.msk [tilespmem:v8+s4+$0x0], $0xffff  }
0x429: {  	[tilespmem:s24+$0x0] =	vst.add.f32.msk $0xffff, v9  }
0x42a: {  	[tilespmem:s24+$0xFFFFFD00] =	vst.add.f32.msk $0xffff, v7  }
0x42b: {  	s25 =	simm.s32 $0x8;
	[tilespmem:s24+$0xFFFFFD80] =	vst.add.f32.msk $0xffff, v4  }
0x42c: {  	s31 =	simm.s32 $0x9;
	[tilespmem:s24+$0xFFFFFE00] =	vst.add.f32.msk $0xffff, v5;
	v5 =	vor.u32 s25, v0  }
0x42d: {  	s28 =	simm.s32 $0xF;
	s26 =	simm.s32 $0x10;
	v4 =	vor.u32 s31, v0;
	[tilespmem:s24+$0xFFFFFE80] =	vst.add.f32.msk $0xffff, v6  }
.LBB2_39:
0x42e: {  	p0 =	slt.u32 s26, $0x38;
	s29 =	sadd.s32 $0x2, s25;
	v6 =	vor.u32 s28, v0;
	[tilespmem:s24+$0xFFFFFF00] =	vst.add.f32.msk $0xffff, v3  }
0x42f: {  	s28 =	sadd.s32 $0x3, s25;
	v3 =	vor.u32 s29, v0;
	[tilespmem:s24+$0xFFFFFF80] =	vst.add.f32.msk $0xffff, v2  }
0x430: {  	v2 =	vor.u32 s28, v0;
	s28 =	sadd.s32 $0x4, s25;
	[tilespmem:s24+$0xFFFFFC80] =	vst.add.f32.msk $0xffff, v1  }
0x431: {  	v1 =	vld.idx.msk [tilespmem:v5+s4+$0x0], $0xffff;
	v5 =	vor.u32 s28, v0;
	s28 =	sadd.s32 $0x5, s25  }
0x432: {  	v4 =	vld.idx.msk [tilespmem:v4+s4+$0x0], $0xffff;
	v7 =	vor.u32 s28, v0;
	s28 =	sadd.s32 $0x6, s25;
	s25 =	smov.u32 s26  }
0x433: {  	v8 =	vor.u32 s28, v0;
	v6 =	vld.idx.msk [tilespmem:v6+s4+$0x0], $0xffff  }
0x434: {  	v9 =	vld.idx.msk [tilespmem:v3+s4+$0x0], $0xffff  }
0x435: {  	v10 =	vld.idx.msk [tilespmem:v2+s4+$0x0], $0xffff  }
0x436: {  	v11 =	vld.idx.msk [tilespmem:v5+s4+$0x0], $0xffff  }
0x437: {  	v3 =	vld.idx.msk [tilespmem:v7+s4+$0x0], $0xffff  }
0x438: {  	s24 =	sadd.s32 $0x400, s24;
	v2 =	vld.idx.msk [tilespmem:v8+s4+$0x0], $0xffff  }
.Ltmp18:
0x439: {  	[tilespmem:s24+$0x0] =	vst.add.f32.msk $0xffff, v6;
	(pc) =	sbr.rel @p0 .LBB2_39-.Ltmp18, $4  }
0x43a: {  	[tilespmem:s24+$0xFFFFFD00] =	vst.add.f32.msk $0xffff, v4  }
0x43b: {  	[tilespmem:s24+$0xFFFFFD80] =	vst.add.f32.msk $0xffff, v9  }
0x43c: {  	s28 =	sadd.s32 $0x1, s26;
	v5 =	vor.u32 s26, v0;
	[tilespmem:s24+$0xFFFFFE00] =	vst.add.f32.msk $0xffff, v10  }
0x43d: {  	s26 =	sadd.s32 $0x8, s26;
	v4 =	vor.u32 s28, v0;
	s28 =	sadd.s32 $0x7, s25;
	[tilespmem:s24+$0xFFFFFE80] =	vst.add.f32.msk $0xffff, v11  }
0x43e: {  	_ =	sdelay $0x2  }
0x43f: {  	v6 =	vor.u32 s28, v0;
	[tilespmem:s24+$0xFFFFFC80] =	vst.add.f32.msk $0xffff, v1  }
0x440: {  	v4 =	vld.idx.msk [tilespmem:v4+s4+$0x0], $0xffff  }
0x441: {  	s26 =	sadd.s32 $0x2, s25;
	v1 =	vld.idx.msk [tilespmem:v5+s4+$0x0], $0xffff  }
0x442: {  	[tilespmem:s24+$0xFFFFFF00] =	vst.add.f32.msk $0xffff, v3;
	s31 =	sadd.s32 $0x3, s25;
	v3 =	vor.u32 s26, v0  }
0x443: {  	[tilespmem:s24+$0xFFFFFF80] =	vst.add.f32.msk $0xffff, v2;
	s29 =	sadd.s32 $0x4, s25;
	v2 =	vor.u32 s31, v0  }
0x444: {  	s30 =	sadd.s32 $0x5, s25;
	v5 =	vor.u32 s29, v0;
	s31 =	sadd.s32 $0x6, s25;
	s25 =	sadd.s32 $0x400, s24;
	v6 =	vld.idx.msk [tilespmem:v6+s4+$0x0], $0xffff  }
0x445: {  	v7 =	vor.u32 s30, v0;
	[tilespmem:s25+$0xFFFFFD00] =	vst.add.f32.msk $0xffff, v4  }
0x446: {  	v0 =	vor.u32 s31, v0;
	[tilespmem:s25+$0xFFFFFC80] =	vst.add.f32.msk $0xffff, v1  }
0x447: {  	v3 =	vld.idx.msk [tilespmem:v3+s4+$0x0], $0xffff  }
0x448: {  	v2 =	vld.idx.msk [tilespmem:v2+s4+$0x0], $0xffff  }
0x449: {  	v5 =	vld.idx.msk [tilespmem:v5+s4+$0x0], $0xffff  }
0x44a: {  	v7 =	vld.idx.msk [tilespmem:v7+s4+$0x0], $0xffff  }
0x44b: {  	v0 =	vld.idx.msk [tilespmem:v0+s4+$0x0], $0xffff  }
0x44c: {  	[tilespmem:s25+$0x0] =	vst.add.f32.msk $0xffff, v6  }
0x44d: {  	[tilespmem:s25+$0xFFFFFD80] =	vst.add.f32.msk $0xffff, v3  }
0x44e: {  	[tilespmem:s25+$0xFFFFFE00] =	vst.add.f32.msk $0xffff, v2  }
0x44f: {  	[tilespmem:s25+$0xFFFFFE80] =	vst.add.f32.msk $0xffff, v5  }
0x450: {  	[tilespmem:s25+$0xFFFFFF00] =	vst.add.f32.msk $0xffff, v7  }
0x451: {  	[tilespmem:s25+$0xFFFFFF80] =	vst.add.f32.msk $0xffff, v0  }
0x452: {  	v0 =	vld [tilespmem:s23+$0x30];
	_ =	sdelay $0x4  }
0x453: {  	s26 =	simm.s32 $0x0;
	v0 =	vshll.u32 v0, $0x6  }
0x454: {  	s29 =	simm.s32 $0x1;
	v1 =	vor.u32 s26, v0  }
0x455: {  	s30 =	simm.s32 $0x7;
	v2 =	vor.u32 s29, v0  }
0x456: {  	s31 =	simm.s32 $0x2;
	v3 =	vor.u32 s30, v0  }
0x457: {  	s25 =	simm.s32 $0x3;
	v4 =	vor.u32 s31, v0  }
0x458: {  	v5 =	vor.u32 s25, v0;
	s26 =	simm.s32 $0x4  }
0x459: {  	s29 =	simm.s32 $0x5;
	v6 =	vor.u32 s26, v0;
	v1 =	vld.idx.msk [tilespmem:v1+s4+$0x0], $0xffff  }
0x45a: {  	s30 =	simm.s32 $0x6;
	v7 =	vld.idx.msk [tilespmem:v2+s4+$0x0], $0xffff;
	v2 =	vor.u32 s29, v0  }
0x45b: {  	v8 =	vor.u32 s30, v0;
	v9 =	vld.idx.msk [tilespmem:v3+s4+$0x0], $0xffff  }
0x45c: {  	v4 =	vld.idx.msk [tilespmem:v4+s4+$0x0], $0xffff  }
0x45d: {  	v5 =	vld.idx.msk [tilespmem:v5+s4+$0x0], $0xffff  }
0x45e: {  	v6 =	vld.idx.msk [tilespmem:v6+s4+$0x0], $0xffff  }
0x45f: {  	v3 =	vld.idx.msk [tilespmem:v2+s4+$0x0], $0xffff  }
0x460: {  	s24 =	simm.s32 $0x1A1B0;
	v2 =	vld.idx.msk [tilespmem:v8+s4+$0x0], $0xffff  }
0x461: {  	[tilespmem:s24+$0x0] =	vst.add.f32.msk $0xffff, v9  }
0x462: {  	[tilespmem:s24+$0xFFFFFD00] =	vst.add.f32.msk $0xffff, v7  }
0x463: {  	s25 =	simm.s32 $0x8;
	[tilespmem:s24+$0xFFFFFD80] =	vst.add.f32.msk $0xffff, v4  }
0x464: {  	s31 =	simm.s32 $0x9;
	[tilespmem:s24+$0xFFFFFE00] =	vst.add.f32.msk $0xffff, v5;
	v5 =	vor.u32 s25, v0  }
0x465: {  	s28 =	simm.s32 $0xF;
	s26 =	simm.s32 $0x10;
	v4 =	vor.u32 s31, v0;
	[tilespmem:s24+$0xFFFFFE80] =	vst.add.f32.msk $0xffff, v6  }
.LBB2_41:
0x466: {  	p0 =	slt.u32 s26, $0x38;
	s29 =	sadd.s32 $0x2, s25;
	v6 =	vor.u32 s28, v0;
	[tilespmem:s24+$0xFFFFFF00] =	vst.add.f32.msk $0xffff, v3  }
0x467: {  	s28 =	sadd.s32 $0x3, s25;
	v3 =	vor.u32 s29, v0;
	[tilespmem:s24+$0xFFFFFF80] =	vst.add.f32.msk $0xffff, v2  }
0x468: {  	v2 =	vor.u32 s28, v0;
	s28 =	sadd.s32 $0x4, s25;
	[tilespmem:s24+$0xFFFFFC80] =	vst.add.f32.msk $0xffff, v1  }
0x469: {  	v1 =	vld.idx.msk [tilespmem:v5+s4+$0x0], $0xffff;
	v5 =	vor.u32 s28, v0;
	s28 =	sadd.s32 $0x5, s25  }
0x46a: {  	v4 =	vld.idx.msk [tilespmem:v4+s4+$0x0], $0xffff;
	v7 =	vor.u32 s28, v0;
	s28 =	sadd.s32 $0x6, s25;
	s25 =	smov.u32 s26  }
0x46b: {  	v8 =	vor.u32 s28, v0;
	v6 =	vld.idx.msk [tilespmem:v6+s4+$0x0], $0xffff  }
0x46c: {  	v9 =	vld.idx.msk [tilespmem:v3+s4+$0x0], $0xffff  }
0x46d: {  	v10 =	vld.idx.msk [tilespmem:v2+s4+$0x0], $0xffff  }
0x46e: {  	v11 =	vld.idx.msk [tilespmem:v5+s4+$0x0], $0xffff  }
0x46f: {  	v3 =	vld.idx.msk [tilespmem:v7+s4+$0x0], $0xffff  }
0x470: {  	s24 =	sadd.s32 $0x400, s24;
	v2 =	vld.idx.msk [tilespmem:v8+s4+$0x0], $0xffff  }
.Ltmp19:
0x471: {  	[tilespmem:s24+$0x0] =	vst.add.f32.msk $0xffff, v6;
	(pc) =	sbr.rel @p0 .LBB2_41-.Ltmp19, $4  }
0x472: {  	[tilespmem:s24+$0xFFFFFD00] =	vst.add.f32.msk $0xffff, v4  }
0x473: {  	[tilespmem:s24+$0xFFFFFD80] =	vst.add.f32.msk $0xffff, v9  }
0x474: {  	s28 =	sadd.s32 $0x1, s26;
	v5 =	vor.u32 s26, v0;
	[tilespmem:s24+$0xFFFFFE00] =	vst.add.f32.msk $0xffff, v10  }
0x475: {  	s26 =	sadd.s32 $0x8, s26;
	v4 =	vor.u32 s28, v0;
	s28 =	sadd.s32 $0x7, s25;
	[tilespmem:s24+$0xFFFFFE80] =	vst.add.f32.msk $0xffff, v11  }
0x476: {  	_ =	sdelay $0x2  }
0x477: {  	v6 =	vor.u32 s28, v0;
	[tilespmem:s24+$0xFFFFFC80] =	vst.add.f32.msk $0xffff, v1  }
0x478: {  	v4 =	vld.idx.msk [tilespmem:v4+s4+$0x0], $0xffff  }
0x479: {  	s26 =	sadd.s32 $0x2, s25;
	v1 =	vld.idx.msk [tilespmem:v5+s4+$0x0], $0xffff  }
0x47a: {  	[tilespmem:s24+$0xFFFFFF00] =	vst.add.f32.msk $0xffff, v3;
	s31 =	sadd.s32 $0x3, s25;
	v3 =	vor.u32 s26, v0  }
0x47b: {  	[tilespmem:s24+$0xFFFFFF80] =	vst.add.f32.msk $0xffff, v2;
	s29 =	sadd.s32 $0x4, s25;
	v2 =	vor.u32 s31, v0  }
0x47c: {  	s30 =	sadd.s32 $0x5, s25;
	v5 =	vor.u32 s29, v0;
	s31 =	sadd.s32 $0x6, s25;
	s25 =	sadd.s32 $0x400, s24;
	v6 =	vld.idx.msk [tilespmem:v6+s4+$0x0], $0xffff  }
0x47d: {  	v7 =	vor.u32 s30, v0;
	[tilespmem:s25+$0xFFFFFD00] =	vst.add.f32.msk $0xffff, v4  }
0x47e: {  	v0 =	vor.u32 s31, v0;
	[tilespmem:s25+$0xFFFFFC80] =	vst.add.f32.msk $0xffff, v1  }
0x47f: {  	v3 =	vld.idx.msk [tilespmem:v3+s4+$0x0], $0xffff  }
0x480: {  	v2 =	vld.idx.msk [tilespmem:v2+s4+$0x0], $0xffff  }
0x481: {  	v5 =	vld.idx.msk [tilespmem:v5+s4+$0x0], $0xffff  }
0x482: {  	v7 =	vld.idx.msk [tilespmem:v7+s4+$0x0], $0xffff  }
0x483: {  	v0 =	vld.idx.msk [tilespmem:v0+s4+$0x0], $0xffff  }
0x484: {  	[tilespmem:s25+$0x0] =	vst.add.f32.msk $0xffff, v6  }
0x485: {  	[tilespmem:s25+$0xFFFFFD80] =	vst.add.f32.msk $0xffff, v3  }
0x486: {  	[tilespmem:s25+$0xFFFFFE00] =	vst.add.f32.msk $0xffff, v2  }
0x487: {  	[tilespmem:s25+$0xFFFFFE80] =	vst.add.f32.msk $0xffff, v5  }
0x488: {  	[tilespmem:s25+$0xFFFFFF00] =	vst.add.f32.msk $0xffff, v7  }
0x489: {  	[tilespmem:s25+$0xFFFFFF80] =	vst.add.f32.msk $0xffff, v0  }
0x48a: {  	v0 =	vld [tilespmem:s23+$0x40];
	_ =	sdelay $0x4  }
0x48b: {  	s26 =	simm.s32 $0x0;
	v0 =	vshll.u32 v0, $0x6  }
0x48c: {  	s29 =	simm.s32 $0x1;
	v1 =	vor.u32 s26, v0  }
0x48d: {  	s30 =	simm.s32 $0x7;
	v2 =	vor.u32 s29, v0  }
0x48e: {  	s31 =	simm.s32 $0x2;
	v3 =	vor.u32 s30, v0  }
0x48f: {  	s25 =	simm.s32 $0x3;
	v4 =	vor.u32 s31, v0  }
0x490: {  	v5 =	vor.u32 s25, v0;
	s26 =	simm.s32 $0x4  }
0x491: {  	s29 =	simm.s32 $0x5;
	v6 =	vor.u32 s26, v0;
	v1 =	vld.idx.msk [tilespmem:v1+s4+$0x0], $0xffff  }
0x492: {  	s30 =	simm.s32 $0x6;
	v7 =	vld.idx.msk [tilespmem:v2+s4+$0x0], $0xffff;
	v2 =	vor.u32 s29, v0  }
0x493: {  	v8 =	vor.u32 s30, v0;
	v9 =	vld.idx.msk [tilespmem:v3+s4+$0x0], $0xffff  }
0x494: {  	v4 =	vld.idx.msk [tilespmem:v4+s4+$0x0], $0xffff  }
0x495: {  	v5 =	vld.idx.msk [tilespmem:v5+s4+$0x0], $0xffff  }
0x496: {  	v6 =	vld.idx.msk [tilespmem:v6+s4+$0x0], $0xffff  }
0x497: {  	v3 =	vld.idx.msk [tilespmem:v2+s4+$0x0], $0xffff  }
0x498: {  	s24 =	simm.s32 $0x1A1C0;
	v2 =	vld.idx.msk [tilespmem:v8+s4+$0x0], $0xffff  }
0x499: {  	[tilespmem:s24+$0x0] =	vst.add.f32.msk $0xffff, v9  }
0x49a: {  	[tilespmem:s24+$0xFFFFFD00] =	vst.add.f32.msk $0xffff, v7  }
0x49b: {  	s25 =	simm.s32 $0x8;
	[tilespmem:s24+$0xFFFFFD80] =	vst.add.f32.msk $0xffff, v4  }
0x49c: {  	s31 =	simm.s32 $0x9;
	[tilespmem:s24+$0xFFFFFE00] =	vst.add.f32.msk $0xffff, v5;
	v5 =	vor.u32 s25, v0  }
0x49d: {  	s28 =	simm.s32 $0xF;
	s26 =	simm.s32 $0x10;
	v4 =	vor.u32 s31, v0;
	[tilespmem:s24+$0xFFFFFE80] =	vst.add.f32.msk $0xffff, v6  }
.LBB2_43:
0x49e: {  	p0 =	slt.u32 s26, $0x38;
	s29 =	sadd.s32 $0x2, s25;
	v6 =	vor.u32 s28, v0;
	[tilespmem:s24+$0xFFFFFF00] =	vst.add.f32.msk $0xffff, v3  }
0x49f: {  	s28 =	sadd.s32 $0x3, s25;
	v3 =	vor.u32 s29, v0;
	[tilespmem:s24+$0xFFFFFF80] =	vst.add.f32.msk $0xffff, v2  }
0x4a0: {  	v2 =	vor.u32 s28, v0;
	s28 =	sadd.s32 $0x4, s25;
	[tilespmem:s24+$0xFFFFFC80] =	vst.add.f32.msk $0xffff, v1  }
0x4a1: {  	v1 =	vld.idx.msk [tilespmem:v5+s4+$0x0], $0xffff;
	v5 =	vor.u32 s28, v0;
	s28 =	sadd.s32 $0x5, s25  }
0x4a2: {  	v4 =	vld.idx.msk [tilespmem:v4+s4+$0x0], $0xffff;
	v7 =	vor.u32 s28, v0;
	s28 =	sadd.s32 $0x6, s25;
	s25 =	smov.u32 s26  }
0x4a3: {  	v8 =	vor.u32 s28, v0;
	v6 =	vld.idx.msk [tilespmem:v6+s4+$0x0], $0xffff  }
0x4a4: {  	v9 =	vld.idx.msk [tilespmem:v3+s4+$0x0], $0xffff  }
0x4a5: {  	v10 =	vld.idx.msk [tilespmem:v2+s4+$0x0], $0xffff  }
0x4a6: {  	v11 =	vld.idx.msk [tilespmem:v5+s4+$0x0], $0xffff  }
0x4a7: {  	v3 =	vld.idx.msk [tilespmem:v7+s4+$0x0], $0xffff  }
0x4a8: {  	s24 =	sadd.s32 $0x400, s24;
	v2 =	vld.idx.msk [tilespmem:v8+s4+$0x0], $0xffff  }
.Ltmp20:
0x4a9: {  	[tilespmem:s24+$0x0] =	vst.add.f32.msk $0xffff, v6;
	(pc) =	sbr.rel @p0 .LBB2_43-.Ltmp20, $4  }
0x4aa: {  	[tilespmem:s24+$0xFFFFFD00] =	vst.add.f32.msk $0xffff, v4  }
0x4ab: {  	[tilespmem:s24+$0xFFFFFD80] =	vst.add.f32.msk $0xffff, v9  }
0x4ac: {  	s28 =	sadd.s32 $0x1, s26;
	v5 =	vor.u32 s26, v0;
	[tilespmem:s24+$0xFFFFFE00] =	vst.add.f32.msk $0xffff, v10  }
0x4ad: {  	s26 =	sadd.s32 $0x8, s26;
	v4 =	vor.u32 s28, v0;
	s28 =	sadd.s32 $0x7, s25;
	[tilespmem:s24+$0xFFFFFE80] =	vst.add.f32.msk $0xffff, v11  }
0x4ae: {  	_ =	sdelay $0x2  }
0x4af: {  	v6 =	vor.u32 s28, v0;
	[tilespmem:s24+$0xFFFFFC80] =	vst.add.f32.msk $0xffff, v1  }
0x4b0: {  	v4 =	vld.idx.msk [tilespmem:v4+s4+$0x0], $0xffff  }
0x4b1: {  	s26 =	sadd.s32 $0x2, s25;
	v1 =	vld.idx.msk [tilespmem:v5+s4+$0x0], $0xffff  }
0x4b2: {  	[tilespmem:s24+$0xFFFFFF00] =	vst.add.f32.msk $0xffff, v3;
	s31 =	sadd.s32 $0x3, s25;
	v3 =	vor.u32 s26, v0  }
0x4b3: {  	[tilespmem:s24+$0xFFFFFF80] =	vst.add.f32.msk $0xffff, v2;
	s29 =	sadd.s32 $0x4, s25;
	v2 =	vor.u32 s31, v0  }
0x4b4: {  	s30 =	sadd.s32 $0x5, s25;
	v5 =	vor.u32 s29, v0;
	s31 =	sadd.s32 $0x6, s25;
	s25 =	sadd.s32 $0x400, s24;
	v6 =	vld.idx.msk [tilespmem:v6+s4+$0x0], $0xffff  }
0x4b5: {  	v7 =	vor.u32 s30, v0;
	[tilespmem:s25+$0xFFFFFD00] =	vst.add.f32.msk $0xffff, v4  }
0x4b6: {  	v0 =	vor.u32 s31, v0;
	[tilespmem:s25+$0xFFFFFC80] =	vst.add.f32.msk $0xffff, v1  }
0x4b7: {  	v3 =	vld.idx.msk [tilespmem:v3+s4+$0x0], $0xffff  }
0x4b8: {  	v2 =	vld.idx.msk [tilespmem:v2+s4+$0x0], $0xffff  }
0x4b9: {  	v5 =	vld.idx.msk [tilespmem:v5+s4+$0x0], $0xffff  }
0x4ba: {  	v7 =	vld.idx.msk [tilespmem:v7+s4+$0x0], $0xffff  }
0x4bb: {  	v0 =	vld.idx.msk [tilespmem:v0+s4+$0x0], $0xffff  }
0x4bc: {  	[tilespmem:s25+$0x0] =	vst.add.f32.msk $0xffff, v6  }
0x4bd: {  	[tilespmem:s25+$0xFFFFFD80] =	vst.add.f32.msk $0xffff, v3  }
0x4be: {  	[tilespmem:s25+$0xFFFFFE00] =	vst.add.f32.msk $0xffff, v2  }
0x4bf: {  	[tilespmem:s25+$0xFFFFFE80] =	vst.add.f32.msk $0xffff, v5  }
0x4c0: {  	[tilespmem:s25+$0xFFFFFF00] =	vst.add.f32.msk $0xffff, v7  }
0x4c1: {  	[tilespmem:s25+$0xFFFFFF80] =	vst.add.f32.msk $0xffff, v0  }
0x4c2: {  	v0 =	vld [tilespmem:s23+$0x50];
	_ =	sdelay $0x4  }
0x4c3: {  	s26 =	simm.s32 $0x0;
	v0 =	vshll.u32 v0, $0x6  }
0x4c4: {  	s29 =	simm.s32 $0x1;
	v1 =	vor.u32 s26, v0  }
0x4c5: {  	s30 =	simm.s32 $0x7;
	v2 =	vor.u32 s29, v0  }
0x4c6: {  	s31 =	simm.s32 $0x2;
	v3 =	vor.u32 s30, v0  }
0x4c7: {  	s25 =	simm.s32 $0x3;
	v4 =	vor.u32 s31, v0  }
0x4c8: {  	v5 =	vor.u32 s25, v0;
	s26 =	simm.s32 $0x4  }
0x4c9: {  	s29 =	simm.s32 $0x5;
	v6 =	vor.u32 s26, v0;
	v1 =	vld.idx.msk [tilespmem:v1+s4+$0x0], $0xffff  }
0x4ca: {  	s30 =	simm.s32 $0x6;
	v7 =	vld.idx.msk [tilespmem:v2+s4+$0x0], $0xffff;
	v2 =	vor.u32 s29, v0  }
0x4cb: {  	v8 =	vor.u32 s30, v0;
	v9 =	vld.idx.msk [tilespmem:v3+s4+$0x0], $0xffff  }
0x4cc: {  	v4 =	vld.idx.msk [tilespmem:v4+s4+$0x0], $0xffff  }
0x4cd: {  	v5 =	vld.idx.msk [tilespmem:v5+s4+$0x0], $0xffff  }
0x4ce: {  	v6 =	vld.idx.msk [tilespmem:v6+s4+$0x0], $0xffff  }
0x4cf: {  	v3 =	vld.idx.msk [tilespmem:v2+s4+$0x0], $0xffff  }
0x4d0: {  	s24 =	simm.s32 $0x1A1D0;
	v2 =	vld.idx.msk [tilespmem:v8+s4+$0x0], $0xffff  }
0x4d1: {  	[tilespmem:s24+$0x0] =	vst.add.f32.msk $0xffff, v9  }
0x4d2: {  	[tilespmem:s24+$0xFFFFFD00] =	vst.add.f32.msk $0xffff, v7  }
0x4d3: {  	s25 =	simm.s32 $0x8;
	[tilespmem:s24+$0xFFFFFD80] =	vst.add.f32.msk $0xffff, v4  }
0x4d4: {  	s31 =	simm.s32 $0x9;
	[tilespmem:s24+$0xFFFFFE00] =	vst.add.f32.msk $0xffff, v5;
	v5 =	vor.u32 s25, v0  }
0x4d5: {  	s28 =	simm.s32 $0xF;
	s26 =	simm.s32 $0x10;
	v4 =	vor.u32 s31, v0;
	[tilespmem:s24+$0xFFFFFE80] =	vst.add.f32.msk $0xffff, v6  }
.LBB2_45:
0x4d6: {  	p0 =	slt.u32 s26, $0x38;
	s29 =	sadd.s32 $0x2, s25;
	v6 =	vor.u32 s28, v0;
	[tilespmem:s24+$0xFFFFFF00] =	vst.add.f32.msk $0xffff, v3  }
0x4d7: {  	s28 =	sadd.s32 $0x3, s25;
	v3 =	vor.u32 s29, v0;
	[tilespmem:s24+$0xFFFFFF80] =	vst.add.f32.msk $0xffff, v2  }
0x4d8: {  	v2 =	vor.u32 s28, v0;
	s28 =	sadd.s32 $0x4, s25;
	[tilespmem:s24+$0xFFFFFC80] =	vst.add.f32.msk $0xffff, v1  }
0x4d9: {  	v1 =	vld.idx.msk [tilespmem:v5+s4+$0x0], $0xffff;
	v5 =	vor.u32 s28, v0;
	s28 =	sadd.s32 $0x5, s25  }
0x4da: {  	v4 =	vld.idx.msk [tilespmem:v4+s4+$0x0], $0xffff;
	v7 =	vor.u32 s28, v0;
	s28 =	sadd.s32 $0x6, s25;
	s25 =	smov.u32 s26  }
0x4db: {  	v8 =	vor.u32 s28, v0;
	v6 =	vld.idx.msk [tilespmem:v6+s4+$0x0], $0xffff  }
0x4dc: {  	v9 =	vld.idx.msk [tilespmem:v3+s4+$0x0], $0xffff  }
0x4dd: {  	v10 =	vld.idx.msk [tilespmem:v2+s4+$0x0], $0xffff  }
0x4de: {  	v11 =	vld.idx.msk [tilespmem:v5+s4+$0x0], $0xffff  }
0x4df: {  	v3 =	vld.idx.msk [tilespmem:v7+s4+$0x0], $0xffff  }
0x4e0: {  	s24 =	sadd.s32 $0x400, s24;
	v2 =	vld.idx.msk [tilespmem:v8+s4+$0x0], $0xffff  }
.Ltmp21:
0x4e1: {  	[tilespmem:s24+$0x0] =	vst.add.f32.msk $0xffff, v6;
	(pc) =	sbr.rel @p0 .LBB2_45-.Ltmp21, $4  }
0x4e2: {  	[tilespmem:s24+$0xFFFFFD00] =	vst.add.f32.msk $0xffff, v4  }
0x4e3: {  	[tilespmem:s24+$0xFFFFFD80] =	vst.add.f32.msk $0xffff, v9  }
0x4e4: {  	s28 =	sadd.s32 $0x1, s26;
	v5 =	vor.u32 s26, v0;
	[tilespmem:s24+$0xFFFFFE00] =	vst.add.f32.msk $0xffff, v10  }
0x4e5: {  	s26 =	sadd.s32 $0x8, s26;
	v4 =	vor.u32 s28, v0;
	s28 =	sadd.s32 $0x7, s25;
	[tilespmem:s24+$0xFFFFFE80] =	vst.add.f32.msk $0xffff, v11  }
0x4e6: {  	_ =	sdelay $0x2  }
0x4e7: {  	v6 =	vor.u32 s28, v0;
	[tilespmem:s24+$0xFFFFFC80] =	vst.add.f32.msk $0xffff, v1  }
0x4e8: {  	v4 =	vld.idx.msk [tilespmem:v4+s4+$0x0], $0xffff  }
0x4e9: {  	s26 =	sadd.s32 $0x2, s25;
	v1 =	vld.idx.msk [tilespmem:v5+s4+$0x0], $0xffff  }
0x4ea: {  	[tilespmem:s24+$0xFFFFFF00] =	vst.add.f32.msk $0xffff, v3;
	s31 =	sadd.s32 $0x3, s25;
	v3 =	vor.u32 s26, v0  }
0x4eb: {  	[tilespmem:s24+$0xFFFFFF80] =	vst.add.f32.msk $0xffff, v2;
	s29 =	sadd.s32 $0x4, s25;
	v2 =	vor.u32 s31, v0  }
0x4ec: {  	s30 =	sadd.s32 $0x5, s25;
	v5 =	vor.u32 s29, v0;
	s31 =	sadd.s32 $0x6, s25;
	s25 =	sadd.s32 $0x400, s24;
	v6 =	vld.idx.msk [tilespmem:v6+s4+$0x0], $0xffff  }
0x4ed: {  	v7 =	vor.u32 s30, v0;
	[tilespmem:s25+$0xFFFFFD00] =	vst.add.f32.msk $0xffff, v4  }
0x4ee: {  	v0 =	vor.u32 s31, v0;
	[tilespmem:s25+$0xFFFFFC80] =	vst.add.f32.msk $0xffff, v1  }
0x4ef: {  	v3 =	vld.idx.msk [tilespmem:v3+s4+$0x0], $0xffff  }
0x4f0: {  	v2 =	vld.idx.msk [tilespmem:v2+s4+$0x0], $0xffff  }
0x4f1: {  	v5 =	vld.idx.msk [tilespmem:v5+s4+$0x0], $0xffff  }
0x4f2: {  	v7 =	vld.idx.msk [tilespmem:v7+s4+$0x0], $0xffff  }
0x4f3: {  	v0 =	vld.idx.msk [tilespmem:v0+s4+$0x0], $0xffff  }
0x4f4: {  	[tilespmem:s25+$0x0] =	vst.add.f32.msk $0xffff, v6  }
0x4f5: {  	[tilespmem:s25+$0xFFFFFD80] =	vst.add.f32.msk $0xffff, v3  }
0x4f6: {  	[tilespmem:s25+$0xFFFFFE00] =	vst.add.f32.msk $0xffff, v2  }
0x4f7: {  	[tilespmem:s25+$0xFFFFFE80] =	vst.add.f32.msk $0xffff, v5  }
0x4f8: {  	[tilespmem:s25+$0xFFFFFF00] =	vst.add.f32.msk $0xffff, v7  }
0x4f9: {  	[tilespmem:s25+$0xFFFFFF80] =	vst.add.f32.msk $0xffff, v0  }
0x4fa: {  	v0 =	vld [tilespmem:s23+$0x60];
	_ =	sdelay $0x4  }
0x4fb: {  	s26 =	simm.s32 $0x0;
	v0 =	vshll.u32 v0, $0x6  }
0x4fc: {  	s29 =	simm.s32 $0x1;
	v1 =	vor.u32 s26, v0  }
0x4fd: {  	s30 =	simm.s32 $0x7;
	v2 =	vor.u32 s29, v0  }
0x4fe: {  	s31 =	simm.s32 $0x2;
	v3 =	vor.u32 s30, v0  }
0x4ff: {  	s25 =	simm.s32 $0x3;
	v4 =	vor.u32 s31, v0  }
0x500: {  	v5 =	vor.u32 s25, v0;
	s26 =	simm.s32 $0x4  }
0x501: {  	s29 =	simm.s32 $0x5;
	v6 =	vor.u32 s26, v0;
	v1 =	vld.idx.msk [tilespmem:v1+s4+$0x0], $0xffff  }
0x502: {  	s30 =	simm.s32 $0x6;
	v7 =	vld.idx.msk [tilespmem:v2+s4+$0x0], $0xffff;
	v2 =	vor.u32 s29, v0  }
0x503: {  	v8 =	vor.u32 s30, v0;
	v9 =	vld.idx.msk [tilespmem:v3+s4+$0x0], $0xffff  }
0x504: {  	v4 =	vld.idx.msk [tilespmem:v4+s4+$0x0], $0xffff  }
0x505: {  	v5 =	vld.idx.msk [tilespmem:v5+s4+$0x0], $0xffff  }
0x506: {  	v6 =	vld.idx.msk [tilespmem:v6+s4+$0x0], $0xffff  }
0x507: {  	v3 =	vld.idx.msk [tilespmem:v2+s4+$0x0], $0xffff  }
0x508: {  	s24 =	simm.s32 $0x1A1E0;
	v2 =	vld.idx.msk [tilespmem:v8+s4+$0x0], $0xffff  }
0x509: {  	[tilespmem:s24+$0x0] =	vst.add.f32.msk $0xffff, v9  }
0x50a: {  	[tilespmem:s24+$0xFFFFFD00] =	vst.add.f32.msk $0xffff, v7  }
0x50b: {  	s25 =	simm.s32 $0x8;
	[tilespmem:s24+$0xFFFFFD80] =	vst.add.f32.msk $0xffff, v4  }
0x50c: {  	s31 =	simm.s32 $0x9;
	[tilespmem:s24+$0xFFFFFE00] =	vst.add.f32.msk $0xffff, v5;
	v5 =	vor.u32 s25, v0  }
0x50d: {  	s28 =	simm.s32 $0xF;
	s26 =	simm.s32 $0x10;
	v4 =	vor.u32 s31, v0;
	[tilespmem:s24+$0xFFFFFE80] =	vst.add.f32.msk $0xffff, v6  }
.LBB2_47:
0x50e: {  	p0 =	slt.u32 s26, $0x38;
	s29 =	sadd.s32 $0x2, s25;
	v6 =	vor.u32 s28, v0;
	[tilespmem:s24+$0xFFFFFF00] =	vst.add.f32.msk $0xffff, v3  }
0x50f: {  	s28 =	sadd.s32 $0x3, s25;
	v3 =	vor.u32 s29, v0;
	[tilespmem:s24+$0xFFFFFF80] =	vst.add.f32.msk $0xffff, v2  }
0x510: {  	v2 =	vor.u32 s28, v0;
	s28 =	sadd.s32 $0x4, s25;
	[tilespmem:s24+$0xFFFFFC80] =	vst.add.f32.msk $0xffff, v1  }
0x511: {  	v1 =	vld.idx.msk [tilespmem:v5+s4+$0x0], $0xffff;
	v5 =	vor.u32 s28, v0;
	s28 =	sadd.s32 $0x5, s25  }
0x512: {  	v4 =	vld.idx.msk [tilespmem:v4+s4+$0x0], $0xffff;
	v7 =	vor.u32 s28, v0;
	s28 =	sadd.s32 $0x6, s25;
	s25 =	smov.u32 s26  }
0x513: {  	v8 =	vor.u32 s28, v0;
	v6 =	vld.idx.msk [tilespmem:v6+s4+$0x0], $0xffff  }
0x514: {  	v9 =	vld.idx.msk [tilespmem:v3+s4+$0x0], $0xffff  }
0x515: {  	v10 =	vld.idx.msk [tilespmem:v2+s4+$0x0], $0xffff  }
0x516: {  	v11 =	vld.idx.msk [tilespmem:v5+s4+$0x0], $0xffff  }
0x517: {  	v3 =	vld.idx.msk [tilespmem:v7+s4+$0x0], $0xffff  }
0x518: {  	s24 =	sadd.s32 $0x400, s24;
	v2 =	vld.idx.msk [tilespmem:v8+s4+$0x0], $0xffff  }
.Ltmp22:
0x519: {  	[tilespmem:s24+$0x0] =	vst.add.f32.msk $0xffff, v6;
	(pc) =	sbr.rel @p0 .LBB2_47-.Ltmp22, $4  }
0x51a: {  	[tilespmem:s24+$0xFFFFFD00] =	vst.add.f32.msk $0xffff, v4  }
0x51b: {  	[tilespmem:s24+$0xFFFFFD80] =	vst.add.f32.msk $0xffff, v9  }
0x51c: {  	s28 =	sadd.s32 $0x1, s26;
	v5 =	vor.u32 s26, v0;
	[tilespmem:s24+$0xFFFFFE00] =	vst.add.f32.msk $0xffff, v10  }
0x51d: {  	s26 =	sadd.s32 $0x8, s26;
	v4 =	vor.u32 s28, v0;
	s28 =	sadd.s32 $0x7, s25;
	[tilespmem:s24+$0xFFFFFE80] =	vst.add.f32.msk $0xffff, v11  }
0x51e: {  	_ =	sdelay $0x2  }
0x51f: {  	v6 =	vor.u32 s28, v0;
	[tilespmem:s24+$0xFFFFFC80] =	vst.add.f32.msk $0xffff, v1  }
0x520: {  	v4 =	vld.idx.msk [tilespmem:v4+s4+$0x0], $0xffff  }
0x521: {  	s26 =	sadd.s32 $0x2, s25;
	v1 =	vld.idx.msk [tilespmem:v5+s4+$0x0], $0xffff  }
0x522: {  	[tilespmem:s24+$0xFFFFFF00] =	vst.add.f32.msk $0xffff, v3;
	s29 =	sadd.s32 $0x3, s25;
	v3 =	vor.u32 s26, v0  }
0x523: {  	[tilespmem:s24+$0xFFFFFF80] =	vst.add.f32.msk $0xffff, v2;
	s30 =	sadd.s32 $0x4, s25;
	v2 =	vor.u32 s29, v0  }
0x524: {  	s31 =	sadd.s32 $0x5, s25;
	v5 =	vor.u32 s30, v0;
	s29 =	sadd.s32 $0x400, s24;
	v6 =	vld.idx.msk [tilespmem:v6+s4+$0x0], $0xffff  }
0x525: {  	s28 =	sadd.s32 $0x6, s25;
	v7 =	vor.u32 s31, v0;
	[tilespmem:s29+$0xFFFFFD00] =	vst.add.f32.msk $0xffff, v4  }
0x526: {  	v0 =	vor.u32 s28, v0;
	[tilespmem:s29+$0xFFFFFC80] =	vst.add.f32.msk $0xffff, v1  }
0x527: {  	v3 =	vld.idx.msk [tilespmem:v3+s4+$0x0], $0xffff  }
0x528: {  	v2 =	vld.idx.msk [tilespmem:v2+s4+$0x0], $0xffff  }
0x529: {  	v5 =	vld.idx.msk [tilespmem:v5+s4+$0x0], $0xffff  }
0x52a: {  	v7 =	vld.idx.msk [tilespmem:v7+s4+$0x0], $0xffff  }
0x52b: {  	v0 =	vld.idx.msk [tilespmem:v0+s4+$0x0], $0xffff  }
0x52c: {  	[tilespmem:s29+$0x0] =	vst.add.f32.msk $0xffff, v6  }
0x52d: {  	[tilespmem:s29+$0xFFFFFD80] =	vst.add.f32.msk $0xffff, v3  }
0x52e: {  	[tilespmem:s29+$0xFFFFFE00] =	vst.add.f32.msk $0xffff, v2  }
0x52f: {  	[tilespmem:s29+$0xFFFFFE80] =	vst.add.f32.msk $0xffff, v5  }
0x530: {  	[tilespmem:s29+$0xFFFFFF00] =	vst.add.f32.msk $0xffff, v7  }
0x531: {  	[tilespmem:s29+$0xFFFFFF80] =	vst.add.f32.msk $0xffff, v0  }
0x532: {  	v0 =	vld [tilespmem:s23+$0x70];
	_ =	sdelay $0x4  }
0x533: {  	s30 =	simm.s32 $0x0;
	v0 =	vshll.u32 v0, $0x6  }
0x534: {  	s31 =	simm.s32 $0x1;
	v1 =	vor.u32 s30, v0  }
0x535: {  	s24 =	simm.s32 $0x7;
	v2 =	vor.u32 s31, v0  }
0x536: {  	s25 =	simm.s32 $0x2;
	v3 =	vor.u32 s24, v0  }
0x537: {  	s26 =	simm.s32 $0x3;
	v4 =	vor.u32 s25, v0  }
0x538: {  	s28 =	simm.s32 $0x4;
	v5 =	vor.u32 s26, v0  }
0x539: {  	s29 =	simm.s32 $0x5;
	v6 =	vor.u32 s28, v0;
	v1 =	vld.idx.msk [tilespmem:v1+s4+$0x0], $0xffff  }
0x53a: {  	s30 =	simm.s32 $0x6;
	v7 =	vld.idx.msk [tilespmem:v2+s4+$0x0], $0xffff;
	v2 =	vor.u32 s29, v0  }
0x53b: {  	v8 =	vor.u32 s30, v0;
	v9 =	vld.idx.msk [tilespmem:v3+s4+$0x0], $0xffff  }
0x53c: {  	v4 =	vld.idx.msk [tilespmem:v4+s4+$0x0], $0xffff  }
0x53d: {  	v5 =	vld.idx.msk [tilespmem:v5+s4+$0x0], $0xffff  }
0x53e: {  	v6 =	vld.idx.msk [tilespmem:v6+s4+$0x0], $0xffff  }
0x53f: {  	v3 =	vld.idx.msk [tilespmem:v2+s4+$0x0], $0xffff  }
0x540: {  	s23 =	simm.s32 $0x1A1F0;
	v2 =	vld.idx.msk [tilespmem:v8+s4+$0x0], $0xffff  }
0x541: {  	[tilespmem:s23+$0x0] =	vst.add.f32.msk $0xffff, v9  }
0x542: {  	[tilespmem:s23+$0xFFFFFD00] =	vst.add.f32.msk $0xffff, v7  }
0x543: {  	s24 =	simm.s32 $0x8;
	[tilespmem:s23+$0xFFFFFD80] =	vst.add.f32.msk $0xffff, v4  }
0x544: {  	s31 =	simm.s32 $0x9;
	[tilespmem:s23+$0xFFFFFE00] =	vst.add.f32.msk $0xffff, v5;
	v5 =	vor.u32 s24, v0  }
0x545: {  	s26 =	simm.s32 $0xF;
	s25 =	simm.s32 $0x10;
	v4 =	vor.u32 s31, v0;
	[tilespmem:s23+$0xFFFFFE80] =	vst.add.f32.msk $0xffff, v6  }
.LBB2_49:
0x546: {  	p0 =	slt.u32 s25, $0x38;
	s28 =	sadd.s32 $0x2, s24;
	v6 =	vor.u32 s26, v0;
	[tilespmem:s23+$0xFFFFFF00] =	vst.add.f32.msk $0xffff, v3  }
0x547: {  	s26 =	sadd.s32 $0x3, s24;
	v3 =	vor.u32 s28, v0;
	[tilespmem:s23+$0xFFFFFF80] =	vst.add.f32.msk $0xffff, v2  }
0x548: {  	v2 =	vor.u32 s26, v0;
	s26 =	sadd.s32 $0x4, s24;
	[tilespmem:s23+$0xFFFFFC80] =	vst.add.f32.msk $0xffff, v1  }
0x549: {  	v1 =	vld.idx.msk [tilespmem:v5+s4+$0x0], $0xffff;
	v5 =	vor.u32 s26, v0;
	s26 =	sadd.s32 $0x5, s24  }
0x54a: {  	v4 =	vld.idx.msk [tilespmem:v4+s4+$0x0], $0xffff;
	v7 =	vor.u32 s26, v0;
	s26 =	sadd.s32 $0x6, s24;
	s24 =	smov.u32 s25  }
0x54b: {  	v8 =	vor.u32 s26, v0;
	v6 =	vld.idx.msk [tilespmem:v6+s4+$0x0], $0xffff  }
0x54c: {  	v9 =	vld.idx.msk [tilespmem:v3+s4+$0x0], $0xffff  }
0x54d: {  	v10 =	vld.idx.msk [tilespmem:v2+s4+$0x0], $0xffff  }
0x54e: {  	v11 =	vld.idx.msk [tilespmem:v5+s4+$0x0], $0xffff  }
0x54f: {  	v3 =	vld.idx.msk [tilespmem:v7+s4+$0x0], $0xffff  }
0x550: {  	s23 =	sadd.s32 $0x400, s23;
	v2 =	vld.idx.msk [tilespmem:v8+s4+$0x0], $0xffff  }
.Ltmp23:
0x551: {  	[tilespmem:s23+$0x0] =	vst.add.f32.msk $0xffff, v6;
	(pc) =	sbr.rel @p0 .LBB2_49-.Ltmp23, $4  }
0x552: {  	[tilespmem:s23+$0xFFFFFD00] =	vst.add.f32.msk $0xffff, v4  }
0x553: {  	[tilespmem:s23+$0xFFFFFD80] =	vst.add.f32.msk $0xffff, v9  }
0x554: {  	s26 =	sadd.s32 $0x1, s25;
	v5 =	vor.u32 s25, v0;
	[tilespmem:s23+$0xFFFFFE00] =	vst.add.f32.msk $0xffff, v10  }
0x555: {  	s25 =	sadd.s32 $0x8, s25;
	v4 =	vor.u32 s26, v0;
	s26 =	sadd.s32 $0x7, s24;
	[tilespmem:s23+$0xFFFFFE80] =	vst.add.f32.msk $0xffff, v11  }
0x556: {  	_ =	sdelay $0x2  }
0x557: {  	v6 =	vor.u32 s26, v0;
	[tilespmem:s23+$0xFFFFFC80] =	vst.add.f32.msk $0xffff, v1  }
0x558: {  	v4 =	vld.idx.msk [tilespmem:v4+s4+$0x0], $0xffff  }
0x559: {  	s25 =	sadd.s32 $0x2, s24;
	v1 =	vld.idx.msk [tilespmem:v5+s4+$0x0], $0xffff  }
0x55a: {  	[tilespmem:s23+$0xFFFFFF00] =	vst.add.f32.msk $0xffff, v3;
	s30 =	sadd.s32 $0x3, s24;
	v3 =	vor.u32 s25, v0  }
0x55b: {  	[tilespmem:s23+$0xFFFFFF80] =	vst.add.f32.msk $0xffff, v2;
	s31 =	sadd.s32 $0x4, s24;
	v2 =	vor.u32 s30, v0  }
0x55c: {  	s26 =	sadd.s32 $0x5, s24;
	s29 =	sadd.s32 $0x400, s23;
	v5 =	vor.u32 s31, v0;
	v6 =	vld.idx.msk [tilespmem:v6+s4+$0x0], $0xffff  }
0x55d: {  	s28 =	sadd.s32 $0x6, s24;
	v7 =	vor.u32 s26, v0;
	[tilespmem:s29+$0xFFFFFD00] =	vst.add.f32.msk $0xffff, v4  }
0x55e: {  	v0 =	vor.u32 s28, v0;
	[tilespmem:s29+$0xFFFFFC80] =	vst.add.f32.msk $0xffff, v1  }
0x55f: {  	v3 =	vld.idx.msk [tilespmem:v3+s4+$0x0], $0xffff  }
0x560: {  	v2 =	vld.idx.msk [tilespmem:v2+s4+$0x0], $0xffff  }
0x561: {  	v5 =	vld.idx.msk [tilespmem:v5+s4+$0x0], $0xffff  }
0x562: {  	v7 =	vld.idx.msk [tilespmem:v7+s4+$0x0], $0xffff  }
0x563: {  	v0 =	vld.idx.msk [tilespmem:v0+s4+$0x0], $0xffff  }
0x564: {  	[tilespmem:s29+$0x0] =	vst.add.f32.msk $0xffff, v6  }
0x565: {  	[tilespmem:s29+$0xFFFFFD80] =	vst.add.f32.msk $0xffff, v3  }
0x566: {  	[tilespmem:s29+$0xFFFFFE00] =	vst.add.f32.msk $0xffff, v2  }
0x567: {  	[tilespmem:s29+$0xFFFFFE80] =	vst.add.f32.msk $0xffff, v5  }
0x568: {  	[tilespmem:s29+$0xFFFFFF00] =	vst.add.f32.msk $0xffff, v7  }
0x569: {  	[tilespmem:s29+$0xFFFFFF80] =	vst.add.f32.msk $0xffff, v0  }
0x56a: {  	v0 =	vld [tilespmem:s22+$0x180];
	_ =	sdelay $0x4  }
0x56b: {  	s30 =	simm.s32 $0x0;
	v0 =	vshll.u32 v0, $0x6  }
0x56c: {  	s31 =	simm.s32 $0x1;
	v1 =	vor.u32 s30, v0  }
0x56d: {  	s24 =	simm.s32 $0x7;
	v2 =	vor.u32 s31, v0  }
0x56e: {  	s25 =	simm.s32 $0x2;
	v3 =	vor.u32 s24, v0  }
0x56f: {  	s26 =	simm.s32 $0x3;
	v4 =	vor.u32 s25, v0  }
0x570: {  	s28 =	simm.s32 $0x4;
	v5 =	vor.u32 s26, v0  }
0x571: {  	s29 =	simm.s32 $0x5;
	v6 =	vor.u32 s28, v0;
	v1 =	vld.idx.msk [tilespmem:v1+s4+$0x0], $0xffff  }
0x572: {  	s30 =	simm.s32 $0x6;
	v7 =	vld.idx.msk [tilespmem:v2+s4+$0x0], $0xffff;
	v2 =	vor.u32 s29, v0  }
0x573: {  	v8 =	vor.u32 s30, v0;
	v9 =	vld.idx.msk [tilespmem:v3+s4+$0x0], $0xffff  }
0x574: {  	v4 =	vld.idx.msk [tilespmem:v4+s4+$0x0], $0xffff  }
0x575: {  	v5 =	vld.idx.msk [tilespmem:v5+s4+$0x0], $0xffff  }
0x576: {  	v6 =	vld.idx.msk [tilespmem:v6+s4+$0x0], $0xffff  }
0x577: {  	v3 =	vld.idx.msk [tilespmem:v2+s4+$0x0], $0xffff  }
0x578: {  	s23 =	simm.s32 $0x1C180;
	v2 =	vld.idx.msk [tilespmem:v8+s4+$0x0], $0xffff  }
0x579: {  	[tilespmem:s23+$0x0] =	vst.add.f32.msk $0xffff, v9  }
0x57a: {  	[tilespmem:s23+$0xFFFFFD00] =	vst.add.f32.msk $0xffff, v7  }
0x57b: {  	s24 =	simm.s32 $0x8;
	[tilespmem:s23+$0xFFFFFD80] =	vst.add.f32.msk $0xffff, v4  }
0x57c: {  	s31 =	simm.s32 $0x9;
	[tilespmem:s23+$0xFFFFFE00] =	vst.add.f32.msk $0xffff, v5;
	v5 =	vor.u32 s24, v0  }
0x57d: {  	s26 =	simm.s32 $0xF;
	s25 =	simm.s32 $0x10;
	v4 =	vor.u32 s31, v0;
	[tilespmem:s23+$0xFFFFFE80] =	vst.add.f32.msk $0xffff, v6  }
.LBB2_51:
0x57e: {  	p0 =	slt.u32 s25, $0x38;
	s28 =	sadd.s32 $0x2, s24;
	v6 =	vor.u32 s26, v0;
	[tilespmem:s23+$0xFFFFFF00] =	vst.add.f32.msk $0xffff, v3  }
0x57f: {  	s26 =	sadd.s32 $0x3, s24;
	v3 =	vor.u32 s28, v0;
	[tilespmem:s23+$0xFFFFFF80] =	vst.add.f32.msk $0xffff, v2  }
0x580: {  	v2 =	vor.u32 s26, v0;
	s26 =	sadd.s32 $0x4, s24;
	[tilespmem:s23+$0xFFFFFC80] =	vst.add.f32.msk $0xffff, v1  }
0x581: {  	v1 =	vld.idx.msk [tilespmem:v5+s4+$0x0], $0xffff;
	v5 =	vor.u32 s26, v0;
	s26 =	sadd.s32 $0x5, s24  }
0x582: {  	v4 =	vld.idx.msk [tilespmem:v4+s4+$0x0], $0xffff;
	v7 =	vor.u32 s26, v0;
	s26 =	sadd.s32 $0x6, s24;
	s24 =	smov.u32 s25  }
0x583: {  	v8 =	vor.u32 s26, v0;
	v6 =	vld.idx.msk [tilespmem:v6+s4+$0x0], $0xffff  }
0x584: {  	v9 =	vld.idx.msk [tilespmem:v3+s4+$0x0], $0xffff  }
0x585: {  	v10 =	vld.idx.msk [tilespmem:v2+s4+$0x0], $0xffff  }
0x586: {  	v11 =	vld.idx.msk [tilespmem:v5+s4+$0x0], $0xffff  }
0x587: {  	v3 =	vld.idx.msk [tilespmem:v7+s4+$0x0], $0xffff  }
0x588: {  	s23 =	sadd.s32 $0x400, s23;
	v2 =	vld.idx.msk [tilespmem:v8+s4+$0x0], $0xffff  }
.Ltmp24:
0x589: {  	[tilespmem:s23+$0x0] =	vst.add.f32.msk $0xffff, v6;
	(pc) =	sbr.rel @p0 .LBB2_51-.Ltmp24, $4  }
0x58a: {  	[tilespmem:s23+$0xFFFFFD00] =	vst.add.f32.msk $0xffff, v4  }
0x58b: {  	[tilespmem:s23+$0xFFFFFD80] =	vst.add.f32.msk $0xffff, v9  }
0x58c: {  	s26 =	sadd.s32 $0x1, s25;
	v5 =	vor.u32 s25, v0;
	[tilespmem:s23+$0xFFFFFE00] =	vst.add.f32.msk $0xffff, v10  }
0x58d: {  	s25 =	sadd.s32 $0x8, s25;
	v4 =	vor.u32 s26, v0;
	s26 =	sadd.s32 $0x7, s24;
	[tilespmem:s23+$0xFFFFFE80] =	vst.add.f32.msk $0xffff, v11  }
0x58e: {  	_ =	sdelay $0x2  }
0x58f: {  	v6 =	vor.u32 s26, v0;
	[tilespmem:s23+$0xFFFFFC80] =	vst.add.f32.msk $0xffff, v1  }
0x590: {  	v4 =	vld.idx.msk [tilespmem:v4+s4+$0x0], $0xffff  }
0x591: {  	s25 =	sadd.s32 $0x2, s24;
	v1 =	vld.idx.msk [tilespmem:v5+s4+$0x0], $0xffff  }
0x592: {  	[tilespmem:s23+$0xFFFFFF00] =	vst.add.f32.msk $0xffff, v3;
	s30 =	sadd.s32 $0x3, s24;
	v3 =	vor.u32 s25, v0  }
0x593: {  	[tilespmem:s23+$0xFFFFFF80] =	vst.add.f32.msk $0xffff, v2;
	s31 =	sadd.s32 $0x4, s24;
	v2 =	vor.u32 s30, v0  }
0x594: {  	s26 =	sadd.s32 $0x5, s24;
	s29 =	sadd.s32 $0x400, s23;
	v5 =	vor.u32 s31, v0;
	v6 =	vld.idx.msk [tilespmem:v6+s4+$0x0], $0xffff  }
0x595: {  	s28 =	sadd.s32 $0x6, s24;
	v7 =	vor.u32 s26, v0;
	[tilespmem:s29+$0xFFFFFD00] =	vst.add.f32.msk $0xffff, v4  }
0x596: {  	v0 =	vor.u32 s28, v0;
	[tilespmem:s29+$0xFFFFFC80] =	vst.add.f32.msk $0xffff, v1  }
0x597: {  	v3 =	vld.idx.msk [tilespmem:v3+s4+$0x0], $0xffff  }
0x598: {  	v2 =	vld.idx.msk [tilespmem:v2+s4+$0x0], $0xffff  }
0x599: {  	v5 =	vld.idx.msk [tilespmem:v5+s4+$0x0], $0xffff  }
0x59a: {  	v7 =	vld.idx.msk [tilespmem:v7+s4+$0x0], $0xffff  }
0x59b: {  	v0 =	vld.idx.msk [tilespmem:v0+s4+$0x0], $0xffff  }
0x59c: {  	[tilespmem:s29+$0x0] =	vst.add.f32.msk $0xffff, v6  }
0x59d: {  	[tilespmem:s29+$0xFFFFFD80] =	vst.add.f32.msk $0xffff, v3  }
0x59e: {  	[tilespmem:s29+$0xFFFFFE00] =	vst.add.f32.msk $0xffff, v2  }
0x59f: {  	[tilespmem:s29+$0xFFFFFE80] =	vst.add.f32.msk $0xffff, v5  }
0x5a0: {  	[tilespmem:s29+$0xFFFFFF00] =	vst.add.f32.msk $0xffff, v7  }
0x5a1: {  	[tilespmem:s29+$0xFFFFFF80] =	vst.add.f32.msk $0xffff, v0  }
0x5a2: {  	v0 =	vld [tilespmem:s22+$0x190];
	_ =	sdelay $0x4  }
0x5a3: {  	s30 =	simm.s32 $0x0;
	v0 =	vshll.u32 v0, $0x6  }
0x5a4: {  	s31 =	simm.s32 $0x1;
	v1 =	vor.u32 s30, v0  }
0x5a5: {  	s24 =	simm.s32 $0x7;
	v2 =	vor.u32 s31, v0  }
0x5a6: {  	s25 =	simm.s32 $0x2;
	v3 =	vor.u32 s24, v0  }
0x5a7: {  	s26 =	simm.s32 $0x3;
	v4 =	vor.u32 s25, v0  }
0x5a8: {  	s28 =	simm.s32 $0x4;
	v5 =	vor.u32 s26, v0  }
0x5a9: {  	s29 =	simm.s32 $0x5;
	v6 =	vor.u32 s28, v0;
	v1 =	vld.idx.msk [tilespmem:v1+s4+$0x0], $0xffff  }
0x5aa: {  	s30 =	simm.s32 $0x6;
	v7 =	vld.idx.msk [tilespmem:v2+s4+$0x0], $0xffff;
	v2 =	vor.u32 s29, v0  }
0x5ab: {  	v8 =	vor.u32 s30, v0;
	v9 =	vld.idx.msk [tilespmem:v3+s4+$0x0], $0xffff  }
0x5ac: {  	v4 =	vld.idx.msk [tilespmem:v4+s4+$0x0], $0xffff  }
0x5ad: {  	v5 =	vld.idx.msk [tilespmem:v5+s4+$0x0], $0xffff  }
0x5ae: {  	v6 =	vld.idx.msk [tilespmem:v6+s4+$0x0], $0xffff  }
0x5af: {  	v3 =	vld.idx.msk [tilespmem:v2+s4+$0x0], $0xffff  }
0x5b0: {  	s23 =	simm.s32 $0x1C190;
	v2 =	vld.idx.msk [tilespmem:v8+s4+$0x0], $0xffff  }
0x5b1: {  	[tilespmem:s23+$0x0] =	vst.add.f32.msk $0xffff, v9  }
0x5b2: {  	[tilespmem:s23+$0xFFFFFD00] =	vst.add.f32.msk $0xffff, v7  }
0x5b3: {  	s24 =	simm.s32 $0x8;
	[tilespmem:s23+$0xFFFFFD80] =	vst.add.f32.msk $0xffff, v4  }
0x5b4: {  	s31 =	simm.s32 $0x9;
	[tilespmem:s23+$0xFFFFFE00] =	vst.add.f32.msk $0xffff, v5;
	v5 =	vor.u32 s24, v0  }
0x5b5: {  	s26 =	simm.s32 $0xF;
	s25 =	simm.s32 $0x10;
	v4 =	vor.u32 s31, v0;
	[tilespmem:s23+$0xFFFFFE80] =	vst.add.f32.msk $0xffff, v6  }
.LBB2_53:
0x5b6: {  	p0 =	slt.u32 s25, $0x38;
	s28 =	sadd.s32 $0x2, s24;
	v6 =	vor.u32 s26, v0;
	[tilespmem:s23+$0xFFFFFF00] =	vst.add.f32.msk $0xffff, v3  }
0x5b7: {  	s26 =	sadd.s32 $0x3, s24;
	v3 =	vor.u32 s28, v0;
	[tilespmem:s23+$0xFFFFFF80] =	vst.add.f32.msk $0xffff, v2  }
0x5b8: {  	v2 =	vor.u32 s26, v0;
	s26 =	sadd.s32 $0x4, s24;
	[tilespmem:s23+$0xFFFFFC80] =	vst.add.f32.msk $0xffff, v1  }
0x5b9: {  	v1 =	vld.idx.msk [tilespmem:v5+s4+$0x0], $0xffff;
	v5 =	vor.u32 s26, v0;
	s26 =	sadd.s32 $0x5, s24  }
0x5ba: {  	v4 =	vld.idx.msk [tilespmem:v4+s4+$0x0], $0xffff;
	v7 =	vor.u32 s26, v0;
	s26 =	sadd.s32 $0x6, s24;
	s24 =	smov.u32 s25  }
0x5bb: {  	v8 =	vor.u32 s26, v0;
	v6 =	vld.idx.msk [tilespmem:v6+s4+$0x0], $0xffff  }
0x5bc: {  	v9 =	vld.idx.msk [tilespmem:v3+s4+$0x0], $0xffff  }
0x5bd: {  	v10 =	vld.idx.msk [tilespmem:v2+s4+$0x0], $0xffff  }
0x5be: {  	v11 =	vld.idx.msk [tilespmem:v5+s4+$0x0], $0xffff  }
0x5bf: {  	v3 =	vld.idx.msk [tilespmem:v7+s4+$0x0], $0xffff  }
0x5c0: {  	s23 =	sadd.s32 $0x400, s23;
	v2 =	vld.idx.msk [tilespmem:v8+s4+$0x0], $0xffff  }
.Ltmp25:
0x5c1: {  	[tilespmem:s23+$0x0] =	vst.add.f32.msk $0xffff, v6;
	(pc) =	sbr.rel @p0 .LBB2_53-.Ltmp25, $4  }
0x5c2: {  	[tilespmem:s23+$0xFFFFFD00] =	vst.add.f32.msk $0xffff, v4  }
0x5c3: {  	[tilespmem:s23+$0xFFFFFD80] =	vst.add.f32.msk $0xffff, v9  }
0x5c4: {  	s26 =	sadd.s32 $0x1, s25;
	v5 =	vor.u32 s25, v0;
	[tilespmem:s23+$0xFFFFFE00] =	vst.add.f32.msk $0xffff, v10  }
0x5c5: {  	s25 =	sadd.s32 $0x8, s25;
	v4 =	vor.u32 s26, v0;
	s26 =	sadd.s32 $0x7, s24;
	[tilespmem:s23+$0xFFFFFE80] =	vst.add.f32.msk $0xffff, v11  }
0x5c6: {  	_ =	sdelay $0x2  }
0x5c7: {  	v6 =	vor.u32 s26, v0;
	[tilespmem:s23+$0xFFFFFC80] =	vst.add.f32.msk $0xffff, v1  }
0x5c8: {  	v4 =	vld.idx.msk [tilespmem:v4+s4+$0x0], $0xffff  }
0x5c9: {  	s25 =	sadd.s32 $0x2, s24;
	v1 =	vld.idx.msk [tilespmem:v5+s4+$0x0], $0xffff  }
0x5ca: {  	[tilespmem:s23+$0xFFFFFF00] =	vst.add.f32.msk $0xffff, v3;
	s30 =	sadd.s32 $0x3, s24;
	v3 =	vor.u32 s25, v0  }
0x5cb: {  	[tilespmem:s23+$0xFFFFFF80] =	vst.add.f32.msk $0xffff, v2;
	s31 =	sadd.s32 $0x4, s24;
	v2 =	vor.u32 s30, v0  }
0x5cc: {  	s26 =	sadd.s32 $0x5, s24;
	s29 =	sadd.s32 $0x400, s23;
	v5 =	vor.u32 s31, v0;
	v6 =	vld.idx.msk [tilespmem:v6+s4+$0x0], $0xffff  }
0x5cd: {  	s28 =	sadd.s32 $0x6, s24;
	v7 =	vor.u32 s26, v0;
	[tilespmem:s29+$0xFFFFFD00] =	vst.add.f32.msk $0xffff, v4  }
0x5ce: {  	v0 =	vor.u32 s28, v0;
	[tilespmem:s29+$0xFFFFFC80] =	vst.add.f32.msk $0xffff, v1  }
0x5cf: {  	v3 =	vld.idx.msk [tilespmem:v3+s4+$0x0], $0xffff  }
0x5d0: {  	v2 =	vld.idx.msk [tilespmem:v2+s4+$0x0], $0xffff  }
0x5d1: {  	v5 =	vld.idx.msk [tilespmem:v5+s4+$0x0], $0xffff  }
0x5d2: {  	v7 =	vld.idx.msk [tilespmem:v7+s4+$0x0], $0xffff  }
0x5d3: {  	v0 =	vld.idx.msk [tilespmem:v0+s4+$0x0], $0xffff  }
0x5d4: {  	[tilespmem:s29+$0x0] =	vst.add.f32.msk $0xffff, v6  }
0x5d5: {  	[tilespmem:s29+$0xFFFFFD80] =	vst.add.f32.msk $0xffff, v3  }
0x5d6: {  	[tilespmem:s29+$0xFFFFFE00] =	vst.add.f32.msk $0xffff, v2  }
0x5d7: {  	[tilespmem:s29+$0xFFFFFE80] =	vst.add.f32.msk $0xffff, v5  }
0x5d8: {  	[tilespmem:s29+$0xFFFFFF00] =	vst.add.f32.msk $0xffff, v7  }
0x5d9: {  	[tilespmem:s29+$0xFFFFFF80] =	vst.add.f32.msk $0xffff, v0  }
0x5da: {  	v0 =	vld [tilespmem:s22+$0x1A0];
	_ =	sdelay $0x4  }
0x5db: {  	s30 =	simm.s32 $0x0;
	v0 =	vshll.u32 v0, $0x6  }
0x5dc: {  	s31 =	simm.s32 $0x1;
	v1 =	vor.u32 s30, v0  }
0x5dd: {  	s24 =	simm.s32 $0x7;
	v2 =	vor.u32 s31, v0  }
0x5de: {  	s25 =	simm.s32 $0x2;
	v3 =	vor.u32 s24, v0  }
0x5df: {  	s26 =	simm.s32 $0x3;
	v4 =	vor.u32 s25, v0  }
0x5e0: {  	s28 =	simm.s32 $0x4;
	v5 =	vor.u32 s26, v0  }
0x5e1: {  	s29 =	simm.s32 $0x5;
	v6 =	vor.u32 s28, v0;
	v1 =	vld.idx.msk [tilespmem:v1+s4+$0x0], $0xffff  }
0x5e2: {  	s30 =	simm.s32 $0x6;
	v7 =	vld.idx.msk [tilespmem:v2+s4+$0x0], $0xffff;
	v2 =	vor.u32 s29, v0  }
0x5e3: {  	v8 =	vor.u32 s30, v0;
	v9 =	vld.idx.msk [tilespmem:v3+s4+$0x0], $0xffff  }
0x5e4: {  	v4 =	vld.idx.msk [tilespmem:v4+s4+$0x0], $0xffff  }
0x5e5: {  	v5 =	vld.idx.msk [tilespmem:v5+s4+$0x0], $0xffff  }
0x5e6: {  	v6 =	vld.idx.msk [tilespmem:v6+s4+$0x0], $0xffff  }
0x5e7: {  	v3 =	vld.idx.msk [tilespmem:v2+s4+$0x0], $0xffff  }
0x5e8: {  	s23 =	simm.s32 $0x1C1A0;
	v2 =	vld.idx.msk [tilespmem:v8+s4+$0x0], $0xffff  }
0x5e9: {  	[tilespmem:s23+$0x0] =	vst.add.f32.msk $0xffff, v9  }
0x5ea: {  	[tilespmem:s23+$0xFFFFFD00] =	vst.add.f32.msk $0xffff, v7  }
0x5eb: {  	s24 =	simm.s32 $0x8;
	[tilespmem:s23+$0xFFFFFD80] =	vst.add.f32.msk $0xffff, v4  }
0x5ec: {  	s31 =	simm.s32 $0x9;
	[tilespmem:s23+$0xFFFFFE00] =	vst.add.f32.msk $0xffff, v5;
	v5 =	vor.u32 s24, v0  }
0x5ed: {  	s26 =	simm.s32 $0xF;
	s25 =	simm.s32 $0x10;
	v4 =	vor.u32 s31, v0;
	[tilespmem:s23+$0xFFFFFE80] =	vst.add.f32.msk $0xffff, v6  }
.LBB2_55:
0x5ee: {  	p0 =	slt.u32 s25, $0x38;
	s28 =	sadd.s32 $0x2, s24;
	v6 =	vor.u32 s26, v0;
	[tilespmem:s23+$0xFFFFFF00] =	vst.add.f32.msk $0xffff, v3  }
0x5ef: {  	s26 =	sadd.s32 $0x3, s24;
	v3 =	vor.u32 s28, v0;
	[tilespmem:s23+$0xFFFFFF80] =	vst.add.f32.msk $0xffff, v2  }
0x5f0: {  	v2 =	vor.u32 s26, v0;
	s26 =	sadd.s32 $0x4, s24;
	[tilespmem:s23+$0xFFFFFC80] =	vst.add.f32.msk $0xffff, v1  }
0x5f1: {  	v1 =	vld.idx.msk [tilespmem:v5+s4+$0x0], $0xffff;
	v5 =	vor.u32 s26, v0;
	s26 =	sadd.s32 $0x5, s24  }
0x5f2: {  	v4 =	vld.idx.msk [tilespmem:v4+s4+$0x0], $0xffff;
	v7 =	vor.u32 s26, v0;
	s26 =	sadd.s32 $0x6, s24;
	s24 =	smov.u32 s25  }
0x5f3: {  	v8 =	vor.u32 s26, v0;
	v6 =	vld.idx.msk [tilespmem:v6+s4+$0x0], $0xffff  }
0x5f4: {  	v9 =	vld.idx.msk [tilespmem:v3+s4+$0x0], $0xffff  }
0x5f5: {  	v10 =	vld.idx.msk [tilespmem:v2+s4+$0x0], $0xffff  }
0x5f6: {  	v11 =	vld.idx.msk [tilespmem:v5+s4+$0x0], $0xffff  }
0x5f7: {  	v3 =	vld.idx.msk [tilespmem:v7+s4+$0x0], $0xffff  }
0x5f8: {  	s23 =	sadd.s32 $0x400, s23;
	v2 =	vld.idx.msk [tilespmem:v8+s4+$0x0], $0xffff  }
.Ltmp26:
0x5f9: {  	[tilespmem:s23+$0x0] =	vst.add.f32.msk $0xffff, v6;
	(pc) =	sbr.rel @p0 .LBB2_55-.Ltmp26, $4  }
0x5fa: {  	[tilespmem:s23+$0xFFFFFD00] =	vst.add.f32.msk $0xffff, v4  }
0x5fb: {  	[tilespmem:s23+$0xFFFFFD80] =	vst.add.f32.msk $0xffff, v9  }
0x5fc: {  	s26 =	sadd.s32 $0x1, s25;
	v5 =	vor.u32 s25, v0;
	[tilespmem:s23+$0xFFFFFE00] =	vst.add.f32.msk $0xffff, v10  }
0x5fd: {  	s25 =	sadd.s32 $0x8, s25;
	v4 =	vor.u32 s26, v0;
	s26 =	sadd.s32 $0x7, s24;
	[tilespmem:s23+$0xFFFFFE80] =	vst.add.f32.msk $0xffff, v11  }
0x5fe: {  	_ =	sdelay $0x2  }
0x5ff: {  	v6 =	vor.u32 s26, v0;
	[tilespmem:s23+$0xFFFFFC80] =	vst.add.f32.msk $0xffff, v1  }
0x600: {  	v4 =	vld.idx.msk [tilespmem:v4+s4+$0x0], $0xffff  }
0x601: {  	s25 =	sadd.s32 $0x2, s24;
	v1 =	vld.idx.msk [tilespmem:v5+s4+$0x0], $0xffff  }
0x602: {  	[tilespmem:s23+$0xFFFFFF00] =	vst.add.f32.msk $0xffff, v3;
	s30 =	sadd.s32 $0x3, s24;
	v3 =	vor.u32 s25, v0  }
0x603: {  	[tilespmem:s23+$0xFFFFFF80] =	vst.add.f32.msk $0xffff, v2;
	s31 =	sadd.s32 $0x4, s24;
	v2 =	vor.u32 s30, v0  }
0x604: {  	s26 =	sadd.s32 $0x5, s24;
	s29 =	sadd.s32 $0x400, s23;
	v5 =	vor.u32 s31, v0;
	v6 =	vld.idx.msk [tilespmem:v6+s4+$0x0], $0xffff  }
0x605: {  	s28 =	sadd.s32 $0x6, s24;
	v7 =	vor.u32 s26, v0;
	[tilespmem:s29+$0xFFFFFD00] =	vst.add.f32.msk $0xffff, v4  }
0x606: {  	v0 =	vor.u32 s28, v0;
	[tilespmem:s29+$0xFFFFFC80] =	vst.add.f32.msk $0xffff, v1  }
0x607: {  	v3 =	vld.idx.msk [tilespmem:v3+s4+$0x0], $0xffff  }
0x608: {  	v2 =	vld.idx.msk [tilespmem:v2+s4+$0x0], $0xffff  }
0x609: {  	v5 =	vld.idx.msk [tilespmem:v5+s4+$0x0], $0xffff  }
0x60a: {  	v7 =	vld.idx.msk [tilespmem:v7+s4+$0x0], $0xffff  }
0x60b: {  	v0 =	vld.idx.msk [tilespmem:v0+s4+$0x0], $0xffff  }
0x60c: {  	[tilespmem:s29+$0x0] =	vst.add.f32.msk $0xffff, v6  }
0x60d: {  	[tilespmem:s29+$0xFFFFFD80] =	vst.add.f32.msk $0xffff, v3  }
0x60e: {  	[tilespmem:s29+$0xFFFFFE00] =	vst.add.f32.msk $0xffff, v2  }
0x60f: {  	[tilespmem:s29+$0xFFFFFE80] =	vst.add.f32.msk $0xffff, v5  }
0x610: {  	[tilespmem:s29+$0xFFFFFF00] =	vst.add.f32.msk $0xffff, v7  }
0x611: {  	[tilespmem:s29+$0xFFFFFF80] =	vst.add.f32.msk $0xffff, v0  }
0x612: {  	v0 =	vld [tilespmem:s22+$0x1B0];
	_ =	sdelay $0x4  }
0x613: {  	s30 =	simm.s32 $0x0;
	v0 =	vshll.u32 v0, $0x6  }
0x614: {  	s31 =	simm.s32 $0x1;
	v1 =	vor.u32 s30, v0  }
0x615: {  	s24 =	simm.s32 $0x7;
	v2 =	vor.u32 s31, v0  }
0x616: {  	s25 =	simm.s32 $0x2;
	v3 =	vor.u32 s24, v0  }
0x617: {  	s26 =	simm.s32 $0x3;
	v4 =	vor.u32 s25, v0  }
0x618: {  	s28 =	simm.s32 $0x4;
	v5 =	vor.u32 s26, v0  }
0x619: {  	s29 =	simm.s32 $0x5;
	v6 =	vor.u32 s28, v0;
	v1 =	vld.idx.msk [tilespmem:v1+s4+$0x0], $0xffff  }
0x61a: {  	s30 =	simm.s32 $0x6;
	v7 =	vld.idx.msk [tilespmem:v2+s4+$0x0], $0xffff;
	v2 =	vor.u32 s29, v0  }
0x61b: {  	v8 =	vor.u32 s30, v0;
	v9 =	vld.idx.msk [tilespmem:v3+s4+$0x0], $0xffff  }
0x61c: {  	v4 =	vld.idx.msk [tilespmem:v4+s4+$0x0], $0xffff  }
0x61d: {  	v5 =	vld.idx.msk [tilespmem:v5+s4+$0x0], $0xffff  }
0x61e: {  	v6 =	vld.idx.msk [tilespmem:v6+s4+$0x0], $0xffff  }
0x61f: {  	v3 =	vld.idx.msk [tilespmem:v2+s4+$0x0], $0xffff  }
0x620: {  	s23 =	simm.s32 $0x1C1B0;
	v2 =	vld.idx.msk [tilespmem:v8+s4+$0x0], $0xffff  }
0x621: {  	[tilespmem:s23+$0x0] =	vst.add.f32.msk $0xffff, v9  }
0x622: {  	[tilespmem:s23+$0xFFFFFD00] =	vst.add.f32.msk $0xffff, v7  }
0x623: {  	s24 =	simm.s32 $0x8;
	[tilespmem:s23+$0xFFFFFD80] =	vst.add.f32.msk $0xffff, v4  }
0x624: {  	s31 =	simm.s32 $0x9;
	[tilespmem:s23+$0xFFFFFE00] =	vst.add.f32.msk $0xffff, v5;
	v5 =	vor.u32 s24, v0  }
0x625: {  	s26 =	simm.s32 $0xF;
	s25 =	simm.s32 $0x10;
	v4 =	vor.u32 s31, v0;
	[tilespmem:s23+$0xFFFFFE80] =	vst.add.f32.msk $0xffff, v6  }
.LBB2_57:
0x626: {  	p0 =	slt.u32 s25, $0x38;
	s28 =	sadd.s32 $0x2, s24;
	v6 =	vor.u32 s26, v0;
	[tilespmem:s23+$0xFFFFFF00] =	vst.add.f32.msk $0xffff, v3  }
0x627: {  	s26 =	sadd.s32 $0x3, s24;
	v3 =	vor.u32 s28, v0;
	[tilespmem:s23+$0xFFFFFF80] =	vst.add.f32.msk $0xffff, v2  }
0x628: {  	v2 =	vor.u32 s26, v0;
	s26 =	sadd.s32 $0x4, s24;
	[tilespmem:s23+$0xFFFFFC80] =	vst.add.f32.msk $0xffff, v1  }
0x629: {  	v1 =	vld.idx.msk [tilespmem:v5+s4+$0x0], $0xffff;
	v5 =	vor.u32 s26, v0;
	s26 =	sadd.s32 $0x5, s24  }
0x62a: {  	v4 =	vld.idx.msk [tilespmem:v4+s4+$0x0], $0xffff;
	v7 =	vor.u32 s26, v0;
	s26 =	sadd.s32 $0x6, s24;
	s24 =	smov.u32 s25  }
0x62b: {  	v8 =	vor.u32 s26, v0;
	v6 =	vld.idx.msk [tilespmem:v6+s4+$0x0], $0xffff  }
0x62c: {  	v9 =	vld.idx.msk [tilespmem:v3+s4+$0x0], $0xffff  }
0x62d: {  	v10 =	vld.idx.msk [tilespmem:v2+s4+$0x0], $0xffff  }
0x62e: {  	v11 =	vld.idx.msk [tilespmem:v5+s4+$0x0], $0xffff  }
0x62f: {  	v3 =	vld.idx.msk [tilespmem:v7+s4+$0x0], $0xffff  }
0x630: {  	s23 =	sadd.s32 $0x400, s23;
	v2 =	vld.idx.msk [tilespmem:v8+s4+$0x0], $0xffff  }
.Ltmp27:
0x631: {  	[tilespmem:s23+$0x0] =	vst.add.f32.msk $0xffff, v6;
	(pc) =	sbr.rel @p0 .LBB2_57-.Ltmp27, $4  }
0x632: {  	[tilespmem:s23+$0xFFFFFD00] =	vst.add.f32.msk $0xffff, v4  }
0x633: {  	[tilespmem:s23+$0xFFFFFD80] =	vst.add.f32.msk $0xffff, v9  }
0x634: {  	s26 =	sadd.s32 $0x1, s25;
	v5 =	vor.u32 s25, v0;
	[tilespmem:s23+$0xFFFFFE00] =	vst.add.f32.msk $0xffff, v10  }
0x635: {  	s25 =	sadd.s32 $0x8, s25;
	v4 =	vor.u32 s26, v0;
	s26 =	sadd.s32 $0x7, s24;
	[tilespmem:s23+$0xFFFFFE80] =	vst.add.f32.msk $0xffff, v11  }
0x636: {  	_ =	sdelay $0x2  }
0x637: {  	v6 =	vor.u32 s26, v0;
	[tilespmem:s23+$0xFFFFFC80] =	vst.add.f32.msk $0xffff, v1  }
0x638: {  	v4 =	vld.idx.msk [tilespmem:v4+s4+$0x0], $0xffff  }
0x639: {  	s25 =	sadd.s32 $0x2, s24;
	v1 =	vld.idx.msk [tilespmem:v5+s4+$0x0], $0xffff  }
0x63a: {  	[tilespmem:s23+$0xFFFFFF00] =	vst.add.f32.msk $0xffff, v3;
	s30 =	sadd.s32 $0x3, s24;
	v3 =	vor.u32 s25, v0  }
0x63b: {  	[tilespmem:s23+$0xFFFFFF80] =	vst.add.f32.msk $0xffff, v2;
	s31 =	sadd.s32 $0x4, s24;
	v2 =	vor.u32 s30, v0  }
0x63c: {  	s26 =	sadd.s32 $0x5, s24;
	s29 =	sadd.s32 $0x400, s23;
	v5 =	vor.u32 s31, v0;
	v6 =	vld.idx.msk [tilespmem:v6+s4+$0x0], $0xffff  }
0x63d: {  	s28 =	sadd.s32 $0x6, s24;
	v7 =	vor.u32 s26, v0;
	[tilespmem:s29+$0xFFFFFD00] =	vst.add.f32.msk $0xffff, v4  }
0x63e: {  	v0 =	vor.u32 s28, v0;
	[tilespmem:s29+$0xFFFFFC80] =	vst.add.f32.msk $0xffff, v1  }
0x63f: {  	v3 =	vld.idx.msk [tilespmem:v3+s4+$0x0], $0xffff  }
0x640: {  	v2 =	vld.idx.msk [tilespmem:v2+s4+$0x0], $0xffff  }
0x641: {  	v5 =	vld.idx.msk [tilespmem:v5+s4+$0x0], $0xffff  }
0x642: {  	v7 =	vld.idx.msk [tilespmem:v7+s4+$0x0], $0xffff  }
0x643: {  	v0 =	vld.idx.msk [tilespmem:v0+s4+$0x0], $0xffff  }
0x644: {  	[tilespmem:s29+$0x0] =	vst.add.f32.msk $0xffff, v6  }
0x645: {  	[tilespmem:s29+$0xFFFFFD80] =	vst.add.f32.msk $0xffff, v3  }
0x646: {  	[tilespmem:s29+$0xFFFFFE00] =	vst.add.f32.msk $0xffff, v2  }
0x647: {  	[tilespmem:s29+$0xFFFFFE80] =	vst.add.f32.msk $0xffff, v5  }
0x648: {  	[tilespmem:s29+$0xFFFFFF00] =	vst.add.f32.msk $0xffff, v7  }
0x649: {  	[tilespmem:s29+$0xFFFFFF80] =	vst.add.f32.msk $0xffff, v0  }
0x64a: {  	v0 =	vld [tilespmem:s22+$0x1C0];
	_ =	sdelay $0x4  }
0x64b: {  	s30 =	simm.s32 $0x0;
	v0 =	vshll.u32 v0, $0x6  }
0x64c: {  	s31 =	simm.s32 $0x1;
	v1 =	vor.u32 s30, v0  }
0x64d: {  	s24 =	simm.s32 $0x7;
	v2 =	vor.u32 s31, v0  }
0x64e: {  	s25 =	simm.s32 $0x2;
	v3 =	vor.u32 s24, v0  }
0x64f: {  	s26 =	simm.s32 $0x3;
	v4 =	vor.u32 s25, v0  }
0x650: {  	s28 =	simm.s32 $0x4;
	v5 =	vor.u32 s26, v0  }
0x651: {  	s29 =	simm.s32 $0x5;
	v6 =	vor.u32 s28, v0;
	v1 =	vld.idx.msk [tilespmem:v1+s4+$0x0], $0xffff  }
0x652: {  	s30 =	simm.s32 $0x6;
	v7 =	vld.idx.msk [tilespmem:v2+s4+$0x0], $0xffff;
	v2 =	vor.u32 s29, v0  }
0x653: {  	v8 =	vor.u32 s30, v0;
	v9 =	vld.idx.msk [tilespmem:v3+s4+$0x0], $0xffff  }
0x654: {  	v4 =	vld.idx.msk [tilespmem:v4+s4+$0x0], $0xffff  }
0x655: {  	v5 =	vld.idx.msk [tilespmem:v5+s4+$0x0], $0xffff  }
0x656: {  	v6 =	vld.idx.msk [tilespmem:v6+s4+$0x0], $0xffff  }
0x657: {  	v3 =	vld.idx.msk [tilespmem:v2+s4+$0x0], $0xffff  }
0x658: {  	s23 =	simm.s32 $0x1C1C0;
	v2 =	vld.idx.msk [tilespmem:v8+s4+$0x0], $0xffff  }
0x659: {  	[tilespmem:s23+$0x0] =	vst.add.f32.msk $0xffff, v9  }
0x65a: {  	[tilespmem:s23+$0xFFFFFD00] =	vst.add.f32.msk $0xffff, v7  }
0x65b: {  	s24 =	simm.s32 $0x8;
	[tilespmem:s23+$0xFFFFFD80] =	vst.add.f32.msk $0xffff, v4  }
0x65c: {  	s31 =	simm.s32 $0x9;
	[tilespmem:s23+$0xFFFFFE00] =	vst.add.f32.msk $0xffff, v5;
	v5 =	vor.u32 s24, v0  }
0x65d: {  	s26 =	simm.s32 $0xF;
	s25 =	simm.s32 $0x10;
	v4 =	vor.u32 s31, v0;
	[tilespmem:s23+$0xFFFFFE80] =	vst.add.f32.msk $0xffff, v6  }
.LBB2_59:
0x65e: {  	p0 =	slt.u32 s25, $0x38;
	s28 =	sadd.s32 $0x2, s24;
	v6 =	vor.u32 s26, v0;
	[tilespmem:s23+$0xFFFFFF00] =	vst.add.f32.msk $0xffff, v3  }
0x65f: {  	s26 =	sadd.s32 $0x3, s24;
	v3 =	vor.u32 s28, v0;
	[tilespmem:s23+$0xFFFFFF80] =	vst.add.f32.msk $0xffff, v2  }
0x660: {  	v2 =	vor.u32 s26, v0;
	s26 =	sadd.s32 $0x4, s24;
	[tilespmem:s23+$0xFFFFFC80] =	vst.add.f32.msk $0xffff, v1  }
0x661: {  	v1 =	vld.idx.msk [tilespmem:v5+s4+$0x0], $0xffff;
	v5 =	vor.u32 s26, v0;
	s26 =	sadd.s32 $0x5, s24  }
0x662: {  	v4 =	vld.idx.msk [tilespmem:v4+s4+$0x0], $0xffff;
	v7 =	vor.u32 s26, v0;
	s26 =	sadd.s32 $0x6, s24;
	s24 =	smov.u32 s25  }
0x663: {  	v8 =	vor.u32 s26, v0;
	v6 =	vld.idx.msk [tilespmem:v6+s4+$0x0], $0xffff  }
0x664: {  	v9 =	vld.idx.msk [tilespmem:v3+s4+$0x0], $0xffff  }
0x665: {  	v10 =	vld.idx.msk [tilespmem:v2+s4+$0x0], $0xffff  }
0x666: {  	v11 =	vld.idx.msk [tilespmem:v5+s4+$0x0], $0xffff  }
0x667: {  	v3 =	vld.idx.msk [tilespmem:v7+s4+$0x0], $0xffff  }
0x668: {  	s23 =	sadd.s32 $0x400, s23;
	v2 =	vld.idx.msk [tilespmem:v8+s4+$0x0], $0xffff  }
.Ltmp28:
0x669: {  	[tilespmem:s23+$0x0] =	vst.add.f32.msk $0xffff, v6;
	(pc) =	sbr.rel @p0 .LBB2_59-.Ltmp28, $4  }
0x66a: {  	[tilespmem:s23+$0xFFFFFD00] =	vst.add.f32.msk $0xffff, v4  }
0x66b: {  	[tilespmem:s23+$0xFFFFFD80] =	vst.add.f32.msk $0xffff, v9  }
0x66c: {  	s26 =	sadd.s32 $0x1, s25;
	v5 =	vor.u32 s25, v0;
	[tilespmem:s23+$0xFFFFFE00] =	vst.add.f32.msk $0xffff, v10  }
0x66d: {  	s25 =	sadd.s32 $0x8, s25;
	v4 =	vor.u32 s26, v0;
	s26 =	sadd.s32 $0x7, s24;
	[tilespmem:s23+$0xFFFFFE80] =	vst.add.f32.msk $0xffff, v11  }
0x66e: {  	_ =	sdelay $0x2  }
0x66f: {  	v6 =	vor.u32 s26, v0;
	[tilespmem:s23+$0xFFFFFC80] =	vst.add.f32.msk $0xffff, v1  }
0x670: {  	v4 =	vld.idx.msk [tilespmem:v4+s4+$0x0], $0xffff  }
0x671: {  	s25 =	sadd.s32 $0x2, s24;
	v1 =	vld.idx.msk [tilespmem:v5+s4+$0x0], $0xffff  }
0x672: {  	[tilespmem:s23+$0xFFFFFF00] =	vst.add.f32.msk $0xffff, v3;
	s30 =	sadd.s32 $0x3, s24;
	v3 =	vor.u32 s25, v0  }
0x673: {  	[tilespmem:s23+$0xFFFFFF80] =	vst.add.f32.msk $0xffff, v2;
	s31 =	sadd.s32 $0x4, s24;
	v2 =	vor.u32 s30, v0  }
0x674: {  	s26 =	sadd.s32 $0x5, s24;
	s29 =	sadd.s32 $0x400, s23;
	v5 =	vor.u32 s31, v0;
	v6 =	vld.idx.msk [tilespmem:v6+s4+$0x0], $0xffff  }
0x675: {  	s28 =	sadd.s32 $0x6, s24;
	v7 =	vor.u32 s26, v0;
	[tilespmem:s29+$0xFFFFFD00] =	vst.add.f32.msk $0xffff, v4  }
0x676: {  	v0 =	vor.u32 s28, v0;
	[tilespmem:s29+$0xFFFFFC80] =	vst.add.f32.msk $0xffff, v1  }
0x677: {  	v3 =	vld.idx.msk [tilespmem:v3+s4+$0x0], $0xffff  }
0x678: {  	v2 =	vld.idx.msk [tilespmem:v2+s4+$0x0], $0xffff  }
0x679: {  	v5 =	vld.idx.msk [tilespmem:v5+s4+$0x0], $0xffff  }
0x67a: {  	v7 =	vld.idx.msk [tilespmem:v7+s4+$0x0], $0xffff  }
0x67b: {  	v0 =	vld.idx.msk [tilespmem:v0+s4+$0x0], $0xffff  }
0x67c: {  	[tilespmem:s29+$0x0] =	vst.add.f32.msk $0xffff, v6  }
0x67d: {  	[tilespmem:s29+$0xFFFFFD80] =	vst.add.f32.msk $0xffff, v3  }
0x67e: {  	[tilespmem:s29+$0xFFFFFE00] =	vst.add.f32.msk $0xffff, v2  }
0x67f: {  	[tilespmem:s29+$0xFFFFFE80] =	vst.add.f32.msk $0xffff, v5  }
0x680: {  	[tilespmem:s29+$0xFFFFFF00] =	vst.add.f32.msk $0xffff, v7  }
0x681: {  	[tilespmem:s29+$0xFFFFFF80] =	vst.add.f32.msk $0xffff, v0  }
0x682: {  	v0 =	vld [tilespmem:s22+$0x1D0];
	_ =	sdelay $0x4  }
0x683: {  	s30 =	simm.s32 $0x0;
	v0 =	vshll.u32 v0, $0x6  }
0x684: {  	s31 =	simm.s32 $0x1;
	v1 =	vor.u32 s30, v0  }
0x685: {  	s24 =	simm.s32 $0x7;
	v2 =	vor.u32 s31, v0  }
0x686: {  	s25 =	simm.s32 $0x2;
	v3 =	vor.u32 s24, v0  }
0x687: {  	s26 =	simm.s32 $0x3;
	v4 =	vor.u32 s25, v0  }
0x688: {  	s28 =	simm.s32 $0x4;
	v5 =	vor.u32 s26, v0  }
0x689: {  	s29 =	simm.s32 $0x5;
	v6 =	vor.u32 s28, v0;
	v1 =	vld.idx.msk [tilespmem:v1+s4+$0x0], $0xffff  }
0x68a: {  	s30 =	simm.s32 $0x6;
	v7 =	vld.idx.msk [tilespmem:v2+s4+$0x0], $0xffff;
	v2 =	vor.u32 s29, v0  }
0x68b: {  	v8 =	vor.u32 s30, v0;
	v9 =	vld.idx.msk [tilespmem:v3+s4+$0x0], $0xffff  }
0x68c: {  	v4 =	vld.idx.msk [tilespmem:v4+s4+$0x0], $0xffff  }
0x68d: {  	v5 =	vld.idx.msk [tilespmem:v5+s4+$0x0], $0xffff  }
0x68e: {  	v6 =	vld.idx.msk [tilespmem:v6+s4+$0x0], $0xffff  }
0x68f: {  	v3 =	vld.idx.msk [tilespmem:v2+s4+$0x0], $0xffff  }
0x690: {  	s23 =	simm.s32 $0x1C1D0;
	v2 =	vld.idx.msk [tilespmem:v8+s4+$0x0], $0xffff  }
0x691: {  	[tilespmem:s23+$0x0] =	vst.add.f32.msk $0xffff, v9  }
0x692: {  	[tilespmem:s23+$0xFFFFFD00] =	vst.add.f32.msk $0xffff, v7  }
0x693: {  	s24 =	simm.s32 $0x8;
	[tilespmem:s23+$0xFFFFFD80] =	vst.add.f32.msk $0xffff, v4  }
0x694: {  	s31 =	simm.s32 $0x9;
	[tilespmem:s23+$0xFFFFFE00] =	vst.add.f32.msk $0xffff, v5;
	v5 =	vor.u32 s24, v0  }
0x695: {  	s26 =	simm.s32 $0xF;
	s25 =	simm.s32 $0x10;
	v4 =	vor.u32 s31, v0;
	[tilespmem:s23+$0xFFFFFE80] =	vst.add.f32.msk $0xffff, v6  }
.LBB2_61:
0x696: {  	p0 =	slt.u32 s25, $0x38;
	s28 =	sadd.s32 $0x2, s24;
	v6 =	vor.u32 s26, v0;
	[tilespmem:s23+$0xFFFFFF00] =	vst.add.f32.msk $0xffff, v3  }
0x697: {  	s26 =	sadd.s32 $0x3, s24;
	v3 =	vor.u32 s28, v0;
	[tilespmem:s23+$0xFFFFFF80] =	vst.add.f32.msk $0xffff, v2  }
0x698: {  	v2 =	vor.u32 s26, v0;
	s26 =	sadd.s32 $0x4, s24;
	[tilespmem:s23+$0xFFFFFC80] =	vst.add.f32.msk $0xffff, v1  }
0x699: {  	v1 =	vld.idx.msk [tilespmem:v5+s4+$0x0], $0xffff;
	v5 =	vor.u32 s26, v0;
	s26 =	sadd.s32 $0x5, s24  }
0x69a: {  	v4 =	vld.idx.msk [tilespmem:v4+s4+$0x0], $0xffff;
	v7 =	vor.u32 s26, v0;
	s26 =	sadd.s32 $0x6, s24;
	s24 =	smov.u32 s25  }
0x69b: {  	v8 =	vor.u32 s26, v0;
	v6 =	vld.idx.msk [tilespmem:v6+s4+$0x0], $0xffff  }
0x69c: {  	v9 =	vld.idx.msk [tilespmem:v3+s4+$0x0], $0xffff  }
0x69d: {  	v10 =	vld.idx.msk [tilespmem:v2+s4+$0x0], $0xffff  }
0x69e: {  	v11 =	vld.idx.msk [tilespmem:v5+s4+$0x0], $0xffff  }
0x69f: {  	v3 =	vld.idx.msk [tilespmem:v7+s4+$0x0], $0xffff  }
0x6a0: {  	s23 =	sadd.s32 $0x400, s23;
	v2 =	vld.idx.msk [tilespmem:v8+s4+$0x0], $0xffff  }
.Ltmp29:
0x6a1: {  	[tilespmem:s23+$0x0] =	vst.add.f32.msk $0xffff, v6;
	(pc) =	sbr.rel @p0 .LBB2_61-.Ltmp29, $4  }
0x6a2: {  	[tilespmem:s23+$0xFFFFFD00] =	vst.add.f32.msk $0xffff, v4  }
0x6a3: {  	[tilespmem:s23+$0xFFFFFD80] =	vst.add.f32.msk $0xffff, v9  }
0x6a4: {  	s26 =	sadd.s32 $0x1, s25;
	v5 =	vor.u32 s25, v0;
	[tilespmem:s23+$0xFFFFFE00] =	vst.add.f32.msk $0xffff, v10  }
0x6a5: {  	s25 =	sadd.s32 $0x8, s25;
	v4 =	vor.u32 s26, v0;
	s26 =	sadd.s32 $0x7, s24;
	[tilespmem:s23+$0xFFFFFE80] =	vst.add.f32.msk $0xffff, v11  }
0x6a6: {  	_ =	sdelay $0x2  }
0x6a7: {  	v6 =	vor.u32 s26, v0;
	[tilespmem:s23+$0xFFFFFC80] =	vst.add.f32.msk $0xffff, v1  }
0x6a8: {  	v4 =	vld.idx.msk [tilespmem:v4+s4+$0x0], $0xffff  }
0x6a9: {  	s25 =	sadd.s32 $0x2, s24;
	v1 =	vld.idx.msk [tilespmem:v5+s4+$0x0], $0xffff  }
0x6aa: {  	[tilespmem:s23+$0xFFFFFF00] =	vst.add.f32.msk $0xffff, v3;
	s30 =	sadd.s32 $0x3, s24;
	v3 =	vor.u32 s25, v0  }
0x6ab: {  	[tilespmem:s23+$0xFFFFFF80] =	vst.add.f32.msk $0xffff, v2;
	s31 =	sadd.s32 $0x4, s24;
	v2 =	vor.u32 s30, v0  }
0x6ac: {  	s26 =	sadd.s32 $0x5, s24;
	s29 =	sadd.s32 $0x400, s23;
	v5 =	vor.u32 s31, v0;
	v6 =	vld.idx.msk [tilespmem:v6+s4+$0x0], $0xffff  }
0x6ad: {  	s28 =	sadd.s32 $0x6, s24;
	v7 =	vor.u32 s26, v0;
	[tilespmem:s29+$0xFFFFFD00] =	vst.add.f32.msk $0xffff, v4  }
0x6ae: {  	v0 =	vor.u32 s28, v0;
	[tilespmem:s29+$0xFFFFFC80] =	vst.add.f32.msk $0xffff, v1  }
0x6af: {  	v3 =	vld.idx.msk [tilespmem:v3+s4+$0x0], $0xffff  }
0x6b0: {  	v2 =	vld.idx.msk [tilespmem:v2+s4+$0x0], $0xffff  }
0x6b1: {  	v5 =	vld.idx.msk [tilespmem:v5+s4+$0x0], $0xffff  }
0x6b2: {  	v7 =	vld.idx.msk [tilespmem:v7+s4+$0x0], $0xffff  }
0x6b3: {  	v0 =	vld.idx.msk [tilespmem:v0+s4+$0x0], $0xffff  }
0x6b4: {  	[tilespmem:s29+$0x0] =	vst.add.f32.msk $0xffff, v6  }
0x6b5: {  	[tilespmem:s29+$0xFFFFFD80] =	vst.add.f32.msk $0xffff, v3  }
0x6b6: {  	[tilespmem:s29+$0xFFFFFE00] =	vst.add.f32.msk $0xffff, v2  }
0x6b7: {  	[tilespmem:s29+$0xFFFFFE80] =	vst.add.f32.msk $0xffff, v5  }
0x6b8: {  	[tilespmem:s29+$0xFFFFFF00] =	vst.add.f32.msk $0xffff, v7  }
0x6b9: {  	[tilespmem:s29+$0xFFFFFF80] =	vst.add.f32.msk $0xffff, v0  }
0x6ba: {  	v0 =	vld [tilespmem:s22+$0x1E0];
	_ =	sdelay $0x4  }
0x6bb: {  	s30 =	simm.s32 $0x0;
	v0 =	vshll.u32 v0, $0x6  }
0x6bc: {  	s31 =	simm.s32 $0x1;
	v1 =	vor.u32 s30, v0  }
0x6bd: {  	s24 =	simm.s32 $0x7;
	v2 =	vor.u32 s31, v0  }
0x6be: {  	s25 =	simm.s32 $0x2;
	v3 =	vor.u32 s24, v0  }
0x6bf: {  	s26 =	simm.s32 $0x3;
	v4 =	vor.u32 s25, v0  }
0x6c0: {  	s28 =	simm.s32 $0x4;
	v5 =	vor.u32 s26, v0  }
0x6c1: {  	s29 =	simm.s32 $0x5;
	v6 =	vor.u32 s28, v0;
	v1 =	vld.idx.msk [tilespmem:v1+s4+$0x0], $0xffff  }
0x6c2: {  	s30 =	simm.s32 $0x6;
	v7 =	vld.idx.msk [tilespmem:v2+s4+$0x0], $0xffff;
	v2 =	vor.u32 s29, v0  }
0x6c3: {  	v8 =	vor.u32 s30, v0;
	v9 =	vld.idx.msk [tilespmem:v3+s4+$0x0], $0xffff  }
0x6c4: {  	v4 =	vld.idx.msk [tilespmem:v4+s4+$0x0], $0xffff  }
0x6c5: {  	v5 =	vld.idx.msk [tilespmem:v5+s4+$0x0], $0xffff  }
0x6c6: {  	v6 =	vld.idx.msk [tilespmem:v6+s4+$0x0], $0xffff  }
0x6c7: {  	v3 =	vld.idx.msk [tilespmem:v2+s4+$0x0], $0xffff  }
0x6c8: {  	s23 =	simm.s32 $0x1C1E0;
	v2 =	vld.idx.msk [tilespmem:v8+s4+$0x0], $0xffff  }
0x6c9: {  	[tilespmem:s23+$0x0] =	vst.add.f32.msk $0xffff, v9  }
0x6ca: {  	[tilespmem:s23+$0xFFFFFD00] =	vst.add.f32.msk $0xffff, v7  }
0x6cb: {  	s24 =	simm.s32 $0x8;
	[tilespmem:s23+$0xFFFFFD80] =	vst.add.f32.msk $0xffff, v4  }
0x6cc: {  	s31 =	simm.s32 $0x9;
	[tilespmem:s23+$0xFFFFFE00] =	vst.add.f32.msk $0xffff, v5;
	v5 =	vor.u32 s24, v0  }
0x6cd: {  	s26 =	simm.s32 $0xF;
	s25 =	simm.s32 $0x10;
	v4 =	vor.u32 s31, v0;
	[tilespmem:s23+$0xFFFFFE80] =	vst.add.f32.msk $0xffff, v6  }
.LBB2_63:
0x6ce: {  	p0 =	slt.u32 s25, $0x38;
	s28 =	sadd.s32 $0x2, s24;
	v6 =	vor.u32 s26, v0;
	[tilespmem:s23+$0xFFFFFF00] =	vst.add.f32.msk $0xffff, v3  }
0x6cf: {  	s26 =	sadd.s32 $0x3, s24;
	v3 =	vor.u32 s28, v0;
	[tilespmem:s23+$0xFFFFFF80] =	vst.add.f32.msk $0xffff, v2  }
0x6d0: {  	v2 =	vor.u32 s26, v0;
	s26 =	sadd.s32 $0x4, s24;
	[tilespmem:s23+$0xFFFFFC80] =	vst.add.f32.msk $0xffff, v1  }
0x6d1: {  	v1 =	vld.idx.msk [tilespmem:v5+s4+$0x0], $0xffff;
	v5 =	vor.u32 s26, v0;
	s26 =	sadd.s32 $0x5, s24  }
0x6d2: {  	v4 =	vld.idx.msk [tilespmem:v4+s4+$0x0], $0xffff;
	v7 =	vor.u32 s26, v0;
	s26 =	sadd.s32 $0x6, s24;
	s24 =	smov.u32 s25  }
0x6d3: {  	v8 =	vor.u32 s26, v0;
	v6 =	vld.idx.msk [tilespmem:v6+s4+$0x0], $0xffff  }
0x6d4: {  	v9 =	vld.idx.msk [tilespmem:v3+s4+$0x0], $0xffff  }
0x6d5: {  	v10 =	vld.idx.msk [tilespmem:v2+s4+$0x0], $0xffff  }
0x6d6: {  	v11 =	vld.idx.msk [tilespmem:v5+s4+$0x0], $0xffff  }
0x6d7: {  	v3 =	vld.idx.msk [tilespmem:v7+s4+$0x0], $0xffff  }
0x6d8: {  	s23 =	sadd.s32 $0x400, s23;
	v2 =	vld.idx.msk [tilespmem:v8+s4+$0x0], $0xffff  }
.Ltmp30:
0x6d9: {  	[tilespmem:s23+$0x0] =	vst.add.f32.msk $0xffff, v6;
	(pc) =	sbr.rel @p0 .LBB2_63-.Ltmp30, $4  }
0x6da: {  	[tilespmem:s23+$0xFFFFFD00] =	vst.add.f32.msk $0xffff, v4  }
0x6db: {  	[tilespmem:s23+$0xFFFFFD80] =	vst.add.f32.msk $0xffff, v9  }
0x6dc: {  	s26 =	sadd.s32 $0x1, s25;
	v5 =	vor.u32 s25, v0;
	[tilespmem:s23+$0xFFFFFE00] =	vst.add.f32.msk $0xffff, v10  }
0x6dd: {  	s25 =	sadd.s32 $0x8, s25;
	v4 =	vor.u32 s26, v0;
	s26 =	sadd.s32 $0x7, s24;
	[tilespmem:s23+$0xFFFFFE80] =	vst.add.f32.msk $0xffff, v11  }
0x6de: {  	_ =	sdelay $0x2  }
0x6df: {  	v6 =	vor.u32 s26, v0;
	[tilespmem:s23+$0xFFFFFC80] =	vst.add.f32.msk $0xffff, v1  }
0x6e0: {  	v4 =	vld.idx.msk [tilespmem:v4+s4+$0x0], $0xffff  }
0x6e1: {  	s25 =	sadd.s32 $0x2, s24;
	v1 =	vld.idx.msk [tilespmem:v5+s4+$0x0], $0xffff  }
0x6e2: {  	[tilespmem:s23+$0xFFFFFF00] =	vst.add.f32.msk $0xffff, v3;
	s31 =	sadd.s32 $0x3, s24;
	v3 =	vor.u32 s25, v0  }
0x6e3: {  	[tilespmem:s23+$0xFFFFFF80] =	vst.add.f32.msk $0xffff, v2;
	s26 =	sadd.s32 $0x4, s24;
	v2 =	vor.u32 s31, v0  }
0x6e4: {  	s28 =	sadd.s32 $0x5, s24;
	s30 =	sadd.s32 $0x400, s23;
	v5 =	vor.u32 s26, v0;
	v6 =	vld.idx.msk [tilespmem:v6+s4+$0x0], $0xffff  }
0x6e5: {  	s29 =	sadd.s32 $0x6, s24;
	v7 =	vor.u32 s28, v0;
	[tilespmem:s30+$0xFFFFFD00] =	vst.add.f32.msk $0xffff, v4  }
0x6e6: {  	v0 =	vor.u32 s29, v0;
	[tilespmem:s30+$0xFFFFFC80] =	vst.add.f32.msk $0xffff, v1  }
0x6e7: {  	v3 =	vld.idx.msk [tilespmem:v3+s4+$0x0], $0xffff  }
0x6e8: {  	v2 =	vld.idx.msk [tilespmem:v2+s4+$0x0], $0xffff  }
0x6e9: {  	v5 =	vld.idx.msk [tilespmem:v5+s4+$0x0], $0xffff  }
0x6ea: {  	v7 =	vld.idx.msk [tilespmem:v7+s4+$0x0], $0xffff  }
0x6eb: {  	v0 =	vld.idx.msk [tilespmem:v0+s4+$0x0], $0xffff  }
0x6ec: {  	[tilespmem:s30+$0x0] =	vst.add.f32.msk $0xffff, v6  }
0x6ed: {  	[tilespmem:s30+$0xFFFFFD80] =	vst.add.f32.msk $0xffff, v3  }
0x6ee: {  	[tilespmem:s30+$0xFFFFFE00] =	vst.add.f32.msk $0xffff, v2  }
0x6ef: {  	[tilespmem:s30+$0xFFFFFE80] =	vst.add.f32.msk $0xffff, v5  }
0x6f0: {  	[tilespmem:s30+$0xFFFFFF00] =	vst.add.f32.msk $0xffff, v7  }
0x6f1: {  	[tilespmem:s30+$0xFFFFFF80] =	vst.add.f32.msk $0xffff, v0  }
0x6f2: {  	v0 =	vld [tilespmem:s22+$0x1F0];
	_ =	sdelay $0x4  }
0x6f3: {  	s31 =	simm.s32 $0x0;
	v0 =	vshll.u32 v0, $0x6  }
0x6f4: {  	s23 =	simm.s32 $0x1;
	v1 =	vor.u32 s31, v0  }
0x6f5: {  	s24 =	simm.s32 $0x7;
	v2 =	vor.u32 s23, v0  }
0x6f6: {  	s25 =	simm.s32 $0x2;
	v3 =	vor.u32 s24, v0  }
0x6f7: {  	s26 =	simm.s32 $0x3;
	v4 =	vor.u32 s25, v0  }
0x6f8: {  	s28 =	simm.s32 $0x4;
	v5 =	vor.u32 s26, v0  }
0x6f9: {  	s29 =	simm.s32 $0x5;
	v6 =	vor.u32 s28, v0;
	v1 =	vld.idx.msk [tilespmem:v1+s4+$0x0], $0xffff  }
0x6fa: {  	s30 =	simm.s32 $0x6;
	v7 =	vld.idx.msk [tilespmem:v2+s4+$0x0], $0xffff;
	v2 =	vor.u32 s29, v0  }
0x6fb: {  	v8 =	vor.u32 s30, v0;
	v9 =	vld.idx.msk [tilespmem:v3+s4+$0x0], $0xffff  }
0x6fc: {  	v4 =	vld.idx.msk [tilespmem:v4+s4+$0x0], $0xffff  }
0x6fd: {  	v5 =	vld.idx.msk [tilespmem:v5+s4+$0x0], $0xffff  }
0x6fe: {  	v6 =	vld.idx.msk [tilespmem:v6+s4+$0x0], $0xffff  }
0x6ff: {  	v3 =	vld.idx.msk [tilespmem:v2+s4+$0x0], $0xffff  }
0x700: {  	s22 =	simm.s32 $0x1C1F0;
	v2 =	vld.idx.msk [tilespmem:v8+s4+$0x0], $0xffff  }
0x701: {  	[tilespmem:s22+$0x0] =	vst.add.f32.msk $0xffff, v9  }
0x702: {  	[tilespmem:s22+$0xFFFFFD00] =	vst.add.f32.msk $0xffff, v7  }
0x703: {  	s23 =	simm.s32 $0x8;
	[tilespmem:s22+$0xFFFFFD80] =	vst.add.f32.msk $0xffff, v4  }
0x704: {  	s31 =	simm.s32 $0x9;
	[tilespmem:s22+$0xFFFFFE00] =	vst.add.f32.msk $0xffff, v5;
	v5 =	vor.u32 s23, v0  }
0x705: {  	s25 =	simm.s32 $0xF;
	s24 =	simm.s32 $0x10;
	v4 =	vor.u32 s31, v0;
	[tilespmem:s22+$0xFFFFFE80] =	vst.add.f32.msk $0xffff, v6  }
.LBB2_65:
0x706: {  	p0 =	slt.u32 s24, $0x38;
	s26 =	sadd.s32 $0x2, s23;
	v6 =	vor.u32 s25, v0;
	[tilespmem:s22+$0xFFFFFF00] =	vst.add.f32.msk $0xffff, v3  }
0x707: {  	s25 =	sadd.s32 $0x3, s23;
	v3 =	vor.u32 s26, v0;
	[tilespmem:s22+$0xFFFFFF80] =	vst.add.f32.msk $0xffff, v2  }
0x708: {  	v2 =	vor.u32 s25, v0;
	s25 =	sadd.s32 $0x4, s23;
	[tilespmem:s22+$0xFFFFFC80] =	vst.add.f32.msk $0xffff, v1  }
0x709: {  	v1 =	vld.idx.msk [tilespmem:v5+s4+$0x0], $0xffff;
	v5 =	vor.u32 s25, v0;
	s25 =	sadd.s32 $0x5, s23  }
0x70a: {  	v4 =	vld.idx.msk [tilespmem:v4+s4+$0x0], $0xffff;
	v7 =	vor.u32 s25, v0;
	s25 =	sadd.s32 $0x6, s23;
	s23 =	smov.u32 s24  }
0x70b: {  	v8 =	vor.u32 s25, v0;
	v6 =	vld.idx.msk [tilespmem:v6+s4+$0x0], $0xffff  }
0x70c: {  	v9 =	vld.idx.msk [tilespmem:v3+s4+$0x0], $0xffff  }
0x70d: {  	v10 =	vld.idx.msk [tilespmem:v2+s4+$0x0], $0xffff  }
0x70e: {  	v11 =	vld.idx.msk [tilespmem:v5+s4+$0x0], $0xffff  }
0x70f: {  	v3 =	vld.idx.msk [tilespmem:v7+s4+$0x0], $0xffff  }
0x710: {  	s22 =	sadd.s32 $0x400, s22;
	v2 =	vld.idx.msk [tilespmem:v8+s4+$0x0], $0xffff  }
.Ltmp31:
0x711: {  	[tilespmem:s22+$0x0] =	vst.add.f32.msk $0xffff, v6;
	(pc) =	sbr.rel @p0 .LBB2_65-.Ltmp31, $4  }
0x712: {  	[tilespmem:s22+$0xFFFFFD00] =	vst.add.f32.msk $0xffff, v4  }
0x713: {  	[tilespmem:s22+$0xFFFFFD80] =	vst.add.f32.msk $0xffff, v9  }
0x714: {  	s25 =	sadd.s32 $0x1, s24;
	v5 =	vor.u32 s24, v0;
	[tilespmem:s22+$0xFFFFFE00] =	vst.add.f32.msk $0xffff, v10  }
0x715: {  	s24 =	sadd.s32 $0x8, s24;
	v4 =	vor.u32 s25, v0;
	s25 =	sadd.s32 $0x7, s23;
	[tilespmem:s22+$0xFFFFFE80] =	vst.add.f32.msk $0xffff, v11  }
0x716: {  	_ =	sdelay $0x2  }
0x717: {  	v6 =	vor.u32 s25, v0;
	[tilespmem:s22+$0xFFFFFF00] =	vst.add.f32.msk $0xffff, v3  }
0x718: {  	v4 =	vld.idx.msk [tilespmem:v4+s4+$0x0], $0xffff  }
0x719: {  	s24 =	sadd.s32 $0x2, s23;
	v61 =	vld.idx.msk [tilespmem:v5+s4+$0x0], $0xffff  }
0x71a: {  	s26 =	sadd.s32 $0x3, s23;
	[tilespmem:s22+$0xFFFFFF80] =	vst.add.f32.msk $0xffff, v2;
	v59 =	vor.u32 s24, v0  }
0x71b: {  	s28 =	sadd.s32 $0x4, s23;
	[tilespmem:s22+$0xFFFFFC80] =	vst.add.f32.msk $0xffff, v1;
	v60 =	vor.u32 s26, v0  }
0x71c: {  	s29 =	sadd.s32 $0x5, s23;
	s31 =	sadd.s32 $0x400, s22;
	v62 =	vor.u32 s28, v0;
	v6 =	vld.idx.msk [tilespmem:v6+s4+$0x0], $0xffff  }
0x71d: {  	s30 =	sadd.s32 $0x6, s23;
	v7 =	vor.u32 s29, v0;
	[tilespmem:s31+$0xFFFFFD00] =	vst.add.f32.msk $0xffff, v4  }
0x71e: {  	v63 =	vor.u32 s30, v0;
	[tilespmem:s31+$0xFFFFFC80] =	vst.add.f32.msk $0xffff, v61  }
0x71f: {  	v3 =	vld.idx.msk [tilespmem:v59+s4+$0x0], $0xffff  }
0x720: {  	v2 =	vld.idx.msk [tilespmem:v60+s4+$0x0], $0xffff  }
0x721: {  	v5 =	vld.idx.msk [tilespmem:v62+s4+$0x0], $0xffff  }
0x722: {  	v7 =	vld.idx.msk [tilespmem:v7+s4+$0x0], $0xffff  }
0x723: {  	v0 =	vld.idx.msk [tilespmem:v63+s4+$0x0], $0xffff  }
0x724: {  	s20 =	sadd.s32 $0x1, s20;
	[tilespmem:s31+$0x0] =	vst.add.f32.msk $0xffff, v6  }
0x725: {  	p0 =	sne.s32 s20, $0x32;
	[tilespmem:s31+$0xFFFFFD80] =	vst.add.f32.msk $0xffff, v3  }
.Ltmp32:
0x726: {  	[tilespmem:s31+$0xFFFFFE00] =	vst.add.f32.msk $0xffff, v2;
	(pc) =	sbr.rel @p0 .LBB2_2-.Ltmp32, $4  }
0x727: {  	[tilespmem:s31+$0xFFFFFE80] =	vst.add.f32.msk $0xffff, v5  }
0x728: {  	[tilespmem:s31+$0xFFFFFF00] =	vst.add.f32.msk $0xffff, v7  }
0x729: {  	s21 =	sadd.s32 s3, s21;
	[tilespmem:s31+$0xFFFFFF80] =	vst.add.f32.msk $0xffff, v0  }
0x72a: {  	[hbm4b:s21+s10] =	stream.strided.scatter [tilespmem:s14], [sflag:$0x4], $0x4000, s11, s10, $0x38;
	[tilespmem:$0x1DE00] =	vst v63  }
0x72b: {  	s19 =	sadd.s32 $0x1, s19  }
0x72c: {  	_ =	swait.ge [sflag:s17], $0x4000;
	p0 =	sne.s32 s19, s8  }
.Ltmp33:
0x72d: {  	[sflag:s17] =	ssyncset.done $0x0;
	(pc) =	sbr.rel @p0 .LBB2_1-.Ltmp33, $4  }
0x72e: {  	[sflag:s17] =	ssyncadd.s32 $0xFFFFC000  }
0x72f: {  	_ =	swait.ge [sflag:s18], $0x4000  }
0x730: {  	[sflag:s18] =	ssyncset.done $0x0  }
0x731: {  	[sflag:s18] =	ssyncadd.s32 $0xFFFFC000  }
0x732: {  	_ =	sfence.sel $0x180000  }
0x733: {  	[bflag:$0x0] =	sbarrier.arrive $0xFFFF  }
0x734: {  	p0 =	sne.s32 s1, $0x0;
	_ =	strace $0x90000047  }
0x735: {  	s0 =	sadd.s32 @!p0 $0x100000, s0;
	[bflag:$0x2] =	sbarrier.arrive $0xFFFF  }
0x736: {  	[sflag:s0] =	ssyncadd.tile.s32 @!p0 $0x1;
	_ =	shalt  }
.Lfunc_end2:
_tile_overlayer_lowered:
.L_overlay_start_2:
0x737: {  	(tag) =	ssettag $0x2  }
0x738: {  	s0 =	rddreg [dreg:$0x0];
	s2 =	stileid.u32  }
0x739: {  	s1 =	rddreg [dreg:$0x1];
	p0 =	sne.s32 s2, $0x0  }
0x73a: {  	s3 =	rddreg [dreg:$0x2];
	[bflag:$0x3] =	sbarrier.arrive $0xFFFF;
	s2 =	simm.s32 @!p0 $0x1C05  }
0x73b: {  	[timem:s3], [sflag:s2] =	dma.local @!p0 [hbm:s0], s1  }
0x73c: {  	s0 =	simm.s32 @!p0 $0x5  }
0x73d: {  	_ =	swait.ge @!p0 [sflag:s0], s1  }
0x73e: {  	s1 =	ssub.s32 @!p0 $0x0, s1;
	[sflag:s0] =	ssyncset.done @!p0 $0x0  }
0x73f: {  	[sflag:s0] =	ssyncadd.s32 @!p0 s1  }
0x740: {  	[bflag:$0x3] =	sbarrier.arrive $0xFFFF  }
0x741: {  	_ =	shalt  }

</sc_bundles>
